<compile_context>
chip_gen: v7x
topology: tpu7x:2x2x1
jax: 0.10.2.dev20260603
libtpu: 0.0.44.dev20260713+nightly
codegen_flags: <defaults>
</compile_context>

<pallas_src>
import jax
import jax.numpy as jnp
from jax import lax
from jax.experimental import pallas as pl
from jax.experimental.pallas import tpu as pltpu
from jax.experimental.pallas import tpu_sc as plsc

N = 10000
E = 320000
D = 128
NS = 16
CH = 128
NCHUNK = E // CH
CPT = NCHUNK // NS
EXTRA = NCHUNK - CPT * NS
IB = 6
NBLK = CPT // IB
RPT = N // NS
NPAD = 640
STRIP = NPAD // NS


def _leaky(x):
    return jnp.where(x >= 0, x, 0.01 * x)



def _proj_body(ft_ref, fc_ref, w_ref, b_ref, o_ref):
    acc_t = jnp.dot(ft_ref[...], w_ref[0],
                    preferred_element_type=jnp.float32)
    o_ref[0] = _leaky(acc_t + b_ref[0]).astype(jnp.bfloat16)
    acc_c = jnp.dot(fc_ref[...], w_ref[1],
                    preferred_element_type=jnp.float32)
    o_ref[1] = _leaky(acc_c + b_ref[1]).astype(jnp.bfloat16)


def _tc_project(feat_table, feat_column, Ws, bs):
    BR = 1000
    grid = (N // BR,)
    return pl.pallas_call(
        _proj_body,
        grid=grid,
        in_specs=[
            pl.BlockSpec((BR, D), lambda i: (i, 0)),
            pl.BlockSpec((BR, D), lambda i: (i, 0)),
            pl.BlockSpec((2, D, D), lambda i: (0, 0, 0)),
            pl.BlockSpec((2, 1, D), lambda i: (0, 0, 0)),
        ],
        out_specs=pl.BlockSpec((2, BR, D), lambda i: (0, i, 0)),
        out_shape=jax.ShapeDtypeStruct((2, N, D), jnp.bfloat16),
    )(feat_table, feat_column, Ws, bs)



def _sc_agg_body(wh_hbm, e_hbm, sums_hbm, cnts_hbm,
                 sidx0, sidx1, didx0, didx1,
                 rows0, rows1, rows2, rows3,
                 cnt_local, mbuf, outbuf,
                 accum_sh, callg_sh,
                 g0, g1, g2, g3, s0, s1, s2, s3, isem):
    c = lax.axis_index("c")
    s = lax.axis_index("s")
    rows = (rows0, rows1, rows2, rows3)
    gsem = (g0, g1, g2, g3)
    ssem = (s0, s1, s2, s3)
    sidx = (sidx0, sidx1)
    didx = (didx0, didx1)

    zb16 = jnp.zeros((32,), jnp.bfloat16)
    zi32 = jnp.zeros((16,), jnp.int32)

    def _zrow(i, _):
        for q in range(D // 32):
            rows0[i, pl.ds(q * 32, 32)] = zb16
        return 0
    lax.fori_loop(0, CH, _zrow, 0)

    row0 = s * RPT
    for q in range(4):
        pltpu.sync_copy(rows0, accum_sh.at[pl.ds(row0 + q * CH, CH)])
    pltpu.sync_copy(rows0.at[pl.ds(0, RPT - 4 * CH)],
                    accum_sh.at[pl.ds(row0 + 4 * CH, RPT - 4 * CH)])

    def _zcnt(i, _):
        cnt_local[i, :] = zi32
        return 0
    lax.fori_loop(0, NPAD, _zcnt, 0)
    plsc.subcore_barrier()

    chunk0 = s * CPT

    def _gather(iref, k):
        pltpu.async_copy(wh_hbm.at[c].at[iref], rows[k], gsem[k])

    def _wait_gather(k):
        pltpu.make_async_copy(wh_hbm.at[c].at[sidx0.at[0]], rows[k],
                              gsem[k]).wait()

    def _scatter(dref, k):
        pltpu.async_copy(rows[k], accum_sh.at[dref], ssem[k], add=True)

    def _wait_scatter(k):
        pltpu.make_async_copy(rows[k], accum_sh.at[didx0.at[0]],
                              ssem[k]).wait()

    def _stage_idx(t, bb, sync):
        base = chunk0 + t * IB
        pltpu.async_copy(e_hbm.at[c, 0, pl.ds(base, IB)], sidx[bb], isem)
        pltpu.async_copy(e_hbm.at[c, 1, pl.ds(base, IB)], didx[bb], isem)
        if sync:
            _wait_idx(bb)

    def _wait_idx(bb):
        pltpu.make_async_copy(e_hbm.at[0, 0, pl.ds(0, IB)], sidx[bb],
                              isem).wait()
        pltpu.make_async_copy(e_hbm.at[0, 1, pl.ds(0, IB)], didx[bb],
                              isem).wait()

    def _hist(dref, jl):
        for q in range(CH // 16):
            idx = dref[jl, pl.ds(q * 16, 16)]
            run, last = plsc.scan_count(idx)
            r = lax.shift_right_logical(idx, 4)
            col = lax.bitwise_and(idx, 15)
            plsc.addupdate_scatter(cnt_local, [r, col], run, mask=last)

    _stage_idx(0, 0, True)
    for k in range(4):
        _gather(sidx0.at[k], k)

    def _do_block(t, bb):
        @pl.when(t + 1 < NBLK)
        def _():
            _stage_idx(t + 1, 1 - bb, False)

        for jl in range(IB):
            k = (2 * bb + jl) % 4
            _wait_gather(k)
            _scatter(didx[bb].at[jl], k)
            _hist(didx[bb], jl)
            _wait_scatter(k)
            nxt = jl + 4
            if jl == IB - 4:
                @pl.when(t + 1 < NBLK)
                def _():
                    _wait_idx(1 - bb)
            if nxt < IB:
                _gather(sidx[bb].at[nxt], k)
            else:
                @pl.when(t + 1 < NBLK)
                def _():
                    _gather(sidx[1 - bb].at[nxt - IB], k)

    def _pair(u, _):
        _do_block(2 * u, 0)
        _do_block(2 * u + 1, 1)
        return 0

    lax.fori_loop(0, NBLK // 2, _pair, 0)

    @pl.when(s < EXTRA)
    def _():
        base = CPT * NS + s
        pltpu.sync_copy(e_hbm.at[c, 0, pl.ds(base, 1)],
                        sidx0.at[pl.ds(0, 1)])
        pltpu.sync_copy(e_hbm.at[c, 1, pl.ds(base, 1)],
                        didx0.at[pl.ds(0, 1)])
        pltpu.async_copy(wh_hbm.at[c].at[sidx0.at[0]], rows0, g0).wait()
        pltpu.sync_copy(rows0, accum_sh.at[didx0.at[0]], add=True)
        _hist(didx0, 0)

    pltpu.sync_copy(cnt_local, callg_sh.at[s])
    plsc.subcore_barrier()
    for r in range(NS):
        pltpu.sync_copy(callg_sh.at[r, pl.ds(s * STRIP, STRIP)],
                        mbuf.at[r])
    iota16 = lax.iota(jnp.int32, 16)

    def _merge(i, _):
        acc = mbuf[0, i, :]
        for r in range(1, NS):
            acc = acc + mbuf[r, i, :]
        plsc.store_scatter(outbuf, [16 * i + iota16, iota16 * 0], acc)
        return 0

    lax.fori_loop(0, STRIP, _merge, 0)
    pltpu.sync_copy(outbuf, cnts_hbm.at[c, pl.ds(s * (16 * STRIP),
                                                 16 * STRIP)])

    pltpu.sync_copy(accum_sh.at[pl.ds(row0, RPT)],
                    sums_hbm.at[c, pl.ds(row0, RPT)])


def _sc_aggregate(wh, edges):
    mesh = plsc.VectorSubcoreMesh(core_axis_name="c", subcore_axis_name="s")
    k = pl.kernel(
        _sc_agg_body,
        out_type=[
            jax.ShapeDtypeStruct((2, N, D), jnp.bfloat16),
            jax.ShapeDtypeStruct((2, NS * NPAD, 16), jnp.int32),
        ],
        mesh=mesh,
        scratch_types=[
            pltpu.VMEM((IB, CH), jnp.int32),
            pltpu.VMEM((IB, CH), jnp.int32),
            pltpu.VMEM((IB, CH), jnp.int32),
            pltpu.VMEM((IB, CH), jnp.int32),
            pltpu.VMEM((CH, D), jnp.bfloat16),
            pltpu.VMEM((CH, D), jnp.bfloat16),
            pltpu.VMEM((CH, D), jnp.bfloat16),
            pltpu.VMEM((CH, D), jnp.bfloat16),
            pltpu.VMEM((NPAD, 16), jnp.int32),
            pltpu.VMEM((NS, STRIP, 16), jnp.int32),
            pltpu.VMEM((16 * STRIP, 16), jnp.int32),
            pltpu.VMEM_SHARED((N, D), jnp.bfloat16),
            pltpu.VMEM_SHARED((NS, NPAD, 16), jnp.int32),
            pltpu.SemaphoreType.DMA,
            pltpu.SemaphoreType.DMA,
            pltpu.SemaphoreType.DMA,
            pltpu.SemaphoreType.DMA,
            pltpu.SemaphoreType.DMA,
            pltpu.SemaphoreType.DMA,
            pltpu.SemaphoreType.DMA,
            pltpu.SemaphoreType.DMA,
            pltpu.SemaphoreType.DMA,
        ],
        compiler_params=pltpu.CompilerParams(use_tc_tiling_on_sc=False,
                                             needs_layout_passes=False),
    )
    return k(wh, edges)



def _final_body(s0_ref, s1_ref, c0_ref, c1_ref, ft_ref, fc_ref,
                w_ref, b_ref, ot_ref, oc_ref):
    w = w_ref[...]
    b = b_ref[...]
    c1 = jnp.maximum(c1_ref[0][:, 0:1].astype(jnp.float32), 1.0)
    h1 = s1_ref[0].astype(jnp.float32) / c1
    ot_ref[...] = _leaky(
        jnp.dot(h1, w, preferred_element_type=jnp.float32) + b) + ft_ref[...]
    c0 = jnp.maximum(c0_ref[0][:, 0:1].astype(jnp.float32), 1.0)
    h0 = s0_ref[0].astype(jnp.float32) / c0
    oc_ref[...] = _leaky(
        jnp.dot(h0, w, preferred_element_type=jnp.float32) + b) + fc_ref[...]


def _tc_final(sums, cnts, feat_table, feat_column, W_h, b_h):
    BR = 1000
    grid = (N // BR,)
    out = pl.pallas_call(
        _final_body,
        grid=grid,
        in_specs=[
            pl.BlockSpec((1, BR, D), lambda i: (0, i, 0)),
            pl.BlockSpec((1, BR, D), lambda i: (1, i, 0)),
            pl.BlockSpec((1, BR, 16), lambda i: (0, i, 0)),
            pl.BlockSpec((1, BR, 16), lambda i: (1, i, 0)),
            pl.BlockSpec((BR, D), lambda i: (i, 0)),
            pl.BlockSpec((BR, D), lambda i: (i, 0)),
            pl.BlockSpec((D, D), lambda i: (0, 0)),
            pl.BlockSpec((1, D), lambda i: (0, 0)),
        ],
        out_specs=[
            pl.BlockSpec((BR, D), lambda i: (i, 0)),
            pl.BlockSpec((BR, D), lambda i: (i, 0)),
        ],
        out_shape=[
            jax.ShapeDtypeStruct((N, D), jnp.float32),
            jax.ShapeDtypeStruct((N, D), jnp.float32),
        ],
    )(sums, sums, cnts, cnts, feat_table, feat_column, W_h, b_h)
    return out



def kernel(feat_table, feat_column, edge_t2c, edge_c2t,
           W_t2c, b_t2c, W_c2t, b_c2t, W_h, b_h):
    Ws = jnp.stack([W_t2c, W_c2t])
    bs = jnp.stack([b_t2c, b_c2t]).reshape(2, 1, D)
    wh = _tc_project(feat_table, feat_column, Ws, bs)

    edges = jnp.concatenate([edge_t2c.astype(jnp.int32),
                             edge_c2t.astype(jnp.int32)],
                            axis=0).reshape(2, 2, NCHUNK, CH)
    sums, cnts = _sc_aggregate(wh, edges)

    out_table, out_column = _tc_final(sums, cnts, feat_table, feat_column,
                                      W_h, b_h.reshape(1, D))
    return out_table, out_column

# --- scband reference (transcript-rebuilt; emitter-appended) ---
"""Pipeline reference for scband-hetero-rgcnlayer-38663295599335 (READ-ONLY COPY).

The authoritative reference and input builder live on the scoring server;
editing this copy changes nothing except your own understanding.
"""

import jax, jax.numpy as jnp
import numpy as np

N_TABLE = 10000
N_COLUMN = 10000
E = 320000
D_IN = 128
D_OUT = 128


def leaky_relu(x):
    return jnp.where(x >= 0, x, 0.01 * x)


def setup_inputs(seed: int = 0) -> dict:
    key = jax.random.key(seed)
    ks = jax.random.split(key, 12)
    feat_table = jax.random.normal(ks[0], (N_TABLE, D_IN), dtype=jnp.float32)
    feat_column = jax.random.normal(ks[1], (N_COLUMN, D_IN), dtype=jnp.float32)
    # edge_t2c: src=table indices, dst=column indices
    edge_t2c = jax.random.randint(ks[2], (2, E), 0, N_TABLE, dtype=jnp.int64)
    # edge_c2t: src=column indices, dst=table indices
    edge_c2t = jax.random.randint(ks[3], (2, E), 0, N_COLUMN, dtype=jnp.int64)
    s = 1.0 / np.sqrt(D_IN)
    W_t2c = jax.random.uniform(ks[4], (D_IN, D_OUT), dtype=jnp.float32, minval=-s, maxval=s)
    b_t2c = jax.random.uniform(ks[5], (D_OUT,), dtype=jnp.float32, minval=-s, maxval=s)
    W_c2t = jax.random.uniform(ks[6], (D_IN, D_OUT), dtype=jnp.float32, minval=-s, maxval=s)
    b_c2t = jax.random.uniform(ks[7], (D_OUT,), dtype=jnp.float32, minval=-s, maxval=s)
    W_h = jax.random.uniform(ks[8], (D_OUT, D_OUT), dtype=jnp.float32, minval=-s, maxval=s)
    b_h = jax.random.uniform(ks[9], (D_OUT,), dtype=jnp.float32, minval=-s, maxval=s)
    return {
        'feat_table': feat_table,
        'feat_column': feat_column,
        'edge_t2c': edge_t2c,
        'edge_c2t': edge_c2t,
        'W_t2c': W_t2c, 'b_t2c': b_t2c,
        'W_c2t': W_c2t, 'b_c2t': b_c2t,
        'W_h': W_h, 'b_h': b_h,
    }


def _segment_mean(msgs, dst, num_segments):
    sums = jax.ops.segment_sum(msgs, dst, num_segments=num_segments)
    cnt = jax.ops.segment_sum(jnp.ones((msgs.shape[0],), dtype=msgs.dtype), dst, num_segments=num_segments)
    return sums / jnp.maximum(cnt, 1.0)[:, None]


def reference(feat_table, feat_column, edge_t2c, edge_c2t, W_t2c, b_t2c, W_c2t, b_c2t, W_h, b_h):
    # Per-etype projected source features: Wh = leaky_relu(Linear(feat[src]))
    Wh_table = leaky_relu(feat_table @ W_t2c + b_t2c)   # messages table -> column
    Wh_column = leaky_relu(feat_column @ W_c2t + b_c2t)  # messages column -> table
    # copy_u + mean aggregation per etype (gather from src, segment-mean onto dst)
    msg_t2c = jnp.take(Wh_table, edge_t2c[0], axis=0)
    h_column = _segment_mean(msg_t2c, edge_t2c[1], N_COLUMN)
    msg_c2t = jnp.take(Wh_column, edge_c2t[0], axis=0)
    h_table = _segment_mean(msg_c2t, edge_c2t[1], N_TABLE)
    # cross-etype 'mean' reduce is trivial: each dsttype has exactly one incoming etype
    out_table = leaky_relu(h_table @ W_h + b_h) + feat_table
    out_column = leaky_relu(h_column @ W_h + b_h) + feat_column
    return (out_table, out_column)

if __name__ == "__main__":
    import jax
    _d = setup_inputs()
    print(jax.jit(kernel)(*tuple(_d.values())))

</pallas_src>

<mosaic_0001>
#map = affine_map<(d0, d1) -> (0, 0, 0)>
#map1 = affine_map<(d0, d1) -> (0, 0, 0, 0)>
module attributes {stable_mosaic.version = 14 : i64} {
  func.func @_sc_agg_body(%arg0: i32, %arg1: i32, %arg2: memref<2x10000x128xbf16, #tpu.memory_space<hbm>>, %arg3: memref<2x2x2500x128xi32, #tpu.memory_space<hbm>>, %arg4: memref<2x10000x128xbf16, #tpu.memory_space<hbm>>, %arg5: memref<2x10240x16xi32, #tpu.memory_space<hbm>>, %arg6: memref<6x128xi32, #tpu.memory_space<vmem>>, %arg7: memref<6x128xi32, #tpu.memory_space<vmem>>, %arg8: memref<6x128xi32, #tpu.memory_space<vmem>>, %arg9: memref<6x128xi32, #tpu.memory_space<vmem>>, %arg10: memref<128x128xbf16, #tpu.memory_space<vmem>>, %arg11: memref<128x128xbf16, #tpu.memory_space<vmem>>, %arg12: memref<128x128xbf16, #tpu.memory_space<vmem>>, %arg13: memref<128x128xbf16, #tpu.memory_space<vmem>>, %arg14: memref<640x16xi32, #tpu.memory_space<vmem>>, %arg15: memref<16x40x16xi32, #tpu.memory_space<vmem>>, %arg16: memref<640x16xi32, #tpu.memory_space<vmem>>, %arg17: memref<10000x128xbf16, #tpu.memory_space<vmem_shared>>, %arg18: memref<16x640x16xi32, #tpu.memory_space<vmem_shared>>, %arg19: memref<!tpu.dma_semaphore, #tpu.memory_space<semaphore_mem>>, %arg20: memref<!tpu.dma_semaphore, #tpu.memory_space<semaphore_mem>>, %arg21: memref<!tpu.dma_semaphore, #tpu.memory_space<semaphore_mem>>, %arg22: memref<!tpu.dma_semaphore, #tpu.memory_space<semaphore_mem>>, %arg23: memref<!tpu.dma_semaphore, #tpu.memory_space<semaphore_mem>>, %arg24: memref<!tpu.dma_semaphore, #tpu.memory_space<semaphore_mem>>, %arg25: memref<!tpu.dma_semaphore, #tpu.memory_space<semaphore_mem>>, %arg26: memref<!tpu.dma_semaphore, #tpu.memory_space<semaphore_mem>>, %arg27: memref<!tpu.dma_semaphore, #tpu.memory_space<semaphore_mem>>) attributes {dimension_semantics = [#tpu.dimension_semantics<core_parallel>, #tpu.dimension_semantics<subcore_parallel>], iteration_bounds = array<i64: 2, 16>, scalar_prefetch = 0 : i64, scratch_operands = 22 : i64, tpu.core_type = #tpu.core_type<sc_vector_subcore>, window_params = [{transform_indices = #map}, {transform_indices = #map1}, {transform_indices = #map}, {transform_indices = #map}]} {
    %broadcast_in_dim3A = arith.constant 0.000000e+00 : bf16
    %broadcast_in_dim3A_0 = vector.broadcast %broadcast_in_dim3A : bf16 to vector<32xbf16>
    %broadcast_in_dim3A_1 = arith.constant 0 : i32
    %broadcast_in_dim3A_2 = vector.broadcast %broadcast_in_dim3A_1 : i32 to vector<16xi32>
    %scan3A = arith.constant 0 : i32
    %scan3A_3 = arith.constant 0 : i32
    %scan3A_4 = arith.constant 128 : i32
    %scan3A_5 = arith.addi %scan3A_3, %scan3A_4 : i32
    %scan3A_6 = arith.constant 1 : i32
    %scan3A_7 = scf.for %scan3A_188 = %scan3A_3 to %scan3A_5 step %scan3A_6 iter_args(%scan3A_189 = %scan3A) -> (i32)  : i32 {
      %swap3A = arith.index_cast %scan3A_188 : i32 to index
      %swap3A_190 = arith.constant 0 : index
      %swap3A_191 = tpu.vector_load %arg10[%swap3A, %swap3A_190] {strides = array<i32>} : memref<128x128xbf16, #tpu.memory_space<vmem>>, vector<32xbf16>,
      tpu.vector_store %arg10[%swap3A, %swap3A_190], %broadcast_in_dim3A_0 {strides = array<i32>} : memref<128x128xbf16, #tpu.memory_space<vmem>>, vector<32xbf16>,
      %swap3A_192 = arith.index_cast %scan3A_188 : i32 to index
      %swap3A_193 = arith.constant 32 : index
      %swap3A_194 = tpu.vector_load %arg10[%swap3A_192, %swap3A_193] {strides = array<i32>} : memref<128x128xbf16, #tpu.memory_space<vmem>>, vector<32xbf16>,
      tpu.vector_store %arg10[%swap3A_192, %swap3A_193], %broadcast_in_dim3A_0 {strides = array<i32>} : memref<128x128xbf16, #tpu.memory_space<vmem>>, vector<32xbf16>,
      %swap3A_195 = arith.index_cast %scan3A_188 : i32 to index
      %swap3A_196 = arith.constant 64 : index
      %swap3A_197 = tpu.vector_load %arg10[%swap3A_195, %swap3A_196] {strides = array<i32>} : memref<128x128xbf16, #tpu.memory_space<vmem>>, vector<32xbf16>,
      tpu.vector_store %arg10[%swap3A_195, %swap3A_196], %broadcast_in_dim3A_0 {strides = array<i32>} : memref<128x128xbf16, #tpu.memory_space<vmem>>, vector<32xbf16>,
      %swap3A_198 = arith.index_cast %scan3A_188 : i32 to index
      %swap3A_199 = arith.constant 96 : index
      %swap3A_200 = tpu.vector_load %arg10[%swap3A_198, %swap3A_199] {strides = array<i32>} : memref<128x128xbf16, #tpu.memory_space<vmem>>, vector<32xbf16>,
      tpu.vector_store %arg10[%swap3A_198, %swap3A_199], %broadcast_in_dim3A_0 {strides = array<i32>} : memref<128x128xbf16, #tpu.memory_space<vmem>>, vector<32xbf16>,
      %scan3A_201 = arith.constant 0 : i32
      scf.yield %scan3A_201 : i32
    }
    %scan3A_8 = arith.constant 128 : i32
    %mul3A = arith.constant 625 : i32
    %mul3A_9 = arith.muli %arg1, %mul3A : i32
    %add3A = arith.constant 0 : i32
    %add3A_10 = arith.addi %mul3A_9, %add3A : i32
    "tpu.region"() ({
      %run_scoped3A_188 = tpu.sem_alloc : memref<!tpu.dma_semaphore, #tpu.memory_space<semaphore_mem>>
      %dma_start3A_189 = arith.constant 0 : i32
      %dma_start3A_190 = tpu.memref_slice %arg17[%add3A_10, %dma_start3A_189] : memref<10000x128xbf16, #tpu.memory_space<vmem_shared>> -> memref<128x128xbf16, #tpu.memory_space<vmem_shared>>
      %dma_start3A_191 = arith.constant 0 : i32
      %dma_start3A_192 = tpu.memref_slice %arg17[%add3A_10, %dma_start3A_191] : memref<10000x128xbf16, #tpu.memory_space<vmem_shared>> -> memref<128x128xbf16, #tpu.memory_space<vmem_shared>>
      tpu.enqueue_dma source(%arg10 : memref<128x128xbf16, #tpu.memory_space<vmem>>) target(%dma_start3A_192 : memref<128x128xbf16, #tpu.memory_space<vmem_shared>>) target_semaphore(%run_scoped3A_188 : memref<!tpu.dma_semaphore, #tpu.memory_space<semaphore_mem>>)
      %dma_wait3A_193 = arith.constant 0 : i32
      %dma_wait3A_194 = tpu.memref_slice %arg17[%add3A_10, %dma_wait3A_193] : memref<10000x128xbf16, #tpu.memory_space<vmem_shared>> -> memref<128x128xbf16, #tpu.memory_space<vmem_shared>>
      %dma_wait3A_195 = arith.constant 0 : i32
      %dma_wait3A_196 = tpu.memref_slice %arg17[%add3A_10, %dma_wait3A_195] : memref<10000x128xbf16, #tpu.memory_space<vmem_shared>> -> memref<128x128xbf16, #tpu.memory_space<vmem_shared>>
      tpu.wait_dma2 semaphore(%run_scoped3A_188 : memref<!tpu.dma_semaphore, #tpu.memory_space<semaphore_mem>>) src(%arg10 : memref<128x128xbf16, #tpu.memory_space<vmem>>) dst(%dma_wait3A_196 : memref<128x128xbf16, #tpu.memory_space<vmem_shared>>)
      tpu.yield
    }) : () -> ()
    %add3A_11 = arith.constant 128 : i32
    %add3A_12 = arith.addi %mul3A_9, %add3A_11 : i32
    "tpu.region"() ({
      %run_scoped3A_188 = tpu.sem_alloc : memref<!tpu.dma_semaphore, #tpu.memory_space<semaphore_mem>>
      %dma_start3A_189 = arith.constant 0 : i32
      %dma_start3A_190 = tpu.memref_slice %arg17[%add3A_12, %dma_start3A_189] : memref<10000x128xbf16, #tpu.memory_space<vmem_shared>> -> memref<128x128xbf16, #tpu.memory_space<vmem_shared>>
      %dma_start3A_191 = arith.constant 0 : i32
      %dma_start3A_192 = tpu.memref_slice %arg17[%add3A_12, %dma_start3A_191] : memref<10000x128xbf16, #tpu.memory_space<vmem_shared>> -> memref<128x128xbf16, #tpu.memory_space<vmem_shared>>
      tpu.enqueue_dma source(%arg10 : memref<128x128xbf16, #tpu.memory_space<vmem>>) target(%dma_start3A_192 : memref<128x128xbf16, #tpu.memory_space<vmem_shared>>) target_semaphore(%run_scoped3A_188 : memref<!tpu.dma_semaphore, #tpu.memory_space<semaphore_mem>>)
      %dma_wait3A_193 = arith.constant 0 : i32
      %dma_wait3A_194 = tpu.memref_slice %arg17[%add3A_12, %dma_wait3A_193] : memref<10000x128xbf16, #tpu.memory_space<vmem_shared>> -> memref<128x128xbf16, #tpu.memory_space<vmem_shared>>
      %dma_wait3A_195 = arith.constant 0 : i32
      %dma_wait3A_196 = tpu.memref_slice %arg17[%add3A_12, %dma_wait3A_195] : memref<10000x128xbf16, #tpu.memory_space<vmem_shared>> -> memref<128x128xbf16, #tpu.memory_space<vmem_shared>>
      tpu.wait_dma2 semaphore(%run_scoped3A_188 : memref<!tpu.dma_semaphore, #tpu.memory_space<semaphore_mem>>) src(%arg10 : memref<128x128xbf16, #tpu.memory_space<vmem>>) dst(%dma_wait3A_196 : memref<128x128xbf16, #tpu.memory_space<vmem_shared>>)
      tpu.yield
    }) : () -> ()
    %add3A_13 = arith.constant 256 : i32
    %add3A_14 = arith.addi %mul3A_9, %add3A_13 : i32
    "tpu.region"() ({
      %run_scoped3A_188 = tpu.sem_alloc : memref<!tpu.dma_semaphore, #tpu.memory_space<semaphore_mem>>
      %dma_start3A_189 = arith.constant 0 : i32
      %dma_start3A_190 = tpu.memref_slice %arg17[%add3A_14, %dma_start3A_189] : memref<10000x128xbf16, #tpu.memory_space<vmem_shared>> -> memref<128x128xbf16, #tpu.memory_space<vmem_shared>>
      %dma_start3A_191 = arith.constant 0 : i32
      %dma_start3A_192 = tpu.memref_slice %arg17[%add3A_14, %dma_start3A_191] : memref<10000x128xbf16, #tpu.memory_space<vmem_shared>> -> memref<128x128xbf16, #tpu.memory_space<vmem_shared>>
      tpu.enqueue_dma source(%arg10 : memref<128x128xbf16, #tpu.memory_space<vmem>>) target(%dma_start3A_192 : memref<128x128xbf16, #tpu.memory_space<vmem_shared>>) target_semaphore(%run_scoped3A_188 : memref<!tpu.dma_semaphore, #tpu.memory_space<semaphore_mem>>)
      %dma_wait3A_193 = arith.constant 0 : i32
      %dma_wait3A_194 = tpu.memref_slice %arg17[%add3A_14, %dma_wait3A_193] : memref<10000x128xbf16, #tpu.memory_space<vmem_shared>> -> memref<128x128xbf16, #tpu.memory_space<vmem_shared>>
      %dma_wait3A_195 = arith.constant 0 : i32
      %dma_wait3A_196 = tpu.memref_slice %arg17[%add3A_14, %dma_wait3A_195] : memref<10000x128xbf16, #tpu.memory_space<vmem_shared>> -> memref<128x128xbf16, #tpu.memory_space<vmem_shared>>
      tpu.wait_dma2 semaphore(%run_scoped3A_188 : memref<!tpu.dma_semaphore, #tpu.memory_space<semaphore_mem>>) src(%arg10 : memref<128x128xbf16, #tpu.memory_space<vmem>>) dst(%dma_wait3A_196 : memref<128x128xbf16, #tpu.memory_space<vmem_shared>>)
      tpu.yield
    }) : () -> ()
    %add3A_15 = arith.constant 384 : i32
    %add3A_16 = arith.addi %mul3A_9, %add3A_15 : i32
    "tpu.region"() ({
      %run_scoped3A_188 = tpu.sem_alloc : memref<!tpu.dma_semaphore, #tpu.memory_space<semaphore_mem>>
      %dma_start3A_189 = arith.constant 0 : i32
      %dma_start3A_190 = tpu.memref_slice %arg17[%add3A_16, %dma_start3A_189] : memref<10000x128xbf16, #tpu.memory_space<vmem_shared>> -> memref<128x128xbf16, #tpu.memory_space<vmem_shared>>
      %dma_start3A_191 = arith.constant 0 : i32
      %dma_start3A_192 = tpu.memref_slice %arg17[%add3A_16, %dma_start3A_191] : memref<10000x128xbf16, #tpu.memory_space<vmem_shared>> -> memref<128x128xbf16, #tpu.memory_space<vmem_shared>>
      tpu.enqueue_dma source(%arg10 : memref<128x128xbf16, #tpu.memory_space<vmem>>) target(%dma_start3A_192 : memref<128x128xbf16, #tpu.memory_space<vmem_shared>>) target_semaphore(%run_scoped3A_188 : memref<!tpu.dma_semaphore, #tpu.memory_space<semaphore_mem>>)
      %dma_wait3A_193 = arith.constant 0 : i32
      %dma_wait3A_194 = tpu.memref_slice %arg17[%add3A_16, %dma_wait3A_193] : memref<10000x128xbf16, #tpu.memory_space<vmem_shared>> -> memref<128x128xbf16, #tpu.memory_space<vmem_shared>>
      %dma_wait3A_195 = arith.constant 0 : i32
      %dma_wait3A_196 = tpu.memref_slice %arg17[%add3A_16, %dma_wait3A_195] : memref<10000x128xbf16, #tpu.memory_space<vmem_shared>> -> memref<128x128xbf16, #tpu.memory_space<vmem_shared>>
      tpu.wait_dma2 semaphore(%run_scoped3A_188 : memref<!tpu.dma_semaphore, #tpu.memory_space<semaphore_mem>>) src(%arg10 : memref<128x128xbf16, #tpu.memory_space<vmem>>) dst(%dma_wait3A_196 : memref<128x128xbf16, #tpu.memory_space<vmem_shared>>)
      tpu.yield
    }) : () -> ()
    %add3A_17 = arith.constant 512 : i32
    %add3A_18 = arith.addi %mul3A_9, %add3A_17 : i32
    "tpu.region"() ({
      %run_scoped3A_188 = tpu.sem_alloc : memref<!tpu.dma_semaphore, #tpu.memory_space<semaphore_mem>>
      %dma_start3A_189 = arith.constant 0 : i32
      %dma_start3A_190 = arith.constant 0 : i32
      %dma_start3A_191 = tpu.memref_slice %arg10[%dma_start3A_189, %dma_start3A_190] : memref<128x128xbf16, #tpu.memory_space<vmem>> -> memref<113x128xbf16, #tpu.memory_space<vmem>>
      %dma_start3A_192 = arith.constant 0 : i32
      %dma_start3A_193 = tpu.memref_slice %arg17[%add3A_18, %dma_start3A_192] : memref<10000x128xbf16, #tpu.memory_space<vmem_shared>> -> memref<113x128xbf16, #tpu.memory_space<vmem_shared>>
      %dma_start3A_194 = arith.constant 0 : i32
      %dma_start3A_195 = tpu.memref_slice %arg17[%add3A_18, %dma_start3A_194] : memref<10000x128xbf16, #tpu.memory_space<vmem_shared>> -> memref<113x128xbf16, #tpu.memory_space<vmem_shared>>
      %dma_start3A_196 = arith.constant 0 : i32
      %dma_start3A_197 = arith.constant 0 : i32
      %dma_start3A_198 = tpu.memref_slice %arg10[%dma_start3A_196, %dma_start3A_197] : memref<128x128xbf16, #tpu.memory_space<vmem>> -> memref<113x128xbf16, #tpu.memory_space<vmem>>
      tpu.enqueue_dma source(%dma_start3A_198 : memref<113x128xbf16, #tpu.memory_space<vmem>>) target(%dma_start3A_195 : memref<113x128xbf16, #tpu.memory_space<vmem_shared>>) target_semaphore(%run_scoped3A_188 : memref<!tpu.dma_semaphore, #tpu.memory_space<semaphore_mem>>)
      %dma_wait3A_199 = arith.constant 0 : i32
      %dma_wait3A_200 = arith.constant 0 : i32
      %dma_wait3A_201 = tpu.memref_slice %arg10[%dma_wait3A_199, %dma_wait3A_200] : memref<128x128xbf16, #tpu.memory_space<vmem>> -> memref<113x128xbf16, #tpu.memory_space<vmem>>
      %dma_wait3A_202 = arith.constant 0 : i32
      %dma_wait3A_203 = tpu.memref_slice %arg17[%add3A_18, %dma_wait3A_202] : memref<10000x128xbf16, #tpu.memory_space<vmem_shared>> -> memref<113x128xbf16, #tpu.memory_space<vmem_shared>>
      %dma_wait3A_204 = arith.constant 0 : i32
      %dma_wait3A_205 = tpu.memref_slice %arg17[%add3A_18, %dma_wait3A_204] : memref<10000x128xbf16, #tpu.memory_space<vmem_shared>> -> memref<113x128xbf16, #tpu.memory_space<vmem_shared>>
      %dma_wait3A_206 = arith.constant 0 : i32
      %dma_wait3A_207 = arith.constant 0 : i32
      %dma_wait3A_208 = tpu.memref_slice %arg10[%dma_wait3A_206, %dma_wait3A_207] : memref<128x128xbf16, #tpu.memory_space<vmem>> -> memref<113x128xbf16, #tpu.memory_space<vmem>>
      tpu.wait_dma2 semaphore(%run_scoped3A_188 : memref<!tpu.dma_semaphore, #tpu.memory_space<semaphore_mem>>) src(%dma_wait3A_208 : memref<113x128xbf16, #tpu.memory_space<vmem>>) dst(%dma_wait3A_205 : memref<113x128xbf16, #tpu.memory_space<vmem_shared>>)
      tpu.yield
    }) : () -> ()
    %scan3A_19 = arith.constant 0 : i32
    %scan3A_20 = arith.constant 0 : i32
    %scan3A_21 = arith.constant 640 : i32
    %scan3A_22 = arith.addi %scan3A_20, %scan3A_21 : i32
    %scan3A_23 = arith.constant 1 : i32
    %scan3A_24 = scf.for %scan3A_188 = %scan3A_20 to %scan3A_22 step %scan3A_23 iter_args(%scan3A_189 = %scan3A_19) -> (i32)  : i32 {
      %swap3A = arith.index_cast %scan3A_188 : i32 to index
      %swap3A_190 = arith.constant 0 : index
      %swap3A_191 = tpu.vector_load %arg14[%swap3A, %swap3A_190] {strides = array<i32>} : memref<640x16xi32, #tpu.memory_space<vmem>>, vector<16xi32>,
      tpu.vector_store %arg14[%swap3A, %swap3A_190], %broadcast_in_dim3A_2 {strides = array<i32>} : memref<640x16xi32, #tpu.memory_space<vmem>>, vector<16xi32>,
      %scan3A_192 = arith.constant 0 : i32
      scf.yield %scan3A_192 : i32
    }
    %scan3A_25 = arith.constant 640 : i32
    %barrier3A = arith.constant 0 : index
    tpu.barrier barrier_id(%barrier3A)
    %mul3A_26 = arith.constant 156 : i32
    %mul3A_27 = arith.muli %arg1, %mul3A_26 : i32
    %add3A_28 = arith.constant 0 : i32
    %add3A_29 = arith.addi %mul3A_27, %add3A_28 : i32
    %dma_start3A = arith.constant 0 : i32
    %dma_start3A_30 = arith.constant 0 : i32
    %dma_start3A_31 = tpu.memref_slice %arg3[%arg0, %dma_start3A, %add3A_29, %dma_start3A_30] : memref<2x2x2500x128xi32, #tpu.memory_space<hbm>> -> memref<1x1x6x128xi32, #tpu.memory_space<hbm>>
    %dma_start3A_32 = tpu.memref_squeeze %dma_start3A_31 : memref<1x1x6x128xi32, #tpu.memory_space<hbm>> -> memref<6x128xi32, #tpu.memory_space<hbm>>
    %dma_start3A_33 = arith.constant 0 : i32
    %dma_start3A_34 = tpu.memref_slice %arg3[%arg0, %dma_start3A, %add3A_29, %dma_start3A_33] : memref<2x2x2500x128xi32, #tpu.memory_space<hbm>> -> memref<1x1x6x128xi32, #tpu.memory_space<hbm>>
    %dma_start3A_35 = tpu.memref_squeeze %dma_start3A_34 : memref<1x1x6x128xi32, #tpu.memory_space<hbm>> -> memref<6x128xi32, #tpu.memory_space<hbm>>
    tpu.enqueue_dma source(%dma_start3A_35 : memref<6x128xi32, #tpu.memory_space<hbm>>) target(%arg6 : memref<6x128xi32, #tpu.memory_space<vmem>>) target_semaphore(%arg27 : memref<!tpu.dma_semaphore, #tpu.memory_space<semaphore_mem>>)
    %dma_start3A_36 = arith.constant 1 : i32
    %dma_start3A_37 = arith.constant 0 : i32
    %dma_start3A_38 = tpu.memref_slice %arg3[%arg0, %dma_start3A_36, %add3A_29, %dma_start3A_37] : memref<2x2x2500x128xi32, #tpu.memory_space<hbm>> -> memref<1x1x6x128xi32, #tpu.memory_space<hbm>>
    %dma_start3A_39 = tpu.memref_squeeze %dma_start3A_38 : memref<1x1x6x128xi32, #tpu.memory_space<hbm>> -> memref<6x128xi32, #tpu.memory_space<hbm>>
    %dma_start3A_40 = arith.constant 0 : i32
    %dma_start3A_41 = tpu.memref_slice %arg3[%arg0, %dma_start3A_36, %add3A_29, %dma_start3A_40] : memref<2x2x2500x128xi32, #tpu.memory_space<hbm>> -> memref<1x1x6x128xi32, #tpu.memory_space<hbm>>
    %dma_start3A_42 = tpu.memref_squeeze %dma_start3A_41 : memref<1x1x6x128xi32, #tpu.memory_space<hbm>> -> memref<6x128xi32, #tpu.memory_space<hbm>>
    tpu.enqueue_dma source(%dma_start3A_42 : memref<6x128xi32, #tpu.memory_space<hbm>>) target(%arg8 : memref<6x128xi32, #tpu.memory_space<vmem>>) target_semaphore(%arg27 : memref<!tpu.dma_semaphore, #tpu.memory_space<semaphore_mem>>)
    %dma_wait3A = arith.constant 0 : i32
    %dma_wait3A_43 = arith.constant 0 : i32
    %dma_wait3A_44 = arith.constant 0 : i32
    %dma_wait3A_45 = arith.constant 0 : i32
    %dma_wait3A_46 = tpu.memref_slice %arg3[%dma_wait3A, %dma_wait3A_43, %dma_wait3A_44, %dma_wait3A_45] : memref<2x2x2500x128xi32, #tpu.memory_space<hbm>> -> memref<1x1x6x128xi32, #tpu.memory_space<hbm>>
    %dma_wait3A_47 = tpu.memref_squeeze %dma_wait3A_46 : memref<1x1x6x128xi32, #tpu.memory_space<hbm>> -> memref<6x128xi32, #tpu.memory_space<hbm>>
    %dma_wait3A_48 = arith.constant 0 : i32
    %dma_wait3A_49 = arith.constant 0 : i32
    %dma_wait3A_50 = tpu.memref_slice %arg3[%dma_wait3A, %dma_wait3A_43, %dma_wait3A_48, %dma_wait3A_49] : memref<2x2x2500x128xi32, #tpu.memory_space<hbm>> -> memref<1x1x6x128xi32, #tpu.memory_space<hbm>>
    %dma_wait3A_51 = tpu.memref_squeeze %dma_wait3A_50 : memref<1x1x6x128xi32, #tpu.memory_space<hbm>> -> memref<6x128xi32, #tpu.memory_space<hbm>>
    tpu.wait_dma2 semaphore(%arg27 : memref<!tpu.dma_semaphore, #tpu.memory_space<semaphore_mem>>) src(%dma_wait3A_51 : memref<6x128xi32, #tpu.memory_space<hbm>>) dst(%arg6 : memref<6x128xi32, #tpu.memory_space<vmem>>)
    %dma_wait3A_52 = arith.constant 0 : i32
    %dma_wait3A_53 = arith.constant 1 : i32
    %dma_wait3A_54 = arith.constant 0 : i32
    %dma_wait3A_55 = arith.constant 0 : i32
    %dma_wait3A_56 = tpu.memref_slice %arg3[%dma_wait3A_52, %dma_wait3A_53, %dma_wait3A_54, %dma_wait3A_55] : memref<2x2x2500x128xi32, #tpu.memory_space<hbm>> -> memref<1x1x6x128xi32, #tpu.memory_space<hbm>>
    %dma_wait3A_57 = tpu.memref_squeeze %dma_wait3A_56 : memref<1x1x6x128xi32, #tpu.memory_space<hbm>> -> memref<6x128xi32, #tpu.memory_space<hbm>>
    %dma_wait3A_58 = arith.constant 0 : i32
    %dma_wait3A_59 = arith.constant 0 : i32
    %dma_wait3A_60 = tpu.memref_slice %arg3[%dma_wait3A_52, %dma_wait3A_53, %dma_wait3A_58, %dma_wait3A_59] : memref<2x2x2500x128xi32, #tpu.memory_space<hbm>> -> memref<1x1x6x128xi32, #tpu.memory_space<hbm>>
    %dma_wait3A_61 = tpu.memref_squeeze %dma_wait3A_60 : memref<1x1x6x128xi32, #tpu.memory_space<hbm>> -> memref<6x128xi32, #tpu.memory_space<hbm>>
    tpu.wait_dma2 semaphore(%arg27 : memref<!tpu.dma_semaphore, #tpu.memory_space<semaphore_mem>>) src(%dma_wait3A_61 : memref<6x128xi32, #tpu.memory_space<hbm>>) dst(%arg8 : memref<6x128xi32, #tpu.memory_space<vmem>>)
    %dma_start3A_62 = arith.constant 0 : i32
    %dma_start3A_63 = arith.constant 0 : i32
    %dma_start3A_64 = tpu.memref_slice %arg6[%dma_start3A_62, %dma_start3A_63] : memref<6x128xi32, #tpu.memory_space<vmem>> -> memref<1x128xi32, #tpu.memory_space<vmem>>
    %dma_start3A_65 = tpu.memref_squeeze %dma_start3A_64 : memref<1x128xi32, #tpu.memory_space<vmem>> -> memref<128xi32, #tpu.memory_space<vmem>>
    %dma_start3A_66 = arith.constant 0 : i32
    %dma_start3A_67 = arith.constant 0 : i32
    %dma_start3A_68 = tpu.memref_slice %arg2[%arg0, %dma_start3A_66, %dma_start3A_67] : memref<2x10000x128xbf16, #tpu.memory_space<hbm>> -> memref<1x10000x128xbf16, #tpu.memory_space<hbm>>
    %dma_start3A_69 = tpu.memref_squeeze %dma_start3A_68 : memref<1x10000x128xbf16, #tpu.memory_space<hbm>> -> memref<10000x128xbf16, #tpu.memory_space<hbm>>
    %dma_start3A_70 = arith.constant 0 : i32
    %dma_start3A_71 = arith.constant 0 : i32
    %dma_start3A_72 = tpu.memref_slice %dma_start3A_69[%dma_start3A_70, %dma_start3A_71] : memref<10000x128xbf16, #tpu.memory_space<hbm>> -> memref<10000x128xbf16, #tpu.memory_space<hbm>>
    tpu.enqueue_indirect_dma source(%dma_start3A_72 : memref<10000x128xbf16, #tpu.memory_space<hbm>>) target(%arg10 : memref<128x128xbf16, #tpu.memory_space<vmem>>) offsets(%dma_start3A_65 : memref<128xi32, #tpu.memory_space<vmem>>) semaphore(%arg19 : memref<!tpu.dma_semaphore, #tpu.memory_space<semaphore_mem>>)
    %dma_start3A_73 = arith.constant 1 : i32
    %dma_start3A_74 = arith.constant 0 : i32
    %dma_start3A_75 = tpu.memref_slice %arg6[%dma_start3A_73, %dma_start3A_74] : memref<6x128xi32, #tpu.memory_space<vmem>> -> memref<1x128xi32, #tpu.memory_space<vmem>>
    %dma_start3A_76 = tpu.memref_squeeze %dma_start3A_75 : memref<1x128xi32, #tpu.memory_space<vmem>> -> memref<128xi32, #tpu.memory_space<vmem>>
    %dma_start3A_77 = arith.constant 0 : i32
    %dma_start3A_78 = arith.constant 0 : i32
    %dma_start3A_79 = tpu.memref_slice %arg2[%arg0, %dma_start3A_77, %dma_start3A_78] : memref<2x10000x128xbf16, #tpu.memory_space<hbm>> -> memref<1x10000x128xbf16, #tpu.memory_space<hbm>>
    %dma_start3A_80 = tpu.memref_squeeze %dma_start3A_79 : memref<1x10000x128xbf16, #tpu.memory_space<hbm>> -> memref<10000x128xbf16, #tpu.memory_space<hbm>>
    %dma_start3A_81 = arith.constant 0 : i32
    %dma_start3A_82 = arith.constant 0 : i32
    %dma_start3A_83 = tpu.memref_slice %dma_start3A_80[%dma_start3A_81, %dma_start3A_82] : memref<10000x128xbf16, #tpu.memory_space<hbm>> -> memref<10000x128xbf16, #tpu.memory_space<hbm>>
    tpu.enqueue_indirect_dma source(%dma_start3A_83 : memref<10000x128xbf16, #tpu.memory_space<hbm>>) target(%arg11 : memref<128x128xbf16, #tpu.memory_space<vmem>>) offsets(%dma_start3A_76 : memref<128xi32, #tpu.memory_space<vmem>>) semaphore(%arg20 : memref<!tpu.dma_semaphore, #tpu.memory_space<semaphore_mem>>)
    %dma_start3A_84 = arith.constant 2 : i32
    %dma_start3A_85 = arith.constant 0 : i32
    %dma_start3A_86 = tpu.memref_slice %arg6[%dma_start3A_84, %dma_start3A_85] : memref<6x128xi32, #tpu.memory_space<vmem>> -> memref<1x128xi32, #tpu.memory_space<vmem>>
    %dma_start3A_87 = tpu.memref_squeeze %dma_start3A_86 : memref<1x128xi32, #tpu.memory_space<vmem>> -> memref<128xi32, #tpu.memory_space<vmem>>
    %dma_start3A_88 = arith.constant 0 : i32
    %dma_start3A_89 = arith.constant 0 : i32
    %dma_start3A_90 = tpu.memref_slice %arg2[%arg0, %dma_start3A_88, %dma_start3A_89] : memref<2x10000x128xbf16, #tpu.memory_space<hbm>> -> memref<1x10000x128xbf16, #tpu.memory_space<hbm>>
    %dma_start3A_91 = tpu.memref_squeeze %dma_start3A_90 : memref<1x10000x128xbf16, #tpu.memory_space<hbm>> -> memref<10000x128xbf16, #tpu.memory_space<hbm>>
    %dma_start3A_92 = arith.constant 0 : i32
    %dma_start3A_93 = arith.constant 0 : i32
    %dma_start3A_94 = tpu.memref_slice %dma_start3A_91[%dma_start3A_92, %dma_start3A_93] : memref<10000x128xbf16, #tpu.memory_space<hbm>> -> memref<10000x128xbf16, #tpu.memory_space<hbm>>
    tpu.enqueue_indirect_dma source(%dma_start3A_94 : memref<10000x128xbf16, #tpu.memory_space<hbm>>) target(%arg12 : memref<128x128xbf16, #tpu.memory_space<vmem>>) offsets(%dma_start3A_87 : memref<128xi32, #tpu.memory_space<vmem>>) semaphore(%arg21 : memref<!tpu.dma_semaphore, #tpu.memory_space<semaphore_mem>>)
    %dma_start3A_95 = arith.constant 3 : i32
    %dma_start3A_96 = arith.constant 0 : i32
    %dma_start3A_97 = tpu.memref_slice %arg6[%dma_start3A_95, %dma_start3A_96] : memref<6x128xi32, #tpu.memory_space<vmem>> -> memref<1x128xi32, #tpu.memory_space<vmem>>
    %dma_start3A_98 = tpu.memref_squeeze %dma_start3A_97 : memref<1x128xi32, #tpu.memory_space<vmem>> -> memref<128xi32, #tpu.memory_space<vmem>>
    %dma_start3A_99 = arith.constant 0 : i32
    %dma_start3A_100 = arith.constant 0 : i32
    %dma_start3A_101 = tpu.memref_slice %arg2[%arg0, %dma_start3A_99, %dma_start3A_100] : memref<2x10000x128xbf16, #tpu.memory_space<hbm>> -> memref<1x10000x128xbf16, #tpu.memory_space<hbm>>
    %dma_start3A_102 = tpu.memref_squeeze %dma_start3A_101 : memref<1x10000x128xbf16, #tpu.memory_space<hbm>> -> memref<10000x128xbf16, #tpu.memory_space<hbm>>
    %dma_start3A_103 = arith.constant 0 : i32
    %dma_start3A_104 = arith.constant 0 : i32
    %dma_start3A_105 = tpu.memref_slice %dma_start3A_102[%dma_start3A_103, %dma_start3A_104] : memref<10000x128xbf16, #tpu.memory_space<hbm>> -> memref<10000x128xbf16, #tpu.memory_space<hbm>>
    tpu.enqueue_indirect_dma source(%dma_start3A_105 : memref<10000x128xbf16, #tpu.memory_space<hbm>>) target(%arg13 : memref<128x128xbf16, #tpu.memory_space<vmem>>) offsets(%dma_start3A_98 : memref<128xi32, #tpu.memory_space<vmem>>) semaphore(%arg22 : memref<!tpu.dma_semaphore, #tpu.memory_space<semaphore_mem>>)
    %scan3A_106 = arith.constant 0 : i32
    %scan3A_107 = arith.constant 0 : i32
    %scan3A_108 = arith.constant 13 : i32
    %scan3A_109 = arith.addi %scan3A_107, %scan3A_108 : i32
    %scan3A_110 = arith.constant 1 : i32
    %scan3A_111 = scf.for %scan3A_188 = %scan3A_107 to %scan3A_109 step %scan3A_110 iter_args(%scan3A_189 = %scan3A_106) -> (i32)  : i32 {
      %mul3A_190 = arith.constant 2 : i32
      %mul3A_191 = arith.muli %mul3A_190, %scan3A_188 : i32
      %add3A_192 = arith.constant 1 : i32
      %add3A_193 = arith.addi %mul3A_191, %add3A_192 : i32
      %lt3A_194 = arith.constant 26 : i32
      %lt3A_195 = arith.cmpi slt, %add3A_193, %lt3A_194 : i32
      %convert_element_type3A_196 = arith.extui %lt3A_195 : i1 to i32
      %cond3A_197 = arith.constant 0 : i32
      %cond3A_198 = arith.cmpi ne, %convert_element_type3A_196, %cond3A_197 : i32
      scf.if %cond3A_198 {
        %add3A_1965 = arith.constant 1 : i32
        %add3A_1966 = arith.addi %mul3A_191, %add3A_1965 : i32
        %mul3A_1967 = arith.constant 6 : i32
        %mul3A_1968 = arith.muli %add3A_1966, %mul3A_1967 : i32
        %add3A_1969 = arith.addi %mul3A_27, %mul3A_1968 : i32
        %dma_start3A_1970 = arith.constant 0 : i32
        %dma_start3A_1971 = arith.constant 0 : i32
        %dma_start3A_1972 = tpu.memref_slice %arg3[%arg0, %dma_start3A_1970, %add3A_1969, %dma_start3A_1971] : memref<2x2x2500x128xi32, #tpu.memory_space<hbm>> -> memref<1x1x6x128xi32, #tpu.memory_space<hbm>>
        %dma_start3A_1973 = tpu.memref_squeeze %dma_start3A_1972 : memref<1x1x6x128xi32, #tpu.memory_space<hbm>> -> memref<6x128xi32, #tpu.memory_space<hbm>>
        %dma_start3A_1974 = arith.constant 0 : i32
        %dma_start3A_1975 = tpu.memref_slice %arg3[%arg0, %dma_start3A_1970, %add3A_1969, %dma_start3A_1974] : memref<2x2x2500x128xi32, #tpu.memory_space<hbm>> -> memref<1x1x6x128xi32, #tpu.memory_space<hbm>>
        %dma_start3A_1976 = tpu.memref_squeeze %dma_start3A_1975 : memref<1x1x6x128xi32, #tpu.memory_space<hbm>> -> memref<6x128xi32, #tpu.memory_space<hbm>>
        tpu.enqueue_dma source(%dma_start3A_1976 : memref<6x128xi32, #tpu.memory_space<hbm>>) target(%arg7 : memref<6x128xi32, #tpu.memory_space<vmem>>) target_semaphore(%arg27 : memref<!tpu.dma_semaphore, #tpu.memory_space<semaphore_mem>>)
        %dma_start3A_1977 = arith.constant 1 : i32
        %dma_start3A_1978 = arith.constant 0 : i32
        %dma_start3A_1979 = tpu.memref_slice %arg3[%arg0, %dma_start3A_1977, %add3A_1969, %dma_start3A_1978] : memref<2x2x2500x128xi32, #tpu.memory_space<hbm>> -> memref<1x1x6x128xi32, #tpu.memory_space<hbm>>
        %dma_start3A_1980 = tpu.memref_squeeze %dma_start3A_1979 : memref<1x1x6x128xi32, #tpu.memory_space<hbm>> -> memref<6x128xi32, #tpu.memory_space<hbm>>
        %dma_start3A_1981 = arith.constant 0 : i32
        %dma_start3A_1982 = tpu.memref_slice %arg3[%arg0, %dma_start3A_1977, %add3A_1969, %dma_start3A_1981] : memref<2x2x2500x128xi32, #tpu.memory_space<hbm>> -> memref<1x1x6x128xi32, #tpu.memory_space<hbm>>
        %dma_start3A_1983 = tpu.memref_squeeze %dma_start3A_1982 : memref<1x1x6x128xi32, #tpu.memory_space<hbm>> -> memref<6x128xi32, #tpu.memory_space<hbm>>
        tpu.enqueue_dma source(%dma_start3A_1983 : memref<6x128xi32, #tpu.memory_space<hbm>>) target(%arg9 : memref<6x128xi32, #tpu.memory_space<vmem>>) target_semaphore(%arg27 : memref<!tpu.dma_semaphore, #tpu.memory_space<semaphore_mem>>)
      } else {
      }
      %dma_wait3A_199 = arith.constant 0 : i32
      %dma_wait3A_200 = arith.constant 0 : i32
      %dma_wait3A_201 = tpu.memref_slice %arg6[%dma_wait3A_199, %dma_wait3A_200] : memref<6x128xi32, #tpu.memory_space<vmem>> -> memref<1x128xi32, #tpu.memory_space<vmem>>
      %dma_wait3A_202 = tpu.memref_squeeze %dma_wait3A_201 : memref<1x128xi32, #tpu.memory_space<vmem>> -> memref<128xi32, #tpu.memory_space<vmem>>
      %dma_wait3A_203 = arith.constant 0 : i32
      %dma_wait3A_204 = arith.constant 0 : i32
      %dma_wait3A_205 = tpu.memref_slice %arg2[%arg0, %dma_wait3A_203, %dma_wait3A_204] : memref<2x10000x128xbf16, #tpu.memory_space<hbm>> -> memref<1x10000x128xbf16, #tpu.memory_space<hbm>>
      %dma_wait3A_206 = tpu.memref_squeeze %dma_wait3A_205 : memref<1x10000x128xbf16, #tpu.memory_space<hbm>> -> memref<10000x128xbf16, #tpu.memory_space<hbm>>
      %dma_wait3A_207 = arith.constant 0 : i32
      %dma_wait3A_208 = arith.constant 0 : i32
      %dma_wait3A_209 = tpu.memref_slice %dma_wait3A_206[%dma_wait3A_207, %dma_wait3A_208] : memref<10000x128xbf16, #tpu.memory_space<hbm>> -> memref<10000x128xbf16, #tpu.memory_space<hbm>>
      tpu.wait_indirect_dma semaphore(%arg19 : memref<!tpu.dma_semaphore, #tpu.memory_space<semaphore_mem>>) src(%dma_wait3A_209 : memref<10000x128xbf16, #tpu.memory_space<hbm>>) dst(%arg10 : memref<128x128xbf16, #tpu.memory_space<vmem>>)
      %dma_start3A_210 = arith.constant 0 : i32
      %dma_start3A_211 = arith.constant 0 : i32
      %dma_start3A_212 = tpu.memref_slice %arg8[%dma_start3A_210, %dma_start3A_211] : memref<6x128xi32, #tpu.memory_space<vmem>> -> memref<1x128xi32, #tpu.memory_space<vmem>>
      %dma_start3A_213 = tpu.memref_squeeze %dma_start3A_212 : memref<1x128xi32, #tpu.memory_space<vmem>> -> memref<128xi32, #tpu.memory_space<vmem>>
      %dma_start3A_214 = arith.constant 0 : i32
      %dma_start3A_215 = arith.constant 0 : i32
      %dma_start3A_216 = tpu.memref_slice %arg17[%dma_start3A_214, %dma_start3A_215] : memref<10000x128xbf16, #tpu.memory_space<vmem_shared>> -> memref<10000x128xbf16, #tpu.memory_space<vmem_shared>>
      tpu.enqueue_indirect_dma source(%arg10 : memref<128x128xbf16, #tpu.memory_space<vmem>>) target(%dma_start3A_216 : memref<10000x128xbf16, #tpu.memory_space<vmem_shared>>) offsets(%dma_start3A_213 : memref<128xi32, #tpu.memory_space<vmem>>) semaphore(%arg23 : memref<!tpu.dma_semaphore, #tpu.memory_space<semaphore_mem>>) {add = true}
      %get3A = arith.constant 0 : i32
      %get3A_217 = arith.index_cast %get3A : i32 to index
      %get3A_218 = arith.constant 0 : index
      %get3A_219 = tpu.vector_load %arg8[%get3A_217, %get3A_218] {strides = array<i32>} : memref<6x128xi32, #tpu.memory_space<vmem>>, vector<16xi32>,
      %broadcast_in_dim3A_220 = arith.constant true
      %broadcast_in_dim3A_221 = vector.broadcast %broadcast_in_dim3A_220 : i1 to vector<16xi1>
      %unique3A, %unique3A_222 = tpu.scan_count mask(%broadcast_in_dim3A_221 : vector<16xi1>) value(%get3A_219 : vector<16xi32>) : vector<16xi1>, vector<16xi32>
      %shift_right_logical3A = arith.constant 4 : i32
      %shift_right_logical3A_223 = vector.broadcast %shift_right_logical3A : i32 to vector<16xi32>
      %shift_right_logical3A_224 = arith.shrui %get3A_219, %shift_right_logical3A_223 : vector<16xi32>
      %and3A = arith.constant 15 : i32
      %and3A_225 = vector.broadcast %and3A : i32 to vector<16xi32>
      %and3A_226 = arith.andi %get3A_219, %and3A_225 : vector<16xi32>
      tpu.vector_store_idx %arg14[%shift_right_logical3A_224, %and3A_226], %unique3A_222 masked %unique3A {add = true} : memref<640x16xi32, #tpu.memory_space<vmem>>[vector<16xi32>, vector<16xi32>], vector<16xi32>, vector<16xi1>
      %get3A_227 = arith.constant 0 : i32
      %get3A_228 = arith.index_cast %get3A_227 : i32 to index
      %get3A_229 = arith.constant 16 : index
      %get3A_230 = tpu.vector_load %arg8[%get3A_228, %get3A_229] {strides = array<i32>} : memref<6x128xi32, #tpu.memory_space<vmem>>, vector<16xi32>,
      %broadcast_in_dim3A_231 = arith.constant true
      %broadcast_in_dim3A_232 = vector.broadcast %broadcast_in_dim3A_231 : i1 to vector<16xi1>
      %unique3A_233, %unique3A_234 = tpu.scan_count mask(%broadcast_in_dim3A_232 : vector<16xi1>) value(%get3A_230 : vector<16xi32>) : vector<16xi1>, vector<16xi32>
      %shift_right_logical3A_235 = arith.constant 4 : i32
      %shift_right_logical3A_236 = vector.broadcast %shift_right_logical3A_235 : i32 to vector<16xi32>
      %shift_right_logical3A_237 = arith.shrui %get3A_230, %shift_right_logical3A_236 : vector<16xi32>
      %and3A_238 = arith.constant 15 : i32
      %and3A_239 = vector.broadcast %and3A_238 : i32 to vector<16xi32>
      %and3A_240 = arith.andi %get3A_230, %and3A_239 : vector<16xi32>
      tpu.vector_store_idx %arg14[%shift_right_logical3A_237, %and3A_240], %unique3A_234 masked %unique3A_233 {add = true} : memref<640x16xi32, #tpu.memory_space<vmem>>[vector<16xi32>, vector<16xi32>], vector<16xi32>, vector<16xi1>
      %get3A_241 = arith.constant 0 : i32
      %get3A_242 = arith.index_cast %get3A_241 : i32 to index
      %get3A_243 = arith.constant 32 : index
      %get3A_244 = tpu.vector_load %arg8[%get3A_242, %get3A_243] {strides = array<i32>} : memref<6x128xi32, #tpu.memory_space<vmem>>, vector<16xi32>,
      %broadcast_in_dim3A_245 = arith.constant true
      %broadcast_in_dim3A_246 = vector.broadcast %broadcast_in_dim3A_245 : i1 to vector<16xi1>
      %unique3A_247, %unique3A_248 = tpu.scan_count mask(%broadcast_in_dim3A_246 : vector<16xi1>) value(%get3A_244 : vector<16xi32>) : vector<16xi1>, vector<16xi32>
      %shift_right_logical3A_249 = arith.constant 4 : i32
      %shift_right_logical3A_250 = vector.broadcast %shift_right_logical3A_249 : i32 to vector<16xi32>
      %shift_right_logical3A_251 = arith.shrui %get3A_244, %shift_right_logical3A_250 : vector<16xi32>
      %and3A_252 = arith.constant 15 : i32
      %and3A_253 = vector.broadcast %and3A_252 : i32 to vector<16xi32>
      %and3A_254 = arith.andi %get3A_244, %and3A_253 : vector<16xi32>
      tpu.vector_store_idx %arg14[%shift_right_logical3A_251, %and3A_254], %unique3A_248 masked %unique3A_247 {add = true} : memref<640x16xi32, #tpu.memory_space<vmem>>[vector<16xi32>, vector<16xi32>], vector<16xi32>, vector<16xi1>
      %get3A_255 = arith.constant 0 : i32
      %get3A_256 = arith.index_cast %get3A_255 : i32 to index
      %get3A_257 = arith.constant 48 : index
      %get3A_258 = tpu.vector_load %arg8[%get3A_256, %get3A_257] {strides = array<i32>} : memref<6x128xi32, #tpu.memory_space<vmem>>, vector<16xi32>,
      %broadcast_in_dim3A_259 = arith.constant true
      %broadcast_in_dim3A_260 = vector.broadcast %broadcast_in_dim3A_259 : i1 to vector<16xi1>
      %unique3A_261, %unique3A_262 = tpu.scan_count mask(%broadcast_in_dim3A_260 : vector<16xi1>) value(%get3A_258 : vector<16xi32>) : vector<16xi1>, vector<16xi32>
      %shift_right_logical3A_263 = arith.constant 4 : i32
      %shift_right_logical3A_264 = vector.broadcast %shift_right_logical3A_263 : i32 to vector<16xi32>
      %shift_right_logical3A_265 = arith.shrui %get3A_258, %shift_right_logical3A_264 : vector<16xi32>
      %and3A_266 = arith.constant 15 : i32
      %and3A_267 = vector.broadcast %and3A_266 : i32 to vector<16xi32>
      %and3A_268 = arith.andi %get3A_258, %and3A_267 : vector<16xi32>
      tpu.vector_store_idx %arg14[%shift_right_logical3A_265, %and3A_268], %unique3A_262 masked %unique3A_261 {add = true} : memref<640x16xi32, #tpu.memory_space<vmem>>[vector<16xi32>, vector<16xi32>], vector<16xi32>, vector<16xi1>
      %get3A_269 = arith.constant 0 : i32
      %get3A_270 = arith.index_cast %get3A_269 : i32 to index
      %get3A_271 = arith.constant 64 : index
      %get3A_272 = tpu.vector_load %arg8[%get3A_270, %get3A_271] {strides = array<i32>} : memref<6x128xi32, #tpu.memory_space<vmem>>, vector<16xi32>,
      %broadcast_in_dim3A_273 = arith.constant true
      %broadcast_in_dim3A_274 = vector.broadcast %broadcast_in_dim3A_273 : i1 to vector<16xi1>
      %unique3A_275, %unique3A_276 = tpu.scan_count mask(%broadcast_in_dim3A_274 : vector<16xi1>) value(%get3A_272 : vector<16xi32>) : vector<16xi1>, vector<16xi32>
      %shift_right_logical3A_277 = arith.constant 4 : i32
      %shift_right_logical3A_278 = vector.broadcast %shift_right_logical3A_277 : i32 to vector<16xi32>
      %shift_right_logical3A_279 = arith.shrui %get3A_272, %shift_right_logical3A_278 : vector<16xi32>
      %and3A_280 = arith.constant 15 : i32
      %and3A_281 = vector.broadcast %and3A_280 : i32 to vector<16xi32>
      %and3A_282 = arith.andi %get3A_272, %and3A_281 : vector<16xi32>
      tpu.vector_store_idx %arg14[%shift_right_logical3A_279, %and3A_282], %unique3A_276 masked %unique3A_275 {add = true} : memref<640x16xi32, #tpu.memory_space<vmem>>[vector<16xi32>, vector<16xi32>], vector<16xi32>, vector<16xi1>
      %get3A_283 = arith.constant 0 : i32
      %get3A_284 = arith.index_cast %get3A_283 : i32 to index
      %get3A_285 = arith.constant 80 : index
      %get3A_286 = tpu.vector_load %arg8[%get3A_284, %get3A_285] {strides = array<i32>} : memref<6x128xi32, #tpu.memory_space<vmem>>, vector<16xi32>,
      %broadcast_in_dim3A_287 = arith.constant true
      %broadcast_in_dim3A_288 = vector.broadcast %broadcast_in_dim3A_287 : i1 to vector<16xi1>
      %unique3A_289, %unique3A_290 = tpu.scan_count mask(%broadcast_in_dim3A_288 : vector<16xi1>) value(%get3A_286 : vector<16xi32>) : vector<16xi1>, vector<16xi32>
      %shift_right_logical3A_291 = arith.constant 4 : i32
      %shift_right_logical3A_292 = vector.broadcast %shift_right_logical3A_291 : i32 to vector<16xi32>
      %shift_right_logical3A_293 = arith.shrui %get3A_286, %shift_right_logical3A_292 : vector<16xi32>
      %and3A_294 = arith.constant 15 : i32
      %and3A_295 = vector.broadcast %and3A_294 : i32 to vector<16xi32>
      %and3A_296 = arith.andi %get3A_286, %and3A_295 : vector<16xi32>
      tpu.vector_store_idx %arg14[%shift_right_logical3A_293, %and3A_296], %unique3A_290 masked %unique3A_289 {add = true} : memref<640x16xi32, #tpu.memory_space<vmem>>[vector<16xi32>, vector<16xi32>], vector<16xi32>, vector<16xi1>
      %get3A_297 = arith.constant 0 : i32
      %get3A_298 = arith.index_cast %get3A_297 : i32 to index
      %get3A_299 = arith.constant 96 : index
      %get3A_300 = tpu.vector_load %arg8[%get3A_298, %get3A_299] {strides = array<i32>} : memref<6x128xi32, #tpu.memory_space<vmem>>, vector<16xi32>,
      %broadcast_in_dim3A_301 = arith.constant true
      %broadcast_in_dim3A_302 = vector.broadcast %broadcast_in_dim3A_301 : i1 to vector<16xi1>
      %unique3A_303, %unique3A_304 = tpu.scan_count mask(%broadcast_in_dim3A_302 : vector<16xi1>) value(%get3A_300 : vector<16xi32>) : vector<16xi1>, vector<16xi32>
      %shift_right_logical3A_305 = arith.constant 4 : i32
      %shift_right_logical3A_306 = vector.broadcast %shift_right_logical3A_305 : i32 to vector<16xi32>
      %shift_right_logical3A_307 = arith.shrui %get3A_300, %shift_right_logical3A_306 : vector<16xi32>
      %and3A_308 = arith.constant 15 : i32
      %and3A_309 = vector.broadcast %and3A_308 : i32 to vector<16xi32>
      %and3A_310 = arith.andi %get3A_300, %and3A_309 : vector<16xi32>
      tpu.vector_store_idx %arg14[%shift_right_logical3A_307, %and3A_310], %unique3A_304 masked %unique3A_303 {add = true} : memref<640x16xi32, #tpu.memory_space<vmem>>[vector<16xi32>, vector<16xi32>], vector<16xi32>, vector<16xi1>
      %get3A_311 = arith.constant 0 : i32
      %get3A_312 = arith.index_cast %get3A_311 : i32 to index
      %get3A_313 = arith.constant 112 : index
      %get3A_314 = tpu.vector_load %arg8[%get3A_312, %get3A_313] {strides = array<i32>} : memref<6x128xi32, #tpu.memory_space<vmem>>, vector<16xi32>,
      %broadcast_in_dim3A_315 = arith.constant true
      %broadcast_in_dim3A_316 = vector.broadcast %broadcast_in_dim3A_315 : i1 to vector<16xi1>
      %unique3A_317, %unique3A_318 = tpu.scan_count mask(%broadcast_in_dim3A_316 : vector<16xi1>) value(%get3A_314 : vector<16xi32>) : vector<16xi1>, vector<16xi32>
      %shift_right_logical3A_319 = arith.constant 4 : i32
      %shift_right_logical3A_320 = vector.broadcast %shift_right_logical3A_319 : i32 to vector<16xi32>
      %shift_right_logical3A_321 = arith.shrui %get3A_314, %shift_right_logical3A_320 : vector<16xi32>
      %and3A_322 = arith.constant 15 : i32
      %and3A_323 = vector.broadcast %and3A_322 : i32 to vector<16xi32>
      %and3A_324 = arith.andi %get3A_314, %and3A_323 : vector<16xi32>
      tpu.vector_store_idx %arg14[%shift_right_logical3A_321, %and3A_324], %unique3A_318 masked %unique3A_317 {add = true} : memref<640x16xi32, #tpu.memory_space<vmem>>[vector<16xi32>, vector<16xi32>], vector<16xi32>, vector<16xi1>
      %dma_wait3A_325 = arith.constant 0 : i32
      %dma_wait3A_326 = arith.constant 0 : i32
      %dma_wait3A_327 = tpu.memref_slice %arg8[%dma_wait3A_325, %dma_wait3A_326] : memref<6x128xi32, #tpu.memory_space<vmem>> -> memref<1x128xi32, #tpu.memory_space<vmem>>
      %dma_wait3A_328 = tpu.memref_squeeze %dma_wait3A_327 : memref<1x128xi32, #tpu.memory_space<vmem>> -> memref<128xi32, #tpu.memory_space<vmem>>
      %dma_wait3A_329 = arith.constant 0 : i32
      %dma_wait3A_330 = arith.constant 0 : i32
      %dma_wait3A_331 = tpu.memref_slice %arg17[%dma_wait3A_329, %dma_wait3A_330] : memref<10000x128xbf16, #tpu.memory_space<vmem_shared>> -> memref<10000x128xbf16, #tpu.memory_space<vmem_shared>>
      tpu.wait_indirect_dma semaphore(%arg23 : memref<!tpu.dma_semaphore, #tpu.memory_space<semaphore_mem>>) src(%arg10 : memref<128x128xbf16, #tpu.memory_space<vmem>>) dst(%dma_wait3A_331 : memref<10000x128xbf16, #tpu.memory_space<vmem_shared>>)
      %dma_start3A_332 = arith.constant 4 : i32
      %dma_start3A_333 = arith.constant 0 : i32
      %dma_start3A_334 = tpu.memref_slice %arg6[%dma_start3A_332, %dma_start3A_333] : memref<6x128xi32, #tpu.memory_space<vmem>> -> memref<1x128xi32, #tpu.memory_space<vmem>>
      %dma_start3A_335 = tpu.memref_squeeze %dma_start3A_334 : memref<1x128xi32, #tpu.memory_space<vmem>> -> memref<128xi32, #tpu.memory_space<vmem>>
      %dma_start3A_336 = arith.constant 0 : i32
      %dma_start3A_337 = arith.constant 0 : i32
      %dma_start3A_338 = tpu.memref_slice %arg2[%arg0, %dma_start3A_336, %dma_start3A_337] : memref<2x10000x128xbf16, #tpu.memory_space<hbm>> -> memref<1x10000x128xbf16, #tpu.memory_space<hbm>>
      %dma_start3A_339 = tpu.memref_squeeze %dma_start3A_338 : memref<1x10000x128xbf16, #tpu.memory_space<hbm>> -> memref<10000x128xbf16, #tpu.memory_space<hbm>>
      %dma_start3A_340 = arith.constant 0 : i32
      %dma_start3A_341 = arith.constant 0 : i32
      %dma_start3A_342 = tpu.memref_slice %dma_start3A_339[%dma_start3A_340, %dma_start3A_341] : memref<10000x128xbf16, #tpu.memory_space<hbm>> -> memref<10000x128xbf16, #tpu.memory_space<hbm>>
      tpu.enqueue_indirect_dma source(%dma_start3A_342 : memref<10000x128xbf16, #tpu.memory_space<hbm>>) target(%arg10 : memref<128x128xbf16, #tpu.memory_space<vmem>>) offsets(%dma_start3A_335 : memref<128xi32, #tpu.memory_space<vmem>>) semaphore(%arg19 : memref<!tpu.dma_semaphore, #tpu.memory_space<semaphore_mem>>)
      %dma_wait3A_343 = arith.constant 0 : i32
      %dma_wait3A_344 = arith.constant 0 : i32
      %dma_wait3A_345 = tpu.memref_slice %arg6[%dma_wait3A_343, %dma_wait3A_344] : memref<6x128xi32, #tpu.memory_space<vmem>> -> memref<1x128xi32, #tpu.memory_space<vmem>>
      %dma_wait3A_346 = tpu.memref_squeeze %dma_wait3A_345 : memref<1x128xi32, #tpu.memory_space<vmem>> -> memref<128xi32, #tpu.memory_space<vmem>>
      %dma_wait3A_347 = arith.constant 0 : i32
      %dma_wait3A_348 = arith.constant 0 : i32
      %dma_wait3A_349 = tpu.memref_slice %arg2[%arg0, %dma_wait3A_347, %dma_wait3A_348] : memref<2x10000x128xbf16, #tpu.memory_space<hbm>> -> memref<1x10000x128xbf16, #tpu.memory_space<hbm>>
      %dma_wait3A_350 = tpu.memref_squeeze %dma_wait3A_349 : memref<1x10000x128xbf16, #tpu.memory_space<hbm>> -> memref<10000x128xbf16, #tpu.memory_space<hbm>>
      %dma_wait3A_351 = arith.constant 0 : i32
      %dma_wait3A_352 = arith.constant 0 : i32
      %dma_wait3A_353 = tpu.memref_slice %dma_wait3A_350[%dma_wait3A_351, %dma_wait3A_352] : memref<10000x128xbf16, #tpu.memory_space<hbm>> -> memref<10000x128xbf16, #tpu.memory_space<hbm>>
      tpu.wait_indirect_dma semaphore(%arg20 : memref<!tpu.dma_semaphore, #tpu.memory_space<semaphore_mem>>) src(%dma_wait3A_353 : memref<10000x128xbf16, #tpu.memory_space<hbm>>) dst(%arg11 : memref<128x128xbf16, #tpu.memory_space<vmem>>)
      %dma_start3A_354 = arith.constant 1 : i32
      %dma_start3A_355 = arith.constant 0 : i32
      %dma_start3A_356 = tpu.memref_slice %arg8[%dma_start3A_354, %dma_start3A_355] : memref<6x128xi32, #tpu.memory_space<vmem>> -> memref<1x128xi32, #tpu.memory_space<vmem>>
      %dma_start3A_357 = tpu.memref_squeeze %dma_start3A_356 : memref<1x128xi32, #tpu.memory_space<vmem>> -> memref<128xi32, #tpu.memory_space<vmem>>
      %dma_start3A_358 = arith.constant 0 : i32
      %dma_start3A_359 = arith.constant 0 : i32
      %dma_start3A_360 = tpu.memref_slice %arg17[%dma_start3A_358, %dma_start3A_359] : memref<10000x128xbf16, #tpu.memory_space<vmem_shared>> -> memref<10000x128xbf16, #tpu.memory_space<vmem_shared>>
      tpu.enqueue_indirect_dma source(%arg11 : memref<128x128xbf16, #tpu.memory_space<vmem>>) target(%dma_start3A_360 : memref<10000x128xbf16, #tpu.memory_space<vmem_shared>>) offsets(%dma_start3A_357 : memref<128xi32, #tpu.memory_space<vmem>>) semaphore(%arg24 : memref<!tpu.dma_semaphore, #tpu.memory_space<semaphore_mem>>) {add = true}
      %get3A_361 = arith.constant 1 : i32
      %get3A_362 = arith.index_cast %get3A_361 : i32 to index
      %get3A_363 = arith.constant 0 : index
      %get3A_364 = tpu.vector_load %arg8[%get3A_362, %get3A_363] {strides = array<i32>} : memref<6x128xi32, #tpu.memory_space<vmem>>, vector<16xi32>,
      %broadcast_in_dim3A_365 = arith.constant true
      %broadcast_in_dim3A_366 = vector.broadcast %broadcast_in_dim3A_365 : i1 to vector<16xi1>
      %unique3A_367, %unique3A_368 = tpu.scan_count mask(%broadcast_in_dim3A_366 : vector<16xi1>) value(%get3A_364 : vector<16xi32>) : vector<16xi1>, vector<16xi32>
      %shift_right_logical3A_369 = arith.constant 4 : i32
      %shift_right_logical3A_370 = vector.broadcast %shift_right_logical3A_369 : i32 to vector<16xi32>
      %shift_right_logical3A_371 = arith.shrui %get3A_364, %shift_right_logical3A_370 : vector<16xi32>
      %and3A_372 = arith.constant 15 : i32
      %and3A_373 = vector.broadcast %and3A_372 : i32 to vector<16xi32>
      %and3A_374 = arith.andi %get3A_364, %and3A_373 : vector<16xi32>
      tpu.vector_store_idx %arg14[%shift_right_logical3A_371, %and3A_374], %unique3A_368 masked %unique3A_367 {add = true} : memref<640x16xi32, #tpu.memory_space<vmem>>[vector<16xi32>, vector<16xi32>], vector<16xi32>, vector<16xi1>
      %get3A_375 = arith.constant 1 : i32
      %get3A_376 = arith.index_cast %get3A_375 : i32 to index
      %get3A_377 = arith.constant 16 : index
      %get3A_378 = tpu.vector_load %arg8[%get3A_376, %get3A_377] {strides = array<i32>} : memref<6x128xi32, #tpu.memory_space<vmem>>, vector<16xi32>,
      %broadcast_in_dim3A_379 = arith.constant true
      %broadcast_in_dim3A_380 = vector.broadcast %broadcast_in_dim3A_379 : i1 to vector<16xi1>
      %unique3A_381, %unique3A_382 = tpu.scan_count mask(%broadcast_in_dim3A_380 : vector<16xi1>) value(%get3A_378 : vector<16xi32>) : vector<16xi1>, vector<16xi32>
      %shift_right_logical3A_383 = arith.constant 4 : i32
      %shift_right_logical3A_384 = vector.broadcast %shift_right_logical3A_383 : i32 to vector<16xi32>
      %shift_right_logical3A_385 = arith.shrui %get3A_378, %shift_right_logical3A_384 : vector<16xi32>
      %and3A_386 = arith.constant 15 : i32
      %and3A_387 = vector.broadcast %and3A_386 : i32 to vector<16xi32>
      %and3A_388 = arith.andi %get3A_378, %and3A_387 : vector<16xi32>
      tpu.vector_store_idx %arg14[%shift_right_logical3A_385, %and3A_388], %unique3A_382 masked %unique3A_381 {add = true} : memref<640x16xi32, #tpu.memory_space<vmem>>[vector<16xi32>, vector<16xi32>], vector<16xi32>, vector<16xi1>
      %get3A_389 = arith.constant 1 : i32
      %get3A_390 = arith.index_cast %get3A_389 : i32 to index
      %get3A_391 = arith.constant 32 : index
      %get3A_392 = tpu.vector_load %arg8[%get3A_390, %get3A_391] {strides = array<i32>} : memref<6x128xi32, #tpu.memory_space<vmem>>, vector<16xi32>,
      %broadcast_in_dim3A_393 = arith.constant true
      %broadcast_in_dim3A_394 = vector.broadcast %broadcast_in_dim3A_393 : i1 to vector<16xi1>
      %unique3A_395, %unique3A_396 = tpu.scan_count mask(%broadcast_in_dim3A_394 : vector<16xi1>) value(%get3A_392 : vector<16xi32>) : vector<16xi1>, vector<16xi32>
      %shift_right_logical3A_397 = arith.constant 4 : i32
      %shift_right_logical3A_398 = vector.broadcast %shift_right_logical3A_397 : i32 to vector<16xi32>
      %shift_right_logical3A_399 = arith.shrui %get3A_392, %shift_right_logical3A_398 : vector<16xi32>
      %and3A_400 = arith.constant 15 : i32
      %and3A_401 = vector.broadcast %and3A_400 : i32 to vector<16xi32>
      %and3A_402 = arith.andi %get3A_392, %and3A_401 : vector<16xi32>
      tpu.vector_store_idx %arg14[%shift_right_logical3A_399, %and3A_402], %unique3A_396 masked %unique3A_395 {add = true} : memref<640x16xi32, #tpu.memory_space<vmem>>[vector<16xi32>, vector<16xi32>], vector<16xi32>, vector<16xi1>
      %get3A_403 = arith.constant 1 : i32
      %get3A_404 = arith.index_cast %get3A_403 : i32 to index
      %get3A_405 = arith.constant 48 : index
      %get3A_406 = tpu.vector_load %arg8[%get3A_404, %get3A_405] {strides = array<i32>} : memref<6x128xi32, #tpu.memory_space<vmem>>, vector<16xi32>,
      %broadcast_in_dim3A_407 = arith.constant true
      %broadcast_in_dim3A_408 = vector.broadcast %broadcast_in_dim3A_407 : i1 to vector<16xi1>
      %unique3A_409, %unique3A_410 = tpu.scan_count mask(%broadcast_in_dim3A_408 : vector<16xi1>) value(%get3A_406 : vector<16xi32>) : vector<16xi1>, vector<16xi32>
      %shift_right_logical3A_411 = arith.constant 4 : i32
      %shift_right_logical3A_412 = vector.broadcast %shift_right_logical3A_411 : i32 to vector<16xi32>
      %shift_right_logical3A_413 = arith.shrui %get3A_406, %shift_right_logical3A_412 : vector<16xi32>
      %and3A_414 = arith.constant 15 : i32
      %and3A_415 = vector.broadcast %and3A_414 : i32 to vector<16xi32>
      %and3A_416 = arith.andi %get3A_406, %and3A_415 : vector<16xi32>
      tpu.vector_store_idx %arg14[%shift_right_logical3A_413, %and3A_416], %unique3A_410 masked %unique3A_409 {add = true} : memref<640x16xi32, #tpu.memory_space<vmem>>[vector<16xi32>, vector<16xi32>], vector<16xi32>, vector<16xi1>
      %get3A_417 = arith.constant 1 : i32
      %get3A_418 = arith.index_cast %get3A_417 : i32 to index
      %get3A_419 = arith.constant 64 : index
      %get3A_420 = tpu.vector_load %arg8[%get3A_418, %get3A_419] {strides = array<i32>} : memref<6x128xi32, #tpu.memory_space<vmem>>, vector<16xi32>,
      %broadcast_in_dim3A_421 = arith.constant true
      %broadcast_in_dim3A_422 = vector.broadcast %broadcast_in_dim3A_421 : i1 to vector<16xi1>
      %unique3A_423, %unique3A_424 = tpu.scan_count mask(%broadcast_in_dim3A_422 : vector<16xi1>) value(%get3A_420 : vector<16xi32>) : vector<16xi1>, vector<16xi32>
      %shift_right_logical3A_425 = arith.constant 4 : i32
      %shift_right_logical3A_426 = vector.broadcast %shift_right_logical3A_425 : i32 to vector<16xi32>
      %shift_right_logical3A_427 = arith.shrui %get3A_420, %shift_right_logical3A_426 : vector<16xi32>
      %and3A_428 = arith.constant 15 : i32
      %and3A_429 = vector.broadcast %and3A_428 : i32 to vector<16xi32>
      %and3A_430 = arith.andi %get3A_420, %and3A_429 : vector<16xi32>
      tpu.vector_store_idx %arg14[%shift_right_logical3A_427, %and3A_430], %unique3A_424 masked %unique3A_423 {add = true} : memref<640x16xi32, #tpu.memory_space<vmem>>[vector<16xi32>, vector<16xi32>], vector<16xi32>, vector<16xi1>
      %get3A_431 = arith.constant 1 : i32
      %get3A_432 = arith.index_cast %get3A_431 : i32 to index
      %get3A_433 = arith.constant 80 : index
      %get3A_434 = tpu.vector_load %arg8[%get3A_432, %get3A_433] {strides = array<i32>} : memref<6x128xi32, #tpu.memory_space<vmem>>, vector<16xi32>,
      %broadcast_in_dim3A_435 = arith.constant true
      %broadcast_in_dim3A_436 = vector.broadcast %broadcast_in_dim3A_435 : i1 to vector<16xi1>
      %unique3A_437, %unique3A_438 = tpu.scan_count mask(%broadcast_in_dim3A_436 : vector<16xi1>) value(%get3A_434 : vector<16xi32>) : vector<16xi1>, vector<16xi32>
      %shift_right_logical3A_439 = arith.constant 4 : i32
      %shift_right_logical3A_440 = vector.broadcast %shift_right_logical3A_439 : i32 to vector<16xi32>
      %shift_right_logical3A_441 = arith.shrui %get3A_434, %shift_right_logical3A_440 : vector<16xi32>
      %and3A_442 = arith.constant 15 : i32
      %and3A_443 = vector.broadcast %and3A_442 : i32 to vector<16xi32>
      %and3A_444 = arith.andi %get3A_434, %and3A_443 : vector<16xi32>
      tpu.vector_store_idx %arg14[%shift_right_logical3A_441, %and3A_444], %unique3A_438 masked %unique3A_437 {add = true} : memref<640x16xi32, #tpu.memory_space<vmem>>[vector<16xi32>, vector<16xi32>], vector<16xi32>, vector<16xi1>
      %get3A_445 = arith.constant 1 : i32
      %get3A_446 = arith.index_cast %get3A_445 : i32 to index
      %get3A_447 = arith.constant 96 : index
      %get3A_448 = tpu.vector_load %arg8[%get3A_446, %get3A_447] {strides = array<i32>} : memref<6x128xi32, #tpu.memory_space<vmem>>, vector<16xi32>,
      %broadcast_in_dim3A_449 = arith.constant true
      %broadcast_in_dim3A_450 = vector.broadcast %broadcast_in_dim3A_449 : i1 to vector<16xi1>
      %unique3A_451, %unique3A_452 = tpu.scan_count mask(%broadcast_in_dim3A_450 : vector<16xi1>) value(%get3A_448 : vector<16xi32>) : vector<16xi1>, vector<16xi32>
      %shift_right_logical3A_453 = arith.constant 4 : i32
      %shift_right_logical3A_454 = vector.broadcast %shift_right_logical3A_453 : i32 to vector<16xi32>
      %shift_right_logical3A_455 = arith.shrui %get3A_448, %shift_right_logical3A_454 : vector<16xi32>
      %and3A_456 = arith.constant 15 : i32
      %and3A_457 = vector.broadcast %and3A_456 : i32 to vector<16xi32>
      %and3A_458 = arith.andi %get3A_448, %and3A_457 : vector<16xi32>
      tpu.vector_store_idx %arg14[%shift_right_logical3A_455, %and3A_458], %unique3A_452 masked %unique3A_451 {add = true} : memref<640x16xi32, #tpu.memory_space<vmem>>[vector<16xi32>, vector<16xi32>], vector<16xi32>, vector<16xi1>
      %get3A_459 = arith.constant 1 : i32
      %get3A_460 = arith.index_cast %get3A_459 : i32 to index
      %get3A_461 = arith.constant 112 : index
      %get3A_462 = tpu.vector_load %arg8[%get3A_460, %get3A_461] {strides = array<i32>} : memref<6x128xi32, #tpu.memory_space<vmem>>, vector<16xi32>,
      %broadcast_in_dim3A_463 = arith.constant true
      %broadcast_in_dim3A_464 = vector.broadcast %broadcast_in_dim3A_463 : i1 to vector<16xi1>
      %unique3A_465, %unique3A_466 = tpu.scan_count mask(%broadcast_in_dim3A_464 : vector<16xi1>) value(%get3A_462 : vector<16xi32>) : vector<16xi1>, vector<16xi32>
      %shift_right_logical3A_467 = arith.constant 4 : i32
      %shift_right_logical3A_468 = vector.broadcast %shift_right_logical3A_467 : i32 to vector<16xi32>
      %shift_right_logical3A_469 = arith.shrui %get3A_462, %shift_right_logical3A_468 : vector<16xi32>
      %and3A_470 = arith.constant 15 : i32
      %and3A_471 = vector.broadcast %and3A_470 : i32 to vector<16xi32>
      %and3A_472 = arith.andi %get3A_462, %and3A_471 : vector<16xi32>
      tpu.vector_store_idx %arg14[%shift_right_logical3A_469, %and3A_472], %unique3A_466 masked %unique3A_465 {add = true} : memref<640x16xi32, #tpu.memory_space<vmem>>[vector<16xi32>, vector<16xi32>], vector<16xi32>, vector<16xi1>
      %dma_wait3A_473 = arith.constant 0 : i32
      %dma_wait3A_474 = arith.constant 0 : i32
      %dma_wait3A_475 = tpu.memref_slice %arg8[%dma_wait3A_473, %dma_wait3A_474] : memref<6x128xi32, #tpu.memory_space<vmem>> -> memref<1x128xi32, #tpu.memory_space<vmem>>
      %dma_wait3A_476 = tpu.memref_squeeze %dma_wait3A_475 : memref<1x128xi32, #tpu.memory_space<vmem>> -> memref<128xi32, #tpu.memory_space<vmem>>
      %dma_wait3A_477 = arith.constant 0 : i32
      %dma_wait3A_478 = arith.constant 0 : i32
      %dma_wait3A_479 = tpu.memref_slice %arg17[%dma_wait3A_477, %dma_wait3A_478] : memref<10000x128xbf16, #tpu.memory_space<vmem_shared>> -> memref<10000x128xbf16, #tpu.memory_space<vmem_shared>>
      tpu.wait_indirect_dma semaphore(%arg24 : memref<!tpu.dma_semaphore, #tpu.memory_space<semaphore_mem>>) src(%arg11 : memref<128x128xbf16, #tpu.memory_space<vmem>>) dst(%dma_wait3A_479 : memref<10000x128xbf16, #tpu.memory_space<vmem_shared>>)
      %dma_start3A_480 = arith.constant 5 : i32
      %dma_start3A_481 = arith.constant 0 : i32
      %dma_start3A_482 = tpu.memref_slice %arg6[%dma_start3A_480, %dma_start3A_481] : memref<6x128xi32, #tpu.memory_space<vmem>> -> memref<1x128xi32, #tpu.memory_space<vmem>>
      %dma_start3A_483 = tpu.memref_squeeze %dma_start3A_482 : memref<1x128xi32, #tpu.memory_space<vmem>> -> memref<128xi32, #tpu.memory_space<vmem>>
      %dma_start3A_484 = arith.constant 0 : i32
      %dma_start3A_485 = arith.constant 0 : i32
      %dma_start3A_486 = tpu.memref_slice %arg2[%arg0, %dma_start3A_484, %dma_start3A_485] : memref<2x10000x128xbf16, #tpu.memory_space<hbm>> -> memref<1x10000x128xbf16, #tpu.memory_space<hbm>>
      %dma_start3A_487 = tpu.memref_squeeze %dma_start3A_486 : memref<1x10000x128xbf16, #tpu.memory_space<hbm>> -> memref<10000x128xbf16, #tpu.memory_space<hbm>>
      %dma_start3A_488 = arith.constant 0 : i32
      %dma_start3A_489 = arith.constant 0 : i32
      %dma_start3A_490 = tpu.memref_slice %dma_start3A_487[%dma_start3A_488, %dma_start3A_489] : memref<10000x128xbf16, #tpu.memory_space<hbm>> -> memref<10000x128xbf16, #tpu.memory_space<hbm>>
      tpu.enqueue_indirect_dma source(%dma_start3A_490 : memref<10000x128xbf16, #tpu.memory_space<hbm>>) target(%arg11 : memref<128x128xbf16, #tpu.memory_space<vmem>>) offsets(%dma_start3A_483 : memref<128xi32, #tpu.memory_space<vmem>>) semaphore(%arg20 : memref<!tpu.dma_semaphore, #tpu.memory_space<semaphore_mem>>)
      %dma_wait3A_491 = arith.constant 0 : i32
      %dma_wait3A_492 = arith.constant 0 : i32
      %dma_wait3A_493 = tpu.memref_slice %arg6[%dma_wait3A_491, %dma_wait3A_492] : memref<6x128xi32, #tpu.memory_space<vmem>> -> memref<1x128xi32, #tpu.memory_space<vmem>>
      %dma_wait3A_494 = tpu.memref_squeeze %dma_wait3A_493 : memref<1x128xi32, #tpu.memory_space<vmem>> -> memref<128xi32, #tpu.memory_space<vmem>>
      %dma_wait3A_495 = arith.constant 0 : i32
      %dma_wait3A_496 = arith.constant 0 : i32
      %dma_wait3A_497 = tpu.memref_slice %arg2[%arg0, %dma_wait3A_495, %dma_wait3A_496] : memref<2x10000x128xbf16, #tpu.memory_space<hbm>> -> memref<1x10000x128xbf16, #tpu.memory_space<hbm>>
      %dma_wait3A_498 = tpu.memref_squeeze %dma_wait3A_497 : memref<1x10000x128xbf16, #tpu.memory_space<hbm>> -> memref<10000x128xbf16, #tpu.memory_space<hbm>>
      %dma_wait3A_499 = arith.constant 0 : i32
      %dma_wait3A_500 = arith.constant 0 : i32
      %dma_wait3A_501 = tpu.memref_slice %dma_wait3A_498[%dma_wait3A_499, %dma_wait3A_500] : memref<10000x128xbf16, #tpu.memory_space<hbm>> -> memref<10000x128xbf16, #tpu.memory_space<hbm>>
      tpu.wait_indirect_dma semaphore(%arg21 : memref<!tpu.dma_semaphore, #tpu.memory_space<semaphore_mem>>) src(%dma_wait3A_501 : memref<10000x128xbf16, #tpu.memory_space<hbm>>) dst(%arg12 : memref<128x128xbf16, #tpu.memory_space<vmem>>)
      %dma_start3A_502 = arith.constant 2 : i32
      %dma_start3A_503 = arith.constant 0 : i32
      %dma_start3A_504 = tpu.memref_slice %arg8[%dma_start3A_502, %dma_start3A_503] : memref<6x128xi32, #tpu.memory_space<vmem>> -> memref<1x128xi32, #tpu.memory_space<vmem>>
      %dma_start3A_505 = tpu.memref_squeeze %dma_start3A_504 : memref<1x128xi32, #tpu.memory_space<vmem>> -> memref<128xi32, #tpu.memory_space<vmem>>
      %dma_start3A_506 = arith.constant 0 : i32
      %dma_start3A_507 = arith.constant 0 : i32
      %dma_start3A_508 = tpu.memref_slice %arg17[%dma_start3A_506, %dma_start3A_507] : memref<10000x128xbf16, #tpu.memory_space<vmem_shared>> -> memref<10000x128xbf16, #tpu.memory_space<vmem_shared>>
      tpu.enqueue_indirect_dma source(%arg12 : memref<128x128xbf16, #tpu.memory_space<vmem>>) target(%dma_start3A_508 : memref<10000x128xbf16, #tpu.memory_space<vmem_shared>>) offsets(%dma_start3A_505 : memref<128xi32, #tpu.memory_space<vmem>>) semaphore(%arg25 : memref<!tpu.dma_semaphore, #tpu.memory_space<semaphore_mem>>) {add = true}
      %get3A_509 = arith.constant 2 : i32
      %get3A_510 = arith.index_cast %get3A_509 : i32 to index
      %get3A_511 = arith.constant 0 : index
      %get3A_512 = tpu.vector_load %arg8[%get3A_510, %get3A_511] {strides = array<i32>} : memref<6x128xi32, #tpu.memory_space<vmem>>, vector<16xi32>,
      %broadcast_in_dim3A_513 = arith.constant true
      %broadcast_in_dim3A_514 = vector.broadcast %broadcast_in_dim3A_513 : i1 to vector<16xi1>
      %unique3A_515, %unique3A_516 = tpu.scan_count mask(%broadcast_in_dim3A_514 : vector<16xi1>) value(%get3A_512 : vector<16xi32>) : vector<16xi1>, vector<16xi32>
      %shift_right_logical3A_517 = arith.constant 4 : i32
      %shift_right_logical3A_518 = vector.broadcast %shift_right_logical3A_517 : i32 to vector<16xi32>
      %shift_right_logical3A_519 = arith.shrui %get3A_512, %shift_right_logical3A_518 : vector<16xi32>
      %and3A_520 = arith.constant 15 : i32
      %and3A_521 = vector.broadcast %and3A_520 : i32 to vector<16xi32>
      %and3A_522 = arith.andi %get3A_512, %and3A_521 : vector<16xi32>
      tpu.vector_store_idx %arg14[%shift_right_logical3A_519, %and3A_522], %unique3A_516 masked %unique3A_515 {add = true} : memref<640x16xi32, #tpu.memory_space<vmem>>[vector<16xi32>, vector<16xi32>], vector<16xi32>, vector<16xi1>
      %get3A_523 = arith.constant 2 : i32
      %get3A_524 = arith.index_cast %get3A_523 : i32 to index
      %get3A_525 = arith.constant 16 : index
      %get3A_526 = tpu.vector_load %arg8[%get3A_524, %get3A_525] {strides = array<i32>} : memref<6x128xi32, #tpu.memory_space<vmem>>, vector<16xi32>,
      %broadcast_in_dim3A_527 = arith.constant true
      %broadcast_in_dim3A_528 = vector.broadcast %broadcast_in_dim3A_527 : i1 to vector<16xi1>
      %unique3A_529, %unique3A_530 = tpu.scan_count mask(%broadcast_in_dim3A_528 : vector<16xi1>) value(%get3A_526 : vector<16xi32>) : vector<16xi1>, vector<16xi32>
      %shift_right_logical3A_531 = arith.constant 4 : i32
      %shift_right_logical3A_532 = vector.broadcast %shift_right_logical3A_531 : i32 to vector<16xi32>
      %shift_right_logical3A_533 = arith.shrui %get3A_526, %shift_right_logical3A_532 : vector<16xi32>
      %and3A_534 = arith.constant 15 : i32
      %and3A_535 = vector.broadcast %and3A_534 : i32 to vector<16xi32>
      %and3A_536 = arith.andi %get3A_526, %and3A_535 : vector<16xi32>
      tpu.vector_store_idx %arg14[%shift_right_logical3A_533, %and3A_536], %unique3A_530 masked %unique3A_529 {add = true} : memref<640x16xi32, #tpu.memory_space<vmem>>[vector<16xi32>, vector<16xi32>], vector<16xi32>, vector<16xi1>
      %get3A_537 = arith.constant 2 : i32
      %get3A_538 = arith.index_cast %get3A_537 : i32 to index
      %get3A_539 = arith.constant 32 : index
      %get3A_540 = tpu.vector_load %arg8[%get3A_538, %get3A_539] {strides = array<i32>} : memref<6x128xi32, #tpu.memory_space<vmem>>, vector<16xi32>,
      %broadcast_in_dim3A_541 = arith.constant true
      %broadcast_in_dim3A_542 = vector.broadcast %broadcast_in_dim3A_541 : i1 to vector<16xi1>
      %unique3A_543, %unique3A_544 = tpu.scan_count mask(%broadcast_in_dim3A_542 : vector<16xi1>) value(%get3A_540 : vector<16xi32>) : vector<16xi1>, vector<16xi32>
      %shift_right_logical3A_545 = arith.constant 4 : i32
      %shift_right_logical3A_546 = vector.broadcast %shift_right_logical3A_545 : i32 to vector<16xi32>
      %shift_right_logical3A_547 = arith.shrui %get3A_540, %shift_right_logical3A_546 : vector<16xi32>
      %and3A_548 = arith.constant 15 : i32
      %and3A_549 = vector.broadcast %and3A_548 : i32 to vector<16xi32>
      %and3A_550 = arith.andi %get3A_540, %and3A_549 : vector<16xi32>
      tpu.vector_store_idx %arg14[%shift_right_logical3A_547, %and3A_550], %unique3A_544 masked %unique3A_543 {add = true} : memref<640x16xi32, #tpu.memory_space<vmem>>[vector<16xi32>, vector<16xi32>], vector<16xi32>, vector<16xi1>
      %get3A_551 = arith.constant 2 : i32
      %get3A_552 = arith.index_cast %get3A_551 : i32 to index
      %get3A_553 = arith.constant 48 : index
      %get3A_554 = tpu.vector_load %arg8[%get3A_552, %get3A_553] {strides = array<i32>} : memref<6x128xi32, #tpu.memory_space<vmem>>, vector<16xi32>,
      %broadcast_in_dim3A_555 = arith.constant true
      %broadcast_in_dim3A_556 = vector.broadcast %broadcast_in_dim3A_555 : i1 to vector<16xi1>
      %unique3A_557, %unique3A_558 = tpu.scan_count mask(%broadcast_in_dim3A_556 : vector<16xi1>) value(%get3A_554 : vector<16xi32>) : vector<16xi1>, vector<16xi32>
      %shift_right_logical3A_559 = arith.constant 4 : i32
      %shift_right_logical3A_560 = vector.broadcast %shift_right_logical3A_559 : i32 to vector<16xi32>
      %shift_right_logical3A_561 = arith.shrui %get3A_554, %shift_right_logical3A_560 : vector<16xi32>
      %and3A_562 = arith.constant 15 : i32
      %and3A_563 = vector.broadcast %and3A_562 : i32 to vector<16xi32>
      %and3A_564 = arith.andi %get3A_554, %and3A_563 : vector<16xi32>
      tpu.vector_store_idx %arg14[%shift_right_logical3A_561, %and3A_564], %unique3A_558 masked %unique3A_557 {add = true} : memref<640x16xi32, #tpu.memory_space<vmem>>[vector<16xi32>, vector<16xi32>], vector<16xi32>, vector<16xi1>
      %get3A_565 = arith.constant 2 : i32
      %get3A_566 = arith.index_cast %get3A_565 : i32 to index
      %get3A_567 = arith.constant 64 : index
      %get3A_568 = tpu.vector_load %arg8[%get3A_566, %get3A_567] {strides = array<i32>} : memref<6x128xi32, #tpu.memory_space<vmem>>, vector<16xi32>,
      %broadcast_in_dim3A_569 = arith.constant true
      %broadcast_in_dim3A_570 = vector.broadcast %broadcast_in_dim3A_569 : i1 to vector<16xi1>
      %unique3A_571, %unique3A_572 = tpu.scan_count mask(%broadcast_in_dim3A_570 : vector<16xi1>) value(%get3A_568 : vector<16xi32>) : vector<16xi1>, vector<16xi32>
      %shift_right_logical3A_573 = arith.constant 4 : i32
      %shift_right_logical3A_574 = vector.broadcast %shift_right_logical3A_573 : i32 to vector<16xi32>
      %shift_right_logical3A_575 = arith.shrui %get3A_568, %shift_right_logical3A_574 : vector<16xi32>
      %and3A_576 = arith.constant 15 : i32
      %and3A_577 = vector.broadcast %and3A_576 : i32 to vector<16xi32>
      %and3A_578 = arith.andi %get3A_568, %and3A_577 : vector<16xi32>
      tpu.vector_store_idx %arg14[%shift_right_logical3A_575, %and3A_578], %unique3A_572 masked %unique3A_571 {add = true} : memref<640x16xi32, #tpu.memory_space<vmem>>[vector<16xi32>, vector<16xi32>], vector<16xi32>, vector<16xi1>
      %get3A_579 = arith.constant 2 : i32
      %get3A_580 = arith.index_cast %get3A_579 : i32 to index
      %get3A_581 = arith.constant 80 : index
      %get3A_582 = tpu.vector_load %arg8[%get3A_580, %get3A_581] {strides = array<i32>} : memref<6x128xi32, #tpu.memory_space<vmem>>, vector<16xi32>,
      %broadcast_in_dim3A_583 = arith.constant true
      %broadcast_in_dim3A_584 = vector.broadcast %broadcast_in_dim3A_583 : i1 to vector<16xi1>
      %unique3A_585, %unique3A_586 = tpu.scan_count mask(%broadcast_in_dim3A_584 : vector<16xi1>) value(%get3A_582 : vector<16xi32>) : vector<16xi1>, vector<16xi32>
      %shift_right_logical3A_587 = arith.constant 4 : i32
      %shift_right_logical3A_588 = vector.broadcast %shift_right_logical3A_587 : i32 to vector<16xi32>
      %shift_right_logical3A_589 = arith.shrui %get3A_582, %shift_right_logical3A_588 : vector<16xi32>
      %and3A_590 = arith.constant 15 : i32
      %and3A_591 = vector.broadcast %and3A_590 : i32 to vector<16xi32>
      %and3A_592 = arith.andi %get3A_582, %and3A_591 : vector<16xi32>
      tpu.vector_store_idx %arg14[%shift_right_logical3A_589, %and3A_592], %unique3A_586 masked %unique3A_585 {add = true} : memref<640x16xi32, #tpu.memory_space<vmem>>[vector<16xi32>, vector<16xi32>], vector<16xi32>, vector<16xi1>
      %get3A_593 = arith.constant 2 : i32
      %get3A_594 = arith.index_cast %get3A_593 : i32 to index
      %get3A_595 = arith.constant 96 : index
      %get3A_596 = tpu.vector_load %arg8[%get3A_594, %get3A_595] {strides = array<i32>} : memref<6x128xi32, #tpu.memory_space<vmem>>, vector<16xi32>,
      %broadcast_in_dim3A_597 = arith.constant true
      %broadcast_in_dim3A_598 = vector.broadcast %broadcast_in_dim3A_597 : i1 to vector<16xi1>
      %unique3A_599, %unique3A_600 = tpu.scan_count mask(%broadcast_in_dim3A_598 : vector<16xi1>) value(%get3A_596 : vector<16xi32>) : vector<16xi1>, vector<16xi32>
      %shift_right_logical3A_601 = arith.constant 4 : i32
      %shift_right_logical3A_602 = vector.broadcast %shift_right_logical3A_601 : i32 to vector<16xi32>
      %shift_right_logical3A_603 = arith.shrui %get3A_596, %shift_right_logical3A_602 : vector<16xi32>
      %and3A_604 = arith.constant 15 : i32
      %and3A_605 = vector.broadcast %and3A_604 : i32 to vector<16xi32>
      %and3A_606 = arith.andi %get3A_596, %and3A_605 : vector<16xi32>
      tpu.vector_store_idx %arg14[%shift_right_logical3A_603, %and3A_606], %unique3A_600 masked %unique3A_599 {add = true} : memref<640x16xi32, #tpu.memory_space<vmem>>[vector<16xi32>, vector<16xi32>], vector<16xi32>, vector<16xi1>
      %get3A_607 = arith.constant 2 : i32
      %get3A_608 = arith.index_cast %get3A_607 : i32 to index
      %get3A_609 = arith.constant 112 : index
      %get3A_610 = tpu.vector_load %arg8[%get3A_608, %get3A_609] {strides = array<i32>} : memref<6x128xi32, #tpu.memory_space<vmem>>, vector<16xi32>,
      %broadcast_in_dim3A_611 = arith.constant true
      %broadcast_in_dim3A_612 = vector.broadcast %broadcast_in_dim3A_611 : i1 to vector<16xi1>
      %unique3A_613, %unique3A_614 = tpu.scan_count mask(%broadcast_in_dim3A_612 : vector<16xi1>) value(%get3A_610 : vector<16xi32>) : vector<16xi1>, vector<16xi32>
      %shift_right_logical3A_615 = arith.constant 4 : i32
      %shift_right_logical3A_616 = vector.broadcast %shift_right_logical3A_615 : i32 to vector<16xi32>
      %shift_right_logical3A_617 = arith.shrui %get3A_610, %shift_right_logical3A_616 : vector<16xi32>
      %and3A_618 = arith.constant 15 : i32
      %and3A_619 = vector.broadcast %and3A_618 : i32 to vector<16xi32>
      %and3A_620 = arith.andi %get3A_610, %and3A_619 : vector<16xi32>
      tpu.vector_store_idx %arg14[%shift_right_logical3A_617, %and3A_620], %unique3A_614 masked %unique3A_613 {add = true} : memref<640x16xi32, #tpu.memory_space<vmem>>[vector<16xi32>, vector<16xi32>], vector<16xi32>, vector<16xi1>
      %dma_wait3A_621 = arith.constant 0 : i32
      %dma_wait3A_622 = arith.constant 0 : i32
      %dma_wait3A_623 = tpu.memref_slice %arg8[%dma_wait3A_621, %dma_wait3A_622] : memref<6x128xi32, #tpu.memory_space<vmem>> -> memref<1x128xi32, #tpu.memory_space<vmem>>
      %dma_wait3A_624 = tpu.memref_squeeze %dma_wait3A_623 : memref<1x128xi32, #tpu.memory_space<vmem>> -> memref<128xi32, #tpu.memory_space<vmem>>
      %dma_wait3A_625 = arith.constant 0 : i32
      %dma_wait3A_626 = arith.constant 0 : i32
      %dma_wait3A_627 = tpu.memref_slice %arg17[%dma_wait3A_625, %dma_wait3A_626] : memref<10000x128xbf16, #tpu.memory_space<vmem_shared>> -> memref<10000x128xbf16, #tpu.memory_space<vmem_shared>>
      tpu.wait_indirect_dma semaphore(%arg25 : memref<!tpu.dma_semaphore, #tpu.memory_space<semaphore_mem>>) src(%arg12 : memref<128x128xbf16, #tpu.memory_space<vmem>>) dst(%dma_wait3A_627 : memref<10000x128xbf16, #tpu.memory_space<vmem_shared>>)
      %add3A_628 = arith.constant 1 : i32
      %add3A_629 = arith.addi %mul3A_191, %add3A_628 : i32
      %lt3A_630 = arith.constant 26 : i32
      %lt3A_631 = arith.cmpi slt, %add3A_629, %lt3A_630 : i32
      %convert_element_type3A_632 = arith.extui %lt3A_631 : i1 to i32
      %cond3A_633 = arith.constant 0 : i32
      %cond3A_634 = arith.cmpi ne, %convert_element_type3A_632, %cond3A_633 : i32
      scf.if %cond3A_634 {
        %dma_wait3A_1965 = arith.constant 0 : i32
        %dma_wait3A_1966 = arith.constant 0 : i32
        %dma_wait3A_1967 = arith.constant 0 : i32
        %dma_wait3A_1968 = arith.constant 0 : i32
        %dma_wait3A_1969 = tpu.memref_slice %arg3[%dma_wait3A_1965, %dma_wait3A_1966, %dma_wait3A_1967, %dma_wait3A_1968] : memref<2x2x2500x128xi32, #tpu.memory_space<hbm>> -> memref<1x1x6x128xi32, #tpu.memory_space<hbm>>
        %dma_wait3A_1970 = tpu.memref_squeeze %dma_wait3A_1969 : memref<1x1x6x128xi32, #tpu.memory_space<hbm>> -> memref<6x128xi32, #tpu.memory_space<hbm>>
        %dma_wait3A_1971 = arith.constant 0 : i32
        %dma_wait3A_1972 = arith.constant 0 : i32
        %dma_wait3A_1973 = tpu.memref_slice %arg3[%dma_wait3A_1965, %dma_wait3A_1966, %dma_wait3A_1971, %dma_wait3A_1972] : memref<2x2x2500x128xi32, #tpu.memory_space<hbm>> -> memref<1x1x6x128xi32, #tpu.memory_space<hbm>>
        %dma_wait3A_1974 = tpu.memref_squeeze %dma_wait3A_1973 : memref<1x1x6x128xi32, #tpu.memory_space<hbm>> -> memref<6x128xi32, #tpu.memory_space<hbm>>
        tpu.wait_dma2 semaphore(%arg27 : memref<!tpu.dma_semaphore, #tpu.memory_space<semaphore_mem>>) src(%dma_wait3A_1974 : memref<6x128xi32, #tpu.memory_space<hbm>>) dst(%arg7 : memref<6x128xi32, #tpu.memory_space<vmem>>)
        %dma_wait3A_1975 = arith.constant 0 : i32
        %dma_wait3A_1976 = arith.constant 1 : i32
        %dma_wait3A_1977 = arith.constant 0 : i32
        %dma_wait3A_1978 = arith.constant 0 : i32
        %dma_wait3A_1979 = tpu.memref_slice %arg3[%dma_wait3A_1975, %dma_wait3A_1976, %dma_wait3A_1977, %dma_wait3A_1978] : memref<2x2x2500x128xi32, #tpu.memory_space<hbm>> -> memref<1x1x6x128xi32, #tpu.memory_space<hbm>>
        %dma_wait3A_1980 = tpu.memref_squeeze %dma_wait3A_1979 : memref<1x1x6x128xi32, #tpu.memory_space<hbm>> -> memref<6x128xi32, #tpu.memory_space<hbm>>
        %dma_wait3A_1981 = arith.constant 0 : i32
        %dma_wait3A_1982 = arith.constant 0 : i32
        %dma_wait3A_1983 = tpu.memref_slice %arg3[%dma_wait3A_1975, %dma_wait3A_1976, %dma_wait3A_1981, %dma_wait3A_1982] : memref<2x2x2500x128xi32, #tpu.memory_space<hbm>> -> memref<1x1x6x128xi32, #tpu.memory_space<hbm>>
        %dma_wait3A_1984 = tpu.memref_squeeze %dma_wait3A_1983 : memref<1x1x6x128xi32, #tpu.memory_space<hbm>> -> memref<6x128xi32, #tpu.memory_space<hbm>>
        tpu.wait_dma2 semaphore(%arg27 : memref<!tpu.dma_semaphore, #tpu.memory_space<semaphore_mem>>) src(%dma_wait3A_1984 : memref<6x128xi32, #tpu.memory_space<hbm>>) dst(%arg9 : memref<6x128xi32, #tpu.memory_space<vmem>>)
      } else {
      }
      %add3A_635 = arith.constant 1 : i32
      %add3A_636 = arith.addi %mul3A_191, %add3A_635 : i32
      %lt3A_637 = arith.constant 26 : i32
      %lt3A_638 = arith.cmpi slt, %add3A_636, %lt3A_637 : i32
      %convert_element_type3A_639 = arith.extui %lt3A_638 : i1 to i32
      %cond3A_640 = arith.constant 0 : i32
      %cond3A_641 = arith.cmpi ne, %convert_element_type3A_639, %cond3A_640 : i32
      scf.if %cond3A_641 {
        %dma_start3A_1965 = arith.constant 0 : i32
        %dma_start3A_1966 = arith.constant 0 : i32
        %dma_start3A_1967 = tpu.memref_slice %arg7[%dma_start3A_1965, %dma_start3A_1966] : memref<6x128xi32, #tpu.memory_space<vmem>> -> memref<1x128xi32, #tpu.memory_space<vmem>>
        %dma_start3A_1968 = tpu.memref_squeeze %dma_start3A_1967 : memref<1x128xi32, #tpu.memory_space<vmem>> -> memref<128xi32, #tpu.memory_space<vmem>>
        %dma_start3A_1969 = arith.constant 0 : i32
        %dma_start3A_1970 = arith.constant 0 : i32
        %dma_start3A_1971 = tpu.memref_slice %arg2[%arg0, %dma_start3A_1969, %dma_start3A_1970] : memref<2x10000x128xbf16, #tpu.memory_space<hbm>> -> memref<1x10000x128xbf16, #tpu.memory_space<hbm>>
        %dma_start3A_1972 = tpu.memref_squeeze %dma_start3A_1971 : memref<1x10000x128xbf16, #tpu.memory_space<hbm>> -> memref<10000x128xbf16, #tpu.memory_space<hbm>>
        %dma_start3A_1973 = arith.constant 0 : i32
        %dma_start3A_1974 = arith.constant 0 : i32
        %dma_start3A_1975 = tpu.memref_slice %dma_start3A_1972[%dma_start3A_1973, %dma_start3A_1974] : memref<10000x128xbf16, #tpu.memory_space<hbm>> -> memref<10000x128xbf16, #tpu.memory_space<hbm>>
        tpu.enqueue_indirect_dma source(%dma_start3A_1975 : memref<10000x128xbf16, #tpu.memory_space<hbm>>) target(%arg12 : memref<128x128xbf16, #tpu.memory_space<vmem>>) offsets(%dma_start3A_1968 : memref<128xi32, #tpu.memory_space<vmem>>) semaphore(%arg21 : memref<!tpu.dma_semaphore, #tpu.memory_space<semaphore_mem>>)
      } else {
      }
      %dma_wait3A_642 = arith.constant 0 : i32
      %dma_wait3A_643 = arith.constant 0 : i32
      %dma_wait3A_644 = tpu.memref_slice %arg6[%dma_wait3A_642, %dma_wait3A_643] : memref<6x128xi32, #tpu.memory_space<vmem>> -> memref<1x128xi32, #tpu.memory_space<vmem>>
      %dma_wait3A_645 = tpu.memref_squeeze %dma_wait3A_644 : memref<1x128xi32, #tpu.memory_space<vmem>> -> memref<128xi32, #tpu.memory_space<vmem>>
      %dma_wait3A_646 = arith.constant 0 : i32
      %dma_wait3A_647 = arith.constant 0 : i32
      %dma_wait3A_648 = tpu.memref_slice %arg2[%arg0, %dma_wait3A_646, %dma_wait3A_647] : memref<2x10000x128xbf16, #tpu.memory_space<hbm>> -> memref<1x10000x128xbf16, #tpu.memory_space<hbm>>
      %dma_wait3A_649 = tpu.memref_squeeze %dma_wait3A_648 : memref<1x10000x128xbf16, #tpu.memory_space<hbm>> -> memref<10000x128xbf16, #tpu.memory_space<hbm>>
      %dma_wait3A_650 = arith.constant 0 : i32
      %dma_wait3A_651 = arith.constant 0 : i32
      %dma_wait3A_652 = tpu.memref_slice %dma_wait3A_649[%dma_wait3A_650, %dma_wait3A_651] : memref<10000x128xbf16, #tpu.memory_space<hbm>> -> memref<10000x128xbf16, #tpu.memory_space<hbm>>
      tpu.wait_indirect_dma semaphore(%arg22 : memref<!tpu.dma_semaphore, #tpu.memory_space<semaphore_mem>>) src(%dma_wait3A_652 : memref<10000x128xbf16, #tpu.memory_space<hbm>>) dst(%arg13 : memref<128x128xbf16, #tpu.memory_space<vmem>>)
      %dma_start3A_653 = arith.constant 3 : i32
      %dma_start3A_654 = arith.constant 0 : i32
      %dma_start3A_655 = tpu.memref_slice %arg8[%dma_start3A_653, %dma_start3A_654] : memref<6x128xi32, #tpu.memory_space<vmem>> -> memref<1x128xi32, #tpu.memory_space<vmem>>
      %dma_start3A_656 = tpu.memref_squeeze %dma_start3A_655 : memref<1x128xi32, #tpu.memory_space<vmem>> -> memref<128xi32, #tpu.memory_space<vmem>>
      %dma_start3A_657 = arith.constant 0 : i32
      %dma_start3A_658 = arith.constant 0 : i32
      %dma_start3A_659 = tpu.memref_slice %arg17[%dma_start3A_657, %dma_start3A_658] : memref<10000x128xbf16, #tpu.memory_space<vmem_shared>> -> memref<10000x128xbf16, #tpu.memory_space<vmem_shared>>
      tpu.enqueue_indirect_dma source(%arg13 : memref<128x128xbf16, #tpu.memory_space<vmem>>) target(%dma_start3A_659 : memref<10000x128xbf16, #tpu.memory_space<vmem_shared>>) offsets(%dma_start3A_656 : memref<128xi32, #tpu.memory_space<vmem>>) semaphore(%arg26 : memref<!tpu.dma_semaphore, #tpu.memory_space<semaphore_mem>>) {add = true}
      %get3A_660 = arith.constant 3 : i32
      %get3A_661 = arith.index_cast %get3A_660 : i32 to index
      %get3A_662 = arith.constant 0 : index
      %get3A_663 = tpu.vector_load %arg8[%get3A_661, %get3A_662] {strides = array<i32>} : memref<6x128xi32, #tpu.memory_space<vmem>>, vector<16xi32>,
      %broadcast_in_dim3A_664 = arith.constant true
      %broadcast_in_dim3A_665 = vector.broadcast %broadcast_in_dim3A_664 : i1 to vector<16xi1>
      %unique3A_666, %unique3A_667 = tpu.scan_count mask(%broadcast_in_dim3A_665 : vector<16xi1>) value(%get3A_663 : vector<16xi32>) : vector<16xi1>, vector<16xi32>
      %shift_right_logical3A_668 = arith.constant 4 : i32
      %shift_right_logical3A_669 = vector.broadcast %shift_right_logical3A_668 : i32 to vector<16xi32>
      %shift_right_logical3A_670 = arith.shrui %get3A_663, %shift_right_logical3A_669 : vector<16xi32>
      %and3A_671 = arith.constant 15 : i32
      %and3A_672 = vector.broadcast %and3A_671 : i32 to vector<16xi32>
      %and3A_673 = arith.andi %get3A_663, %and3A_672 : vector<16xi32>
      tpu.vector_store_idx %arg14[%shift_right_logical3A_670, %and3A_673], %unique3A_667 masked %unique3A_666 {add = true} : memref<640x16xi32, #tpu.memory_space<vmem>>[vector<16xi32>, vector<16xi32>], vector<16xi32>, vector<16xi1>
      %get3A_674 = arith.constant 3 : i32
      %get3A_675 = arith.index_cast %get3A_674 : i32 to index
      %get3A_676 = arith.constant 16 : index
      %get3A_677 = tpu.vector_load %arg8[%get3A_675, %get3A_676] {strides = array<i32>} : memref<6x128xi32, #tpu.memory_space<vmem>>, vector<16xi32>,
      %broadcast_in_dim3A_678 = arith.constant true
      %broadcast_in_dim3A_679 = vector.broadcast %broadcast_in_dim3A_678 : i1 to vector<16xi1>
      %unique3A_680, %unique3A_681 = tpu.scan_count mask(%broadcast_in_dim3A_679 : vector<16xi1>) value(%get3A_677 : vector<16xi32>) : vector<16xi1>, vector<16xi32>
      %shift_right_logical3A_682 = arith.constant 4 : i32
      %shift_right_logical3A_683 = vector.broadcast %shift_right_logical3A_682 : i32 to vector<16xi32>
      %shift_right_logical3A_684 = arith.shrui %get3A_677, %shift_right_logical3A_683 : vector<16xi32>
      %and3A_685 = arith.constant 15 : i32
      %and3A_686 = vector.broadcast %and3A_685 : i32 to vector<16xi32>
      %and3A_687 = arith.andi %get3A_677, %and3A_686 : vector<16xi32>
      tpu.vector_store_idx %arg14[%shift_right_logical3A_684, %and3A_687], %unique3A_681 masked %unique3A_680 {add = true} : memref<640x16xi32, #tpu.memory_space<vmem>>[vector<16xi32>, vector<16xi32>], vector<16xi32>, vector<16xi1>
      %get3A_688 = arith.constant 3 : i32
      %get3A_689 = arith.index_cast %get3A_688 : i32 to index
      %get3A_690 = arith.constant 32 : index
      %get3A_691 = tpu.vector_load %arg8[%get3A_689, %get3A_690] {strides = array<i32>} : memref<6x128xi32, #tpu.memory_space<vmem>>, vector<16xi32>,
      %broadcast_in_dim3A_692 = arith.constant true
      %broadcast_in_dim3A_693 = vector.broadcast %broadcast_in_dim3A_692 : i1 to vector<16xi1>
      %unique3A_694, %unique3A_695 = tpu.scan_count mask(%broadcast_in_dim3A_693 : vector<16xi1>) value(%get3A_691 : vector<16xi32>) : vector<16xi1>, vector<16xi32>
      %shift_right_logical3A_696 = arith.constant 4 : i32
      %shift_right_logical3A_697 = vector.broadcast %shift_right_logical3A_696 : i32 to vector<16xi32>
      %shift_right_logical3A_698 = arith.shrui %get3A_691, %shift_right_logical3A_697 : vector<16xi32>
      %and3A_699 = arith.constant 15 : i32
      %and3A_700 = vector.broadcast %and3A_699 : i32 to vector<16xi32>
      %and3A_701 = arith.andi %get3A_691, %and3A_700 : vector<16xi32>
      tpu.vector_store_idx %arg14[%shift_right_logical3A_698, %and3A_701], %unique3A_695 masked %unique3A_694 {add = true} : memref<640x16xi32, #tpu.memory_space<vmem>>[vector<16xi32>, vector<16xi32>], vector<16xi32>, vector<16xi1>
      %get3A_702 = arith.constant 3 : i32
      %get3A_703 = arith.index_cast %get3A_702 : i32 to index
      %get3A_704 = arith.constant 48 : index
      %get3A_705 = tpu.vector_load %arg8[%get3A_703, %get3A_704] {strides = array<i32>} : memref<6x128xi32, #tpu.memory_space<vmem>>, vector<16xi32>,
      %broadcast_in_dim3A_706 = arith.constant true
      %broadcast_in_dim3A_707 = vector.broadcast %broadcast_in_dim3A_706 : i1 to vector<16xi1>
      %unique3A_708, %unique3A_709 = tpu.scan_count mask(%broadcast_in_dim3A_707 : vector<16xi1>) value(%get3A_705 : vector<16xi32>) : vector<16xi1>, vector<16xi32>
      %shift_right_logical3A_710 = arith.constant 4 : i32
      %shift_right_logical3A_711 = vector.broadcast %shift_right_logical3A_710 : i32 to vector<16xi32>
      %shift_right_logical3A_712 = arith.shrui %get3A_705, %shift_right_logical3A_711 : vector<16xi32>
      %and3A_713 = arith.constant 15 : i32
      %and3A_714 = vector.broadcast %and3A_713 : i32 to vector<16xi32>
      %and3A_715 = arith.andi %get3A_705, %and3A_714 : vector<16xi32>
      tpu.vector_store_idx %arg14[%shift_right_logical3A_712, %and3A_715], %unique3A_709 masked %unique3A_708 {add = true} : memref<640x16xi32, #tpu.memory_space<vmem>>[vector<16xi32>, vector<16xi32>], vector<16xi32>, vector<16xi1>
      %get3A_716 = arith.constant 3 : i32
      %get3A_717 = arith.index_cast %get3A_716 : i32 to index
      %get3A_718 = arith.constant 64 : index
      %get3A_719 = tpu.vector_load %arg8[%get3A_717, %get3A_718] {strides = array<i32>} : memref<6x128xi32, #tpu.memory_space<vmem>>, vector<16xi32>,
      %broadcast_in_dim3A_720 = arith.constant true
      %broadcast_in_dim3A_721 = vector.broadcast %broadcast_in_dim3A_720 : i1 to vector<16xi1>
      %unique3A_722, %unique3A_723 = tpu.scan_count mask(%broadcast_in_dim3A_721 : vector<16xi1>) value(%get3A_719 : vector<16xi32>) : vector<16xi1>, vector<16xi32>
      %shift_right_logical3A_724 = arith.constant 4 : i32
      %shift_right_logical3A_725 = vector.broadcast %shift_right_logical3A_724 : i32 to vector<16xi32>
      %shift_right_logical3A_726 = arith.shrui %get3A_719, %shift_right_logical3A_725 : vector<16xi32>
      %and3A_727 = arith.constant 15 : i32
      %and3A_728 = vector.broadcast %and3A_727 : i32 to vector<16xi32>
      %and3A_729 = arith.andi %get3A_719, %and3A_728 : vector<16xi32>
      tpu.vector_store_idx %arg14[%shift_right_logical3A_726, %and3A_729], %unique3A_723 masked %unique3A_722 {add = true} : memref<640x16xi32, #tpu.memory_space<vmem>>[vector<16xi32>, vector<16xi32>], vector<16xi32>, vector<16xi1>
      %get3A_730 = arith.constant 3 : i32
      %get3A_731 = arith.index_cast %get3A_730 : i32 to index
      %get3A_732 = arith.constant 80 : index
      %get3A_733 = tpu.vector_load %arg8[%get3A_731, %get3A_732] {strides = array<i32>} : memref<6x128xi32, #tpu.memory_space<vmem>>, vector<16xi32>,
      %broadcast_in_dim3A_734 = arith.constant true
      %broadcast_in_dim3A_735 = vector.broadcast %broadcast_in_dim3A_734 : i1 to vector<16xi1>
      %unique3A_736, %unique3A_737 = tpu.scan_count mask(%broadcast_in_dim3A_735 : vector<16xi1>) value(%get3A_733 : vector<16xi32>) : vector<16xi1>, vector<16xi32>
      %shift_right_logical3A_738 = arith.constant 4 : i32
      %shift_right_logical3A_739 = vector.broadcast %shift_right_logical3A_738 : i32 to vector<16xi32>
      %shift_right_logical3A_740 = arith.shrui %get3A_733, %shift_right_logical3A_739 : vector<16xi32>
      %and3A_741 = arith.constant 15 : i32
      %and3A_742 = vector.broadcast %and3A_741 : i32 to vector<16xi32>
      %and3A_743 = arith.andi %get3A_733, %and3A_742 : vector<16xi32>
      tpu.vector_store_idx %arg14[%shift_right_logical3A_740, %and3A_743], %unique3A_737 masked %unique3A_736 {add = true} : memref<640x16xi32, #tpu.memory_space<vmem>>[vector<16xi32>, vector<16xi32>], vector<16xi32>, vector<16xi1>
      %get3A_744 = arith.constant 3 : i32
      %get3A_745 = arith.index_cast %get3A_744 : i32 to index
      %get3A_746 = arith.constant 96 : index
      %get3A_747 = tpu.vector_load %arg8[%get3A_745, %get3A_746] {strides = array<i32>} : memref<6x128xi32, #tpu.memory_space<vmem>>, vector<16xi32>,
      %broadcast_in_dim3A_748 = arith.constant true
      %broadcast_in_dim3A_749 = vector.broadcast %broadcast_in_dim3A_748 : i1 to vector<16xi1>
      %unique3A_750, %unique3A_751 = tpu.scan_count mask(%broadcast_in_dim3A_749 : vector<16xi1>) value(%get3A_747 : vector<16xi32>) : vector<16xi1>, vector<16xi32>
      %shift_right_logical3A_752 = arith.constant 4 : i32
      %shift_right_logical3A_753 = vector.broadcast %shift_right_logical3A_752 : i32 to vector<16xi32>
      %shift_right_logical3A_754 = arith.shrui %get3A_747, %shift_right_logical3A_753 : vector<16xi32>
      %and3A_755 = arith.constant 15 : i32
      %and3A_756 = vector.broadcast %and3A_755 : i32 to vector<16xi32>
      %and3A_757 = arith.andi %get3A_747, %and3A_756 : vector<16xi32>
      tpu.vector_store_idx %arg14[%shift_right_logical3A_754, %and3A_757], %unique3A_751 masked %unique3A_750 {add = true} : memref<640x16xi32, #tpu.memory_space<vmem>>[vector<16xi32>, vector<16xi32>], vector<16xi32>, vector<16xi1>
      %get3A_758 = arith.constant 3 : i32
      %get3A_759 = arith.index_cast %get3A_758 : i32 to index
      %get3A_760 = arith.constant 112 : index
      %get3A_761 = tpu.vector_load %arg8[%get3A_759, %get3A_760] {strides = array<i32>} : memref<6x128xi32, #tpu.memory_space<vmem>>, vector<16xi32>,
      %broadcast_in_dim3A_762 = arith.constant true
      %broadcast_in_dim3A_763 = vector.broadcast %broadcast_in_dim3A_762 : i1 to vector<16xi1>
      %unique3A_764, %unique3A_765 = tpu.scan_count mask(%broadcast_in_dim3A_763 : vector<16xi1>) value(%get3A_761 : vector<16xi32>) : vector<16xi1>, vector<16xi32>
      %shift_right_logical3A_766 = arith.constant 4 : i32
      %shift_right_logical3A_767 = vector.broadcast %shift_right_logical3A_766 : i32 to vector<16xi32>
      %shift_right_logical3A_768 = arith.shrui %get3A_761, %shift_right_logical3A_767 : vector<16xi32>
      %and3A_769 = arith.constant 15 : i32
      %and3A_770 = vector.broadcast %and3A_769 : i32 to vector<16xi32>
      %and3A_771 = arith.andi %get3A_761, %and3A_770 : vector<16xi32>
      tpu.vector_store_idx %arg14[%shift_right_logical3A_768, %and3A_771], %unique3A_765 masked %unique3A_764 {add = true} : memref<640x16xi32, #tpu.memory_space<vmem>>[vector<16xi32>, vector<16xi32>], vector<16xi32>, vector<16xi1>
      %dma_wait3A_772 = arith.constant 0 : i32
      %dma_wait3A_773 = arith.constant 0 : i32
      %dma_wait3A_774 = tpu.memref_slice %arg8[%dma_wait3A_772, %dma_wait3A_773] : memref<6x128xi32, #tpu.memory_space<vmem>> -> memref<1x128xi32, #tpu.memory_space<vmem>>
      %dma_wait3A_775 = tpu.memref_squeeze %dma_wait3A_774 : memref<1x128xi32, #tpu.memory_space<vmem>> -> memref<128xi32, #tpu.memory_space<vmem>>
      %dma_wait3A_776 = arith.constant 0 : i32
      %dma_wait3A_777 = arith.constant 0 : i32
      %dma_wait3A_778 = tpu.memref_slice %arg17[%dma_wait3A_776, %dma_wait3A_777] : memref<10000x128xbf16, #tpu.memory_space<vmem_shared>> -> memref<10000x128xbf16, #tpu.memory_space<vmem_shared>>
      tpu.wait_indirect_dma semaphore(%arg26 : memref<!tpu.dma_semaphore, #tpu.memory_space<semaphore_mem>>) src(%arg13 : memref<128x128xbf16, #tpu.memory_space<vmem>>) dst(%dma_wait3A_778 : memref<10000x128xbf16, #tpu.memory_space<vmem_shared>>)
      %add3A_779 = arith.constant 1 : i32
      %add3A_780 = arith.addi %mul3A_191, %add3A_779 : i32
      %lt3A_781 = arith.constant 26 : i32
      %lt3A_782 = arith.cmpi slt, %add3A_780, %lt3A_781 : i32
      %convert_element_type3A_783 = arith.extui %lt3A_782 : i1 to i32
      %cond3A_784 = arith.constant 0 : i32
      %cond3A_785 = arith.cmpi ne, %convert_element_type3A_783, %cond3A_784 : i32
      scf.if %cond3A_785 {
        %dma_start3A_1965 = arith.constant 1 : i32
        %dma_start3A_1966 = arith.constant 0 : i32
        %dma_start3A_1967 = tpu.memref_slice %arg7[%dma_start3A_1965, %dma_start3A_1966] : memref<6x128xi32, #tpu.memory_space<vmem>> -> memref<1x128xi32, #tpu.memory_space<vmem>>
        %dma_start3A_1968 = tpu.memref_squeeze %dma_start3A_1967 : memref<1x128xi32, #tpu.memory_space<vmem>> -> memref<128xi32, #tpu.memory_space<vmem>>
        %dma_start3A_1969 = arith.constant 0 : i32
        %dma_start3A_1970 = arith.constant 0 : i32
        %dma_start3A_1971 = tpu.memref_slice %arg2[%arg0, %dma_start3A_1969, %dma_start3A_1970] : memref<2x10000x128xbf16, #tpu.memory_space<hbm>> -> memref<1x10000x128xbf16, #tpu.memory_space<hbm>>
        %dma_start3A_1972 = tpu.memref_squeeze %dma_start3A_1971 : memref<1x10000x128xbf16, #tpu.memory_space<hbm>> -> memref<10000x128xbf16, #tpu.memory_space<hbm>>
        %dma_start3A_1973 = arith.constant 0 : i32
        %dma_start3A_1974 = arith.constant 0 : i32
        %dma_start3A_1975 = tpu.memref_slice %dma_start3A_1972[%dma_start3A_1973, %dma_start3A_1974] : memref<10000x128xbf16, #tpu.memory_space<hbm>> -> memref<10000x128xbf16, #tpu.memory_space<hbm>>
        tpu.enqueue_indirect_dma source(%dma_start3A_1975 : memref<10000x128xbf16, #tpu.memory_space<hbm>>) target(%arg13 : memref<128x128xbf16, #tpu.memory_space<vmem>>) offsets(%dma_start3A_1968 : memref<128xi32, #tpu.memory_space<vmem>>) semaphore(%arg22 : memref<!tpu.dma_semaphore, #tpu.memory_space<semaphore_mem>>)
      } else {
      }
      %dma_wait3A_786 = arith.constant 0 : i32
      %dma_wait3A_787 = arith.constant 0 : i32
      %dma_wait3A_788 = tpu.memref_slice %arg6[%dma_wait3A_786, %dma_wait3A_787] : memref<6x128xi32, #tpu.memory_space<vmem>> -> memref<1x128xi32, #tpu.memory_space<vmem>>
      %dma_wait3A_789 = tpu.memref_squeeze %dma_wait3A_788 : memref<1x128xi32, #tpu.memory_space<vmem>> -> memref<128xi32, #tpu.memory_space<vmem>>
      %dma_wait3A_790 = arith.constant 0 : i32
      %dma_wait3A_791 = arith.constant 0 : i32
      %dma_wait3A_792 = tpu.memref_slice %arg2[%arg0, %dma_wait3A_790, %dma_wait3A_791] : memref<2x10000x128xbf16, #tpu.memory_space<hbm>> -> memref<1x10000x128xbf16, #tpu.memory_space<hbm>>
      %dma_wait3A_793 = tpu.memref_squeeze %dma_wait3A_792 : memref<1x10000x128xbf16, #tpu.memory_space<hbm>> -> memref<10000x128xbf16, #tpu.memory_space<hbm>>
      %dma_wait3A_794 = arith.constant 0 : i32
      %dma_wait3A_795 = arith.constant 0 : i32
      %dma_wait3A_796 = tpu.memref_slice %dma_wait3A_793[%dma_wait3A_794, %dma_wait3A_795] : memref<10000x128xbf16, #tpu.memory_space<hbm>> -> memref<10000x128xbf16, #tpu.memory_space<hbm>>
      tpu.wait_indirect_dma semaphore(%arg19 : memref<!tpu.dma_semaphore, #tpu.memory_space<semaphore_mem>>) src(%dma_wait3A_796 : memref<10000x128xbf16, #tpu.memory_space<hbm>>) dst(%arg10 : memref<128x128xbf16, #tpu.memory_space<vmem>>)
      %dma_start3A_797 = arith.constant 4 : i32
      %dma_start3A_798 = arith.constant 0 : i32
      %dma_start3A_799 = tpu.memref_slice %arg8[%dma_start3A_797, %dma_start3A_798] : memref<6x128xi32, #tpu.memory_space<vmem>> -> memref<1x128xi32, #tpu.memory_space<vmem>>
      %dma_start3A_800 = tpu.memref_squeeze %dma_start3A_799 : memref<1x128xi32, #tpu.memory_space<vmem>> -> memref<128xi32, #tpu.memory_space<vmem>>
      %dma_start3A_801 = arith.constant 0 : i32
      %dma_start3A_802 = arith.constant 0 : i32
      %dma_start3A_803 = tpu.memref_slice %arg17[%dma_start3A_801, %dma_start3A_802] : memref<10000x128xbf16, #tpu.memory_space<vmem_shared>> -> memref<10000x128xbf16, #tpu.memory_space<vmem_shared>>
      tpu.enqueue_indirect_dma source(%arg10 : memref<128x128xbf16, #tpu.memory_space<vmem>>) target(%dma_start3A_803 : memref<10000x128xbf16, #tpu.memory_space<vmem_shared>>) offsets(%dma_start3A_800 : memref<128xi32, #tpu.memory_space<vmem>>) semaphore(%arg23 : memref<!tpu.dma_semaphore, #tpu.memory_space<semaphore_mem>>) {add = true}
      %get3A_804 = arith.constant 4 : i32
      %get3A_805 = arith.index_cast %get3A_804 : i32 to index
      %get3A_806 = arith.constant 0 : index
      %get3A_807 = tpu.vector_load %arg8[%get3A_805, %get3A_806] {strides = array<i32>} : memref<6x128xi32, #tpu.memory_space<vmem>>, vector<16xi32>,
      %broadcast_in_dim3A_808 = arith.constant true
      %broadcast_in_dim3A_809 = vector.broadcast %broadcast_in_dim3A_808 : i1 to vector<16xi1>
      %unique3A_810, %unique3A_811 = tpu.scan_count mask(%broadcast_in_dim3A_809 : vector<16xi1>) value(%get3A_807 : vector<16xi32>) : vector<16xi1>, vector<16xi32>
      %shift_right_logical3A_812 = arith.constant 4 : i32
      %shift_right_logical3A_813 = vector.broadcast %shift_right_logical3A_812 : i32 to vector<16xi32>
      %shift_right_logical3A_814 = arith.shrui %get3A_807, %shift_right_logical3A_813 : vector<16xi32>
      %and3A_815 = arith.constant 15 : i32
      %and3A_816 = vector.broadcast %and3A_815 : i32 to vector<16xi32>
      %and3A_817 = arith.andi %get3A_807, %and3A_816 : vector<16xi32>
      tpu.vector_store_idx %arg14[%shift_right_logical3A_814, %and3A_817], %unique3A_811 masked %unique3A_810 {add = true} : memref<640x16xi32, #tpu.memory_space<vmem>>[vector<16xi32>, vector<16xi32>], vector<16xi32>, vector<16xi1>
      %get3A_818 = arith.constant 4 : i32
      %get3A_819 = arith.index_cast %get3A_818 : i32 to index
      %get3A_820 = arith.constant 16 : index
      %get3A_821 = tpu.vector_load %arg8[%get3A_819, %get3A_820] {strides = array<i32>} : memref<6x128xi32, #tpu.memory_space<vmem>>, vector<16xi32>,
      %broadcast_in_dim3A_822 = arith.constant true
      %broadcast_in_dim3A_823 = vector.broadcast %broadcast_in_dim3A_822 : i1 to vector<16xi1>
      %unique3A_824, %unique3A_825 = tpu.scan_count mask(%broadcast_in_dim3A_823 : vector<16xi1>) value(%get3A_821 : vector<16xi32>) : vector<16xi1>, vector<16xi32>
      %shift_right_logical3A_826 = arith.constant 4 : i32
      %shift_right_logical3A_827 = vector.broadcast %shift_right_logical3A_826 : i32 to vector<16xi32>
      %shift_right_logical3A_828 = arith.shrui %get3A_821, %shift_right_logical3A_827 : vector<16xi32>
      %and3A_829 = arith.constant 15 : i32
      %and3A_830 = vector.broadcast %and3A_829 : i32 to vector<16xi32>
      %and3A_831 = arith.andi %get3A_821, %and3A_830 : vector<16xi32>
      tpu.vector_store_idx %arg14[%shift_right_logical3A_828, %and3A_831], %unique3A_825 masked %unique3A_824 {add = true} : memref<640x16xi32, #tpu.memory_space<vmem>>[vector<16xi32>, vector<16xi32>], vector<16xi32>, vector<16xi1>
      %get3A_832 = arith.constant 4 : i32
      %get3A_833 = arith.index_cast %get3A_832 : i32 to index
      %get3A_834 = arith.constant 32 : index
      %get3A_835 = tpu.vector_load %arg8[%get3A_833, %get3A_834] {strides = array<i32>} : memref<6x128xi32, #tpu.memory_space<vmem>>, vector<16xi32>,
      %broadcast_in_dim3A_836 = arith.constant true
      %broadcast_in_dim3A_837 = vector.broadcast %broadcast_in_dim3A_836 : i1 to vector<16xi1>
      %unique3A_838, %unique3A_839 = tpu.scan_count mask(%broadcast_in_dim3A_837 : vector<16xi1>) value(%get3A_835 : vector<16xi32>) : vector<16xi1>, vector<16xi32>
      %shift_right_logical3A_840 = arith.constant 4 : i32
      %shift_right_logical3A_841 = vector.broadcast %shift_right_logical3A_840 : i32 to vector<16xi32>
      %shift_right_logical3A_842 = arith.shrui %get3A_835, %shift_right_logical3A_841 : vector<16xi32>
      %and3A_843 = arith.constant 15 : i32
      %and3A_844 = vector.broadcast %and3A_843 : i32 to vector<16xi32>
      %and3A_845 = arith.andi %get3A_835, %and3A_844 : vector<16xi32>
      tpu.vector_store_idx %arg14[%shift_right_logical3A_842, %and3A_845], %unique3A_839 masked %unique3A_838 {add = true} : memref<640x16xi32, #tpu.memory_space<vmem>>[vector<16xi32>, vector<16xi32>], vector<16xi32>, vector<16xi1>
      %get3A_846 = arith.constant 4 : i32
      %get3A_847 = arith.index_cast %get3A_846 : i32 to index
      %get3A_848 = arith.constant 48 : index
      %get3A_849 = tpu.vector_load %arg8[%get3A_847, %get3A_848] {strides = array<i32>} : memref<6x128xi32, #tpu.memory_space<vmem>>, vector<16xi32>,
      %broadcast_in_dim3A_850 = arith.constant true
      %broadcast_in_dim3A_851 = vector.broadcast %broadcast_in_dim3A_850 : i1 to vector<16xi1>
      %unique3A_852, %unique3A_853 = tpu.scan_count mask(%broadcast_in_dim3A_851 : vector<16xi1>) value(%get3A_849 : vector<16xi32>) : vector<16xi1>, vector<16xi32>
      %shift_right_logical3A_854 = arith.constant 4 : i32
      %shift_right_logical3A_855 = vector.broadcast %shift_right_logical3A_854 : i32 to vector<16xi32>
      %shift_right_logical3A_856 = arith.shrui %get3A_849, %shift_right_logical3A_855 : vector<16xi32>
      %and3A_857 = arith.constant 15 : i32
      %and3A_858 = vector.broadcast %and3A_857 : i32 to vector<16xi32>
      %and3A_859 = arith.andi %get3A_849, %and3A_858 : vector<16xi32>
      tpu.vector_store_idx %arg14[%shift_right_logical3A_856, %and3A_859], %unique3A_853 masked %unique3A_852 {add = true} : memref<640x16xi32, #tpu.memory_space<vmem>>[vector<16xi32>, vector<16xi32>], vector<16xi32>, vector<16xi1>
      %get3A_860 = arith.constant 4 : i32
      %get3A_861 = arith.index_cast %get3A_860 : i32 to index
      %get3A_862 = arith.constant 64 : index
      %get3A_863 = tpu.vector_load %arg8[%get3A_861, %get3A_862] {strides = array<i32>} : memref<6x128xi32, #tpu.memory_space<vmem>>, vector<16xi32>,
      %broadcast_in_dim3A_864 = arith.constant true
      %broadcast_in_dim3A_865 = vector.broadcast %broadcast_in_dim3A_864 : i1 to vector<16xi1>
      %unique3A_866, %unique3A_867 = tpu.scan_count mask(%broadcast_in_dim3A_865 : vector<16xi1>) value(%get3A_863 : vector<16xi32>) : vector<16xi1>, vector<16xi32>
      %shift_right_logical3A_868 = arith.constant 4 : i32
      %shift_right_logical3A_869 = vector.broadcast %shift_right_logical3A_868 : i32 to vector<16xi32>
      %shift_right_logical3A_870 = arith.shrui %get3A_863, %shift_right_logical3A_869 : vector<16xi32>
      %and3A_871 = arith.constant 15 : i32
      %and3A_872 = vector.broadcast %and3A_871 : i32 to vector<16xi32>
      %and3A_873 = arith.andi %get3A_863, %and3A_872 : vector<16xi32>
      tpu.vector_store_idx %arg14[%shift_right_logical3A_870, %and3A_873], %unique3A_867 masked %unique3A_866 {add = true} : memref<640x16xi32, #tpu.memory_space<vmem>>[vector<16xi32>, vector<16xi32>], vector<16xi32>, vector<16xi1>
      %get3A_874 = arith.constant 4 : i32
      %get3A_875 = arith.index_cast %get3A_874 : i32 to index
      %get3A_876 = arith.constant 80 : index
      %get3A_877 = tpu.vector_load %arg8[%get3A_875, %get3A_876] {strides = array<i32>} : memref<6x128xi32, #tpu.memory_space<vmem>>, vector<16xi32>,
      %broadcast_in_dim3A_878 = arith.constant true
      %broadcast_in_dim3A_879 = vector.broadcast %broadcast_in_dim3A_878 : i1 to vector<16xi1>
      %unique3A_880, %unique3A_881 = tpu.scan_count mask(%broadcast_in_dim3A_879 : vector<16xi1>) value(%get3A_877 : vector<16xi32>) : vector<16xi1>, vector<16xi32>
      %shift_right_logical3A_882 = arith.constant 4 : i32
      %shift_right_logical3A_883 = vector.broadcast %shift_right_logical3A_882 : i32 to vector<16xi32>
      %shift_right_logical3A_884 = arith.shrui %get3A_877, %shift_right_logical3A_883 : vector<16xi32>
      %and3A_885 = arith.constant 15 : i32
      %and3A_886 = vector.broadcast %and3A_885 : i32 to vector<16xi32>
      %and3A_887 = arith.andi %get3A_877, %and3A_886 : vector<16xi32>
      tpu.vector_store_idx %arg14[%shift_right_logical3A_884, %and3A_887], %unique3A_881 masked %unique3A_880 {add = true} : memref<640x16xi32, #tpu.memory_space<vmem>>[vector<16xi32>, vector<16xi32>], vector<16xi32>, vector<16xi1>
      %get3A_888 = arith.constant 4 : i32
      %get3A_889 = arith.index_cast %get3A_888 : i32 to index
      %get3A_890 = arith.constant 96 : index
      %get3A_891 = tpu.vector_load %arg8[%get3A_889, %get3A_890] {strides = array<i32>} : memref<6x128xi32, #tpu.memory_space<vmem>>, vector<16xi32>,
      %broadcast_in_dim3A_892 = arith.constant true
      %broadcast_in_dim3A_893 = vector.broadcast %broadcast_in_dim3A_892 : i1 to vector<16xi1>
      %unique3A_894, %unique3A_895 = tpu.scan_count mask(%broadcast_in_dim3A_893 : vector<16xi1>) value(%get3A_891 : vector<16xi32>) : vector<16xi1>, vector<16xi32>
      %shift_right_logical3A_896 = arith.constant 4 : i32
      %shift_right_logical3A_897 = vector.broadcast %shift_right_logical3A_896 : i32 to vector<16xi32>
      %shift_right_logical3A_898 = arith.shrui %get3A_891, %shift_right_logical3A_897 : vector<16xi32>
      %and3A_899 = arith.constant 15 : i32
      %and3A_900 = vector.broadcast %and3A_899 : i32 to vector<16xi32>
      %and3A_901 = arith.andi %get3A_891, %and3A_900 : vector<16xi32>
      tpu.vector_store_idx %arg14[%shift_right_logical3A_898, %and3A_901], %unique3A_895 masked %unique3A_894 {add = true} : memref<640x16xi32, #tpu.memory_space<vmem>>[vector<16xi32>, vector<16xi32>], vector<16xi32>, vector<16xi1>
      %get3A_902 = arith.constant 4 : i32
      %get3A_903 = arith.index_cast %get3A_902 : i32 to index
      %get3A_904 = arith.constant 112 : index
      %get3A_905 = tpu.vector_load %arg8[%get3A_903, %get3A_904] {strides = array<i32>} : memref<6x128xi32, #tpu.memory_space<vmem>>, vector<16xi32>,
      %broadcast_in_dim3A_906 = arith.constant true
      %broadcast_in_dim3A_907 = vector.broadcast %broadcast_in_dim3A_906 : i1 to vector<16xi1>
      %unique3A_908, %unique3A_909 = tpu.scan_count mask(%broadcast_in_dim3A_907 : vector<16xi1>) value(%get3A_905 : vector<16xi32>) : vector<16xi1>, vector<16xi32>
      %shift_right_logical3A_910 = arith.constant 4 : i32
      %shift_right_logical3A_911 = vector.broadcast %shift_right_logical3A_910 : i32 to vector<16xi32>
      %shift_right_logical3A_912 = arith.shrui %get3A_905, %shift_right_logical3A_911 : vector<16xi32>
      %and3A_913 = arith.constant 15 : i32
      %and3A_914 = vector.broadcast %and3A_913 : i32 to vector<16xi32>
      %and3A_915 = arith.andi %get3A_905, %and3A_914 : vector<16xi32>
      tpu.vector_store_idx %arg14[%shift_right_logical3A_912, %and3A_915], %unique3A_909 masked %unique3A_908 {add = true} : memref<640x16xi32, #tpu.memory_space<vmem>>[vector<16xi32>, vector<16xi32>], vector<16xi32>, vector<16xi1>
      %dma_wait3A_916 = arith.constant 0 : i32
      %dma_wait3A_917 = arith.constant 0 : i32
      %dma_wait3A_918 = tpu.memref_slice %arg8[%dma_wait3A_916, %dma_wait3A_917] : memref<6x128xi32, #tpu.memory_space<vmem>> -> memref<1x128xi32, #tpu.memory_space<vmem>>
      %dma_wait3A_919 = tpu.memref_squeeze %dma_wait3A_918 : memref<1x128xi32, #tpu.memory_space<vmem>> -> memref<128xi32, #tpu.memory_space<vmem>>
      %dma_wait3A_920 = arith.constant 0 : i32
      %dma_wait3A_921 = arith.constant 0 : i32
      %dma_wait3A_922 = tpu.memref_slice %arg17[%dma_wait3A_920, %dma_wait3A_921] : memref<10000x128xbf16, #tpu.memory_space<vmem_shared>> -> memref<10000x128xbf16, #tpu.memory_space<vmem_shared>>
      tpu.wait_indirect_dma semaphore(%arg23 : memref<!tpu.dma_semaphore, #tpu.memory_space<semaphore_mem>>) src(%arg10 : memref<128x128xbf16, #tpu.memory_space<vmem>>) dst(%dma_wait3A_922 : memref<10000x128xbf16, #tpu.memory_space<vmem_shared>>)
      %add3A_923 = arith.constant 1 : i32
      %add3A_924 = arith.addi %mul3A_191, %add3A_923 : i32
      %lt3A_925 = arith.constant 26 : i32
      %lt3A_926 = arith.cmpi slt, %add3A_924, %lt3A_925 : i32
      %convert_element_type3A_927 = arith.extui %lt3A_926 : i1 to i32
      %cond3A_928 = arith.constant 0 : i32
      %cond3A_929 = arith.cmpi ne, %convert_element_type3A_927, %cond3A_928 : i32
      scf.if %cond3A_929 {
        %dma_start3A_1965 = arith.constant 2 : i32
        %dma_start3A_1966 = arith.constant 0 : i32
        %dma_start3A_1967 = tpu.memref_slice %arg7[%dma_start3A_1965, %dma_start3A_1966] : memref<6x128xi32, #tpu.memory_space<vmem>> -> memref<1x128xi32, #tpu.memory_space<vmem>>
        %dma_start3A_1968 = tpu.memref_squeeze %dma_start3A_1967 : memref<1x128xi32, #tpu.memory_space<vmem>> -> memref<128xi32, #tpu.memory_space<vmem>>
        %dma_start3A_1969 = arith.constant 0 : i32
        %dma_start3A_1970 = arith.constant 0 : i32
        %dma_start3A_1971 = tpu.memref_slice %arg2[%arg0, %dma_start3A_1969, %dma_start3A_1970] : memref<2x10000x128xbf16, #tpu.memory_space<hbm>> -> memref<1x10000x128xbf16, #tpu.memory_space<hbm>>
        %dma_start3A_1972 = tpu.memref_squeeze %dma_start3A_1971 : memref<1x10000x128xbf16, #tpu.memory_space<hbm>> -> memref<10000x128xbf16, #tpu.memory_space<hbm>>
        %dma_start3A_1973 = arith.constant 0 : i32
        %dma_start3A_1974 = arith.constant 0 : i32
        %dma_start3A_1975 = tpu.memref_slice %dma_start3A_1972[%dma_start3A_1973, %dma_start3A_1974] : memref<10000x128xbf16, #tpu.memory_space<hbm>> -> memref<10000x128xbf16, #tpu.memory_space<hbm>>
        tpu.enqueue_indirect_dma source(%dma_start3A_1975 : memref<10000x128xbf16, #tpu.memory_space<hbm>>) target(%arg10 : memref<128x128xbf16, #tpu.memory_space<vmem>>) offsets(%dma_start3A_1968 : memref<128xi32, #tpu.memory_space<vmem>>) semaphore(%arg19 : memref<!tpu.dma_semaphore, #tpu.memory_space<semaphore_mem>>)
      } else {
      }
      %dma_wait3A_930 = arith.constant 0 : i32
      %dma_wait3A_931 = arith.constant 0 : i32
      %dma_wait3A_932 = tpu.memref_slice %arg6[%dma_wait3A_930, %dma_wait3A_931] : memref<6x128xi32, #tpu.memory_space<vmem>> -> memref<1x128xi32, #tpu.memory_space<vmem>>
      %dma_wait3A_933 = tpu.memref_squeeze %dma_wait3A_932 : memref<1x128xi32, #tpu.memory_space<vmem>> -> memref<128xi32, #tpu.memory_space<vmem>>
      %dma_wait3A_934 = arith.constant 0 : i32
      %dma_wait3A_935 = arith.constant 0 : i32
      %dma_wait3A_936 = tpu.memref_slice %arg2[%arg0, %dma_wait3A_934, %dma_wait3A_935] : memref<2x10000x128xbf16, #tpu.memory_space<hbm>> -> memref<1x10000x128xbf16, #tpu.memory_space<hbm>>
      %dma_wait3A_937 = tpu.memref_squeeze %dma_wait3A_936 : memref<1x10000x128xbf16, #tpu.memory_space<hbm>> -> memref<10000x128xbf16, #tpu.memory_space<hbm>>
      %dma_wait3A_938 = arith.constant 0 : i32
      %dma_wait3A_939 = arith.constant 0 : i32
      %dma_wait3A_940 = tpu.memref_slice %dma_wait3A_937[%dma_wait3A_938, %dma_wait3A_939] : memref<10000x128xbf16, #tpu.memory_space<hbm>> -> memref<10000x128xbf16, #tpu.memory_space<hbm>>
      tpu.wait_indirect_dma semaphore(%arg20 : memref<!tpu.dma_semaphore, #tpu.memory_space<semaphore_mem>>) src(%dma_wait3A_940 : memref<10000x128xbf16, #tpu.memory_space<hbm>>) dst(%arg11 : memref<128x128xbf16, #tpu.memory_space<vmem>>)
      %dma_start3A_941 = arith.constant 5 : i32
      %dma_start3A_942 = arith.constant 0 : i32
      %dma_start3A_943 = tpu.memref_slice %arg8[%dma_start3A_941, %dma_start3A_942] : memref<6x128xi32, #tpu.memory_space<vmem>> -> memref<1x128xi32, #tpu.memory_space<vmem>>
      %dma_start3A_944 = tpu.memref_squeeze %dma_start3A_943 : memref<1x128xi32, #tpu.memory_space<vmem>> -> memref<128xi32, #tpu.memory_space<vmem>>
      %dma_start3A_945 = arith.constant 0 : i32
      %dma_start3A_946 = arith.constant 0 : i32
      %dma_start3A_947 = tpu.memref_slice %arg17[%dma_start3A_945, %dma_start3A_946] : memref<10000x128xbf16, #tpu.memory_space<vmem_shared>> -> memref<10000x128xbf16, #tpu.memory_space<vmem_shared>>
      tpu.enqueue_indirect_dma source(%arg11 : memref<128x128xbf16, #tpu.memory_space<vmem>>) target(%dma_start3A_947 : memref<10000x128xbf16, #tpu.memory_space<vmem_shared>>) offsets(%dma_start3A_944 : memref<128xi32, #tpu.memory_space<vmem>>) semaphore(%arg24 : memref<!tpu.dma_semaphore, #tpu.memory_space<semaphore_mem>>) {add = true}
      %get3A_948 = arith.constant 5 : i32
      %get3A_949 = arith.index_cast %get3A_948 : i32 to index
      %get3A_950 = arith.constant 0 : index
      %get3A_951 = tpu.vector_load %arg8[%get3A_949, %get3A_950] {strides = array<i32>} : memref<6x128xi32, #tpu.memory_space<vmem>>, vector<16xi32>,
      %broadcast_in_dim3A_952 = arith.constant true
      %broadcast_in_dim3A_953 = vector.broadcast %broadcast_in_dim3A_952 : i1 to vector<16xi1>
      %unique3A_954, %unique3A_955 = tpu.scan_count mask(%broadcast_in_dim3A_953 : vector<16xi1>) value(%get3A_951 : vector<16xi32>) : vector<16xi1>, vector<16xi32>
      %shift_right_logical3A_956 = arith.constant 4 : i32
      %shift_right_logical3A_957 = vector.broadcast %shift_right_logical3A_956 : i32 to vector<16xi32>
      %shift_right_logical3A_958 = arith.shrui %get3A_951, %shift_right_logical3A_957 : vector<16xi32>
      %and3A_959 = arith.constant 15 : i32
      %and3A_960 = vector.broadcast %and3A_959 : i32 to vector<16xi32>
      %and3A_961 = arith.andi %get3A_951, %and3A_960 : vector<16xi32>
      tpu.vector_store_idx %arg14[%shift_right_logical3A_958, %and3A_961], %unique3A_955 masked %unique3A_954 {add = true} : memref<640x16xi32, #tpu.memory_space<vmem>>[vector<16xi32>, vector<16xi32>], vector<16xi32>, vector<16xi1>
      %get3A_962 = arith.constant 5 : i32
      %get3A_963 = arith.index_cast %get3A_962 : i32 to index
      %get3A_964 = arith.constant 16 : index
      %get3A_965 = tpu.vector_load %arg8[%get3A_963, %get3A_964] {strides = array<i32>} : memref<6x128xi32, #tpu.memory_space<vmem>>, vector<16xi32>,
      %broadcast_in_dim3A_966 = arith.constant true
      %broadcast_in_dim3A_967 = vector.broadcast %broadcast_in_dim3A_966 : i1 to vector<16xi1>
      %unique3A_968, %unique3A_969 = tpu.scan_count mask(%broadcast_in_dim3A_967 : vector<16xi1>) value(%get3A_965 : vector<16xi32>) : vector<16xi1>, vector<16xi32>
      %shift_right_logical3A_970 = arith.constant 4 : i32
      %shift_right_logical3A_971 = vector.broadcast %shift_right_logical3A_970 : i32 to vector<16xi32>
      %shift_right_logical3A_972 = arith.shrui %get3A_965, %shift_right_logical3A_971 : vector<16xi32>
      %and3A_973 = arith.constant 15 : i32
      %and3A_974 = vector.broadcast %and3A_973 : i32 to vector<16xi32>
      %and3A_975 = arith.andi %get3A_965, %and3A_974 : vector<16xi32>
      tpu.vector_store_idx %arg14[%shift_right_logical3A_972, %and3A_975], %unique3A_969 masked %unique3A_968 {add = true} : memref<640x16xi32, #tpu.memory_space<vmem>>[vector<16xi32>, vector<16xi32>], vector<16xi32>, vector<16xi1>
      %get3A_976 = arith.constant 5 : i32
      %get3A_977 = arith.index_cast %get3A_976 : i32 to index
      %get3A_978 = arith.constant 32 : index
      %get3A_979 = tpu.vector_load %arg8[%get3A_977, %get3A_978] {strides = array<i32>} : memref<6x128xi32, #tpu.memory_space<vmem>>, vector<16xi32>,
      %broadcast_in_dim3A_980 = arith.constant true
      %broadcast_in_dim3A_981 = vector.broadcast %broadcast_in_dim3A_980 : i1 to vector<16xi1>
      %unique3A_982, %unique3A_983 = tpu.scan_count mask(%broadcast_in_dim3A_981 : vector<16xi1>) value(%get3A_979 : vector<16xi32>) : vector<16xi1>, vector<16xi32>
      %shift_right_logical3A_984 = arith.constant 4 : i32
      %shift_right_logical3A_985 = vector.broadcast %shift_right_logical3A_984 : i32 to vector<16xi32>
      %shift_right_logical3A_986 = arith.shrui %get3A_979, %shift_right_logical3A_985 : vector<16xi32>
      %and3A_987 = arith.constant 15 : i32
      %and3A_988 = vector.broadcast %and3A_987 : i32 to vector<16xi32>
      %and3A_989 = arith.andi %get3A_979, %and3A_988 : vector<16xi32>
      tpu.vector_store_idx %arg14[%shift_right_logical3A_986, %and3A_989], %unique3A_983 masked %unique3A_982 {add = true} : memref<640x16xi32, #tpu.memory_space<vmem>>[vector<16xi32>, vector<16xi32>], vector<16xi32>, vector<16xi1>
      %get3A_990 = arith.constant 5 : i32
      %get3A_991 = arith.index_cast %get3A_990 : i32 to index
      %get3A_992 = arith.constant 48 : index
      %get3A_993 = tpu.vector_load %arg8[%get3A_991, %get3A_992] {strides = array<i32>} : memref<6x128xi32, #tpu.memory_space<vmem>>, vector<16xi32>,
      %broadcast_in_dim3A_994 = arith.constant true
      %broadcast_in_dim3A_995 = vector.broadcast %broadcast_in_dim3A_994 : i1 to vector<16xi1>
      %unique3A_996, %unique3A_997 = tpu.scan_count mask(%broadcast_in_dim3A_995 : vector<16xi1>) value(%get3A_993 : vector<16xi32>) : vector<16xi1>, vector<16xi32>
      %shift_right_logical3A_998 = arith.constant 4 : i32
      %shift_right_logical3A_999 = vector.broadcast %shift_right_logical3A_998 : i32 to vector<16xi32>
      %shift_right_logical3A_1000 = arith.shrui %get3A_993, %shift_right_logical3A_999 : vector<16xi32>
      %and3A_1001 = arith.constant 15 : i32
      %and3A_1002 = vector.broadcast %and3A_1001 : i32 to vector<16xi32>
      %and3A_1003 = arith.andi %get3A_993, %and3A_1002 : vector<16xi32>
      tpu.vector_store_idx %arg14[%shift_right_logical3A_1000, %and3A_1003], %unique3A_997 masked %unique3A_996 {add = true} : memref<640x16xi32, #tpu.memory_space<vmem>>[vector<16xi32>, vector<16xi32>], vector<16xi32>, vector<16xi1>
      %get3A_1004 = arith.constant 5 : i32
      %get3A_1005 = arith.index_cast %get3A_1004 : i32 to index
      %get3A_1006 = arith.constant 64 : index
      %get3A_1007 = tpu.vector_load %arg8[%get3A_1005, %get3A_1006] {strides = array<i32>} : memref<6x128xi32, #tpu.memory_space<vmem>>, vector<16xi32>,
      %broadcast_in_dim3A_1008 = arith.constant true
      %broadcast_in_dim3A_1009 = vector.broadcast %broadcast_in_dim3A_1008 : i1 to vector<16xi1>
      %unique3A_1010, %unique3A_1011 = tpu.scan_count mask(%broadcast_in_dim3A_1009 : vector<16xi1>) value(%get3A_1007 : vector<16xi32>) : vector<16xi1>, vector<16xi32>
      %shift_right_logical3A_1012 = arith.constant 4 : i32
      %shift_right_logical3A_1013 = vector.broadcast %shift_right_logical3A_1012 : i32 to vector<16xi32>
      %shift_right_logical3A_1014 = arith.shrui %get3A_1007, %shift_right_logical3A_1013 : vector<16xi32>
      %and3A_1015 = arith.constant 15 : i32
      %and3A_1016 = vector.broadcast %and3A_1015 : i32 to vector<16xi32>
      %and3A_1017 = arith.andi %get3A_1007, %and3A_1016 : vector<16xi32>
      tpu.vector_store_idx %arg14[%shift_right_logical3A_1014, %and3A_1017], %unique3A_1011 masked %unique3A_1010 {add = true} : memref<640x16xi32, #tpu.memory_space<vmem>>[vector<16xi32>, vector<16xi32>], vector<16xi32>, vector<16xi1>
      %get3A_1018 = arith.constant 5 : i32
      %get3A_1019 = arith.index_cast %get3A_1018 : i32 to index
      %get3A_1020 = arith.constant 80 : index
      %get3A_1021 = tpu.vector_load %arg8[%get3A_1019, %get3A_1020] {strides = array<i32>} : memref<6x128xi32, #tpu.memory_space<vmem>>, vector<16xi32>,
      %broadcast_in_dim3A_1022 = arith.constant true
      %broadcast_in_dim3A_1023 = vector.broadcast %broadcast_in_dim3A_1022 : i1 to vector<16xi1>
      %unique3A_1024, %unique3A_1025 = tpu.scan_count mask(%broadcast_in_dim3A_1023 : vector<16xi1>) value(%get3A_1021 : vector<16xi32>) : vector<16xi1>, vector<16xi32>
      %shift_right_logical3A_1026 = arith.constant 4 : i32
      %shift_right_logical3A_1027 = vector.broadcast %shift_right_logical3A_1026 : i32 to vector<16xi32>
      %shift_right_logical3A_1028 = arith.shrui %get3A_1021, %shift_right_logical3A_1027 : vector<16xi32>
      %and3A_1029 = arith.constant 15 : i32
      %and3A_1030 = vector.broadcast %and3A_1029 : i32 to vector<16xi32>
      %and3A_1031 = arith.andi %get3A_1021, %and3A_1030 : vector<16xi32>
      tpu.vector_store_idx %arg14[%shift_right_logical3A_1028, %and3A_1031], %unique3A_1025 masked %unique3A_1024 {add = true} : memref<640x16xi32, #tpu.memory_space<vmem>>[vector<16xi32>, vector<16xi32>], vector<16xi32>, vector<16xi1>
      %get3A_1032 = arith.constant 5 : i32
      %get3A_1033 = arith.index_cast %get3A_1032 : i32 to index
      %get3A_1034 = arith.constant 96 : index
      %get3A_1035 = tpu.vector_load %arg8[%get3A_1033, %get3A_1034] {strides = array<i32>} : memref<6x128xi32, #tpu.memory_space<vmem>>, vector<16xi32>,
      %broadcast_in_dim3A_1036 = arith.constant true
      %broadcast_in_dim3A_1037 = vector.broadcast %broadcast_in_dim3A_1036 : i1 to vector<16xi1>
      %unique3A_1038, %unique3A_1039 = tpu.scan_count mask(%broadcast_in_dim3A_1037 : vector<16xi1>) value(%get3A_1035 : vector<16xi32>) : vector<16xi1>, vector<16xi32>
      %shift_right_logical3A_1040 = arith.constant 4 : i32
      %shift_right_logical3A_1041 = vector.broadcast %shift_right_logical3A_1040 : i32 to vector<16xi32>
      %shift_right_logical3A_1042 = arith.shrui %get3A_1035, %shift_right_logical3A_1041 : vector<16xi32>
      %and3A_1043 = arith.constant 15 : i32
      %and3A_1044 = vector.broadcast %and3A_1043 : i32 to vector<16xi32>
      %and3A_1045 = arith.andi %get3A_1035, %and3A_1044 : vector<16xi32>
      tpu.vector_store_idx %arg14[%shift_right_logical3A_1042, %and3A_1045], %unique3A_1039 masked %unique3A_1038 {add = true} : memref<640x16xi32, #tpu.memory_space<vmem>>[vector<16xi32>, vector<16xi32>], vector<16xi32>, vector<16xi1>
      %get3A_1046 = arith.constant 5 : i32
      %get3A_1047 = arith.index_cast %get3A_1046 : i32 to index
      %get3A_1048 = arith.constant 112 : index
      %get3A_1049 = tpu.vector_load %arg8[%get3A_1047, %get3A_1048] {strides = array<i32>} : memref<6x128xi32, #tpu.memory_space<vmem>>, vector<16xi32>,
      %broadcast_in_dim3A_1050 = arith.constant true
      %broadcast_in_dim3A_1051 = vector.broadcast %broadcast_in_dim3A_1050 : i1 to vector<16xi1>
      %unique3A_1052, %unique3A_1053 = tpu.scan_count mask(%broadcast_in_dim3A_1051 : vector<16xi1>) value(%get3A_1049 : vector<16xi32>) : vector<16xi1>, vector<16xi32>
      %shift_right_logical3A_1054 = arith.constant 4 : i32
      %shift_right_logical3A_1055 = vector.broadcast %shift_right_logical3A_1054 : i32 to vector<16xi32>
      %shift_right_logical3A_1056 = arith.shrui %get3A_1049, %shift_right_logical3A_1055 : vector<16xi32>
      %and3A_1057 = arith.constant 15 : i32
      %and3A_1058 = vector.broadcast %and3A_1057 : i32 to vector<16xi32>
      %and3A_1059 = arith.andi %get3A_1049, %and3A_1058 : vector<16xi32>
      tpu.vector_store_idx %arg14[%shift_right_logical3A_1056, %and3A_1059], %unique3A_1053 masked %unique3A_1052 {add = true} : memref<640x16xi32, #tpu.memory_space<vmem>>[vector<16xi32>, vector<16xi32>], vector<16xi32>, vector<16xi1>
      %dma_wait3A_1060 = arith.constant 0 : i32
      %dma_wait3A_1061 = arith.constant 0 : i32
      %dma_wait3A_1062 = tpu.memref_slice %arg8[%dma_wait3A_1060, %dma_wait3A_1061] : memref<6x128xi32, #tpu.memory_space<vmem>> -> memref<1x128xi32, #tpu.memory_space<vmem>>
      %dma_wait3A_1063 = tpu.memref_squeeze %dma_wait3A_1062 : memref<1x128xi32, #tpu.memory_space<vmem>> -> memref<128xi32, #tpu.memory_space<vmem>>
      %dma_wait3A_1064 = arith.constant 0 : i32
      %dma_wait3A_1065 = arith.constant 0 : i32
      %dma_wait3A_1066 = tpu.memref_slice %arg17[%dma_wait3A_1064, %dma_wait3A_1065] : memref<10000x128xbf16, #tpu.memory_space<vmem_shared>> -> memref<10000x128xbf16, #tpu.memory_space<vmem_shared>>
      tpu.wait_indirect_dma semaphore(%arg24 : memref<!tpu.dma_semaphore, #tpu.memory_space<semaphore_mem>>) src(%arg11 : memref<128x128xbf16, #tpu.memory_space<vmem>>) dst(%dma_wait3A_1066 : memref<10000x128xbf16, #tpu.memory_space<vmem_shared>>)
      %add3A_1067 = arith.constant 1 : i32
      %add3A_1068 = arith.addi %mul3A_191, %add3A_1067 : i32
      %lt3A_1069 = arith.constant 26 : i32
      %lt3A_1070 = arith.cmpi slt, %add3A_1068, %lt3A_1069 : i32
      %convert_element_type3A_1071 = arith.extui %lt3A_1070 : i1 to i32
      %cond3A_1072 = arith.constant 0 : i32
      %cond3A_1073 = arith.cmpi ne, %convert_element_type3A_1071, %cond3A_1072 : i32
      scf.if %cond3A_1073 {
        %dma_start3A_1965 = arith.constant 3 : i32
        %dma_start3A_1966 = arith.constant 0 : i32
        %dma_start3A_1967 = tpu.memref_slice %arg7[%dma_start3A_1965, %dma_start3A_1966] : memref<6x128xi32, #tpu.memory_space<vmem>> -> memref<1x128xi32, #tpu.memory_space<vmem>>
        %dma_start3A_1968 = tpu.memref_squeeze %dma_start3A_1967 : memref<1x128xi32, #tpu.memory_space<vmem>> -> memref<128xi32, #tpu.memory_space<vmem>>
        %dma_start3A_1969 = arith.constant 0 : i32
        %dma_start3A_1970 = arith.constant 0 : i32
        %dma_start3A_1971 = tpu.memref_slice %arg2[%arg0, %dma_start3A_1969, %dma_start3A_1970] : memref<2x10000x128xbf16, #tpu.memory_space<hbm>> -> memref<1x10000x128xbf16, #tpu.memory_space<hbm>>
        %dma_start3A_1972 = tpu.memref_squeeze %dma_start3A_1971 : memref<1x10000x128xbf16, #tpu.memory_space<hbm>> -> memref<10000x128xbf16, #tpu.memory_space<hbm>>
        %dma_start3A_1973 = arith.constant 0 : i32
        %dma_start3A_1974 = arith.constant 0 : i32
        %dma_start3A_1975 = tpu.memref_slice %dma_start3A_1972[%dma_start3A_1973, %dma_start3A_1974] : memref<10000x128xbf16, #tpu.memory_space<hbm>> -> memref<10000x128xbf16, #tpu.memory_space<hbm>>
        tpu.enqueue_indirect_dma source(%dma_start3A_1975 : memref<10000x128xbf16, #tpu.memory_space<hbm>>) target(%arg11 : memref<128x128xbf16, #tpu.memory_space<vmem>>) offsets(%dma_start3A_1968 : memref<128xi32, #tpu.memory_space<vmem>>) semaphore(%arg20 : memref<!tpu.dma_semaphore, #tpu.memory_space<semaphore_mem>>)
      } else {
      }
      %mul3A_1074 = arith.constant 2 : i32
      %mul3A_1075 = arith.muli %mul3A_1074, %scan3A_188 : i32
      %add3A_1076 = arith.constant 1 : i32
      %add3A_1077 = arith.addi %mul3A_1075, %add3A_1076 : i32
      %add3A_1078 = arith.constant 1 : i32
      %add3A_1079 = arith.addi %add3A_1077, %add3A_1078 : i32
      %lt3A_1080 = arith.constant 26 : i32
      %lt3A_1081 = arith.cmpi slt, %add3A_1079, %lt3A_1080 : i32
      %convert_element_type3A_1082 = arith.extui %lt3A_1081 : i1 to i32
      %cond3A_1083 = arith.constant 0 : i32
      %cond3A_1084 = arith.cmpi ne, %convert_element_type3A_1082, %cond3A_1083 : i32
      scf.if %cond3A_1084 {
        %add3A_1965 = arith.constant 1 : i32
        %add3A_1966 = arith.addi %add3A_1077, %add3A_1965 : i32
        %mul3A_1967 = arith.constant 6 : i32
        %mul3A_1968 = arith.muli %add3A_1966, %mul3A_1967 : i32
        %add3A_1969 = arith.addi %mul3A_27, %mul3A_1968 : i32
        %dma_start3A_1970 = arith.constant 0 : i32
        %dma_start3A_1971 = arith.constant 0 : i32
        %dma_start3A_1972 = tpu.memref_slice %arg3[%arg0, %dma_start3A_1970, %add3A_1969, %dma_start3A_1971] : memref<2x2x2500x128xi32, #tpu.memory_space<hbm>> -> memref<1x1x6x128xi32, #tpu.memory_space<hbm>>
        %dma_start3A_1973 = tpu.memref_squeeze %dma_start3A_1972 : memref<1x1x6x128xi32, #tpu.memory_space<hbm>> -> memref<6x128xi32, #tpu.memory_space<hbm>>
        %dma_start3A_1974 = arith.constant 0 : i32
        %dma_start3A_1975 = tpu.memref_slice %arg3[%arg0, %dma_start3A_1970, %add3A_1969, %dma_start3A_1974] : memref<2x2x2500x128xi32, #tpu.memory_space<hbm>> -> memref<1x1x6x128xi32, #tpu.memory_space<hbm>>
        %dma_start3A_1976 = tpu.memref_squeeze %dma_start3A_1975 : memref<1x1x6x128xi32, #tpu.memory_space<hbm>> -> memref<6x128xi32, #tpu.memory_space<hbm>>
        tpu.enqueue_dma source(%dma_start3A_1976 : memref<6x128xi32, #tpu.memory_space<hbm>>) target(%arg6 : memref<6x128xi32, #tpu.memory_space<vmem>>) target_semaphore(%arg27 : memref<!tpu.dma_semaphore, #tpu.memory_space<semaphore_mem>>)
        %dma_start3A_1977 = arith.constant 1 : i32
        %dma_start3A_1978 = arith.constant 0 : i32
        %dma_start3A_1979 = tpu.memref_slice %arg3[%arg0, %dma_start3A_1977, %add3A_1969, %dma_start3A_1978] : memref<2x2x2500x128xi32, #tpu.memory_space<hbm>> -> memref<1x1x6x128xi32, #tpu.memory_space<hbm>>
        %dma_start3A_1980 = tpu.memref_squeeze %dma_start3A_1979 : memref<1x1x6x128xi32, #tpu.memory_space<hbm>> -> memref<6x128xi32, #tpu.memory_space<hbm>>
        %dma_start3A_1981 = arith.constant 0 : i32
        %dma_start3A_1982 = tpu.memref_slice %arg3[%arg0, %dma_start3A_1977, %add3A_1969, %dma_start3A_1981] : memref<2x2x2500x128xi32, #tpu.memory_space<hbm>> -> memref<1x1x6x128xi32, #tpu.memory_space<hbm>>
        %dma_start3A_1983 = tpu.memref_squeeze %dma_start3A_1982 : memref<1x1x6x128xi32, #tpu.memory_space<hbm>> -> memref<6x128xi32, #tpu.memory_space<hbm>>
        tpu.enqueue_dma source(%dma_start3A_1983 : memref<6x128xi32, #tpu.memory_space<hbm>>) target(%arg8 : memref<6x128xi32, #tpu.memory_space<vmem>>) target_semaphore(%arg27 : memref<!tpu.dma_semaphore, #tpu.memory_space<semaphore_mem>>)
      } else {
      }
      %dma_wait3A_1085 = arith.constant 0 : i32
      %dma_wait3A_1086 = arith.constant 0 : i32
      %dma_wait3A_1087 = tpu.memref_slice %arg6[%dma_wait3A_1085, %dma_wait3A_1086] : memref<6x128xi32, #tpu.memory_space<vmem>> -> memref<1x128xi32, #tpu.memory_space<vmem>>
      %dma_wait3A_1088 = tpu.memref_squeeze %dma_wait3A_1087 : memref<1x128xi32, #tpu.memory_space<vmem>> -> memref<128xi32, #tpu.memory_space<vmem>>
      %dma_wait3A_1089 = arith.constant 0 : i32
      %dma_wait3A_1090 = arith.constant 0 : i32
      %dma_wait3A_1091 = tpu.memref_slice %arg2[%arg0, %dma_wait3A_1089, %dma_wait3A_1090] : memref<2x10000x128xbf16, #tpu.memory_space<hbm>> -> memref<1x10000x128xbf16, #tpu.memory_space<hbm>>
      %dma_wait3A_1092 = tpu.memref_squeeze %dma_wait3A_1091 : memref<1x10000x128xbf16, #tpu.memory_space<hbm>> -> memref<10000x128xbf16, #tpu.memory_space<hbm>>
      %dma_wait3A_1093 = arith.constant 0 : i32
      %dma_wait3A_1094 = arith.constant 0 : i32
      %dma_wait3A_1095 = tpu.memref_slice %dma_wait3A_1092[%dma_wait3A_1093, %dma_wait3A_1094] : memref<10000x128xbf16, #tpu.memory_space<hbm>> -> memref<10000x128xbf16, #tpu.memory_space<hbm>>
      tpu.wait_indirect_dma semaphore(%arg21 : memref<!tpu.dma_semaphore, #tpu.memory_space<semaphore_mem>>) src(%dma_wait3A_1095 : memref<10000x128xbf16, #tpu.memory_space<hbm>>) dst(%arg12 : memref<128x128xbf16, #tpu.memory_space<vmem>>)
      %dma_start3A_1096 = arith.constant 0 : i32
      %dma_start3A_1097 = arith.constant 0 : i32
      %dma_start3A_1098 = tpu.memref_slice %arg9[%dma_start3A_1096, %dma_start3A_1097] : memref<6x128xi32, #tpu.memory_space<vmem>> -> memref<1x128xi32, #tpu.memory_space<vmem>>
      %dma_start3A_1099 = tpu.memref_squeeze %dma_start3A_1098 : memref<1x128xi32, #tpu.memory_space<vmem>> -> memref<128xi32, #tpu.memory_space<vmem>>
      %dma_start3A_1100 = arith.constant 0 : i32
      %dma_start3A_1101 = arith.constant 0 : i32
      %dma_start3A_1102 = tpu.memref_slice %arg17[%dma_start3A_1100, %dma_start3A_1101] : memref<10000x128xbf16, #tpu.memory_space<vmem_shared>> -> memref<10000x128xbf16, #tpu.memory_space<vmem_shared>>
      tpu.enqueue_indirect_dma source(%arg12 : memref<128x128xbf16, #tpu.memory_space<vmem>>) target(%dma_start3A_1102 : memref<10000x128xbf16, #tpu.memory_space<vmem_shared>>) offsets(%dma_start3A_1099 : memref<128xi32, #tpu.memory_space<vmem>>) semaphore(%arg25 : memref<!tpu.dma_semaphore, #tpu.memory_space<semaphore_mem>>) {add = true}
      %get3A_1103 = arith.constant 0 : i32
      %get3A_1104 = arith.index_cast %get3A_1103 : i32 to index
      %get3A_1105 = arith.constant 0 : index
      %get3A_1106 = tpu.vector_load %arg9[%get3A_1104, %get3A_1105] {strides = array<i32>} : memref<6x128xi32, #tpu.memory_space<vmem>>, vector<16xi32>,
      %broadcast_in_dim3A_1107 = arith.constant true
      %broadcast_in_dim3A_1108 = vector.broadcast %broadcast_in_dim3A_1107 : i1 to vector<16xi1>
      %unique3A_1109, %unique3A_1110 = tpu.scan_count mask(%broadcast_in_dim3A_1108 : vector<16xi1>) value(%get3A_1106 : vector<16xi32>) : vector<16xi1>, vector<16xi32>
      %shift_right_logical3A_1111 = arith.constant 4 : i32
      %shift_right_logical3A_1112 = vector.broadcast %shift_right_logical3A_1111 : i32 to vector<16xi32>
      %shift_right_logical3A_1113 = arith.shrui %get3A_1106, %shift_right_logical3A_1112 : vector<16xi32>
      %and3A_1114 = arith.constant 15 : i32
      %and3A_1115 = vector.broadcast %and3A_1114 : i32 to vector<16xi32>
      %and3A_1116 = arith.andi %get3A_1106, %and3A_1115 : vector<16xi32>
      tpu.vector_store_idx %arg14[%shift_right_logical3A_1113, %and3A_1116], %unique3A_1110 masked %unique3A_1109 {add = true} : memref<640x16xi32, #tpu.memory_space<vmem>>[vector<16xi32>, vector<16xi32>], vector<16xi32>, vector<16xi1>
      %get3A_1117 = arith.constant 0 : i32
      %get3A_1118 = arith.index_cast %get3A_1117 : i32 to index
      %get3A_1119 = arith.constant 16 : index
      %get3A_1120 = tpu.vector_load %arg9[%get3A_1118, %get3A_1119] {strides = array<i32>} : memref<6x128xi32, #tpu.memory_space<vmem>>, vector<16xi32>,
      %broadcast_in_dim3A_1121 = arith.constant true
      %broadcast_in_dim3A_1122 = vector.broadcast %broadcast_in_dim3A_1121 : i1 to vector<16xi1>
      %unique3A_1123, %unique3A_1124 = tpu.scan_count mask(%broadcast_in_dim3A_1122 : vector<16xi1>) value(%get3A_1120 : vector<16xi32>) : vector<16xi1>, vector<16xi32>
      %shift_right_logical3A_1125 = arith.constant 4 : i32
      %shift_right_logical3A_1126 = vector.broadcast %shift_right_logical3A_1125 : i32 to vector<16xi32>
      %shift_right_logical3A_1127 = arith.shrui %get3A_1120, %shift_right_logical3A_1126 : vector<16xi32>
      %and3A_1128 = arith.constant 15 : i32
      %and3A_1129 = vector.broadcast %and3A_1128 : i32 to vector<16xi32>
      %and3A_1130 = arith.andi %get3A_1120, %and3A_1129 : vector<16xi32>
      tpu.vector_store_idx %arg14[%shift_right_logical3A_1127, %and3A_1130], %unique3A_1124 masked %unique3A_1123 {add = true} : memref<640x16xi32, #tpu.memory_space<vmem>>[vector<16xi32>, vector<16xi32>], vector<16xi32>, vector<16xi1>
      %get3A_1131 = arith.constant 0 : i32
      %get3A_1132 = arith.index_cast %get3A_1131 : i32 to index
      %get3A_1133 = arith.constant 32 : index
      %get3A_1134 = tpu.vector_load %arg9[%get3A_1132, %get3A_1133] {strides = array<i32>} : memref<6x128xi32, #tpu.memory_space<vmem>>, vector<16xi32>,
      %broadcast_in_dim3A_1135 = arith.constant true
      %broadcast_in_dim3A_1136 = vector.broadcast %broadcast_in_dim3A_1135 : i1 to vector<16xi1>
      %unique3A_1137, %unique3A_1138 = tpu.scan_count mask(%broadcast_in_dim3A_1136 : vector<16xi1>) value(%get3A_1134 : vector<16xi32>) : vector<16xi1>, vector<16xi32>
      %shift_right_logical3A_1139 = arith.constant 4 : i32
      %shift_right_logical3A_1140 = vector.broadcast %shift_right_logical3A_1139 : i32 to vector<16xi32>
      %shift_right_logical3A_1141 = arith.shrui %get3A_1134, %shift_right_logical3A_1140 : vector<16xi32>
      %and3A_1142 = arith.constant 15 : i32
      %and3A_1143 = vector.broadcast %and3A_1142 : i32 to vector<16xi32>
      %and3A_1144 = arith.andi %get3A_1134, %and3A_1143 : vector<16xi32>
      tpu.vector_store_idx %arg14[%shift_right_logical3A_1141, %and3A_1144], %unique3A_1138 masked %unique3A_1137 {add = true} : memref<640x16xi32, #tpu.memory_space<vmem>>[vector<16xi32>, vector<16xi32>], vector<16xi32>, vector<16xi1>
      %get3A_1145 = arith.constant 0 : i32
      %get3A_1146 = arith.index_cast %get3A_1145 : i32 to index
      %get3A_1147 = arith.constant 48 : index
      %get3A_1148 = tpu.vector_load %arg9[%get3A_1146, %get3A_1147] {strides = array<i32>} : memref<6x128xi32, #tpu.memory_space<vmem>>, vector<16xi32>,
      %broadcast_in_dim3A_1149 = arith.constant true
      %broadcast_in_dim3A_1150 = vector.broadcast %broadcast_in_dim3A_1149 : i1 to vector<16xi1>
      %unique3A_1151, %unique3A_1152 = tpu.scan_count mask(%broadcast_in_dim3A_1150 : vector<16xi1>) value(%get3A_1148 : vector<16xi32>) : vector<16xi1>, vector<16xi32>
      %shift_right_logical3A_1153 = arith.constant 4 : i32
      %shift_right_logical3A_1154 = vector.broadcast %shift_right_logical3A_1153 : i32 to vector<16xi32>
      %shift_right_logical3A_1155 = arith.shrui %get3A_1148, %shift_right_logical3A_1154 : vector<16xi32>
      %and3A_1156 = arith.constant 15 : i32
      %and3A_1157 = vector.broadcast %and3A_1156 : i32 to vector<16xi32>
      %and3A_1158 = arith.andi %get3A_1148, %and3A_1157 : vector<16xi32>
      tpu.vector_store_idx %arg14[%shift_right_logical3A_1155, %and3A_1158], %unique3A_1152 masked %unique3A_1151 {add = true} : memref<640x16xi32, #tpu.memory_space<vmem>>[vector<16xi32>, vector<16xi32>], vector<16xi32>, vector<16xi1>
      %get3A_1159 = arith.constant 0 : i32
      %get3A_1160 = arith.index_cast %get3A_1159 : i32 to index
      %get3A_1161 = arith.constant 64 : index
      %get3A_1162 = tpu.vector_load %arg9[%get3A_1160, %get3A_1161] {strides = array<i32>} : memref<6x128xi32, #tpu.memory_space<vmem>>, vector<16xi32>,
      %broadcast_in_dim3A_1163 = arith.constant true
      %broadcast_in_dim3A_1164 = vector.broadcast %broadcast_in_dim3A_1163 : i1 to vector<16xi1>
      %unique3A_1165, %unique3A_1166 = tpu.scan_count mask(%broadcast_in_dim3A_1164 : vector<16xi1>) value(%get3A_1162 : vector<16xi32>) : vector<16xi1>, vector<16xi32>
      %shift_right_logical3A_1167 = arith.constant 4 : i32
      %shift_right_logical3A_1168 = vector.broadcast %shift_right_logical3A_1167 : i32 to vector<16xi32>
      %shift_right_logical3A_1169 = arith.shrui %get3A_1162, %shift_right_logical3A_1168 : vector<16xi32>
      %and3A_1170 = arith.constant 15 : i32
      %and3A_1171 = vector.broadcast %and3A_1170 : i32 to vector<16xi32>
      %and3A_1172 = arith.andi %get3A_1162, %and3A_1171 : vector<16xi32>
      tpu.vector_store_idx %arg14[%shift_right_logical3A_1169, %and3A_1172], %unique3A_1166 masked %unique3A_1165 {add = true} : memref<640x16xi32, #tpu.memory_space<vmem>>[vector<16xi32>, vector<16xi32>], vector<16xi32>, vector<16xi1>
      %get3A_1173 = arith.constant 0 : i32
      %get3A_1174 = arith.index_cast %get3A_1173 : i32 to index
      %get3A_1175 = arith.constant 80 : index
      %get3A_1176 = tpu.vector_load %arg9[%get3A_1174, %get3A_1175] {strides = array<i32>} : memref<6x128xi32, #tpu.memory_space<vmem>>, vector<16xi32>,
      %broadcast_in_dim3A_1177 = arith.constant true
      %broadcast_in_dim3A_1178 = vector.broadcast %broadcast_in_dim3A_1177 : i1 to vector<16xi1>
      %unique3A_1179, %unique3A_1180 = tpu.scan_count mask(%broadcast_in_dim3A_1178 : vector<16xi1>) value(%get3A_1176 : vector<16xi32>) : vector<16xi1>, vector<16xi32>
      %shift_right_logical3A_1181 = arith.constant 4 : i32
      %shift_right_logical3A_1182 = vector.broadcast %shift_right_logical3A_1181 : i32 to vector<16xi32>
      %shift_right_logical3A_1183 = arith.shrui %get3A_1176, %shift_right_logical3A_1182 : vector<16xi32>
      %and3A_1184 = arith.constant 15 : i32
      %and3A_1185 = vector.broadcast %and3A_1184 : i32 to vector<16xi32>
      %and3A_1186 = arith.andi %get3A_1176, %and3A_1185 : vector<16xi32>
      tpu.vector_store_idx %arg14[%shift_right_logical3A_1183, %and3A_1186], %unique3A_1180 masked %unique3A_1179 {add = true} : memref<640x16xi32, #tpu.memory_space<vmem>>[vector<16xi32>, vector<16xi32>], vector<16xi32>, vector<16xi1>
      %get3A_1187 = arith.constant 0 : i32
      %get3A_1188 = arith.index_cast %get3A_1187 : i32 to index
      %get3A_1189 = arith.constant 96 : index
      %get3A_1190 = tpu.vector_load %arg9[%get3A_1188, %get3A_1189] {strides = array<i32>} : memref<6x128xi32, #tpu.memory_space<vmem>>, vector<16xi32>,
      %broadcast_in_dim3A_1191 = arith.constant true
      %broadcast_in_dim3A_1192 = vector.broadcast %broadcast_in_dim3A_1191 : i1 to vector<16xi1>
      %unique3A_1193, %unique3A_1194 = tpu.scan_count mask(%broadcast_in_dim3A_1192 : vector<16xi1>) value(%get3A_1190 : vector<16xi32>) : vector<16xi1>, vector<16xi32>
      %shift_right_logical3A_1195 = arith.constant 4 : i32
      %shift_right_logical3A_1196 = vector.broadcast %shift_right_logical3A_1195 : i32 to vector<16xi32>
      %shift_right_logical3A_1197 = arith.shrui %get3A_1190, %shift_right_logical3A_1196 : vector<16xi32>
      %and3A_1198 = arith.constant 15 : i32
      %and3A_1199 = vector.broadcast %and3A_1198 : i32 to vector<16xi32>
      %and3A_1200 = arith.andi %get3A_1190, %and3A_1199 : vector<16xi32>
      tpu.vector_store_idx %arg14[%shift_right_logical3A_1197, %and3A_1200], %unique3A_1194 masked %unique3A_1193 {add = true} : memref<640x16xi32, #tpu.memory_space<vmem>>[vector<16xi32>, vector<16xi32>], vector<16xi32>, vector<16xi1>
      %get3A_1201 = arith.constant 0 : i32
      %get3A_1202 = arith.index_cast %get3A_1201 : i32 to index
      %get3A_1203 = arith.constant 112 : index
      %get3A_1204 = tpu.vector_load %arg9[%get3A_1202, %get3A_1203] {strides = array<i32>} : memref<6x128xi32, #tpu.memory_space<vmem>>, vector<16xi32>,
      %broadcast_in_dim3A_1205 = arith.constant true
      %broadcast_in_dim3A_1206 = vector.broadcast %broadcast_in_dim3A_1205 : i1 to vector<16xi1>
      %unique3A_1207, %unique3A_1208 = tpu.scan_count mask(%broadcast_in_dim3A_1206 : vector<16xi1>) value(%get3A_1204 : vector<16xi32>) : vector<16xi1>, vector<16xi32>
      %shift_right_logical3A_1209 = arith.constant 4 : i32
      %shift_right_logical3A_1210 = vector.broadcast %shift_right_logical3A_1209 : i32 to vector<16xi32>
      %shift_right_logical3A_1211 = arith.shrui %get3A_1204, %shift_right_logical3A_1210 : vector<16xi32>
      %and3A_1212 = arith.constant 15 : i32
      %and3A_1213 = vector.broadcast %and3A_1212 : i32 to vector<16xi32>
      %and3A_1214 = arith.andi %get3A_1204, %and3A_1213 : vector<16xi32>
      tpu.vector_store_idx %arg14[%shift_right_logical3A_1211, %and3A_1214], %unique3A_1208 masked %unique3A_1207 {add = true} : memref<640x16xi32, #tpu.memory_space<vmem>>[vector<16xi32>, vector<16xi32>], vector<16xi32>, vector<16xi1>
      %dma_wait3A_1215 = arith.constant 0 : i32
      %dma_wait3A_1216 = arith.constant 0 : i32
      %dma_wait3A_1217 = tpu.memref_slice %arg8[%dma_wait3A_1215, %dma_wait3A_1216] : memref<6x128xi32, #tpu.memory_space<vmem>> -> memref<1x128xi32, #tpu.memory_space<vmem>>
      %dma_wait3A_1218 = tpu.memref_squeeze %dma_wait3A_1217 : memref<1x128xi32, #tpu.memory_space<vmem>> -> memref<128xi32, #tpu.memory_space<vmem>>
      %dma_wait3A_1219 = arith.constant 0 : i32
      %dma_wait3A_1220 = arith.constant 0 : i32
      %dma_wait3A_1221 = tpu.memref_slice %arg17[%dma_wait3A_1219, %dma_wait3A_1220] : memref<10000x128xbf16, #tpu.memory_space<vmem_shared>> -> memref<10000x128xbf16, #tpu.memory_space<vmem_shared>>
      tpu.wait_indirect_dma semaphore(%arg25 : memref<!tpu.dma_semaphore, #tpu.memory_space<semaphore_mem>>) src(%arg12 : memref<128x128xbf16, #tpu.memory_space<vmem>>) dst(%dma_wait3A_1221 : memref<10000x128xbf16, #tpu.memory_space<vmem_shared>>)
      %dma_start3A_1222 = arith.constant 4 : i32
      %dma_start3A_1223 = arith.constant 0 : i32
      %dma_start3A_1224 = tpu.memref_slice %arg7[%dma_start3A_1222, %dma_start3A_1223] : memref<6x128xi32, #tpu.memory_space<vmem>> -> memref<1x128xi32, #tpu.memory_space<vmem>>
      %dma_start3A_1225 = tpu.memref_squeeze %dma_start3A_1224 : memref<1x128xi32, #tpu.memory_space<vmem>> -> memref<128xi32, #tpu.memory_space<vmem>>
      %dma_start3A_1226 = arith.constant 0 : i32
      %dma_start3A_1227 = arith.constant 0 : i32
      %dma_start3A_1228 = tpu.memref_slice %arg2[%arg0, %dma_start3A_1226, %dma_start3A_1227] : memref<2x10000x128xbf16, #tpu.memory_space<hbm>> -> memref<1x10000x128xbf16, #tpu.memory_space<hbm>>
      %dma_start3A_1229 = tpu.memref_squeeze %dma_start3A_1228 : memref<1x10000x128xbf16, #tpu.memory_space<hbm>> -> memref<10000x128xbf16, #tpu.memory_space<hbm>>
      %dma_start3A_1230 = arith.constant 0 : i32
      %dma_start3A_1231 = arith.constant 0 : i32
      %dma_start3A_1232 = tpu.memref_slice %dma_start3A_1229[%dma_start3A_1230, %dma_start3A_1231] : memref<10000x128xbf16, #tpu.memory_space<hbm>> -> memref<10000x128xbf16, #tpu.memory_space<hbm>>
      tpu.enqueue_indirect_dma source(%dma_start3A_1232 : memref<10000x128xbf16, #tpu.memory_space<hbm>>) target(%arg12 : memref<128x128xbf16, #tpu.memory_space<vmem>>) offsets(%dma_start3A_1225 : memref<128xi32, #tpu.memory_space<vmem>>) semaphore(%arg21 : memref<!tpu.dma_semaphore, #tpu.memory_space<semaphore_mem>>)
      %dma_wait3A_1233 = arith.constant 0 : i32
      %dma_wait3A_1234 = arith.constant 0 : i32
      %dma_wait3A_1235 = tpu.memref_slice %arg6[%dma_wait3A_1233, %dma_wait3A_1234] : memref<6x128xi32, #tpu.memory_space<vmem>> -> memref<1x128xi32, #tpu.memory_space<vmem>>
      %dma_wait3A_1236 = tpu.memref_squeeze %dma_wait3A_1235 : memref<1x128xi32, #tpu.memory_space<vmem>> -> memref<128xi32, #tpu.memory_space<vmem>>
      %dma_wait3A_1237 = arith.constant 0 : i32
      %dma_wait3A_1238 = arith.constant 0 : i32
      %dma_wait3A_1239 = tpu.memref_slice %arg2[%arg0, %dma_wait3A_1237, %dma_wait3A_1238] : memref<2x10000x128xbf16, #tpu.memory_space<hbm>> -> memref<1x10000x128xbf16, #tpu.memory_space<hbm>>
      %dma_wait3A_1240 = tpu.memref_squeeze %dma_wait3A_1239 : memref<1x10000x128xbf16, #tpu.memory_space<hbm>> -> memref<10000x128xbf16, #tpu.memory_space<hbm>>
      %dma_wait3A_1241 = arith.constant 0 : i32
      %dma_wait3A_1242 = arith.constant 0 : i32
      %dma_wait3A_1243 = tpu.memref_slice %dma_wait3A_1240[%dma_wait3A_1241, %dma_wait3A_1242] : memref<10000x128xbf16, #tpu.memory_space<hbm>> -> memref<10000x128xbf16, #tpu.memory_space<hbm>>
      tpu.wait_indirect_dma semaphore(%arg22 : memref<!tpu.dma_semaphore, #tpu.memory_space<semaphore_mem>>) src(%dma_wait3A_1243 : memref<10000x128xbf16, #tpu.memory_space<hbm>>) dst(%arg13 : memref<128x128xbf16, #tpu.memory_space<vmem>>)
      %dma_start3A_1244 = arith.constant 1 : i32
      %dma_start3A_1245 = arith.constant 0 : i32
      %dma_start3A_1246 = tpu.memref_slice %arg9[%dma_start3A_1244, %dma_start3A_1245] : memref<6x128xi32, #tpu.memory_space<vmem>> -> memref<1x128xi32, #tpu.memory_space<vmem>>
      %dma_start3A_1247 = tpu.memref_squeeze %dma_start3A_1246 : memref<1x128xi32, #tpu.memory_space<vmem>> -> memref<128xi32, #tpu.memory_space<vmem>>
      %dma_start3A_1248 = arith.constant 0 : i32
      %dma_start3A_1249 = arith.constant 0 : i32
      %dma_start3A_1250 = tpu.memref_slice %arg17[%dma_start3A_1248, %dma_start3A_1249] : memref<10000x128xbf16, #tpu.memory_space<vmem_shared>> -> memref<10000x128xbf16, #tpu.memory_space<vmem_shared>>
      tpu.enqueue_indirect_dma source(%arg13 : memref<128x128xbf16, #tpu.memory_space<vmem>>) target(%dma_start3A_1250 : memref<10000x128xbf16, #tpu.memory_space<vmem_shared>>) offsets(%dma_start3A_1247 : memref<128xi32, #tpu.memory_space<vmem>>) semaphore(%arg26 : memref<!tpu.dma_semaphore, #tpu.memory_space<semaphore_mem>>) {add = true}
      %get3A_1251 = arith.constant 1 : i32
      %get3A_1252 = arith.index_cast %get3A_1251 : i32 to index
      %get3A_1253 = arith.constant 0 : index
      %get3A_1254 = tpu.vector_load %arg9[%get3A_1252, %get3A_1253] {strides = array<i32>} : memref<6x128xi32, #tpu.memory_space<vmem>>, vector<16xi32>,
      %broadcast_in_dim3A_1255 = arith.constant true
      %broadcast_in_dim3A_1256 = vector.broadcast %broadcast_in_dim3A_1255 : i1 to vector<16xi1>
      %unique3A_1257, %unique3A_1258 = tpu.scan_count mask(%broadcast_in_dim3A_1256 : vector<16xi1>) value(%get3A_1254 : vector<16xi32>) : vector<16xi1>, vector<16xi32>
      %shift_right_logical3A_1259 = arith.constant 4 : i32
      %shift_right_logical3A_1260 = vector.broadcast %shift_right_logical3A_1259 : i32 to vector<16xi32>
      %shift_right_logical3A_1261 = arith.shrui %get3A_1254, %shift_right_logical3A_1260 : vector<16xi32>
      %and3A_1262 = arith.constant 15 : i32
      %and3A_1263 = vector.broadcast %and3A_1262 : i32 to vector<16xi32>
      %and3A_1264 = arith.andi %get3A_1254, %and3A_1263 : vector<16xi32>
      tpu.vector_store_idx %arg14[%shift_right_logical3A_1261, %and3A_1264], %unique3A_1258 masked %unique3A_1257 {add = true} : memref<640x16xi32, #tpu.memory_space<vmem>>[vector<16xi32>, vector<16xi32>], vector<16xi32>, vector<16xi1>
      %get3A_1265 = arith.constant 1 : i32
      %get3A_1266 = arith.index_cast %get3A_1265 : i32 to index
      %get3A_1267 = arith.constant 16 : index
      %get3A_1268 = tpu.vector_load %arg9[%get3A_1266, %get3A_1267] {strides = array<i32>} : memref<6x128xi32, #tpu.memory_space<vmem>>, vector<16xi32>,
      %broadcast_in_dim3A_1269 = arith.constant true
      %broadcast_in_dim3A_1270 = vector.broadcast %broadcast_in_dim3A_1269 : i1 to vector<16xi1>
      %unique3A_1271, %unique3A_1272 = tpu.scan_count mask(%broadcast_in_dim3A_1270 : vector<16xi1>) value(%get3A_1268 : vector<16xi32>) : vector<16xi1>, vector<16xi32>
      %shift_right_logical3A_1273 = arith.constant 4 : i32
      %shift_right_logical3A_1274 = vector.broadcast %shift_right_logical3A_1273 : i32 to vector<16xi32>
      %shift_right_logical3A_1275 = arith.shrui %get3A_1268, %shift_right_logical3A_1274 : vector<16xi32>
      %and3A_1276 = arith.constant 15 : i32
      %and3A_1277 = vector.broadcast %and3A_1276 : i32 to vector<16xi32>
      %and3A_1278 = arith.andi %get3A_1268, %and3A_1277 : vector<16xi32>
      tpu.vector_store_idx %arg14[%shift_right_logical3A_1275, %and3A_1278], %unique3A_1272 masked %unique3A_1271 {add = true} : memref<640x16xi32, #tpu.memory_space<vmem>>[vector<16xi32>, vector<16xi32>], vector<16xi32>, vector<16xi1>
      %get3A_1279 = arith.constant 1 : i32
      %get3A_1280 = arith.index_cast %get3A_1279 : i32 to index
      %get3A_1281 = arith.constant 32 : index
      %get3A_1282 = tpu.vector_load %arg9[%get3A_1280, %get3A_1281] {strides = array<i32>} : memref<6x128xi32, #tpu.memory_space<vmem>>, vector<16xi32>,
      %broadcast_in_dim3A_1283 = arith.constant true
      %broadcast_in_dim3A_1284 = vector.broadcast %broadcast_in_dim3A_1283 : i1 to vector<16xi1>
      %unique3A_1285, %unique3A_1286 = tpu.scan_count mask(%broadcast_in_dim3A_1284 : vector<16xi1>) value(%get3A_1282 : vector<16xi32>) : vector<16xi1>, vector<16xi32>
      %shift_right_logical3A_1287 = arith.constant 4 : i32
      %shift_right_logical3A_1288 = vector.broadcast %shift_right_logical3A_1287 : i32 to vector<16xi32>
      %shift_right_logical3A_1289 = arith.shrui %get3A_1282, %shift_right_logical3A_1288 : vector<16xi32>
      %and3A_1290 = arith.constant 15 : i32
      %and3A_1291 = vector.broadcast %and3A_1290 : i32 to vector<16xi32>
      %and3A_1292 = arith.andi %get3A_1282, %and3A_1291 : vector<16xi32>
      tpu.vector_store_idx %arg14[%shift_right_logical3A_1289, %and3A_1292], %unique3A_1286 masked %unique3A_1285 {add = true} : memref<640x16xi32, #tpu.memory_space<vmem>>[vector<16xi32>, vector<16xi32>], vector<16xi32>, vector<16xi1>
      %get3A_1293 = arith.constant 1 : i32
      %get3A_1294 = arith.index_cast %get3A_1293 : i32 to index
      %get3A_1295 = arith.constant 48 : index
      %get3A_1296 = tpu.vector_load %arg9[%get3A_1294, %get3A_1295] {strides = array<i32>} : memref<6x128xi32, #tpu.memory_space<vmem>>, vector<16xi32>,
      %broadcast_in_dim3A_1297 = arith.constant true
      %broadcast_in_dim3A_1298 = vector.broadcast %broadcast_in_dim3A_1297 : i1 to vector<16xi1>
      %unique3A_1299, %unique3A_1300 = tpu.scan_count mask(%broadcast_in_dim3A_1298 : vector<16xi1>) value(%get3A_1296 : vector<16xi32>) : vector<16xi1>, vector<16xi32>
      %shift_right_logical3A_1301 = arith.constant 4 : i32
      %shift_right_logical3A_1302 = vector.broadcast %shift_right_logical3A_1301 : i32 to vector<16xi32>
      %shift_right_logical3A_1303 = arith.shrui %get3A_1296, %shift_right_logical3A_1302 : vector<16xi32>
      %and3A_1304 = arith.constant 15 : i32
      %and3A_1305 = vector.broadcast %and3A_1304 : i32 to vector<16xi32>
      %and3A_1306 = arith.andi %get3A_1296, %and3A_1305 : vector<16xi32>
      tpu.vector_store_idx %arg14[%shift_right_logical3A_1303, %and3A_1306], %unique3A_1300 masked %unique3A_1299 {add = true} : memref<640x16xi32, #tpu.memory_space<vmem>>[vector<16xi32>, vector<16xi32>], vector<16xi32>, vector<16xi1>
      %get3A_1307 = arith.constant 1 : i32
      %get3A_1308 = arith.index_cast %get3A_1307 : i32 to index
      %get3A_1309 = arith.constant 64 : index
      %get3A_1310 = tpu.vector_load %arg9[%get3A_1308, %get3A_1309] {strides = array<i32>} : memref<6x128xi32, #tpu.memory_space<vmem>>, vector<16xi32>,
      %broadcast_in_dim3A_1311 = arith.constant true
      %broadcast_in_dim3A_1312 = vector.broadcast %broadcast_in_dim3A_1311 : i1 to vector<16xi1>
      %unique3A_1313, %unique3A_1314 = tpu.scan_count mask(%broadcast_in_dim3A_1312 : vector<16xi1>) value(%get3A_1310 : vector<16xi32>) : vector<16xi1>, vector<16xi32>
      %shift_right_logical3A_1315 = arith.constant 4 : i32
      %shift_right_logical3A_1316 = vector.broadcast %shift_right_logical3A_1315 : i32 to vector<16xi32>
      %shift_right_logical3A_1317 = arith.shrui %get3A_1310, %shift_right_logical3A_1316 : vector<16xi32>
      %and3A_1318 = arith.constant 15 : i32
      %and3A_1319 = vector.broadcast %and3A_1318 : i32 to vector<16xi32>
      %and3A_1320 = arith.andi %get3A_1310, %and3A_1319 : vector<16xi32>
      tpu.vector_store_idx %arg14[%shift_right_logical3A_1317, %and3A_1320], %unique3A_1314 masked %unique3A_1313 {add = true} : memref<640x16xi32, #tpu.memory_space<vmem>>[vector<16xi32>, vector<16xi32>], vector<16xi32>, vector<16xi1>
      %get3A_1321 = arith.constant 1 : i32
      %get3A_1322 = arith.index_cast %get3A_1321 : i32 to index
      %get3A_1323 = arith.constant 80 : index
      %get3A_1324 = tpu.vector_load %arg9[%get3A_1322, %get3A_1323] {strides = array<i32>} : memref<6x128xi32, #tpu.memory_space<vmem>>, vector<16xi32>,
      %broadcast_in_dim3A_1325 = arith.constant true
      %broadcast_in_dim3A_1326 = vector.broadcast %broadcast_in_dim3A_1325 : i1 to vector<16xi1>
      %unique3A_1327, %unique3A_1328 = tpu.scan_count mask(%broadcast_in_dim3A_1326 : vector<16xi1>) value(%get3A_1324 : vector<16xi32>) : vector<16xi1>, vector<16xi32>
      %shift_right_logical3A_1329 = arith.constant 4 : i32
      %shift_right_logical3A_1330 = vector.broadcast %shift_right_logical3A_1329 : i32 to vector<16xi32>
      %shift_right_logical3A_1331 = arith.shrui %get3A_1324, %shift_right_logical3A_1330 : vector<16xi32>
      %and3A_1332 = arith.constant 15 : i32
      %and3A_1333 = vector.broadcast %and3A_1332 : i32 to vector<16xi32>
      %and3A_1334 = arith.andi %get3A_1324, %and3A_1333 : vector<16xi32>
      tpu.vector_store_idx %arg14[%shift_right_logical3A_1331, %and3A_1334], %unique3A_1328 masked %unique3A_1327 {add = true} : memref<640x16xi32, #tpu.memory_space<vmem>>[vector<16xi32>, vector<16xi32>], vector<16xi32>, vector<16xi1>
      %get3A_1335 = arith.constant 1 : i32
      %get3A_1336 = arith.index_cast %get3A_1335 : i32 to index
      %get3A_1337 = arith.constant 96 : index
      %get3A_1338 = tpu.vector_load %arg9[%get3A_1336, %get3A_1337] {strides = array<i32>} : memref<6x128xi32, #tpu.memory_space<vmem>>, vector<16xi32>,
      %broadcast_in_dim3A_1339 = arith.constant true
      %broadcast_in_dim3A_1340 = vector.broadcast %broadcast_in_dim3A_1339 : i1 to vector<16xi1>
      %unique3A_1341, %unique3A_1342 = tpu.scan_count mask(%broadcast_in_dim3A_1340 : vector<16xi1>) value(%get3A_1338 : vector<16xi32>) : vector<16xi1>, vector<16xi32>
      %shift_right_logical3A_1343 = arith.constant 4 : i32
      %shift_right_logical3A_1344 = vector.broadcast %shift_right_logical3A_1343 : i32 to vector<16xi32>
      %shift_right_logical3A_1345 = arith.shrui %get3A_1338, %shift_right_logical3A_1344 : vector<16xi32>
      %and3A_1346 = arith.constant 15 : i32
      %and3A_1347 = vector.broadcast %and3A_1346 : i32 to vector<16xi32>
      %and3A_1348 = arith.andi %get3A_1338, %and3A_1347 : vector<16xi32>
      tpu.vector_store_idx %arg14[%shift_right_logical3A_1345, %and3A_1348], %unique3A_1342 masked %unique3A_1341 {add = true} : memref<640x16xi32, #tpu.memory_space<vmem>>[vector<16xi32>, vector<16xi32>], vector<16xi32>, vector<16xi1>
      %get3A_1349 = arith.constant 1 : i32
      %get3A_1350 = arith.index_cast %get3A_1349 : i32 to index
      %get3A_1351 = arith.constant 112 : index
      %get3A_1352 = tpu.vector_load %arg9[%get3A_1350, %get3A_1351] {strides = array<i32>} : memref<6x128xi32, #tpu.memory_space<vmem>>, vector<16xi32>,
      %broadcast_in_dim3A_1353 = arith.constant true
      %broadcast_in_dim3A_1354 = vector.broadcast %broadcast_in_dim3A_1353 : i1 to vector<16xi1>
      %unique3A_1355, %unique3A_1356 = tpu.scan_count mask(%broadcast_in_dim3A_1354 : vector<16xi1>) value(%get3A_1352 : vector<16xi32>) : vector<16xi1>, vector<16xi32>
      %shift_right_logical3A_1357 = arith.constant 4 : i32
      %shift_right_logical3A_1358 = vector.broadcast %shift_right_logical3A_1357 : i32 to vector<16xi32>
      %shift_right_logical3A_1359 = arith.shrui %get3A_1352, %shift_right_logical3A_1358 : vector<16xi32>
      %and3A_1360 = arith.constant 15 : i32
      %and3A_1361 = vector.broadcast %and3A_1360 : i32 to vector<16xi32>
      %and3A_1362 = arith.andi %get3A_1352, %and3A_1361 : vector<16xi32>
      tpu.vector_store_idx %arg14[%shift_right_logical3A_1359, %and3A_1362], %unique3A_1356 masked %unique3A_1355 {add = true} : memref<640x16xi32, #tpu.memory_space<vmem>>[vector<16xi32>, vector<16xi32>], vector<16xi32>, vector<16xi1>
      %dma_wait3A_1363 = arith.constant 0 : i32
      %dma_wait3A_1364 = arith.constant 0 : i32
      %dma_wait3A_1365 = tpu.memref_slice %arg8[%dma_wait3A_1363, %dma_wait3A_1364] : memref<6x128xi32, #tpu.memory_space<vmem>> -> memref<1x128xi32, #tpu.memory_space<vmem>>
      %dma_wait3A_1366 = tpu.memref_squeeze %dma_wait3A_1365 : memref<1x128xi32, #tpu.memory_space<vmem>> -> memref<128xi32, #tpu.memory_space<vmem>>
      %dma_wait3A_1367 = arith.constant 0 : i32
      %dma_wait3A_1368 = arith.constant 0 : i32
      %dma_wait3A_1369 = tpu.memref_slice %arg17[%dma_wait3A_1367, %dma_wait3A_1368] : memref<10000x128xbf16, #tpu.memory_space<vmem_shared>> -> memref<10000x128xbf16, #tpu.memory_space<vmem_shared>>
      tpu.wait_indirect_dma semaphore(%arg26 : memref<!tpu.dma_semaphore, #tpu.memory_space<semaphore_mem>>) src(%arg13 : memref<128x128xbf16, #tpu.memory_space<vmem>>) dst(%dma_wait3A_1369 : memref<10000x128xbf16, #tpu.memory_space<vmem_shared>>)
      %dma_start3A_1370 = arith.constant 5 : i32
      %dma_start3A_1371 = arith.constant 0 : i32
      %dma_start3A_1372 = tpu.memref_slice %arg7[%dma_start3A_1370, %dma_start3A_1371] : memref<6x128xi32, #tpu.memory_space<vmem>> -> memref<1x128xi32, #tpu.memory_space<vmem>>
      %dma_start3A_1373 = tpu.memref_squeeze %dma_start3A_1372 : memref<1x128xi32, #tpu.memory_space<vmem>> -> memref<128xi32, #tpu.memory_space<vmem>>
      %dma_start3A_1374 = arith.constant 0 : i32
      %dma_start3A_1375 = arith.constant 0 : i32
      %dma_start3A_1376 = tpu.memref_slice %arg2[%arg0, %dma_start3A_1374, %dma_start3A_1375] : memref<2x10000x128xbf16, #tpu.memory_space<hbm>> -> memref<1x10000x128xbf16, #tpu.memory_space<hbm>>
      %dma_start3A_1377 = tpu.memref_squeeze %dma_start3A_1376 : memref<1x10000x128xbf16, #tpu.memory_space<hbm>> -> memref<10000x128xbf16, #tpu.memory_space<hbm>>
      %dma_start3A_1378 = arith.constant 0 : i32
      %dma_start3A_1379 = arith.constant 0 : i32
      %dma_start3A_1380 = tpu.memref_slice %dma_start3A_1377[%dma_start3A_1378, %dma_start3A_1379] : memref<10000x128xbf16, #tpu.memory_space<hbm>> -> memref<10000x128xbf16, #tpu.memory_space<hbm>>
      tpu.enqueue_indirect_dma source(%dma_start3A_1380 : memref<10000x128xbf16, #tpu.memory_space<hbm>>) target(%arg13 : memref<128x128xbf16, #tpu.memory_space<vmem>>) offsets(%dma_start3A_1373 : memref<128xi32, #tpu.memory_space<vmem>>) semaphore(%arg22 : memref<!tpu.dma_semaphore, #tpu.memory_space<semaphore_mem>>)
      %dma_wait3A_1381 = arith.constant 0 : i32
      %dma_wait3A_1382 = arith.constant 0 : i32
      %dma_wait3A_1383 = tpu.memref_slice %arg6[%dma_wait3A_1381, %dma_wait3A_1382] : memref<6x128xi32, #tpu.memory_space<vmem>> -> memref<1x128xi32, #tpu.memory_space<vmem>>
      %dma_wait3A_1384 = tpu.memref_squeeze %dma_wait3A_1383 : memref<1x128xi32, #tpu.memory_space<vmem>> -> memref<128xi32, #tpu.memory_space<vmem>>
      %dma_wait3A_1385 = arith.constant 0 : i32
      %dma_wait3A_1386 = arith.constant 0 : i32
      %dma_wait3A_1387 = tpu.memref_slice %arg2[%arg0, %dma_wait3A_1385, %dma_wait3A_1386] : memref<2x10000x128xbf16, #tpu.memory_space<hbm>> -> memref<1x10000x128xbf16, #tpu.memory_space<hbm>>
      %dma_wait3A_1388 = tpu.memref_squeeze %dma_wait3A_1387 : memref<1x10000x128xbf16, #tpu.memory_space<hbm>> -> memref<10000x128xbf16, #tpu.memory_space<hbm>>
      %dma_wait3A_1389 = arith.constant 0 : i32
      %dma_wait3A_1390 = arith.constant 0 : i32
      %dma_wait3A_1391 = tpu.memref_slice %dma_wait3A_1388[%dma_wait3A_1389, %dma_wait3A_1390] : memref<10000x128xbf16, #tpu.memory_space<hbm>> -> memref<10000x128xbf16, #tpu.memory_space<hbm>>
      tpu.wait_indirect_dma semaphore(%arg19 : memref<!tpu.dma_semaphore, #tpu.memory_space<semaphore_mem>>) src(%dma_wait3A_1391 : memref<10000x128xbf16, #tpu.memory_space<hbm>>) dst(%arg10 : memref<128x128xbf16, #tpu.memory_space<vmem>>)
      %dma_start3A_1392 = arith.constant 2 : i32
      %dma_start3A_1393 = arith.constant 0 : i32
      %dma_start3A_1394 = tpu.memref_slice %arg9[%dma_start3A_1392, %dma_start3A_1393] : memref<6x128xi32, #tpu.memory_space<vmem>> -> memref<1x128xi32, #tpu.memory_space<vmem>>
      %dma_start3A_1395 = tpu.memref_squeeze %dma_start3A_1394 : memref<1x128xi32, #tpu.memory_space<vmem>> -> memref<128xi32, #tpu.memory_space<vmem>>
      %dma_start3A_1396 = arith.constant 0 : i32
      %dma_start3A_1397 = arith.constant 0 : i32
      %dma_start3A_1398 = tpu.memref_slice %arg17[%dma_start3A_1396, %dma_start3A_1397] : memref<10000x128xbf16, #tpu.memory_space<vmem_shared>> -> memref<10000x128xbf16, #tpu.memory_space<vmem_shared>>
      tpu.enqueue_indirect_dma source(%arg10 : memref<128x128xbf16, #tpu.memory_space<vmem>>) target(%dma_start3A_1398 : memref<10000x128xbf16, #tpu.memory_space<vmem_shared>>) offsets(%dma_start3A_1395 : memref<128xi32, #tpu.memory_space<vmem>>) semaphore(%arg23 : memref<!tpu.dma_semaphore, #tpu.memory_space<semaphore_mem>>) {add = true}
      %get3A_1399 = arith.constant 2 : i32
      %get3A_1400 = arith.index_cast %get3A_1399 : i32 to index
      %get3A_1401 = arith.constant 0 : index
      %get3A_1402 = tpu.vector_load %arg9[%get3A_1400, %get3A_1401] {strides = array<i32>} : memref<6x128xi32, #tpu.memory_space<vmem>>, vector<16xi32>,
      %broadcast_in_dim3A_1403 = arith.constant true
      %broadcast_in_dim3A_1404 = vector.broadcast %broadcast_in_dim3A_1403 : i1 to vector<16xi1>
      %unique3A_1405, %unique3A_1406 = tpu.scan_count mask(%broadcast_in_dim3A_1404 : vector<16xi1>) value(%get3A_1402 : vector<16xi32>) : vector<16xi1>, vector<16xi32>
      %shift_right_logical3A_1407 = arith.constant 4 : i32
      %shift_right_logical3A_1408 = vector.broadcast %shift_right_logical3A_1407 : i32 to vector<16xi32>
      %shift_right_logical3A_1409 = arith.shrui %get3A_1402, %shift_right_logical3A_1408 : vector<16xi32>
      %and3A_1410 = arith.constant 15 : i32
      %and3A_1411 = vector.broadcast %and3A_1410 : i32 to vector<16xi32>
      %and3A_1412 = arith.andi %get3A_1402, %and3A_1411 : vector<16xi32>
      tpu.vector_store_idx %arg14[%shift_right_logical3A_1409, %and3A_1412], %unique3A_1406 masked %unique3A_1405 {add = true} : memref<640x16xi32, #tpu.memory_space<vmem>>[vector<16xi32>, vector<16xi32>], vector<16xi32>, vector<16xi1>
      %get3A_1413 = arith.constant 2 : i32
      %get3A_1414 = arith.index_cast %get3A_1413 : i32 to index
      %get3A_1415 = arith.constant 16 : index
      %get3A_1416 = tpu.vector_load %arg9[%get3A_1414, %get3A_1415] {strides = array<i32>} : memref<6x128xi32, #tpu.memory_space<vmem>>, vector<16xi32>,
      %broadcast_in_dim3A_1417 = arith.constant true
      %broadcast_in_dim3A_1418 = vector.broadcast %broadcast_in_dim3A_1417 : i1 to vector<16xi1>
      %unique3A_1419, %unique3A_1420 = tpu.scan_count mask(%broadcast_in_dim3A_1418 : vector<16xi1>) value(%get3A_1416 : vector<16xi32>) : vector<16xi1>, vector<16xi32>
      %shift_right_logical3A_1421 = arith.constant 4 : i32
      %shift_right_logical3A_1422 = vector.broadcast %shift_right_logical3A_1421 : i32 to vector<16xi32>
      %shift_right_logical3A_1423 = arith.shrui %get3A_1416, %shift_right_logical3A_1422 : vector<16xi32>
      %and3A_1424 = arith.constant 15 : i32
      %and3A_1425 = vector.broadcast %and3A_1424 : i32 to vector<16xi32>
      %and3A_1426 = arith.andi %get3A_1416, %and3A_1425 : vector<16xi32>
      tpu.vector_store_idx %arg14[%shift_right_logical3A_1423, %and3A_1426], %unique3A_1420 masked %unique3A_1419 {add = true} : memref<640x16xi32, #tpu.memory_space<vmem>>[vector<16xi32>, vector<16xi32>], vector<16xi32>, vector<16xi1>
      %get3A_1427 = arith.constant 2 : i32
      %get3A_1428 = arith.index_cast %get3A_1427 : i32 to index
      %get3A_1429 = arith.constant 32 : index
      %get3A_1430 = tpu.vector_load %arg9[%get3A_1428, %get3A_1429] {strides = array<i32>} : memref<6x128xi32, #tpu.memory_space<vmem>>, vector<16xi32>,
      %broadcast_in_dim3A_1431 = arith.constant true
      %broadcast_in_dim3A_1432 = vector.broadcast %broadcast_in_dim3A_1431 : i1 to vector<16xi1>
      %unique3A_1433, %unique3A_1434 = tpu.scan_count mask(%broadcast_in_dim3A_1432 : vector<16xi1>) value(%get3A_1430 : vector<16xi32>) : vector<16xi1>, vector<16xi32>
      %shift_right_logical3A_1435 = arith.constant 4 : i32
      %shift_right_logical3A_1436 = vector.broadcast %shift_right_logical3A_1435 : i32 to vector<16xi32>
      %shift_right_logical3A_1437 = arith.shrui %get3A_1430, %shift_right_logical3A_1436 : vector<16xi32>
      %and3A_1438 = arith.constant 15 : i32
      %and3A_1439 = vector.broadcast %and3A_1438 : i32 to vector<16xi32>
      %and3A_1440 = arith.andi %get3A_1430, %and3A_1439 : vector<16xi32>
      tpu.vector_store_idx %arg14[%shift_right_logical3A_1437, %and3A_1440], %unique3A_1434 masked %unique3A_1433 {add = true} : memref<640x16xi32, #tpu.memory_space<vmem>>[vector<16xi32>, vector<16xi32>], vector<16xi32>, vector<16xi1>
      %get3A_1441 = arith.constant 2 : i32
      %get3A_1442 = arith.index_cast %get3A_1441 : i32 to index
      %get3A_1443 = arith.constant 48 : index
      %get3A_1444 = tpu.vector_load %arg9[%get3A_1442, %get3A_1443] {strides = array<i32>} : memref<6x128xi32, #tpu.memory_space<vmem>>, vector<16xi32>,
      %broadcast_in_dim3A_1445 = arith.constant true
      %broadcast_in_dim3A_1446 = vector.broadcast %broadcast_in_dim3A_1445 : i1 to vector<16xi1>
      %unique3A_1447, %unique3A_1448 = tpu.scan_count mask(%broadcast_in_dim3A_1446 : vector<16xi1>) value(%get3A_1444 : vector<16xi32>) : vector<16xi1>, vector<16xi32>
      %shift_right_logical3A_1449 = arith.constant 4 : i32
      %shift_right_logical3A_1450 = vector.broadcast %shift_right_logical3A_1449 : i32 to vector<16xi32>
      %shift_right_logical3A_1451 = arith.shrui %get3A_1444, %shift_right_logical3A_1450 : vector<16xi32>
      %and3A_1452 = arith.constant 15 : i32
      %and3A_1453 = vector.broadcast %and3A_1452 : i32 to vector<16xi32>
      %and3A_1454 = arith.andi %get3A_1444, %and3A_1453 : vector<16xi32>
      tpu.vector_store_idx %arg14[%shift_right_logical3A_1451, %and3A_1454], %unique3A_1448 masked %unique3A_1447 {add = true} : memref<640x16xi32, #tpu.memory_space<vmem>>[vector<16xi32>, vector<16xi32>], vector<16xi32>, vector<16xi1>
      %get3A_1455 = arith.constant 2 : i32
      %get3A_1456 = arith.index_cast %get3A_1455 : i32 to index
      %get3A_1457 = arith.constant 64 : index
      %get3A_1458 = tpu.vector_load %arg9[%get3A_1456, %get3A_1457] {strides = array<i32>} : memref<6x128xi32, #tpu.memory_space<vmem>>, vector<16xi32>,
      %broadcast_in_dim3A_1459 = arith.constant true
      %broadcast_in_dim3A_1460 = vector.broadcast %broadcast_in_dim3A_1459 : i1 to vector<16xi1>
      %unique3A_1461, %unique3A_1462 = tpu.scan_count mask(%broadcast_in_dim3A_1460 : vector<16xi1>) value(%get3A_1458 : vector<16xi32>) : vector<16xi1>, vector<16xi32>
      %shift_right_logical3A_1463 = arith.constant 4 : i32
      %shift_right_logical3A_1464 = vector.broadcast %shift_right_logical3A_1463 : i32 to vector<16xi32>
      %shift_right_logical3A_1465 = arith.shrui %get3A_1458, %shift_right_logical3A_1464 : vector<16xi32>
      %and3A_1466 = arith.constant 15 : i32
      %and3A_1467 = vector.broadcast %and3A_1466 : i32 to vector<16xi32>
      %and3A_1468 = arith.andi %get3A_1458, %and3A_1467 : vector<16xi32>
      tpu.vector_store_idx %arg14[%shift_right_logical3A_1465, %and3A_1468], %unique3A_1462 masked %unique3A_1461 {add = true} : memref<640x16xi32, #tpu.memory_space<vmem>>[vector<16xi32>, vector<16xi32>], vector<16xi32>, vector<16xi1>
      %get3A_1469 = arith.constant 2 : i32
      %get3A_1470 = arith.index_cast %get3A_1469 : i32 to index
      %get3A_1471 = arith.constant 80 : index
      %get3A_1472 = tpu.vector_load %arg9[%get3A_1470, %get3A_1471] {strides = array<i32>} : memref<6x128xi32, #tpu.memory_space<vmem>>, vector<16xi32>,
      %broadcast_in_dim3A_1473 = arith.constant true
      %broadcast_in_dim3A_1474 = vector.broadcast %broadcast_in_dim3A_1473 : i1 to vector<16xi1>
      %unique3A_1475, %unique3A_1476 = tpu.scan_count mask(%broadcast_in_dim3A_1474 : vector<16xi1>) value(%get3A_1472 : vector<16xi32>) : vector<16xi1>, vector<16xi32>
      %shift_right_logical3A_1477 = arith.constant 4 : i32
      %shift_right_logical3A_1478 = vector.broadcast %shift_right_logical3A_1477 : i32 to vector<16xi32>
      %shift_right_logical3A_1479 = arith.shrui %get3A_1472, %shift_right_logical3A_1478 : vector<16xi32>
      %and3A_1480 = arith.constant 15 : i32
      %and3A_1481 = vector.broadcast %and3A_1480 : i32 to vector<16xi32>
      %and3A_1482 = arith.andi %get3A_1472, %and3A_1481 : vector<16xi32>
      tpu.vector_store_idx %arg14[%shift_right_logical3A_1479, %and3A_1482], %unique3A_1476 masked %unique3A_1475 {add = true} : memref<640x16xi32, #tpu.memory_space<vmem>>[vector<16xi32>, vector<16xi32>], vector<16xi32>, vector<16xi1>
      %get3A_1483 = arith.constant 2 : i32
      %get3A_1484 = arith.index_cast %get3A_1483 : i32 to index
      %get3A_1485 = arith.constant 96 : index
      %get3A_1486 = tpu.vector_load %arg9[%get3A_1484, %get3A_1485] {strides = array<i32>} : memref<6x128xi32, #tpu.memory_space<vmem>>, vector<16xi32>,
      %broadcast_in_dim3A_1487 = arith.constant true
      %broadcast_in_dim3A_1488 = vector.broadcast %broadcast_in_dim3A_1487 : i1 to vector<16xi1>
      %unique3A_1489, %unique3A_1490 = tpu.scan_count mask(%broadcast_in_dim3A_1488 : vector<16xi1>) value(%get3A_1486 : vector<16xi32>) : vector<16xi1>, vector<16xi32>
      %shift_right_logical3A_1491 = arith.constant 4 : i32
      %shift_right_logical3A_1492 = vector.broadcast %shift_right_logical3A_1491 : i32 to vector<16xi32>
      %shift_right_logical3A_1493 = arith.shrui %get3A_1486, %shift_right_logical3A_1492 : vector<16xi32>
      %and3A_1494 = arith.constant 15 : i32
      %and3A_1495 = vector.broadcast %and3A_1494 : i32 to vector<16xi32>
      %and3A_1496 = arith.andi %get3A_1486, %and3A_1495 : vector<16xi32>
      tpu.vector_store_idx %arg14[%shift_right_logical3A_1493, %and3A_1496], %unique3A_1490 masked %unique3A_1489 {add = true} : memref<640x16xi32, #tpu.memory_space<vmem>>[vector<16xi32>, vector<16xi32>], vector<16xi32>, vector<16xi1>
      %get3A_1497 = arith.constant 2 : i32
      %get3A_1498 = arith.index_cast %get3A_1497 : i32 to index
      %get3A_1499 = arith.constant 112 : index
      %get3A_1500 = tpu.vector_load %arg9[%get3A_1498, %get3A_1499] {strides = array<i32>} : memref<6x128xi32, #tpu.memory_space<vmem>>, vector<16xi32>,
      %broadcast_in_dim3A_1501 = arith.constant true
      %broadcast_in_dim3A_1502 = vector.broadcast %broadcast_in_dim3A_1501 : i1 to vector<16xi1>
      %unique3A_1503, %unique3A_1504 = tpu.scan_count mask(%broadcast_in_dim3A_1502 : vector<16xi1>) value(%get3A_1500 : vector<16xi32>) : vector<16xi1>, vector<16xi32>
      %shift_right_logical3A_1505 = arith.constant 4 : i32
      %shift_right_logical3A_1506 = vector.broadcast %shift_right_logical3A_1505 : i32 to vector<16xi32>
      %shift_right_logical3A_1507 = arith.shrui %get3A_1500, %shift_right_logical3A_1506 : vector<16xi32>
      %and3A_1508 = arith.constant 15 : i32
      %and3A_1509 = vector.broadcast %and3A_1508 : i32 to vector<16xi32>
      %and3A_1510 = arith.andi %get3A_1500, %and3A_1509 : vector<16xi32>
      tpu.vector_store_idx %arg14[%shift_right_logical3A_1507, %and3A_1510], %unique3A_1504 masked %unique3A_1503 {add = true} : memref<640x16xi32, #tpu.memory_space<vmem>>[vector<16xi32>, vector<16xi32>], vector<16xi32>, vector<16xi1>
      %dma_wait3A_1511 = arith.constant 0 : i32
      %dma_wait3A_1512 = arith.constant 0 : i32
      %dma_wait3A_1513 = tpu.memref_slice %arg8[%dma_wait3A_1511, %dma_wait3A_1512] : memref<6x128xi32, #tpu.memory_space<vmem>> -> memref<1x128xi32, #tpu.memory_space<vmem>>
      %dma_wait3A_1514 = tpu.memref_squeeze %dma_wait3A_1513 : memref<1x128xi32, #tpu.memory_space<vmem>> -> memref<128xi32, #tpu.memory_space<vmem>>
      %dma_wait3A_1515 = arith.constant 0 : i32
      %dma_wait3A_1516 = arith.constant 0 : i32
      %dma_wait3A_1517 = tpu.memref_slice %arg17[%dma_wait3A_1515, %dma_wait3A_1516] : memref<10000x128xbf16, #tpu.memory_space<vmem_shared>> -> memref<10000x128xbf16, #tpu.memory_space<vmem_shared>>
      tpu.wait_indirect_dma semaphore(%arg23 : memref<!tpu.dma_semaphore, #tpu.memory_space<semaphore_mem>>) src(%arg10 : memref<128x128xbf16, #tpu.memory_space<vmem>>) dst(%dma_wait3A_1517 : memref<10000x128xbf16, #tpu.memory_space<vmem_shared>>)
      %add3A_1518 = arith.constant 1 : i32
      %add3A_1519 = arith.addi %add3A_1077, %add3A_1518 : i32
      %lt3A_1520 = arith.constant 26 : i32
      %lt3A_1521 = arith.cmpi slt, %add3A_1519, %lt3A_1520 : i32
      %convert_element_type3A_1522 = arith.extui %lt3A_1521 : i1 to i32
      %cond3A_1523 = arith.constant 0 : i32
      %cond3A_1524 = arith.cmpi ne, %convert_element_type3A_1522, %cond3A_1523 : i32
      scf.if %cond3A_1524 {
        %dma_wait3A_1965 = arith.constant 0 : i32
        %dma_wait3A_1966 = arith.constant 0 : i32
        %dma_wait3A_1967 = arith.constant 0 : i32
        %dma_wait3A_1968 = arith.constant 0 : i32
        %dma_wait3A_1969 = tpu.memref_slice %arg3[%dma_wait3A_1965, %dma_wait3A_1966, %dma_wait3A_1967, %dma_wait3A_1968] : memref<2x2x2500x128xi32, #tpu.memory_space<hbm>> -> memref<1x1x6x128xi32, #tpu.memory_space<hbm>>
        %dma_wait3A_1970 = tpu.memref_squeeze %dma_wait3A_1969 : memref<1x1x6x128xi32, #tpu.memory_space<hbm>> -> memref<6x128xi32, #tpu.memory_space<hbm>>
        %dma_wait3A_1971 = arith.constant 0 : i32
        %dma_wait3A_1972 = arith.constant 0 : i32
        %dma_wait3A_1973 = tpu.memref_slice %arg3[%dma_wait3A_1965, %dma_wait3A_1966, %dma_wait3A_1971, %dma_wait3A_1972] : memref<2x2x2500x128xi32, #tpu.memory_space<hbm>> -> memref<1x1x6x128xi32, #tpu.memory_space<hbm>>
        %dma_wait3A_1974 = tpu.memref_squeeze %dma_wait3A_1973 : memref<1x1x6x128xi32, #tpu.memory_space<hbm>> -> memref<6x128xi32, #tpu.memory_space<hbm>>
        tpu.wait_dma2 semaphore(%arg27 : memref<!tpu.dma_semaphore, #tpu.memory_space<semaphore_mem>>) src(%dma_wait3A_1974 : memref<6x128xi32, #tpu.memory_space<hbm>>) dst(%arg6 : memref<6x128xi32, #tpu.memory_space<vmem>>)
        %dma_wait3A_1975 = arith.constant 0 : i32
        %dma_wait3A_1976 = arith.constant 1 : i32
        %dma_wait3A_1977 = arith.constant 0 : i32
        %dma_wait3A_1978 = arith.constant 0 : i32
        %dma_wait3A_1979 = tpu.memref_slice %arg3[%dma_wait3A_1975, %dma_wait3A_1976, %dma_wait3A_1977, %dma_wait3A_1978] : memref<2x2x2500x128xi32, #tpu.memory_space<hbm>> -> memref<1x1x6x128xi32, #tpu.memory_space<hbm>>
        %dma_wait3A_1980 = tpu.memref_squeeze %dma_wait3A_1979 : memref<1x1x6x128xi32, #tpu.memory_space<hbm>> -> memref<6x128xi32, #tpu.memory_space<hbm>>
        %dma_wait3A_1981 = arith.constant 0 : i32
        %dma_wait3A_1982 = arith.constant 0 : i32
        %dma_wait3A_1983 = tpu.memref_slice %arg3[%dma_wait3A_1975, %dma_wait3A_1976, %dma_wait3A_1981, %dma_wait3A_1982] : memref<2x2x2500x128xi32, #tpu.memory_space<hbm>> -> memref<1x1x6x128xi32, #tpu.memory_space<hbm>>
        %dma_wait3A_1984 = tpu.memref_squeeze %dma_wait3A_1983 : memref<1x1x6x128xi32, #tpu.memory_space<hbm>> -> memref<6x128xi32, #tpu.memory_space<hbm>>
        tpu.wait_dma2 semaphore(%arg27 : memref<!tpu.dma_semaphore, #tpu.memory_space<semaphore_mem>>) src(%dma_wait3A_1984 : memref<6x128xi32, #tpu.memory_space<hbm>>) dst(%arg8 : memref<6x128xi32, #tpu.memory_space<vmem>>)
      } else {
      }
      %add3A_1525 = arith.constant 1 : i32
      %add3A_1526 = arith.addi %add3A_1077, %add3A_1525 : i32
      %lt3A_1527 = arith.constant 26 : i32
      %lt3A_1528 = arith.cmpi slt, %add3A_1526, %lt3A_1527 : i32
      %convert_element_type3A_1529 = arith.extui %lt3A_1528 : i1 to i32
      %cond3A_1530 = arith.constant 0 : i32
      %cond3A_1531 = arith.cmpi ne, %convert_element_type3A_1529, %cond3A_1530 : i32
      scf.if %cond3A_1531 {
        %dma_start3A_1965 = arith.constant 0 : i32
        %dma_start3A_1966 = arith.constant 0 : i32
        %dma_start3A_1967 = tpu.memref_slice %arg6[%dma_start3A_1965, %dma_start3A_1966] : memref<6x128xi32, #tpu.memory_space<vmem>> -> memref<1x128xi32, #tpu.memory_space<vmem>>
        %dma_start3A_1968 = tpu.memref_squeeze %dma_start3A_1967 : memref<1x128xi32, #tpu.memory_space<vmem>> -> memref<128xi32, #tpu.memory_space<vmem>>
        %dma_start3A_1969 = arith.constant 0 : i32
        %dma_start3A_1970 = arith.constant 0 : i32
        %dma_start3A_1971 = tpu.memref_slice %arg2[%arg0, %dma_start3A_1969, %dma_start3A_1970] : memref<2x10000x128xbf16, #tpu.memory_space<hbm>> -> memref<1x10000x128xbf16, #tpu.memory_space<hbm>>
        %dma_start3A_1972 = tpu.memref_squeeze %dma_start3A_1971 : memref<1x10000x128xbf16, #tpu.memory_space<hbm>> -> memref<10000x128xbf16, #tpu.memory_space<hbm>>
        %dma_start3A_1973 = arith.constant 0 : i32
        %dma_start3A_1974 = arith.constant 0 : i32
        %dma_start3A_1975 = tpu.memref_slice %dma_start3A_1972[%dma_start3A_1973, %dma_start3A_1974] : memref<10000x128xbf16, #tpu.memory_space<hbm>> -> memref<10000x128xbf16, #tpu.memory_space<hbm>>
        tpu.enqueue_indirect_dma source(%dma_start3A_1975 : memref<10000x128xbf16, #tpu.memory_space<hbm>>) target(%arg10 : memref<128x128xbf16, #tpu.memory_space<vmem>>) offsets(%dma_start3A_1968 : memref<128xi32, #tpu.memory_space<vmem>>) semaphore(%arg19 : memref<!tpu.dma_semaphore, #tpu.memory_space<semaphore_mem>>)
      } else {
      }
      %dma_wait3A_1532 = arith.constant 0 : i32
      %dma_wait3A_1533 = arith.constant 0 : i32
      %dma_wait3A_1534 = tpu.memref_slice %arg6[%dma_wait3A_1532, %dma_wait3A_1533] : memref<6x128xi32, #tpu.memory_space<vmem>> -> memref<1x128xi32, #tpu.memory_space<vmem>>
      %dma_wait3A_1535 = tpu.memref_squeeze %dma_wait3A_1534 : memref<1x128xi32, #tpu.memory_space<vmem>> -> memref<128xi32, #tpu.memory_space<vmem>>
      %dma_wait3A_1536 = arith.constant 0 : i32
      %dma_wait3A_1537 = arith.constant 0 : i32
      %dma_wait3A_1538 = tpu.memref_slice %arg2[%arg0, %dma_wait3A_1536, %dma_wait3A_1537] : memref<2x10000x128xbf16, #tpu.memory_space<hbm>> -> memref<1x10000x128xbf16, #tpu.memory_space<hbm>>
      %dma_wait3A_1539 = tpu.memref_squeeze %dma_wait3A_1538 : memref<1x10000x128xbf16, #tpu.memory_space<hbm>> -> memref<10000x128xbf16, #tpu.memory_space<hbm>>
      %dma_wait3A_1540 = arith.constant 0 : i32
      %dma_wait3A_1541 = arith.constant 0 : i32
      %dma_wait3A_1542 = tpu.memref_slice %dma_wait3A_1539[%dma_wait3A_1540, %dma_wait3A_1541] : memref<10000x128xbf16, #tpu.memory_space<hbm>> -> memref<10000x128xbf16, #tpu.memory_space<hbm>>
      tpu.wait_indirect_dma semaphore(%arg20 : memref<!tpu.dma_semaphore, #tpu.memory_space<semaphore_mem>>) src(%dma_wait3A_1542 : memref<10000x128xbf16, #tpu.memory_space<hbm>>) dst(%arg11 : memref<128x128xbf16, #tpu.memory_space<vmem>>)
      %dma_start3A_1543 = arith.constant 3 : i32
      %dma_start3A_1544 = arith.constant 0 : i32
      %dma_start3A_1545 = tpu.memref_slice %arg9[%dma_start3A_1543, %dma_start3A_1544] : memref<6x128xi32, #tpu.memory_space<vmem>> -> memref<1x128xi32, #tpu.memory_space<vmem>>
      %dma_start3A_1546 = tpu.memref_squeeze %dma_start3A_1545 : memref<1x128xi32, #tpu.memory_space<vmem>> -> memref<128xi32, #tpu.memory_space<vmem>>
      %dma_start3A_1547 = arith.constant 0 : i32
      %dma_start3A_1548 = arith.constant 0 : i32
      %dma_start3A_1549 = tpu.memref_slice %arg17[%dma_start3A_1547, %dma_start3A_1548] : memref<10000x128xbf16, #tpu.memory_space<vmem_shared>> -> memref<10000x128xbf16, #tpu.memory_space<vmem_shared>>
      tpu.enqueue_indirect_dma source(%arg11 : memref<128x128xbf16, #tpu.memory_space<vmem>>) target(%dma_start3A_1549 : memref<10000x128xbf16, #tpu.memory_space<vmem_shared>>) offsets(%dma_start3A_1546 : memref<128xi32, #tpu.memory_space<vmem>>) semaphore(%arg24 : memref<!tpu.dma_semaphore, #tpu.memory_space<semaphore_mem>>) {add = true}
      %get3A_1550 = arith.constant 3 : i32
      %get3A_1551 = arith.index_cast %get3A_1550 : i32 to index
      %get3A_1552 = arith.constant 0 : index
      %get3A_1553 = tpu.vector_load %arg9[%get3A_1551, %get3A_1552] {strides = array<i32>} : memref<6x128xi32, #tpu.memory_space<vmem>>, vector<16xi32>,
      %broadcast_in_dim3A_1554 = arith.constant true
      %broadcast_in_dim3A_1555 = vector.broadcast %broadcast_in_dim3A_1554 : i1 to vector<16xi1>
      %unique3A_1556, %unique3A_1557 = tpu.scan_count mask(%broadcast_in_dim3A_1555 : vector<16xi1>) value(%get3A_1553 : vector<16xi32>) : vector<16xi1>, vector<16xi32>
      %shift_right_logical3A_1558 = arith.constant 4 : i32
      %shift_right_logical3A_1559 = vector.broadcast %shift_right_logical3A_1558 : i32 to vector<16xi32>
      %shift_right_logical3A_1560 = arith.shrui %get3A_1553, %shift_right_logical3A_1559 : vector<16xi32>
      %and3A_1561 = arith.constant 15 : i32
      %and3A_1562 = vector.broadcast %and3A_1561 : i32 to vector<16xi32>
      %and3A_1563 = arith.andi %get3A_1553, %and3A_1562 : vector<16xi32>
      tpu.vector_store_idx %arg14[%shift_right_logical3A_1560, %and3A_1563], %unique3A_1557 masked %unique3A_1556 {add = true} : memref<640x16xi32, #tpu.memory_space<vmem>>[vector<16xi32>, vector<16xi32>], vector<16xi32>, vector<16xi1>
      %get3A_1564 = arith.constant 3 : i32
      %get3A_1565 = arith.index_cast %get3A_1564 : i32 to index
      %get3A_1566 = arith.constant 16 : index
      %get3A_1567 = tpu.vector_load %arg9[%get3A_1565, %get3A_1566] {strides = array<i32>} : memref<6x128xi32, #tpu.memory_space<vmem>>, vector<16xi32>,
      %broadcast_in_dim3A_1568 = arith.constant true
      %broadcast_in_dim3A_1569 = vector.broadcast %broadcast_in_dim3A_1568 : i1 to vector<16xi1>
      %unique3A_1570, %unique3A_1571 = tpu.scan_count mask(%broadcast_in_dim3A_1569 : vector<16xi1>) value(%get3A_1567 : vector<16xi32>) : vector<16xi1>, vector<16xi32>
      %shift_right_logical3A_1572 = arith.constant 4 : i32
      %shift_right_logical3A_1573 = vector.broadcast %shift_right_logical3A_1572 : i32 to vector<16xi32>
      %shift_right_logical3A_1574 = arith.shrui %get3A_1567, %shift_right_logical3A_1573 : vector<16xi32>
      %and3A_1575 = arith.constant 15 : i32
      %and3A_1576 = vector.broadcast %and3A_1575 : i32 to vector<16xi32>
      %and3A_1577 = arith.andi %get3A_1567, %and3A_1576 : vector<16xi32>
      tpu.vector_store_idx %arg14[%shift_right_logical3A_1574, %and3A_1577], %unique3A_1571 masked %unique3A_1570 {add = true} : memref<640x16xi32, #tpu.memory_space<vmem>>[vector<16xi32>, vector<16xi32>], vector<16xi32>, vector<16xi1>
      %get3A_1578 = arith.constant 3 : i32
      %get3A_1579 = arith.index_cast %get3A_1578 : i32 to index
      %get3A_1580 = arith.constant 32 : index
      %get3A_1581 = tpu.vector_load %arg9[%get3A_1579, %get3A_1580] {strides = array<i32>} : memref<6x128xi32, #tpu.memory_space<vmem>>, vector<16xi32>,
      %broadcast_in_dim3A_1582 = arith.constant true
      %broadcast_in_dim3A_1583 = vector.broadcast %broadcast_in_dim3A_1582 : i1 to vector<16xi1>
      %unique3A_1584, %unique3A_1585 = tpu.scan_count mask(%broadcast_in_dim3A_1583 : vector<16xi1>) value(%get3A_1581 : vector<16xi32>) : vector<16xi1>, vector<16xi32>
      %shift_right_logical3A_1586 = arith.constant 4 : i32
      %shift_right_logical3A_1587 = vector.broadcast %shift_right_logical3A_1586 : i32 to vector<16xi32>
      %shift_right_logical3A_1588 = arith.shrui %get3A_1581, %shift_right_logical3A_1587 : vector<16xi32>
      %and3A_1589 = arith.constant 15 : i32
      %and3A_1590 = vector.broadcast %and3A_1589 : i32 to vector<16xi32>
      %and3A_1591 = arith.andi %get3A_1581, %and3A_1590 : vector<16xi32>
      tpu.vector_store_idx %arg14[%shift_right_logical3A_1588, %and3A_1591], %unique3A_1585 masked %unique3A_1584 {add = true} : memref<640x16xi32, #tpu.memory_space<vmem>>[vector<16xi32>, vector<16xi32>], vector<16xi32>, vector<16xi1>
      %get3A_1592 = arith.constant 3 : i32
      %get3A_1593 = arith.index_cast %get3A_1592 : i32 to index
      %get3A_1594 = arith.constant 48 : index
      %get3A_1595 = tpu.vector_load %arg9[%get3A_1593, %get3A_1594] {strides = array<i32>} : memref<6x128xi32, #tpu.memory_space<vmem>>, vector<16xi32>,
      %broadcast_in_dim3A_1596 = arith.constant true
      %broadcast_in_dim3A_1597 = vector.broadcast %broadcast_in_dim3A_1596 : i1 to vector<16xi1>
      %unique3A_1598, %unique3A_1599 = tpu.scan_count mask(%broadcast_in_dim3A_1597 : vector<16xi1>) value(%get3A_1595 : vector<16xi32>) : vector<16xi1>, vector<16xi32>
      %shift_right_logical3A_1600 = arith.constant 4 : i32
      %shift_right_logical3A_1601 = vector.broadcast %shift_right_logical3A_1600 : i32 to vector<16xi32>
      %shift_right_logical3A_1602 = arith.shrui %get3A_1595, %shift_right_logical3A_1601 : vector<16xi32>
      %and3A_1603 = arith.constant 15 : i32
      %and3A_1604 = vector.broadcast %and3A_1603 : i32 to vector<16xi32>
      %and3A_1605 = arith.andi %get3A_1595, %and3A_1604 : vector<16xi32>
      tpu.vector_store_idx %arg14[%shift_right_logical3A_1602, %and3A_1605], %unique3A_1599 masked %unique3A_1598 {add = true} : memref<640x16xi32, #tpu.memory_space<vmem>>[vector<16xi32>, vector<16xi32>], vector<16xi32>, vector<16xi1>
      %get3A_1606 = arith.constant 3 : i32
      %get3A_1607 = arith.index_cast %get3A_1606 : i32 to index
      %get3A_1608 = arith.constant 64 : index
      %get3A_1609 = tpu.vector_load %arg9[%get3A_1607, %get3A_1608] {strides = array<i32>} : memref<6x128xi32, #tpu.memory_space<vmem>>, vector<16xi32>,
      %broadcast_in_dim3A_1610 = arith.constant true
      %broadcast_in_dim3A_1611 = vector.broadcast %broadcast_in_dim3A_1610 : i1 to vector<16xi1>
      %unique3A_1612, %unique3A_1613 = tpu.scan_count mask(%broadcast_in_dim3A_1611 : vector<16xi1>) value(%get3A_1609 : vector<16xi32>) : vector<16xi1>, vector<16xi32>
      %shift_right_logical3A_1614 = arith.constant 4 : i32
      %shift_right_logical3A_1615 = vector.broadcast %shift_right_logical3A_1614 : i32 to vector<16xi32>
      %shift_right_logical3A_1616 = arith.shrui %get3A_1609, %shift_right_logical3A_1615 : vector<16xi32>
      %and3A_1617 = arith.constant 15 : i32
      %and3A_1618 = vector.broadcast %and3A_1617 : i32 to vector<16xi32>
      %and3A_1619 = arith.andi %get3A_1609, %and3A_1618 : vector<16xi32>
      tpu.vector_store_idx %arg14[%shift_right_logical3A_1616, %and3A_1619], %unique3A_1613 masked %unique3A_1612 {add = true} : memref<640x16xi32, #tpu.memory_space<vmem>>[vector<16xi32>, vector<16xi32>], vector<16xi32>, vector<16xi1>
      %get3A_1620 = arith.constant 3 : i32
      %get3A_1621 = arith.index_cast %get3A_1620 : i32 to index
      %get3A_1622 = arith.constant 80 : index
      %get3A_1623 = tpu.vector_load %arg9[%get3A_1621, %get3A_1622] {strides = array<i32>} : memref<6x128xi32, #tpu.memory_space<vmem>>, vector<16xi32>,
      %broadcast_in_dim3A_1624 = arith.constant true
      %broadcast_in_dim3A_1625 = vector.broadcast %broadcast_in_dim3A_1624 : i1 to vector<16xi1>
      %unique3A_1626, %unique3A_1627 = tpu.scan_count mask(%broadcast_in_dim3A_1625 : vector<16xi1>) value(%get3A_1623 : vector<16xi32>) : vector<16xi1>, vector<16xi32>
      %shift_right_logical3A_1628 = arith.constant 4 : i32
      %shift_right_logical3A_1629 = vector.broadcast %shift_right_logical3A_1628 : i32 to vector<16xi32>
      %shift_right_logical3A_1630 = arith.shrui %get3A_1623, %shift_right_logical3A_1629 : vector<16xi32>
      %and3A_1631 = arith.constant 15 : i32
      %and3A_1632 = vector.broadcast %and3A_1631 : i32 to vector<16xi32>
      %and3A_1633 = arith.andi %get3A_1623, %and3A_1632 : vector<16xi32>
      tpu.vector_store_idx %arg14[%shift_right_logical3A_1630, %and3A_1633], %unique3A_1627 masked %unique3A_1626 {add = true} : memref<640x16xi32, #tpu.memory_space<vmem>>[vector<16xi32>, vector<16xi32>], vector<16xi32>, vector<16xi1>
      %get3A_1634 = arith.constant 3 : i32
      %get3A_1635 = arith.index_cast %get3A_1634 : i32 to index
      %get3A_1636 = arith.constant 96 : index
      %get3A_1637 = tpu.vector_load %arg9[%get3A_1635, %get3A_1636] {strides = array<i32>} : memref<6x128xi32, #tpu.memory_space<vmem>>, vector<16xi32>,
      %broadcast_in_dim3A_1638 = arith.constant true
      %broadcast_in_dim3A_1639 = vector.broadcast %broadcast_in_dim3A_1638 : i1 to vector<16xi1>
      %unique3A_1640, %unique3A_1641 = tpu.scan_count mask(%broadcast_in_dim3A_1639 : vector<16xi1>) value(%get3A_1637 : vector<16xi32>) : vector<16xi1>, vector<16xi32>
      %shift_right_logical3A_1642 = arith.constant 4 : i32
      %shift_right_logical3A_1643 = vector.broadcast %shift_right_logical3A_1642 : i32 to vector<16xi32>
      %shift_right_logical3A_1644 = arith.shrui %get3A_1637, %shift_right_logical3A_1643 : vector<16xi32>
      %and3A_1645 = arith.constant 15 : i32
      %and3A_1646 = vector.broadcast %and3A_1645 : i32 to vector<16xi32>
      %and3A_1647 = arith.andi %get3A_1637, %and3A_1646 : vector<16xi32>
      tpu.vector_store_idx %arg14[%shift_right_logical3A_1644, %and3A_1647], %unique3A_1641 masked %unique3A_1640 {add = true} : memref<640x16xi32, #tpu.memory_space<vmem>>[vector<16xi32>, vector<16xi32>], vector<16xi32>, vector<16xi1>
      %get3A_1648 = arith.constant 3 : i32
      %get3A_1649 = arith.index_cast %get3A_1648 : i32 to index
      %get3A_1650 = arith.constant 112 : index
      %get3A_1651 = tpu.vector_load %arg9[%get3A_1649, %get3A_1650] {strides = array<i32>} : memref<6x128xi32, #tpu.memory_space<vmem>>, vector<16xi32>,
      %broadcast_in_dim3A_1652 = arith.constant true
      %broadcast_in_dim3A_1653 = vector.broadcast %broadcast_in_dim3A_1652 : i1 to vector<16xi1>
      %unique3A_1654, %unique3A_1655 = tpu.scan_count mask(%broadcast_in_dim3A_1653 : vector<16xi1>) value(%get3A_1651 : vector<16xi32>) : vector<16xi1>, vector<16xi32>
      %shift_right_logical3A_1656 = arith.constant 4 : i32
      %shift_right_logical3A_1657 = vector.broadcast %shift_right_logical3A_1656 : i32 to vector<16xi32>
      %shift_right_logical3A_1658 = arith.shrui %get3A_1651, %shift_right_logical3A_1657 : vector<16xi32>
      %and3A_1659 = arith.constant 15 : i32
      %and3A_1660 = vector.broadcast %and3A_1659 : i32 to vector<16xi32>
      %and3A_1661 = arith.andi %get3A_1651, %and3A_1660 : vector<16xi32>
      tpu.vector_store_idx %arg14[%shift_right_logical3A_1658, %and3A_1661], %unique3A_1655 masked %unique3A_1654 {add = true} : memref<640x16xi32, #tpu.memory_space<vmem>>[vector<16xi32>, vector<16xi32>], vector<16xi32>, vector<16xi1>
      %dma_wait3A_1662 = arith.constant 0 : i32
      %dma_wait3A_1663 = arith.constant 0 : i32
      %dma_wait3A_1664 = tpu.memref_slice %arg8[%dma_wait3A_1662, %dma_wait3A_1663] : memref<6x128xi32, #tpu.memory_space<vmem>> -> memref<1x128xi32, #tpu.memory_space<vmem>>
      %dma_wait3A_1665 = tpu.memref_squeeze %dma_wait3A_1664 : memref<1x128xi32, #tpu.memory_space<vmem>> -> memref<128xi32, #tpu.memory_space<vmem>>
      %dma_wait3A_1666 = arith.constant 0 : i32
      %dma_wait3A_1667 = arith.constant 0 : i32
      %dma_wait3A_1668 = tpu.memref_slice %arg17[%dma_wait3A_1666, %dma_wait3A_1667] : memref<10000x128xbf16, #tpu.memory_space<vmem_shared>> -> memref<10000x128xbf16, #tpu.memory_space<vmem_shared>>
      tpu.wait_indirect_dma semaphore(%arg24 : memref<!tpu.dma_semaphore, #tpu.memory_space<semaphore_mem>>) src(%arg11 : memref<128x128xbf16, #tpu.memory_space<vmem>>) dst(%dma_wait3A_1668 : memref<10000x128xbf16, #tpu.memory_space<vmem_shared>>)
      %add3A_1669 = arith.constant 1 : i32
      %add3A_1670 = arith.addi %add3A_1077, %add3A_1669 : i32
      %lt3A_1671 = arith.constant 26 : i32
      %lt3A_1672 = arith.cmpi slt, %add3A_1670, %lt3A_1671 : i32
      %convert_element_type3A_1673 = arith.extui %lt3A_1672 : i1 to i32
      %cond3A_1674 = arith.constant 0 : i32
      %cond3A_1675 = arith.cmpi ne, %convert_element_type3A_1673, %cond3A_1674 : i32
      scf.if %cond3A_1675 {
        %dma_start3A_1965 = arith.constant 1 : i32
        %dma_start3A_1966 = arith.constant 0 : i32
        %dma_start3A_1967 = tpu.memref_slice %arg6[%dma_start3A_1965, %dma_start3A_1966] : memref<6x128xi32, #tpu.memory_space<vmem>> -> memref<1x128xi32, #tpu.memory_space<vmem>>
        %dma_start3A_1968 = tpu.memref_squeeze %dma_start3A_1967 : memref<1x128xi32, #tpu.memory_space<vmem>> -> memref<128xi32, #tpu.memory_space<vmem>>
        %dma_start3A_1969 = arith.constant 0 : i32
        %dma_start3A_1970 = arith.constant 0 : i32
        %dma_start3A_1971 = tpu.memref_slice %arg2[%arg0, %dma_start3A_1969, %dma_start3A_1970] : memref<2x10000x128xbf16, #tpu.memory_space<hbm>> -> memref<1x10000x128xbf16, #tpu.memory_space<hbm>>
        %dma_start3A_1972 = tpu.memref_squeeze %dma_start3A_1971 : memref<1x10000x128xbf16, #tpu.memory_space<hbm>> -> memref<10000x128xbf16, #tpu.memory_space<hbm>>
        %dma_start3A_1973 = arith.constant 0 : i32
        %dma_start3A_1974 = arith.constant 0 : i32
        %dma_start3A_1975 = tpu.memref_slice %dma_start3A_1972[%dma_start3A_1973, %dma_start3A_1974] : memref<10000x128xbf16, #tpu.memory_space<hbm>> -> memref<10000x128xbf16, #tpu.memory_space<hbm>>
        tpu.enqueue_indirect_dma source(%dma_start3A_1975 : memref<10000x128xbf16, #tpu.memory_space<hbm>>) target(%arg11 : memref<128x128xbf16, #tpu.memory_space<vmem>>) offsets(%dma_start3A_1968 : memref<128xi32, #tpu.memory_space<vmem>>) semaphore(%arg20 : memref<!tpu.dma_semaphore, #tpu.memory_space<semaphore_mem>>)
      } else {
      }
      %dma_wait3A_1676 = arith.constant 0 : i32
      %dma_wait3A_1677 = arith.constant 0 : i32
      %dma_wait3A_1678 = tpu.memref_slice %arg6[%dma_wait3A_1676, %dma_wait3A_1677] : memref<6x128xi32, #tpu.memory_space<vmem>> -> memref<1x128xi32, #tpu.memory_space<vmem>>
      %dma_wait3A_1679 = tpu.memref_squeeze %dma_wait3A_1678 : memref<1x128xi32, #tpu.memory_space<vmem>> -> memref<128xi32, #tpu.memory_space<vmem>>
      %dma_wait3A_1680 = arith.constant 0 : i32
      %dma_wait3A_1681 = arith.constant 0 : i32
      %dma_wait3A_1682 = tpu.memref_slice %arg2[%arg0, %dma_wait3A_1680, %dma_wait3A_1681] : memref<2x10000x128xbf16, #tpu.memory_space<hbm>> -> memref<1x10000x128xbf16, #tpu.memory_space<hbm>>
      %dma_wait3A_1683 = tpu.memref_squeeze %dma_wait3A_1682 : memref<1x10000x128xbf16, #tpu.memory_space<hbm>> -> memref<10000x128xbf16, #tpu.memory_space<hbm>>
      %dma_wait3A_1684 = arith.constant 0 : i32
      %dma_wait3A_1685 = arith.constant 0 : i32
      %dma_wait3A_1686 = tpu.memref_slice %dma_wait3A_1683[%dma_wait3A_1684, %dma_wait3A_1685] : memref<10000x128xbf16, #tpu.memory_space<hbm>> -> memref<10000x128xbf16, #tpu.memory_space<hbm>>
      tpu.wait_indirect_dma semaphore(%arg21 : memref<!tpu.dma_semaphore, #tpu.memory_space<semaphore_mem>>) src(%dma_wait3A_1686 : memref<10000x128xbf16, #tpu.memory_space<hbm>>) dst(%arg12 : memref<128x128xbf16, #tpu.memory_space<vmem>>)
      %dma_start3A_1687 = arith.constant 4 : i32
      %dma_start3A_1688 = arith.constant 0 : i32
      %dma_start3A_1689 = tpu.memref_slice %arg9[%dma_start3A_1687, %dma_start3A_1688] : memref<6x128xi32, #tpu.memory_space<vmem>> -> memref<1x128xi32, #tpu.memory_space<vmem>>
      %dma_start3A_1690 = tpu.memref_squeeze %dma_start3A_1689 : memref<1x128xi32, #tpu.memory_space<vmem>> -> memref<128xi32, #tpu.memory_space<vmem>>
      %dma_start3A_1691 = arith.constant 0 : i32
      %dma_start3A_1692 = arith.constant 0 : i32
      %dma_start3A_1693 = tpu.memref_slice %arg17[%dma_start3A_1691, %dma_start3A_1692] : memref<10000x128xbf16, #tpu.memory_space<vmem_shared>> -> memref<10000x128xbf16, #tpu.memory_space<vmem_shared>>
      tpu.enqueue_indirect_dma source(%arg12 : memref<128x128xbf16, #tpu.memory_space<vmem>>) target(%dma_start3A_1693 : memref<10000x128xbf16, #tpu.memory_space<vmem_shared>>) offsets(%dma_start3A_1690 : memref<128xi32, #tpu.memory_space<vmem>>) semaphore(%arg25 : memref<!tpu.dma_semaphore, #tpu.memory_space<semaphore_mem>>) {add = true}
      %get3A_1694 = arith.constant 4 : i32
      %get3A_1695 = arith.index_cast %get3A_1694 : i32 to index
      %get3A_1696 = arith.constant 0 : index
      %get3A_1697 = tpu.vector_load %arg9[%get3A_1695, %get3A_1696] {strides = array<i32>} : memref<6x128xi32, #tpu.memory_space<vmem>>, vector<16xi32>,
      %broadcast_in_dim3A_1698 = arith.constant true
      %broadcast_in_dim3A_1699 = vector.broadcast %broadcast_in_dim3A_1698 : i1 to vector<16xi1>
      %unique3A_1700, %unique3A_1701 = tpu.scan_count mask(%broadcast_in_dim3A_1699 : vector<16xi1>) value(%get3A_1697 : vector<16xi32>) : vector<16xi1>, vector<16xi32>
      %shift_right_logical3A_1702 = arith.constant 4 : i32
      %shift_right_logical3A_1703 = vector.broadcast %shift_right_logical3A_1702 : i32 to vector<16xi32>
      %shift_right_logical3A_1704 = arith.shrui %get3A_1697, %shift_right_logical3A_1703 : vector<16xi32>
      %and3A_1705 = arith.constant 15 : i32
      %and3A_1706 = vector.broadcast %and3A_1705 : i32 to vector<16xi32>
      %and3A_1707 = arith.andi %get3A_1697, %and3A_1706 : vector<16xi32>
      tpu.vector_store_idx %arg14[%shift_right_logical3A_1704, %and3A_1707], %unique3A_1701 masked %unique3A_1700 {add = true} : memref<640x16xi32, #tpu.memory_space<vmem>>[vector<16xi32>, vector<16xi32>], vector<16xi32>, vector<16xi1>
      %get3A_1708 = arith.constant 4 : i32
      %get3A_1709 = arith.index_cast %get3A_1708 : i32 to index
      %get3A_1710 = arith.constant 16 : index
      %get3A_1711 = tpu.vector_load %arg9[%get3A_1709, %get3A_1710] {strides = array<i32>} : memref<6x128xi32, #tpu.memory_space<vmem>>, vector<16xi32>,
      %broadcast_in_dim3A_1712 = arith.constant true
      %broadcast_in_dim3A_1713 = vector.broadcast %broadcast_in_dim3A_1712 : i1 to vector<16xi1>
      %unique3A_1714, %unique3A_1715 = tpu.scan_count mask(%broadcast_in_dim3A_1713 : vector<16xi1>) value(%get3A_1711 : vector<16xi32>) : vector<16xi1>, vector<16xi32>
      %shift_right_logical3A_1716 = arith.constant 4 : i32
      %shift_right_logical3A_1717 = vector.broadcast %shift_right_logical3A_1716 : i32 to vector<16xi32>
      %shift_right_logical3A_1718 = arith.shrui %get3A_1711, %shift_right_logical3A_1717 : vector<16xi32>
      %and3A_1719 = arith.constant 15 : i32
      %and3A_1720 = vector.broadcast %and3A_1719 : i32 to vector<16xi32>
      %and3A_1721 = arith.andi %get3A_1711, %and3A_1720 : vector<16xi32>
      tpu.vector_store_idx %arg14[%shift_right_logical3A_1718, %and3A_1721], %unique3A_1715 masked %unique3A_1714 {add = true} : memref<640x16xi32, #tpu.memory_space<vmem>>[vector<16xi32>, vector<16xi32>], vector<16xi32>, vector<16xi1>
      %get3A_1722 = arith.constant 4 : i32
      %get3A_1723 = arith.index_cast %get3A_1722 : i32 to index
      %get3A_1724 = arith.constant 32 : index
      %get3A_1725 = tpu.vector_load %arg9[%get3A_1723, %get3A_1724] {strides = array<i32>} : memref<6x128xi32, #tpu.memory_space<vmem>>, vector<16xi32>,
      %broadcast_in_dim3A_1726 = arith.constant true
      %broadcast_in_dim3A_1727 = vector.broadcast %broadcast_in_dim3A_1726 : i1 to vector<16xi1>
      %unique3A_1728, %unique3A_1729 = tpu.scan_count mask(%broadcast_in_dim3A_1727 : vector<16xi1>) value(%get3A_1725 : vector<16xi32>) : vector<16xi1>, vector<16xi32>
      %shift_right_logical3A_1730 = arith.constant 4 : i32
      %shift_right_logical3A_1731 = vector.broadcast %shift_right_logical3A_1730 : i32 to vector<16xi32>
      %shift_right_logical3A_1732 = arith.shrui %get3A_1725, %shift_right_logical3A_1731 : vector<16xi32>
      %and3A_1733 = arith.constant 15 : i32
      %and3A_1734 = vector.broadcast %and3A_1733 : i32 to vector<16xi32>
      %and3A_1735 = arith.andi %get3A_1725, %and3A_1734 : vector<16xi32>
      tpu.vector_store_idx %arg14[%shift_right_logical3A_1732, %and3A_1735], %unique3A_1729 masked %unique3A_1728 {add = true} : memref<640x16xi32, #tpu.memory_space<vmem>>[vector<16xi32>, vector<16xi32>], vector<16xi32>, vector<16xi1>
      %get3A_1736 = arith.constant 4 : i32
      %get3A_1737 = arith.index_cast %get3A_1736 : i32 to index
      %get3A_1738 = arith.constant 48 : index
      %get3A_1739 = tpu.vector_load %arg9[%get3A_1737, %get3A_1738] {strides = array<i32>} : memref<6x128xi32, #tpu.memory_space<vmem>>, vector<16xi32>,
      %broadcast_in_dim3A_1740 = arith.constant true
      %broadcast_in_dim3A_1741 = vector.broadcast %broadcast_in_dim3A_1740 : i1 to vector<16xi1>
      %unique3A_1742, %unique3A_1743 = tpu.scan_count mask(%broadcast_in_dim3A_1741 : vector<16xi1>) value(%get3A_1739 : vector<16xi32>) : vector<16xi1>, vector<16xi32>
      %shift_right_logical3A_1744 = arith.constant 4 : i32
      %shift_right_logical3A_1745 = vector.broadcast %shift_right_logical3A_1744 : i32 to vector<16xi32>
      %shift_right_logical3A_1746 = arith.shrui %get3A_1739, %shift_right_logical3A_1745 : vector<16xi32>
      %and3A_1747 = arith.constant 15 : i32
      %and3A_1748 = vector.broadcast %and3A_1747 : i32 to vector<16xi32>
      %and3A_1749 = arith.andi %get3A_1739, %and3A_1748 : vector<16xi32>
      tpu.vector_store_idx %arg14[%shift_right_logical3A_1746, %and3A_1749], %unique3A_1743 masked %unique3A_1742 {add = true} : memref<640x16xi32, #tpu.memory_space<vmem>>[vector<16xi32>, vector<16xi32>], vector<16xi32>, vector<16xi1>
      %get3A_1750 = arith.constant 4 : i32
      %get3A_1751 = arith.index_cast %get3A_1750 : i32 to index
      %get3A_1752 = arith.constant 64 : index
      %get3A_1753 = tpu.vector_load %arg9[%get3A_1751, %get3A_1752] {strides = array<i32>} : memref<6x128xi32, #tpu.memory_space<vmem>>, vector<16xi32>,
      %broadcast_in_dim3A_1754 = arith.constant true
      %broadcast_in_dim3A_1755 = vector.broadcast %broadcast_in_dim3A_1754 : i1 to vector<16xi1>
      %unique3A_1756, %unique3A_1757 = tpu.scan_count mask(%broadcast_in_dim3A_1755 : vector<16xi1>) value(%get3A_1753 : vector<16xi32>) : vector<16xi1>, vector<16xi32>
      %shift_right_logical3A_1758 = arith.constant 4 : i32
      %shift_right_logical3A_1759 = vector.broadcast %shift_right_logical3A_1758 : i32 to vector<16xi32>
      %shift_right_logical3A_1760 = arith.shrui %get3A_1753, %shift_right_logical3A_1759 : vector<16xi32>
      %and3A_1761 = arith.constant 15 : i32
      %and3A_1762 = vector.broadcast %and3A_1761 : i32 to vector<16xi32>
      %and3A_1763 = arith.andi %get3A_1753, %and3A_1762 : vector<16xi32>
      tpu.vector_store_idx %arg14[%shift_right_logical3A_1760, %and3A_1763], %unique3A_1757 masked %unique3A_1756 {add = true} : memref<640x16xi32, #tpu.memory_space<vmem>>[vector<16xi32>, vector<16xi32>], vector<16xi32>, vector<16xi1>
      %get3A_1764 = arith.constant 4 : i32
      %get3A_1765 = arith.index_cast %get3A_1764 : i32 to index
      %get3A_1766 = arith.constant 80 : index
      %get3A_1767 = tpu.vector_load %arg9[%get3A_1765, %get3A_1766] {strides = array<i32>} : memref<6x128xi32, #tpu.memory_space<vmem>>, vector<16xi32>,
      %broadcast_in_dim3A_1768 = arith.constant true
      %broadcast_in_dim3A_1769 = vector.broadcast %broadcast_in_dim3A_1768 : i1 to vector<16xi1>
      %unique3A_1770, %unique3A_1771 = tpu.scan_count mask(%broadcast_in_dim3A_1769 : vector<16xi1>) value(%get3A_1767 : vector<16xi32>) : vector<16xi1>, vector<16xi32>
      %shift_right_logical3A_1772 = arith.constant 4 : i32
      %shift_right_logical3A_1773 = vector.broadcast %shift_right_logical3A_1772 : i32 to vector<16xi32>
      %shift_right_logical3A_1774 = arith.shrui %get3A_1767, %shift_right_logical3A_1773 : vector<16xi32>
      %and3A_1775 = arith.constant 15 : i32
      %and3A_1776 = vector.broadcast %and3A_1775 : i32 to vector<16xi32>
      %and3A_1777 = arith.andi %get3A_1767, %and3A_1776 : vector<16xi32>
      tpu.vector_store_idx %arg14[%shift_right_logical3A_1774, %and3A_1777], %unique3A_1771 masked %unique3A_1770 {add = true} : memref<640x16xi32, #tpu.memory_space<vmem>>[vector<16xi32>, vector<16xi32>], vector<16xi32>, vector<16xi1>
      %get3A_1778 = arith.constant 4 : i32
      %get3A_1779 = arith.index_cast %get3A_1778 : i32 to index
      %get3A_1780 = arith.constant 96 : index
      %get3A_1781 = tpu.vector_load %arg9[%get3A_1779, %get3A_1780] {strides = array<i32>} : memref<6x128xi32, #tpu.memory_space<vmem>>, vector<16xi32>,
      %broadcast_in_dim3A_1782 = arith.constant true
      %broadcast_in_dim3A_1783 = vector.broadcast %broadcast_in_dim3A_1782 : i1 to vector<16xi1>
      %unique3A_1784, %unique3A_1785 = tpu.scan_count mask(%broadcast_in_dim3A_1783 : vector<16xi1>) value(%get3A_1781 : vector<16xi32>) : vector<16xi1>, vector<16xi32>
      %shift_right_logical3A_1786 = arith.constant 4 : i32
      %shift_right_logical3A_1787 = vector.broadcast %shift_right_logical3A_1786 : i32 to vector<16xi32>
      %shift_right_logical3A_1788 = arith.shrui %get3A_1781, %shift_right_logical3A_1787 : vector<16xi32>
      %and3A_1789 = arith.constant 15 : i32
      %and3A_1790 = vector.broadcast %and3A_1789 : i32 to vector<16xi32>
      %and3A_1791 = arith.andi %get3A_1781, %and3A_1790 : vector<16xi32>
      tpu.vector_store_idx %arg14[%shift_right_logical3A_1788, %and3A_1791], %unique3A_1785 masked %unique3A_1784 {add = true} : memref<640x16xi32, #tpu.memory_space<vmem>>[vector<16xi32>, vector<16xi32>], vector<16xi32>, vector<16xi1>
      %get3A_1792 = arith.constant 4 : i32
      %get3A_1793 = arith.index_cast %get3A_1792 : i32 to index
      %get3A_1794 = arith.constant 112 : index
      %get3A_1795 = tpu.vector_load %arg9[%get3A_1793, %get3A_1794] {strides = array<i32>} : memref<6x128xi32, #tpu.memory_space<vmem>>, vector<16xi32>,
      %broadcast_in_dim3A_1796 = arith.constant true
      %broadcast_in_dim3A_1797 = vector.broadcast %broadcast_in_dim3A_1796 : i1 to vector<16xi1>
      %unique3A_1798, %unique3A_1799 = tpu.scan_count mask(%broadcast_in_dim3A_1797 : vector<16xi1>) value(%get3A_1795 : vector<16xi32>) : vector<16xi1>, vector<16xi32>
      %shift_right_logical3A_1800 = arith.constant 4 : i32
      %shift_right_logical3A_1801 = vector.broadcast %shift_right_logical3A_1800 : i32 to vector<16xi32>
      %shift_right_logical3A_1802 = arith.shrui %get3A_1795, %shift_right_logical3A_1801 : vector<16xi32>
      %and3A_1803 = arith.constant 15 : i32
      %and3A_1804 = vector.broadcast %and3A_1803 : i32 to vector<16xi32>
      %and3A_1805 = arith.andi %get3A_1795, %and3A_1804 : vector<16xi32>
      tpu.vector_store_idx %arg14[%shift_right_logical3A_1802, %and3A_1805], %unique3A_1799 masked %unique3A_1798 {add = true} : memref<640x16xi32, #tpu.memory_space<vmem>>[vector<16xi32>, vector<16xi32>], vector<16xi32>, vector<16xi1>
      %dma_wait3A_1806 = arith.constant 0 : i32
      %dma_wait3A_1807 = arith.constant 0 : i32
      %dma_wait3A_1808 = tpu.memref_slice %arg8[%dma_wait3A_1806, %dma_wait3A_1807] : memref<6x128xi32, #tpu.memory_space<vmem>> -> memref<1x128xi32, #tpu.memory_space<vmem>>
      %dma_wait3A_1809 = tpu.memref_squeeze %dma_wait3A_1808 : memref<1x128xi32, #tpu.memory_space<vmem>> -> memref<128xi32, #tpu.memory_space<vmem>>
      %dma_wait3A_1810 = arith.constant 0 : i32
      %dma_wait3A_1811 = arith.constant 0 : i32
      %dma_wait3A_1812 = tpu.memref_slice %arg17[%dma_wait3A_1810, %dma_wait3A_1811] : memref<10000x128xbf16, #tpu.memory_space<vmem_shared>> -> memref<10000x128xbf16, #tpu.memory_space<vmem_shared>>
      tpu.wait_indirect_dma semaphore(%arg25 : memref<!tpu.dma_semaphore, #tpu.memory_space<semaphore_mem>>) src(%arg12 : memref<128x128xbf16, #tpu.memory_space<vmem>>) dst(%dma_wait3A_1812 : memref<10000x128xbf16, #tpu.memory_space<vmem_shared>>)
      %add3A_1813 = arith.constant 1 : i32
      %add3A_1814 = arith.addi %add3A_1077, %add3A_1813 : i32
      %lt3A_1815 = arith.constant 26 : i32
      %lt3A_1816 = arith.cmpi slt, %add3A_1814, %lt3A_1815 : i32
      %convert_element_type3A_1817 = arith.extui %lt3A_1816 : i1 to i32
      %cond3A_1818 = arith.constant 0 : i32
      %cond3A_1819 = arith.cmpi ne, %convert_element_type3A_1817, %cond3A_1818 : i32
      scf.if %cond3A_1819 {
        %dma_start3A_1965 = arith.constant 2 : i32
        %dma_start3A_1966 = arith.constant 0 : i32
        %dma_start3A_1967 = tpu.memref_slice %arg6[%dma_start3A_1965, %dma_start3A_1966] : memref<6x128xi32, #tpu.memory_space<vmem>> -> memref<1x128xi32, #tpu.memory_space<vmem>>
        %dma_start3A_1968 = tpu.memref_squeeze %dma_start3A_1967 : memref<1x128xi32, #tpu.memory_space<vmem>> -> memref<128xi32, #tpu.memory_space<vmem>>
        %dma_start3A_1969 = arith.constant 0 : i32
        %dma_start3A_1970 = arith.constant 0 : i32
        %dma_start3A_1971 = tpu.memref_slice %arg2[%arg0, %dma_start3A_1969, %dma_start3A_1970] : memref<2x10000x128xbf16, #tpu.memory_space<hbm>> -> memref<1x10000x128xbf16, #tpu.memory_space<hbm>>
        %dma_start3A_1972 = tpu.memref_squeeze %dma_start3A_1971 : memref<1x10000x128xbf16, #tpu.memory_space<hbm>> -> memref<10000x128xbf16, #tpu.memory_space<hbm>>
        %dma_start3A_1973 = arith.constant 0 : i32
        %dma_start3A_1974 = arith.constant 0 : i32
        %dma_start3A_1975 = tpu.memref_slice %dma_start3A_1972[%dma_start3A_1973, %dma_start3A_1974] : memref<10000x128xbf16, #tpu.memory_space<hbm>> -> memref<10000x128xbf16, #tpu.memory_space<hbm>>
        tpu.enqueue_indirect_dma source(%dma_start3A_1975 : memref<10000x128xbf16, #tpu.memory_space<hbm>>) target(%arg12 : memref<128x128xbf16, #tpu.memory_space<vmem>>) offsets(%dma_start3A_1968 : memref<128xi32, #tpu.memory_space<vmem>>) semaphore(%arg21 : memref<!tpu.dma_semaphore, #tpu.memory_space<semaphore_mem>>)
      } else {
      }
      %dma_wait3A_1820 = arith.constant 0 : i32
      %dma_wait3A_1821 = arith.constant 0 : i32
      %dma_wait3A_1822 = tpu.memref_slice %arg6[%dma_wait3A_1820, %dma_wait3A_1821] : memref<6x128xi32, #tpu.memory_space<vmem>> -> memref<1x128xi32, #tpu.memory_space<vmem>>
      %dma_wait3A_1823 = tpu.memref_squeeze %dma_wait3A_1822 : memref<1x128xi32, #tpu.memory_space<vmem>> -> memref<128xi32, #tpu.memory_space<vmem>>
      %dma_wait3A_1824 = arith.constant 0 : i32
      %dma_wait3A_1825 = arith.constant 0 : i32
      %dma_wait3A_1826 = tpu.memref_slice %arg2[%arg0, %dma_wait3A_1824, %dma_wait3A_1825] : memref<2x10000x128xbf16, #tpu.memory_space<hbm>> -> memref<1x10000x128xbf16, #tpu.memory_space<hbm>>
      %dma_wait3A_1827 = tpu.memref_squeeze %dma_wait3A_1826 : memref<1x10000x128xbf16, #tpu.memory_space<hbm>> -> memref<10000x128xbf16, #tpu.memory_space<hbm>>
      %dma_wait3A_1828 = arith.constant 0 : i32
      %dma_wait3A_1829 = arith.constant 0 : i32
      %dma_wait3A_1830 = tpu.memref_slice %dma_wait3A_1827[%dma_wait3A_1828, %dma_wait3A_1829] : memref<10000x128xbf16, #tpu.memory_space<hbm>> -> memref<10000x128xbf16, #tpu.memory_space<hbm>>
      tpu.wait_indirect_dma semaphore(%arg22 : memref<!tpu.dma_semaphore, #tpu.memory_space<semaphore_mem>>) src(%dma_wait3A_1830 : memref<10000x128xbf16, #tpu.memory_space<hbm>>) dst(%arg13 : memref<128x128xbf16, #tpu.memory_space<vmem>>)
      %dma_start3A_1831 = arith.constant 5 : i32
      %dma_start3A_1832 = arith.constant 0 : i32
      %dma_start3A_1833 = tpu.memref_slice %arg9[%dma_start3A_1831, %dma_start3A_1832] : memref<6x128xi32, #tpu.memory_space<vmem>> -> memref<1x128xi32, #tpu.memory_space<vmem>>
      %dma_start3A_1834 = tpu.memref_squeeze %dma_start3A_1833 : memref<1x128xi32, #tpu.memory_space<vmem>> -> memref<128xi32, #tpu.memory_space<vmem>>
      %dma_start3A_1835 = arith.constant 0 : i32
      %dma_start3A_1836 = arith.constant 0 : i32
      %dma_start3A_1837 = tpu.memref_slice %arg17[%dma_start3A_1835, %dma_start3A_1836] : memref<10000x128xbf16, #tpu.memory_space<vmem_shared>> -> memref<10000x128xbf16, #tpu.memory_space<vmem_shared>>
      tpu.enqueue_indirect_dma source(%arg13 : memref<128x128xbf16, #tpu.memory_space<vmem>>) target(%dma_start3A_1837 : memref<10000x128xbf16, #tpu.memory_space<vmem_shared>>) offsets(%dma_start3A_1834 : memref<128xi32, #tpu.memory_space<vmem>>) semaphore(%arg26 : memref<!tpu.dma_semaphore, #tpu.memory_space<semaphore_mem>>) {add = true}
      %get3A_1838 = arith.constant 5 : i32
      %get3A_1839 = arith.index_cast %get3A_1838 : i32 to index
      %get3A_1840 = arith.constant 0 : index
      %get3A_1841 = tpu.vector_load %arg9[%get3A_1839, %get3A_1840] {strides = array<i32>} : memref<6x128xi32, #tpu.memory_space<vmem>>, vector<16xi32>,
      %broadcast_in_dim3A_1842 = arith.constant true
      %broadcast_in_dim3A_1843 = vector.broadcast %broadcast_in_dim3A_1842 : i1 to vector<16xi1>
      %unique3A_1844, %unique3A_1845 = tpu.scan_count mask(%broadcast_in_dim3A_1843 : vector<16xi1>) value(%get3A_1841 : vector<16xi32>) : vector<16xi1>, vector<16xi32>
      %shift_right_logical3A_1846 = arith.constant 4 : i32
      %shift_right_logical3A_1847 = vector.broadcast %shift_right_logical3A_1846 : i32 to vector<16xi32>
      %shift_right_logical3A_1848 = arith.shrui %get3A_1841, %shift_right_logical3A_1847 : vector<16xi32>
      %and3A_1849 = arith.constant 15 : i32
      %and3A_1850 = vector.broadcast %and3A_1849 : i32 to vector<16xi32>
      %and3A_1851 = arith.andi %get3A_1841, %and3A_1850 : vector<16xi32>
      tpu.vector_store_idx %arg14[%shift_right_logical3A_1848, %and3A_1851], %unique3A_1845 masked %unique3A_1844 {add = true} : memref<640x16xi32, #tpu.memory_space<vmem>>[vector<16xi32>, vector<16xi32>], vector<16xi32>, vector<16xi1>
      %get3A_1852 = arith.constant 5 : i32
      %get3A_1853 = arith.index_cast %get3A_1852 : i32 to index
      %get3A_1854 = arith.constant 16 : index
      %get3A_1855 = tpu.vector_load %arg9[%get3A_1853, %get3A_1854] {strides = array<i32>} : memref<6x128xi32, #tpu.memory_space<vmem>>, vector<16xi32>,
      %broadcast_in_dim3A_1856 = arith.constant true
      %broadcast_in_dim3A_1857 = vector.broadcast %broadcast_in_dim3A_1856 : i1 to vector<16xi1>
      %unique3A_1858, %unique3A_1859 = tpu.scan_count mask(%broadcast_in_dim3A_1857 : vector<16xi1>) value(%get3A_1855 : vector<16xi32>) : vector<16xi1>, vector<16xi32>
      %shift_right_logical3A_1860 = arith.constant 4 : i32
      %shift_right_logical3A_1861 = vector.broadcast %shift_right_logical3A_1860 : i32 to vector<16xi32>
      %shift_right_logical3A_1862 = arith.shrui %get3A_1855, %shift_right_logical3A_1861 : vector<16xi32>
      %and3A_1863 = arith.constant 15 : i32
      %and3A_1864 = vector.broadcast %and3A_1863 : i32 to vector<16xi32>
      %and3A_1865 = arith.andi %get3A_1855, %and3A_1864 : vector<16xi32>
      tpu.vector_store_idx %arg14[%shift_right_logical3A_1862, %and3A_1865], %unique3A_1859 masked %unique3A_1858 {add = true} : memref<640x16xi32, #tpu.memory_space<vmem>>[vector<16xi32>, vector<16xi32>], vector<16xi32>, vector<16xi1>
      %get3A_1866 = arith.constant 5 : i32
      %get3A_1867 = arith.index_cast %get3A_1866 : i32 to index
      %get3A_1868 = arith.constant 32 : index
      %get3A_1869 = tpu.vector_load %arg9[%get3A_1867, %get3A_1868] {strides = array<i32>} : memref<6x128xi32, #tpu.memory_space<vmem>>, vector<16xi32>,
      %broadcast_in_dim3A_1870 = arith.constant true
      %broadcast_in_dim3A_1871 = vector.broadcast %broadcast_in_dim3A_1870 : i1 to vector<16xi1>
      %unique3A_1872, %unique3A_1873 = tpu.scan_count mask(%broadcast_in_dim3A_1871 : vector<16xi1>) value(%get3A_1869 : vector<16xi32>) : vector<16xi1>, vector<16xi32>
      %shift_right_logical3A_1874 = arith.constant 4 : i32
      %shift_right_logical3A_1875 = vector.broadcast %shift_right_logical3A_1874 : i32 to vector<16xi32>
      %shift_right_logical3A_1876 = arith.shrui %get3A_1869, %shift_right_logical3A_1875 : vector<16xi32>
      %and3A_1877 = arith.constant 15 : i32
      %and3A_1878 = vector.broadcast %and3A_1877 : i32 to vector<16xi32>
      %and3A_1879 = arith.andi %get3A_1869, %and3A_1878 : vector<16xi32>
      tpu.vector_store_idx %arg14[%shift_right_logical3A_1876, %and3A_1879], %unique3A_1873 masked %unique3A_1872 {add = true} : memref<640x16xi32, #tpu.memory_space<vmem>>[vector<16xi32>, vector<16xi32>], vector<16xi32>, vector<16xi1>
      %get3A_1880 = arith.constant 5 : i32
      %get3A_1881 = arith.index_cast %get3A_1880 : i32 to index
      %get3A_1882 = arith.constant 48 : index
      %get3A_1883 = tpu.vector_load %arg9[%get3A_1881, %get3A_1882] {strides = array<i32>} : memref<6x128xi32, #tpu.memory_space<vmem>>, vector<16xi32>,
      %broadcast_in_dim3A_1884 = arith.constant true
      %broadcast_in_dim3A_1885 = vector.broadcast %broadcast_in_dim3A_1884 : i1 to vector<16xi1>
      %unique3A_1886, %unique3A_1887 = tpu.scan_count mask(%broadcast_in_dim3A_1885 : vector<16xi1>) value(%get3A_1883 : vector<16xi32>) : vector<16xi1>, vector<16xi32>
      %shift_right_logical3A_1888 = arith.constant 4 : i32
      %shift_right_logical3A_1889 = vector.broadcast %shift_right_logical3A_1888 : i32 to vector<16xi32>
      %shift_right_logical3A_1890 = arith.shrui %get3A_1883, %shift_right_logical3A_1889 : vector<16xi32>
      %and3A_1891 = arith.constant 15 : i32
      %and3A_1892 = vector.broadcast %and3A_1891 : i32 to vector<16xi32>
      %and3A_1893 = arith.andi %get3A_1883, %and3A_1892 : vector<16xi32>
      tpu.vector_store_idx %arg14[%shift_right_logical3A_1890, %and3A_1893], %unique3A_1887 masked %unique3A_1886 {add = true} : memref<640x16xi32, #tpu.memory_space<vmem>>[vector<16xi32>, vector<16xi32>], vector<16xi32>, vector<16xi1>
      %get3A_1894 = arith.constant 5 : i32
      %get3A_1895 = arith.index_cast %get3A_1894 : i32 to index
      %get3A_1896 = arith.constant 64 : index
      %get3A_1897 = tpu.vector_load %arg9[%get3A_1895, %get3A_1896] {strides = array<i32>} : memref<6x128xi32, #tpu.memory_space<vmem>>, vector<16xi32>,
      %broadcast_in_dim3A_1898 = arith.constant true
      %broadcast_in_dim3A_1899 = vector.broadcast %broadcast_in_dim3A_1898 : i1 to vector<16xi1>
      %unique3A_1900, %unique3A_1901 = tpu.scan_count mask(%broadcast_in_dim3A_1899 : vector<16xi1>) value(%get3A_1897 : vector<16xi32>) : vector<16xi1>, vector<16xi32>
      %shift_right_logical3A_1902 = arith.constant 4 : i32
      %shift_right_logical3A_1903 = vector.broadcast %shift_right_logical3A_1902 : i32 to vector<16xi32>
      %shift_right_logical3A_1904 = arith.shrui %get3A_1897, %shift_right_logical3A_1903 : vector<16xi32>
      %and3A_1905 = arith.constant 15 : i32
      %and3A_1906 = vector.broadcast %and3A_1905 : i32 to vector<16xi32>
      %and3A_1907 = arith.andi %get3A_1897, %and3A_1906 : vector<16xi32>
      tpu.vector_store_idx %arg14[%shift_right_logical3A_1904, %and3A_1907], %unique3A_1901 masked %unique3A_1900 {add = true} : memref<640x16xi32, #tpu.memory_space<vmem>>[vector<16xi32>, vector<16xi32>], vector<16xi32>, vector<16xi1>
      %get3A_1908 = arith.constant 5 : i32
      %get3A_1909 = arith.index_cast %get3A_1908 : i32 to index
      %get3A_1910 = arith.constant 80 : index
      %get3A_1911 = tpu.vector_load %arg9[%get3A_1909, %get3A_1910] {strides = array<i32>} : memref<6x128xi32, #tpu.memory_space<vmem>>, vector<16xi32>,
      %broadcast_in_dim3A_1912 = arith.constant true
      %broadcast_in_dim3A_1913 = vector.broadcast %broadcast_in_dim3A_1912 : i1 to vector<16xi1>
      %unique3A_1914, %unique3A_1915 = tpu.scan_count mask(%broadcast_in_dim3A_1913 : vector<16xi1>) value(%get3A_1911 : vector<16xi32>) : vector<16xi1>, vector<16xi32>
      %shift_right_logical3A_1916 = arith.constant 4 : i32
      %shift_right_logical3A_1917 = vector.broadcast %shift_right_logical3A_1916 : i32 to vector<16xi32>
      %shift_right_logical3A_1918 = arith.shrui %get3A_1911, %shift_right_logical3A_1917 : vector<16xi32>
      %and3A_1919 = arith.constant 15 : i32
      %and3A_1920 = vector.broadcast %and3A_1919 : i32 to vector<16xi32>
      %and3A_1921 = arith.andi %get3A_1911, %and3A_1920 : vector<16xi32>
      tpu.vector_store_idx %arg14[%shift_right_logical3A_1918, %and3A_1921], %unique3A_1915 masked %unique3A_1914 {add = true} : memref<640x16xi32, #tpu.memory_space<vmem>>[vector<16xi32>, vector<16xi32>], vector<16xi32>, vector<16xi1>
      %get3A_1922 = arith.constant 5 : i32
      %get3A_1923 = arith.index_cast %get3A_1922 : i32 to index
      %get3A_1924 = arith.constant 96 : index
      %get3A_1925 = tpu.vector_load %arg9[%get3A_1923, %get3A_1924] {strides = array<i32>} : memref<6x128xi32, #tpu.memory_space<vmem>>, vector<16xi32>,
      %broadcast_in_dim3A_1926 = arith.constant true
      %broadcast_in_dim3A_1927 = vector.broadcast %broadcast_in_dim3A_1926 : i1 to vector<16xi1>
      %unique3A_1928, %unique3A_1929 = tpu.scan_count mask(%broadcast_in_dim3A_1927 : vector<16xi1>) value(%get3A_1925 : vector<16xi32>) : vector<16xi1>, vector<16xi32>
      %shift_right_logical3A_1930 = arith.constant 4 : i32
      %shift_right_logical3A_1931 = vector.broadcast %shift_right_logical3A_1930 : i32 to vector<16xi32>
      %shift_right_logical3A_1932 = arith.shrui %get3A_1925, %shift_right_logical3A_1931 : vector<16xi32>
      %and3A_1933 = arith.constant 15 : i32
      %and3A_1934 = vector.broadcast %and3A_1933 : i32 to vector<16xi32>
      %and3A_1935 = arith.andi %get3A_1925, %and3A_1934 : vector<16xi32>
      tpu.vector_store_idx %arg14[%shift_right_logical3A_1932, %and3A_1935], %unique3A_1929 masked %unique3A_1928 {add = true} : memref<640x16xi32, #tpu.memory_space<vmem>>[vector<16xi32>, vector<16xi32>], vector<16xi32>, vector<16xi1>
      %get3A_1936 = arith.constant 5 : i32
      %get3A_1937 = arith.index_cast %get3A_1936 : i32 to index
      %get3A_1938 = arith.constant 112 : index
      %get3A_1939 = tpu.vector_load %arg9[%get3A_1937, %get3A_1938] {strides = array<i32>} : memref<6x128xi32, #tpu.memory_space<vmem>>, vector<16xi32>,
      %broadcast_in_dim3A_1940 = arith.constant true
      %broadcast_in_dim3A_1941 = vector.broadcast %broadcast_in_dim3A_1940 : i1 to vector<16xi1>
      %unique3A_1942, %unique3A_1943 = tpu.scan_count mask(%broadcast_in_dim3A_1941 : vector<16xi1>) value(%get3A_1939 : vector<16xi32>) : vector<16xi1>, vector<16xi32>
      %shift_right_logical3A_1944 = arith.constant 4 : i32
      %shift_right_logical3A_1945 = vector.broadcast %shift_right_logical3A_1944 : i32 to vector<16xi32>
      %shift_right_logical3A_1946 = arith.shrui %get3A_1939, %shift_right_logical3A_1945 : vector<16xi32>
      %and3A_1947 = arith.constant 15 : i32
      %and3A_1948 = vector.broadcast %and3A_1947 : i32 to vector<16xi32>
      %and3A_1949 = arith.andi %get3A_1939, %and3A_1948 : vector<16xi32>
      tpu.vector_store_idx %arg14[%shift_right_logical3A_1946, %and3A_1949], %unique3A_1943 masked %unique3A_1942 {add = true} : memref<640x16xi32, #tpu.memory_space<vmem>>[vector<16xi32>, vector<16xi32>], vector<16xi32>, vector<16xi1>
      %dma_wait3A_1950 = arith.constant 0 : i32
      %dma_wait3A_1951 = arith.constant 0 : i32
      %dma_wait3A_1952 = tpu.memref_slice %arg8[%dma_wait3A_1950, %dma_wait3A_1951] : memref<6x128xi32, #tpu.memory_space<vmem>> -> memref<1x128xi32, #tpu.memory_space<vmem>>
      %dma_wait3A_1953 = tpu.memref_squeeze %dma_wait3A_1952 : memref<1x128xi32, #tpu.memory_space<vmem>> -> memref<128xi32, #tpu.memory_space<vmem>>
      %dma_wait3A_1954 = arith.constant 0 : i32
      %dma_wait3A_1955 = arith.constant 0 : i32
      %dma_wait3A_1956 = tpu.memref_slice %arg17[%dma_wait3A_1954, %dma_wait3A_1955] : memref<10000x128xbf16, #tpu.memory_space<vmem_shared>> -> memref<10000x128xbf16, #tpu.memory_space<vmem_shared>>
      tpu.wait_indirect_dma semaphore(%arg26 : memref<!tpu.dma_semaphore, #tpu.memory_space<semaphore_mem>>) src(%arg13 : memref<128x128xbf16, #tpu.memory_space<vmem>>) dst(%dma_wait3A_1956 : memref<10000x128xbf16, #tpu.memory_space<vmem_shared>>)
      %add3A_1957 = arith.constant 1 : i32
      %add3A_1958 = arith.addi %add3A_1077, %add3A_1957 : i32
      %lt3A_1959 = arith.constant 26 : i32
      %lt3A_1960 = arith.cmpi slt, %add3A_1958, %lt3A_1959 : i32
      %convert_element_type3A_1961 = arith.extui %lt3A_1960 : i1 to i32
      %cond3A_1962 = arith.constant 0 : i32
      %cond3A_1963 = arith.cmpi ne, %convert_element_type3A_1961, %cond3A_1962 : i32
      scf.if %cond3A_1963 {
        %dma_start3A_1965 = arith.constant 3 : i32
        %dma_start3A_1966 = arith.constant 0 : i32
        %dma_start3A_1967 = tpu.memref_slice %arg6[%dma_start3A_1965, %dma_start3A_1966] : memref<6x128xi32, #tpu.memory_space<vmem>> -> memref<1x128xi32, #tpu.memory_space<vmem>>
        %dma_start3A_1968 = tpu.memref_squeeze %dma_start3A_1967 : memref<1x128xi32, #tpu.memory_space<vmem>> -> memref<128xi32, #tpu.memory_space<vmem>>
        %dma_start3A_1969 = arith.constant 0 : i32
        %dma_start3A_1970 = arith.constant 0 : i32
        %dma_start3A_1971 = tpu.memref_slice %arg2[%arg0, %dma_start3A_1969, %dma_start3A_1970] : memref<2x10000x128xbf16, #tpu.memory_space<hbm>> -> memref<1x10000x128xbf16, #tpu.memory_space<hbm>>
        %dma_start3A_1972 = tpu.memref_squeeze %dma_start3A_1971 : memref<1x10000x128xbf16, #tpu.memory_space<hbm>> -> memref<10000x128xbf16, #tpu.memory_space<hbm>>
        %dma_start3A_1973 = arith.constant 0 : i32
        %dma_start3A_1974 = arith.constant 0 : i32
        %dma_start3A_1975 = tpu.memref_slice %dma_start3A_1972[%dma_start3A_1973, %dma_start3A_1974] : memref<10000x128xbf16, #tpu.memory_space<hbm>> -> memref<10000x128xbf16, #tpu.memory_space<hbm>>
        tpu.enqueue_indirect_dma source(%dma_start3A_1975 : memref<10000x128xbf16, #tpu.memory_space<hbm>>) target(%arg13 : memref<128x128xbf16, #tpu.memory_space<vmem>>) offsets(%dma_start3A_1968 : memref<128xi32, #tpu.memory_space<vmem>>) semaphore(%arg22 : memref<!tpu.dma_semaphore, #tpu.memory_space<semaphore_mem>>)
      } else {
      }
      %scan3A_1964 = arith.constant 0 : i32
      scf.yield %scan3A_1964 : i32
    }
    %scan3A_112 = arith.constant 13 : i32
    %lt3A = arith.constant 4 : i32
    %lt3A_113 = arith.cmpi slt, %arg1, %lt3A : i32
    %convert_element_type3A = arith.extui %lt3A_113 : i1 to i32
    %cond3A = arith.constant 0 : i32
    %cond3A_114 = arith.cmpi ne, %convert_element_type3A, %cond3A : i32
    scf.if %cond3A_114 {
      %add3A_188 = arith.constant 2496 : i32
      %add3A_189 = arith.addi %add3A_188, %arg1 : i32
      %run_scoped3A_190 = arith.constant 0 : i32
      "tpu.region"() ({
        %run_scoped3A_323 = tpu.sem_alloc : memref<!tpu.dma_semaphore, #tpu.memory_space<semaphore_mem>>
        %dma_start3A_324 = arith.constant 0 : i32
        %dma_start3A_325 = arith.constant 0 : i32
        %dma_start3A_326 = tpu.memref_slice %arg6[%dma_start3A_324, %dma_start3A_325] : memref<6x128xi32, #tpu.memory_space<vmem>> -> memref<1x128xi32, #tpu.memory_space<vmem>>
        %dma_start3A_327 = arith.constant 0 : i32
        %dma_start3A_328 = tpu.memref_slice %arg3[%arg0, %run_scoped3A_190, %add3A_189, %dma_start3A_327] : memref<2x2x2500x128xi32, #tpu.memory_space<hbm>> -> memref<1x1x1x128xi32, #tpu.memory_space<hbm>>
        %dma_start3A_329 = tpu.memref_squeeze %dma_start3A_328 : memref<1x1x1x128xi32, #tpu.memory_space<hbm>> -> memref<1x128xi32, #tpu.memory_space<hbm>>
        %dma_start3A_330 = arith.constant 0 : i32
        %dma_start3A_331 = arith.constant 0 : i32
        %dma_start3A_332 = tpu.memref_slice %arg6[%dma_start3A_330, %dma_start3A_331] : memref<6x128xi32, #tpu.memory_space<vmem>> -> memref<1x128xi32, #tpu.memory_space<vmem>>
        %dma_start3A_333 = arith.constant 0 : i32
        %dma_start3A_334 = tpu.memref_slice %arg3[%arg0, %run_scoped3A_190, %add3A_189, %dma_start3A_333] : memref<2x2x2500x128xi32, #tpu.memory_space<hbm>> -> memref<1x1x1x128xi32, #tpu.memory_space<hbm>>
        %dma_start3A_335 = tpu.memref_squeeze %dma_start3A_334 : memref<1x1x1x128xi32, #tpu.memory_space<hbm>> -> memref<1x128xi32, #tpu.memory_space<hbm>>
        tpu.enqueue_dma source(%dma_start3A_335 : memref<1x128xi32, #tpu.memory_space<hbm>>) target(%dma_start3A_332 : memref<1x128xi32, #tpu.memory_space<vmem>>) target_semaphore(%run_scoped3A_323 : memref<!tpu.dma_semaphore, #tpu.memory_space<semaphore_mem>>)
        %dma_wait3A_336 = arith.constant 0 : i32
        %dma_wait3A_337 = arith.constant 0 : i32
        %dma_wait3A_338 = tpu.memref_slice %arg6[%dma_wait3A_336, %dma_wait3A_337] : memref<6x128xi32, #tpu.memory_space<vmem>> -> memref<1x128xi32, #tpu.memory_space<vmem>>
        %dma_wait3A_339 = arith.constant 0 : i32
        %dma_wait3A_340 = tpu.memref_slice %arg3[%arg0, %run_scoped3A_190, %add3A_189, %dma_wait3A_339] : memref<2x2x2500x128xi32, #tpu.memory_space<hbm>> -> memref<1x1x1x128xi32, #tpu.memory_space<hbm>>
        %dma_wait3A_341 = tpu.memref_squeeze %dma_wait3A_340 : memref<1x1x1x128xi32, #tpu.memory_space<hbm>> -> memref<1x128xi32, #tpu.memory_space<hbm>>
        %dma_wait3A_342 = arith.constant 0 : i32
        %dma_wait3A_343 = arith.constant 0 : i32
        %dma_wait3A_344 = tpu.memref_slice %arg6[%dma_wait3A_342, %dma_wait3A_343] : memref<6x128xi32, #tpu.memory_space<vmem>> -> memref<1x128xi32, #tpu.memory_space<vmem>>
        %dma_wait3A_345 = arith.constant 0 : i32
        %dma_wait3A_346 = tpu.memref_slice %arg3[%arg0, %run_scoped3A_190, %add3A_189, %dma_wait3A_345] : memref<2x2x2500x128xi32, #tpu.memory_space<hbm>> -> memref<1x1x1x128xi32, #tpu.memory_space<hbm>>
        %dma_wait3A_347 = tpu.memref_squeeze %dma_wait3A_346 : memref<1x1x1x128xi32, #tpu.memory_space<hbm>> -> memref<1x128xi32, #tpu.memory_space<hbm>>
        tpu.wait_dma2 semaphore(%run_scoped3A_323 : memref<!tpu.dma_semaphore, #tpu.memory_space<semaphore_mem>>) src(%dma_wait3A_347 : memref<1x128xi32, #tpu.memory_space<hbm>>) dst(%dma_wait3A_344 : memref<1x128xi32, #tpu.memory_space<vmem>>)
        tpu.yield
      }) : () -> ()
      %run_scoped3A_191 = arith.constant 1 : i32
      "tpu.region"() ({
        %run_scoped3A_323 = tpu.sem_alloc : memref<!tpu.dma_semaphore, #tpu.memory_space<semaphore_mem>>
        %dma_start3A_324 = arith.constant 0 : i32
        %dma_start3A_325 = arith.constant 0 : i32
        %dma_start3A_326 = tpu.memref_slice %arg8[%dma_start3A_324, %dma_start3A_325] : memref<6x128xi32, #tpu.memory_space<vmem>> -> memref<1x128xi32, #tpu.memory_space<vmem>>
        %dma_start3A_327 = arith.constant 0 : i32
        %dma_start3A_328 = tpu.memref_slice %arg3[%arg0, %run_scoped3A_191, %add3A_189, %dma_start3A_327] : memref<2x2x2500x128xi32, #tpu.memory_space<hbm>> -> memref<1x1x1x128xi32, #tpu.memory_space<hbm>>
        %dma_start3A_329 = tpu.memref_squeeze %dma_start3A_328 : memref<1x1x1x128xi32, #tpu.memory_space<hbm>> -> memref<1x128xi32, #tpu.memory_space<hbm>>
        %dma_start3A_330 = arith.constant 0 : i32
        %dma_start3A_331 = arith.constant 0 : i32
        %dma_start3A_332 = tpu.memref_slice %arg8[%dma_start3A_330, %dma_start3A_331] : memref<6x128xi32, #tpu.memory_space<vmem>> -> memref<1x128xi32, #tpu.memory_space<vmem>>
        %dma_start3A_333 = arith.constant 0 : i32
        %dma_start3A_334 = tpu.memref_slice %arg3[%arg0, %run_scoped3A_191, %add3A_189, %dma_start3A_333] : memref<2x2x2500x128xi32, #tpu.memory_space<hbm>> -> memref<1x1x1x128xi32, #tpu.memory_space<hbm>>
        %dma_start3A_335 = tpu.memref_squeeze %dma_start3A_334 : memref<1x1x1x128xi32, #tpu.memory_space<hbm>> -> memref<1x128xi32, #tpu.memory_space<hbm>>
        tpu.enqueue_dma source(%dma_start3A_335 : memref<1x128xi32, #tpu.memory_space<hbm>>) target(%dma_start3A_332 : memref<1x128xi32, #tpu.memory_space<vmem>>) target_semaphore(%run_scoped3A_323 : memref<!tpu.dma_semaphore, #tpu.memory_space<semaphore_mem>>)
        %dma_wait3A_336 = arith.constant 0 : i32
        %dma_wait3A_337 = arith.constant 0 : i32
        %dma_wait3A_338 = tpu.memref_slice %arg8[%dma_wait3A_336, %dma_wait3A_337] : memref<6x128xi32, #tpu.memory_space<vmem>> -> memref<1x128xi32, #tpu.memory_space<vmem>>
        %dma_wait3A_339 = arith.constant 0 : i32
        %dma_wait3A_340 = tpu.memref_slice %arg3[%arg0, %run_scoped3A_191, %add3A_189, %dma_wait3A_339] : memref<2x2x2500x128xi32, #tpu.memory_space<hbm>> -> memref<1x1x1x128xi32, #tpu.memory_space<hbm>>
        %dma_wait3A_341 = tpu.memref_squeeze %dma_wait3A_340 : memref<1x1x1x128xi32, #tpu.memory_space<hbm>> -> memref<1x128xi32, #tpu.memory_space<hbm>>
        %dma_wait3A_342 = arith.constant 0 : i32
        %dma_wait3A_343 = arith.constant 0 : i32
        %dma_wait3A_344 = tpu.memref_slice %arg8[%dma_wait3A_342, %dma_wait3A_343] : memref<6x128xi32, #tpu.memory_space<vmem>> -> memref<1x128xi32, #tpu.memory_space<vmem>>
        %dma_wait3A_345 = arith.constant 0 : i32
        %dma_wait3A_346 = tpu.memref_slice %arg3[%arg0, %run_scoped3A_191, %add3A_189, %dma_wait3A_345] : memref<2x2x2500x128xi32, #tpu.memory_space<hbm>> -> memref<1x1x1x128xi32, #tpu.memory_space<hbm>>
        %dma_wait3A_347 = tpu.memref_squeeze %dma_wait3A_346 : memref<1x1x1x128xi32, #tpu.memory_space<hbm>> -> memref<1x128xi32, #tpu.memory_space<hbm>>
        tpu.wait_dma2 semaphore(%run_scoped3A_323 : memref<!tpu.dma_semaphore, #tpu.memory_space<semaphore_mem>>) src(%dma_wait3A_347 : memref<1x128xi32, #tpu.memory_space<hbm>>) dst(%dma_wait3A_344 : memref<1x128xi32, #tpu.memory_space<vmem>>)
        tpu.yield
      }) : () -> ()
      %dma_start3A_192 = arith.constant 0 : i32
      %dma_start3A_193 = arith.constant 0 : i32
      %dma_start3A_194 = tpu.memref_slice %arg6[%dma_start3A_192, %dma_start3A_193] : memref<6x128xi32, #tpu.memory_space<vmem>> -> memref<1x128xi32, #tpu.memory_space<vmem>>
      %dma_start3A_195 = tpu.memref_squeeze %dma_start3A_194 : memref<1x128xi32, #tpu.memory_space<vmem>> -> memref<128xi32, #tpu.memory_space<vmem>>
      %dma_start3A_196 = arith.constant 0 : i32
      %dma_start3A_197 = arith.constant 0 : i32
      %dma_start3A_198 = tpu.memref_slice %arg2[%arg0, %dma_start3A_196, %dma_start3A_197] : memref<2x10000x128xbf16, #tpu.memory_space<hbm>> -> memref<1x10000x128xbf16, #tpu.memory_space<hbm>>
      %dma_start3A_199 = tpu.memref_squeeze %dma_start3A_198 : memref<1x10000x128xbf16, #tpu.memory_space<hbm>> -> memref<10000x128xbf16, #tpu.memory_space<hbm>>
      %dma_start3A_200 = arith.constant 0 : i32
      %dma_start3A_201 = arith.constant 0 : i32
      %dma_start3A_202 = tpu.memref_slice %dma_start3A_199[%dma_start3A_200, %dma_start3A_201] : memref<10000x128xbf16, #tpu.memory_space<hbm>> -> memref<10000x128xbf16, #tpu.memory_space<hbm>>
      tpu.enqueue_indirect_dma source(%dma_start3A_202 : memref<10000x128xbf16, #tpu.memory_space<hbm>>) target(%arg10 : memref<128x128xbf16, #tpu.memory_space<vmem>>) offsets(%dma_start3A_195 : memref<128xi32, #tpu.memory_space<vmem>>) semaphore(%arg19 : memref<!tpu.dma_semaphore, #tpu.memory_space<semaphore_mem>>)
      %dma_wait3A_203 = arith.constant 0 : i32
      %dma_wait3A_204 = arith.constant 0 : i32
      %dma_wait3A_205 = tpu.memref_slice %arg6[%dma_wait3A_203, %dma_wait3A_204] : memref<6x128xi32, #tpu.memory_space<vmem>> -> memref<1x128xi32, #tpu.memory_space<vmem>>
      %dma_wait3A_206 = tpu.memref_squeeze %dma_wait3A_205 : memref<1x128xi32, #tpu.memory_space<vmem>> -> memref<128xi32, #tpu.memory_space<vmem>>
      %dma_wait3A_207 = arith.constant 0 : i32
      %dma_wait3A_208 = arith.constant 0 : i32
      %dma_wait3A_209 = tpu.memref_slice %arg2[%arg0, %dma_wait3A_207, %dma_wait3A_208] : memref<2x10000x128xbf16, #tpu.memory_space<hbm>> -> memref<1x10000x128xbf16, #tpu.memory_space<hbm>>
      %dma_wait3A_210 = tpu.memref_squeeze %dma_wait3A_209 : memref<1x10000x128xbf16, #tpu.memory_space<hbm>> -> memref<10000x128xbf16, #tpu.memory_space<hbm>>
      %dma_wait3A_211 = arith.constant 0 : i32
      %dma_wait3A_212 = arith.constant 0 : i32
      %dma_wait3A_213 = tpu.memref_slice %dma_wait3A_210[%dma_wait3A_211, %dma_wait3A_212] : memref<10000x128xbf16, #tpu.memory_space<hbm>> -> memref<10000x128xbf16, #tpu.memory_space<hbm>>
      tpu.wait_indirect_dma semaphore(%arg19 : memref<!tpu.dma_semaphore, #tpu.memory_space<semaphore_mem>>) src(%dma_wait3A_213 : memref<10000x128xbf16, #tpu.memory_space<hbm>>) dst(%arg10 : memref<128x128xbf16, #tpu.memory_space<vmem>>)
      %run_scoped3A_214 = arith.constant 0 : i32
      "tpu.region"() ({
        %run_scoped3A_323 = tpu.sem_alloc : memref<!tpu.dma_semaphore, #tpu.memory_space<semaphore_mem>>
        %dma_start3A_324 = arith.constant 0 : i32
        %dma_start3A_325 = tpu.memref_slice %arg8[%run_scoped3A_214, %dma_start3A_324] : memref<6x128xi32, #tpu.memory_space<vmem>> -> memref<1x128xi32, #tpu.memory_space<vmem>>
        %dma_start3A_326 = tpu.memref_squeeze %dma_start3A_325 : memref<1x128xi32, #tpu.memory_space<vmem>> -> memref<128xi32, #tpu.memory_space<vmem>>
        %dma_start3A_327 = arith.constant 0 : i32
        %dma_start3A_328 = arith.constant 0 : i32
        %dma_start3A_329 = tpu.memref_slice %arg17[%dma_start3A_327, %dma_start3A_328] : memref<10000x128xbf16, #tpu.memory_space<vmem_shared>> -> memref<10000x128xbf16, #tpu.memory_space<vmem_shared>>
        tpu.enqueue_indirect_dma source(%arg10 : memref<128x128xbf16, #tpu.memory_space<vmem>>) target(%dma_start3A_329 : memref<10000x128xbf16, #tpu.memory_space<vmem_shared>>) offsets(%dma_start3A_326 : memref<128xi32, #tpu.memory_space<vmem>>) semaphore(%run_scoped3A_323 : memref<!tpu.dma_semaphore, #tpu.memory_space<semaphore_mem>>) {add = true}
        %dma_wait3A_330 = arith.constant 0 : i32
        %dma_wait3A_331 = tpu.memref_slice %arg8[%run_scoped3A_214, %dma_wait3A_330] : memref<6x128xi32, #tpu.memory_space<vmem>> -> memref<1x128xi32, #tpu.memory_space<vmem>>
        %dma_wait3A_332 = tpu.memref_squeeze %dma_wait3A_331 : memref<1x128xi32, #tpu.memory_space<vmem>> -> memref<128xi32, #tpu.memory_space<vmem>>
        %dma_wait3A_333 = arith.constant 0 : i32
        %dma_wait3A_334 = arith.constant 0 : i32
        %dma_wait3A_335 = tpu.memref_slice %arg17[%dma_wait3A_333, %dma_wait3A_334] : memref<10000x128xbf16, #tpu.memory_space<vmem_shared>> -> memref<10000x128xbf16, #tpu.memory_space<vmem_shared>>
        tpu.wait_indirect_dma semaphore(%run_scoped3A_323 : memref<!tpu.dma_semaphore, #tpu.memory_space<semaphore_mem>>) src(%arg10 : memref<128x128xbf16, #tpu.memory_space<vmem>>) dst(%dma_wait3A_335 : memref<10000x128xbf16, #tpu.memory_space<vmem_shared>>)
        tpu.yield
      }) : () -> ()
      %get3A = arith.constant 0 : i32
      %get3A_215 = arith.index_cast %get3A : i32 to index
      %get3A_216 = arith.constant 0 : index
      %get3A_217 = tpu.vector_load %arg8[%get3A_215, %get3A_216] {strides = array<i32>} : memref<6x128xi32, #tpu.memory_space<vmem>>, vector<16xi32>,
      %broadcast_in_dim3A_218 = arith.constant true
      %broadcast_in_dim3A_219 = vector.broadcast %broadcast_in_dim3A_218 : i1 to vector<16xi1>
      %unique3A, %unique3A_220 = tpu.scan_count mask(%broadcast_in_dim3A_219 : vector<16xi1>) value(%get3A_217 : vector<16xi32>) : vector<16xi1>, vector<16xi32>
      %shift_right_logical3A = arith.constant 4 : i32
      %shift_right_logical3A_221 = vector.broadcast %shift_right_logical3A : i32 to vector<16xi32>
      %shift_right_logical3A_222 = arith.shrui %get3A_217, %shift_right_logical3A_221 : vector<16xi32>
      %and3A = arith.constant 15 : i32
      %and3A_223 = vector.broadcast %and3A : i32 to vector<16xi32>
      %and3A_224 = arith.andi %get3A_217, %and3A_223 : vector<16xi32>
      tpu.vector_store_idx %arg14[%shift_right_logical3A_222, %and3A_224], %unique3A_220 masked %unique3A {add = true} : memref<640x16xi32, #tpu.memory_space<vmem>>[vector<16xi32>, vector<16xi32>], vector<16xi32>, vector<16xi1>
      %get3A_225 = arith.constant 0 : i32
      %get3A_226 = arith.index_cast %get3A_225 : i32 to index
      %get3A_227 = arith.constant 16 : index
      %get3A_228 = tpu.vector_load %arg8[%get3A_226, %get3A_227] {strides = array<i32>} : memref<6x128xi32, #tpu.memory_space<vmem>>, vector<16xi32>,
      %broadcast_in_dim3A_229 = arith.constant true
      %broadcast_in_dim3A_230 = vector.broadcast %broadcast_in_dim3A_229 : i1 to vector<16xi1>
      %unique3A_231, %unique3A_232 = tpu.scan_count mask(%broadcast_in_dim3A_230 : vector<16xi1>) value(%get3A_228 : vector<16xi32>) : vector<16xi1>, vector<16xi32>
      %shift_right_logical3A_233 = arith.constant 4 : i32
      %shift_right_logical3A_234 = vector.broadcast %shift_right_logical3A_233 : i32 to vector<16xi32>
      %shift_right_logical3A_235 = arith.shrui %get3A_228, %shift_right_logical3A_234 : vector<16xi32>
      %and3A_236 = arith.constant 15 : i32
      %and3A_237 = vector.broadcast %and3A_236 : i32 to vector<16xi32>
      %and3A_238 = arith.andi %get3A_228, %and3A_237 : vector<16xi32>
      tpu.vector_store_idx %arg14[%shift_right_logical3A_235, %and3A_238], %unique3A_232 masked %unique3A_231 {add = true} : memref<640x16xi32, #tpu.memory_space<vmem>>[vector<16xi32>, vector<16xi32>], vector<16xi32>, vector<16xi1>
      %get3A_239 = arith.constant 0 : i32
      %get3A_240 = arith.index_cast %get3A_239 : i32 to index
      %get3A_241 = arith.constant 32 : index
      %get3A_242 = tpu.vector_load %arg8[%get3A_240, %get3A_241] {strides = array<i32>} : memref<6x128xi32, #tpu.memory_space<vmem>>, vector<16xi32>,
      %broadcast_in_dim3A_243 = arith.constant true
      %broadcast_in_dim3A_244 = vector.broadcast %broadcast_in_dim3A_243 : i1 to vector<16xi1>
      %unique3A_245, %unique3A_246 = tpu.scan_count mask(%broadcast_in_dim3A_244 : vector<16xi1>) value(%get3A_242 : vector<16xi32>) : vector<16xi1>, vector<16xi32>
      %shift_right_logical3A_247 = arith.constant 4 : i32
      %shift_right_logical3A_248 = vector.broadcast %shift_right_logical3A_247 : i32 to vector<16xi32>
      %shift_right_logical3A_249 = arith.shrui %get3A_242, %shift_right_logical3A_248 : vector<16xi32>
      %and3A_250 = arith.constant 15 : i32
      %and3A_251 = vector.broadcast %and3A_250 : i32 to vector<16xi32>
      %and3A_252 = arith.andi %get3A_242, %and3A_251 : vector<16xi32>
      tpu.vector_store_idx %arg14[%shift_right_logical3A_249, %and3A_252], %unique3A_246 masked %unique3A_245 {add = true} : memref<640x16xi32, #tpu.memory_space<vmem>>[vector<16xi32>, vector<16xi32>], vector<16xi32>, vector<16xi1>
      %get3A_253 = arith.constant 0 : i32
      %get3A_254 = arith.index_cast %get3A_253 : i32 to index
      %get3A_255 = arith.constant 48 : index
      %get3A_256 = tpu.vector_load %arg8[%get3A_254, %get3A_255] {strides = array<i32>} : memref<6x128xi32, #tpu.memory_space<vmem>>, vector<16xi32>,
      %broadcast_in_dim3A_257 = arith.constant true
      %broadcast_in_dim3A_258 = vector.broadcast %broadcast_in_dim3A_257 : i1 to vector<16xi1>
      %unique3A_259, %unique3A_260 = tpu.scan_count mask(%broadcast_in_dim3A_258 : vector<16xi1>) value(%get3A_256 : vector<16xi32>) : vector<16xi1>, vector<16xi32>
      %shift_right_logical3A_261 = arith.constant 4 : i32
      %shift_right_logical3A_262 = vector.broadcast %shift_right_logical3A_261 : i32 to vector<16xi32>
      %shift_right_logical3A_263 = arith.shrui %get3A_256, %shift_right_logical3A_262 : vector<16xi32>
      %and3A_264 = arith.constant 15 : i32
      %and3A_265 = vector.broadcast %and3A_264 : i32 to vector<16xi32>
      %and3A_266 = arith.andi %get3A_256, %and3A_265 : vector<16xi32>
      tpu.vector_store_idx %arg14[%shift_right_logical3A_263, %and3A_266], %unique3A_260 masked %unique3A_259 {add = true} : memref<640x16xi32, #tpu.memory_space<vmem>>[vector<16xi32>, vector<16xi32>], vector<16xi32>, vector<16xi1>
      %get3A_267 = arith.constant 0 : i32
      %get3A_268 = arith.index_cast %get3A_267 : i32 to index
      %get3A_269 = arith.constant 64 : index
      %get3A_270 = tpu.vector_load %arg8[%get3A_268, %get3A_269] {strides = array<i32>} : memref<6x128xi32, #tpu.memory_space<vmem>>, vector<16xi32>,
      %broadcast_in_dim3A_271 = arith.constant true
      %broadcast_in_dim3A_272 = vector.broadcast %broadcast_in_dim3A_271 : i1 to vector<16xi1>
      %unique3A_273, %unique3A_274 = tpu.scan_count mask(%broadcast_in_dim3A_272 : vector<16xi1>) value(%get3A_270 : vector<16xi32>) : vector<16xi1>, vector<16xi32>
      %shift_right_logical3A_275 = arith.constant 4 : i32
      %shift_right_logical3A_276 = vector.broadcast %shift_right_logical3A_275 : i32 to vector<16xi32>
      %shift_right_logical3A_277 = arith.shrui %get3A_270, %shift_right_logical3A_276 : vector<16xi32>
      %and3A_278 = arith.constant 15 : i32
      %and3A_279 = vector.broadcast %and3A_278 : i32 to vector<16xi32>
      %and3A_280 = arith.andi %get3A_270, %and3A_279 : vector<16xi32>
      tpu.vector_store_idx %arg14[%shift_right_logical3A_277, %and3A_280], %unique3A_274 masked %unique3A_273 {add = true} : memref<640x16xi32, #tpu.memory_space<vmem>>[vector<16xi32>, vector<16xi32>], vector<16xi32>, vector<16xi1>
      %get3A_281 = arith.constant 0 : i32
      %get3A_282 = arith.index_cast %get3A_281 : i32 to index
      %get3A_283 = arith.constant 80 : index
      %get3A_284 = tpu.vector_load %arg8[%get3A_282, %get3A_283] {strides = array<i32>} : memref<6x128xi32, #tpu.memory_space<vmem>>, vector<16xi32>,
      %broadcast_in_dim3A_285 = arith.constant true
      %broadcast_in_dim3A_286 = vector.broadcast %broadcast_in_dim3A_285 : i1 to vector<16xi1>
      %unique3A_287, %unique3A_288 = tpu.scan_count mask(%broadcast_in_dim3A_286 : vector<16xi1>) value(%get3A_284 : vector<16xi32>) : vector<16xi1>, vector<16xi32>
      %shift_right_logical3A_289 = arith.constant 4 : i32
      %shift_right_logical3A_290 = vector.broadcast %shift_right_logical3A_289 : i32 to vector<16xi32>
      %shift_right_logical3A_291 = arith.shrui %get3A_284, %shift_right_logical3A_290 : vector<16xi32>
      %and3A_292 = arith.constant 15 : i32
      %and3A_293 = vector.broadcast %and3A_292 : i32 to vector<16xi32>
      %and3A_294 = arith.andi %get3A_284, %and3A_293 : vector<16xi32>
      tpu.vector_store_idx %arg14[%shift_right_logical3A_291, %and3A_294], %unique3A_288 masked %unique3A_287 {add = true} : memref<640x16xi32, #tpu.memory_space<vmem>>[vector<16xi32>, vector<16xi32>], vector<16xi32>, vector<16xi1>
      %get3A_295 = arith.constant 0 : i32
      %get3A_296 = arith.index_cast %get3A_295 : i32 to index
      %get3A_297 = arith.constant 96 : index
      %get3A_298 = tpu.vector_load %arg8[%get3A_296, %get3A_297] {strides = array<i32>} : memref<6x128xi32, #tpu.memory_space<vmem>>, vector<16xi32>,
      %broadcast_in_dim3A_299 = arith.constant true
      %broadcast_in_dim3A_300 = vector.broadcast %broadcast_in_dim3A_299 : i1 to vector<16xi1>
      %unique3A_301, %unique3A_302 = tpu.scan_count mask(%broadcast_in_dim3A_300 : vector<16xi1>) value(%get3A_298 : vector<16xi32>) : vector<16xi1>, vector<16xi32>
      %shift_right_logical3A_303 = arith.constant 4 : i32
      %shift_right_logical3A_304 = vector.broadcast %shift_right_logical3A_303 : i32 to vector<16xi32>
      %shift_right_logical3A_305 = arith.shrui %get3A_298, %shift_right_logical3A_304 : vector<16xi32>
      %and3A_306 = arith.constant 15 : i32
      %and3A_307 = vector.broadcast %and3A_306 : i32 to vector<16xi32>
      %and3A_308 = arith.andi %get3A_298, %and3A_307 : vector<16xi32>
      tpu.vector_store_idx %arg14[%shift_right_logical3A_305, %and3A_308], %unique3A_302 masked %unique3A_301 {add = true} : memref<640x16xi32, #tpu.memory_space<vmem>>[vector<16xi32>, vector<16xi32>], vector<16xi32>, vector<16xi1>
      %get3A_309 = arith.constant 0 : i32
      %get3A_310 = arith.index_cast %get3A_309 : i32 to index
      %get3A_311 = arith.constant 112 : index
      %get3A_312 = tpu.vector_load %arg8[%get3A_310, %get3A_311] {strides = array<i32>} : memref<6x128xi32, #tpu.memory_space<vmem>>, vector<16xi32>,
      %broadcast_in_dim3A_313 = arith.constant true
      %broadcast_in_dim3A_314 = vector.broadcast %broadcast_in_dim3A_313 : i1 to vector<16xi1>
      %unique3A_315, %unique3A_316 = tpu.scan_count mask(%broadcast_in_dim3A_314 : vector<16xi1>) value(%get3A_312 : vector<16xi32>) : vector<16xi1>, vector<16xi32>
      %shift_right_logical3A_317 = arith.constant 4 : i32
      %shift_right_logical3A_318 = vector.broadcast %shift_right_logical3A_317 : i32 to vector<16xi32>
      %shift_right_logical3A_319 = arith.shrui %get3A_312, %shift_right_logical3A_318 : vector<16xi32>
      %and3A_320 = arith.constant 15 : i32
      %and3A_321 = vector.broadcast %and3A_320 : i32 to vector<16xi32>
      %and3A_322 = arith.andi %get3A_312, %and3A_321 : vector<16xi32>
      tpu.vector_store_idx %arg14[%shift_right_logical3A_319, %and3A_322], %unique3A_316 masked %unique3A_315 {add = true} : memref<640x16xi32, #tpu.memory_space<vmem>>[vector<16xi32>, vector<16xi32>], vector<16xi32>, vector<16xi1>
    } else {
    }
    "tpu.region"() ({
      %run_scoped3A_188 = tpu.sem_alloc : memref<!tpu.dma_semaphore, #tpu.memory_space<semaphore_mem>>
      %dma_start3A_189 = arith.constant 0 : i32
      %dma_start3A_190 = arith.constant 0 : i32
      %dma_start3A_191 = tpu.memref_slice %arg18[%arg1, %dma_start3A_189, %dma_start3A_190] : memref<16x640x16xi32, #tpu.memory_space<vmem_shared>> -> memref<1x640x16xi32, #tpu.memory_space<vmem_shared>>
      %dma_start3A_192 = tpu.memref_squeeze %dma_start3A_191 : memref<1x640x16xi32, #tpu.memory_space<vmem_shared>> -> memref<640x16xi32, #tpu.memory_space<vmem_shared>>
      %dma_start3A_193 = arith.constant 0 : i32
      %dma_start3A_194 = arith.constant 0 : i32
      %dma_start3A_195 = tpu.memref_slice %arg18[%arg1, %dma_start3A_193, %dma_start3A_194] : memref<16x640x16xi32, #tpu.memory_space<vmem_shared>> -> memref<1x640x16xi32, #tpu.memory_space<vmem_shared>>
      %dma_start3A_196 = tpu.memref_squeeze %dma_start3A_195 : memref<1x640x16xi32, #tpu.memory_space<vmem_shared>> -> memref<640x16xi32, #tpu.memory_space<vmem_shared>>
      tpu.enqueue_dma source(%arg14 : memref<640x16xi32, #tpu.memory_space<vmem>>) target(%dma_start3A_196 : memref<640x16xi32, #tpu.memory_space<vmem_shared>>) target_semaphore(%run_scoped3A_188 : memref<!tpu.dma_semaphore, #tpu.memory_space<semaphore_mem>>)
      %dma_wait3A_197 = arith.constant 0 : i32
      %dma_wait3A_198 = arith.constant 0 : i32
      %dma_wait3A_199 = tpu.memref_slice %arg18[%arg1, %dma_wait3A_197, %dma_wait3A_198] : memref<16x640x16xi32, #tpu.memory_space<vmem_shared>> -> memref<1x640x16xi32, #tpu.memory_space<vmem_shared>>
      %dma_wait3A_200 = tpu.memref_squeeze %dma_wait3A_199 : memref<1x640x16xi32, #tpu.memory_space<vmem_shared>> -> memref<640x16xi32, #tpu.memory_space<vmem_shared>>
      %dma_wait3A_201 = arith.constant 0 : i32
      %dma_wait3A_202 = arith.constant 0 : i32
      %dma_wait3A_203 = tpu.memref_slice %arg18[%arg1, %dma_wait3A_201, %dma_wait3A_202] : memref<16x640x16xi32, #tpu.memory_space<vmem_shared>> -> memref<1x640x16xi32, #tpu.memory_space<vmem_shared>>
      %dma_wait3A_204 = tpu.memref_squeeze %dma_wait3A_203 : memref<1x640x16xi32, #tpu.memory_space<vmem_shared>> -> memref<640x16xi32, #tpu.memory_space<vmem_shared>>
      tpu.wait_dma2 semaphore(%run_scoped3A_188 : memref<!tpu.dma_semaphore, #tpu.memory_space<semaphore_mem>>) src(%arg14 : memref<640x16xi32, #tpu.memory_space<vmem>>) dst(%dma_wait3A_204 : memref<640x16xi32, #tpu.memory_space<vmem_shared>>)
      tpu.yield
    }) : () -> ()
    %barrier3A_115 = arith.constant 0 : index
    tpu.barrier barrier_id(%barrier3A_115)
    %mul3A_116 = arith.constant 40 : i32
    %mul3A_117 = arith.muli %arg1, %mul3A_116 : i32
    %run_scoped3A = arith.constant 0 : i32
    %run_scoped3A_118 = arith.constant 0 : i32
    "tpu.region"() ({
      %run_scoped3A_188 = tpu.sem_alloc : memref<!tpu.dma_semaphore, #tpu.memory_space<semaphore_mem>>
      %dma_start3A_189 = arith.constant 0 : i32
      %dma_start3A_190 = arith.constant 0 : i32
      %dma_start3A_191 = tpu.memref_slice %arg15[%run_scoped3A_118, %dma_start3A_189, %dma_start3A_190] : memref<16x40x16xi32, #tpu.memory_space<vmem>> -> memref<1x40x16xi32, #tpu.memory_space<vmem>>
      %dma_start3A_192 = tpu.memref_squeeze %dma_start3A_191 : memref<1x40x16xi32, #tpu.memory_space<vmem>> -> memref<40x16xi32, #tpu.memory_space<vmem>>
      %dma_start3A_193 = arith.constant 0 : i32
      %dma_start3A_194 = tpu.memref_slice %arg18[%run_scoped3A, %mul3A_117, %dma_start3A_193] : memref<16x640x16xi32, #tpu.memory_space<vmem_shared>> -> memref<1x40x16xi32, #tpu.memory_space<vmem_shared>>
      %dma_start3A_195 = tpu.memref_squeeze %dma_start3A_194 : memref<1x40x16xi32, #tpu.memory_space<vmem_shared>> -> memref<40x16xi32, #tpu.memory_space<vmem_shared>>
      %dma_start3A_196 = arith.constant 0 : i32
      %dma_start3A_197 = arith.constant 0 : i32
      %dma_start3A_198 = tpu.memref_slice %arg15[%run_scoped3A_118, %dma_start3A_196, %dma_start3A_197] : memref<16x40x16xi32, #tpu.memory_space<vmem>> -> memref<1x40x16xi32, #tpu.memory_space<vmem>>
      %dma_start3A_199 = tpu.memref_squeeze %dma_start3A_198 : memref<1x40x16xi32, #tpu.memory_space<vmem>> -> memref<40x16xi32, #tpu.memory_space<vmem>>
      %dma_start3A_200 = arith.constant 0 : i32
      %dma_start3A_201 = tpu.memref_slice %arg18[%run_scoped3A, %mul3A_117, %dma_start3A_200] : memref<16x640x16xi32, #tpu.memory_space<vmem_shared>> -> memref<1x40x16xi32, #tpu.memory_space<vmem_shared>>
      %dma_start3A_202 = tpu.memref_squeeze %dma_start3A_201 : memref<1x40x16xi32, #tpu.memory_space<vmem_shared>> -> memref<40x16xi32, #tpu.memory_space<vmem_shared>>
      tpu.enqueue_dma source(%dma_start3A_202 : memref<40x16xi32, #tpu.memory_space<vmem_shared>>) target(%dma_start3A_199 : memref<40x16xi32, #tpu.memory_space<vmem>>) target_semaphore(%run_scoped3A_188 : memref<!tpu.dma_semaphore, #tpu.memory_space<semaphore_mem>>)
      %dma_wait3A_203 = arith.constant 0 : i32
      %dma_wait3A_204 = arith.constant 0 : i32
      %dma_wait3A_205 = tpu.memref_slice %arg15[%run_scoped3A_118, %dma_wait3A_203, %dma_wait3A_204] : memref<16x40x16xi32, #tpu.memory_space<vmem>> -> memref<1x40x16xi32, #tpu.memory_space<vmem>>
      %dma_wait3A_206 = tpu.memref_squeeze %dma_wait3A_205 : memref<1x40x16xi32, #tpu.memory_space<vmem>> -> memref<40x16xi32, #tpu.memory_space<vmem>>
      %dma_wait3A_207 = arith.constant 0 : i32
      %dma_wait3A_208 = tpu.memref_slice %arg18[%run_scoped3A, %mul3A_117, %dma_wait3A_207] : memref<16x640x16xi32, #tpu.memory_space<vmem_shared>> -> memref<1x40x16xi32, #tpu.memory_space<vmem_shared>>
      %dma_wait3A_209 = tpu.memref_squeeze %dma_wait3A_208 : memref<1x40x16xi32, #tpu.memory_space<vmem_shared>> -> memref<40x16xi32, #tpu.memory_space<vmem_shared>>
      %dma_wait3A_210 = arith.constant 0 : i32
      %dma_wait3A_211 = arith.constant 0 : i32
      %dma_wait3A_212 = tpu.memref_slice %arg15[%run_scoped3A_118, %dma_wait3A_210, %dma_wait3A_211] : memref<16x40x16xi32, #tpu.memory_space<vmem>> -> memref<1x40x16xi32, #tpu.memory_space<vmem>>
      %dma_wait3A_213 = tpu.memref_squeeze %dma_wait3A_212 : memref<1x40x16xi32, #tpu.memory_space<vmem>> -> memref<40x16xi32, #tpu.memory_space<vmem>>
      %dma_wait3A_214 = arith.constant 0 : i32
      %dma_wait3A_215 = tpu.memref_slice %arg18[%run_scoped3A, %mul3A_117, %dma_wait3A_214] : memref<16x640x16xi32, #tpu.memory_space<vmem_shared>> -> memref<1x40x16xi32, #tpu.memory_space<vmem_shared>>
      %dma_wait3A_216 = tpu.memref_squeeze %dma_wait3A_215 : memref<1x40x16xi32, #tpu.memory_space<vmem_shared>> -> memref<40x16xi32, #tpu.memory_space<vmem_shared>>
      tpu.wait_dma2 semaphore(%run_scoped3A_188 : memref<!tpu.dma_semaphore, #tpu.memory_space<semaphore_mem>>) src(%dma_wait3A_216 : memref<40x16xi32, #tpu.memory_space<vmem_shared>>) dst(%dma_wait3A_213 : memref<40x16xi32, #tpu.memory_space<vmem>>)
      tpu.yield
    }) : () -> ()
    %mul3A_119 = arith.constant 40 : i32
    %mul3A_120 = arith.muli %arg1, %mul3A_119 : i32
    %run_scoped3A_121 = arith.constant 1 : i32
    %run_scoped3A_122 = arith.constant 1 : i32
    "tpu.region"() ({
      %run_scoped3A_188 = tpu.sem_alloc : memref<!tpu.dma_semaphore, #tpu.memory_space<semaphore_mem>>
      %dma_start3A_189 = arith.constant 0 : i32
      %dma_start3A_190 = arith.constant 0 : i32
      %dma_start3A_191 = tpu.memref_slice %arg15[%run_scoped3A_122, %dma_start3A_189, %dma_start3A_190] : memref<16x40x16xi32, #tpu.memory_space<vmem>> -> memref<1x40x16xi32, #tpu.memory_space<vmem>>
      %dma_start3A_192 = tpu.memref_squeeze %dma_start3A_191 : memref<1x40x16xi32, #tpu.memory_space<vmem>> -> memref<40x16xi32, #tpu.memory_space<vmem>>
      %dma_start3A_193 = arith.constant 0 : i32
      %dma_start3A_194 = tpu.memref_slice %arg18[%run_scoped3A_121, %mul3A_120, %dma_start3A_193] : memref<16x640x16xi32, #tpu.memory_space<vmem_shared>> -> memref<1x40x16xi32, #tpu.memory_space<vmem_shared>>
      %dma_start3A_195 = tpu.memref_squeeze %dma_start3A_194 : memref<1x40x16xi32, #tpu.memory_space<vmem_shared>> -> memref<40x16xi32, #tpu.memory_space<vmem_shared>>
      %dma_start3A_196 = arith.constant 0 : i32
      %dma_start3A_197 = arith.constant 0 : i32
      %dma_start3A_198 = tpu.memref_slice %arg15[%run_scoped3A_122, %dma_start3A_196, %dma_start3A_197] : memref<16x40x16xi32, #tpu.memory_space<vmem>> -> memref<1x40x16xi32, #tpu.memory_space<vmem>>
      %dma_start3A_199 = tpu.memref_squeeze %dma_start3A_198 : memref<1x40x16xi32, #tpu.memory_space<vmem>> -> memref<40x16xi32, #tpu.memory_space<vmem>>
      %dma_start3A_200 = arith.constant 0 : i32
      %dma_start3A_201 = tpu.memref_slice %arg18[%run_scoped3A_121, %mul3A_120, %dma_start3A_200] : memref<16x640x16xi32, #tpu.memory_space<vmem_shared>> -> memref<1x40x16xi32, #tpu.memory_space<vmem_shared>>
      %dma_start3A_202 = tpu.memref_squeeze %dma_start3A_201 : memref<1x40x16xi32, #tpu.memory_space<vmem_shared>> -> memref<40x16xi32, #tpu.memory_space<vmem_shared>>
      tpu.enqueue_dma source(%dma_start3A_202 : memref<40x16xi32, #tpu.memory_space<vmem_shared>>) target(%dma_start3A_199 : memref<40x16xi32, #tpu.memory_space<vmem>>) target_semaphore(%run_scoped3A_188 : memref<!tpu.dma_semaphore, #tpu.memory_space<semaphore_mem>>)
      %dma_wait3A_203 = arith.constant 0 : i32
      %dma_wait3A_204 = arith.constant 0 : i32
      %dma_wait3A_205 = tpu.memref_slice %arg15[%run_scoped3A_122, %dma_wait3A_203, %dma_wait3A_204] : memref<16x40x16xi32, #tpu.memory_space<vmem>> -> memref<1x40x16xi32, #tpu.memory_space<vmem>>
      %dma_wait3A_206 = tpu.memref_squeeze %dma_wait3A_205 : memref<1x40x16xi32, #tpu.memory_space<vmem>> -> memref<40x16xi32, #tpu.memory_space<vmem>>
      %dma_wait3A_207 = arith.constant 0 : i32
      %dma_wait3A_208 = tpu.memref_slice %arg18[%run_scoped3A_121, %mul3A_120, %dma_wait3A_207] : memref<16x640x16xi32, #tpu.memory_space<vmem_shared>> -> memref<1x40x16xi32, #tpu.memory_space<vmem_shared>>
      %dma_wait3A_209 = tpu.memref_squeeze %dma_wait3A_208 : memref<1x40x16xi32, #tpu.memory_space<vmem_shared>> -> memref<40x16xi32, #tpu.memory_space<vmem_shared>>
      %dma_wait3A_210 = arith.constant 0 : i32
      %dma_wait3A_211 = arith.constant 0 : i32
      %dma_wait3A_212 = tpu.memref_slice %arg15[%run_scoped3A_122, %dma_wait3A_210, %dma_wait3A_211] : memref<16x40x16xi32, #tpu.memory_space<vmem>> -> memref<1x40x16xi32, #tpu.memory_space<vmem>>
      %dma_wait3A_213 = tpu.memref_squeeze %dma_wait3A_212 : memref<1x40x16xi32, #tpu.memory_space<vmem>> -> memref<40x16xi32, #tpu.memory_space<vmem>>
      %dma_wait3A_214 = arith.constant 0 : i32
      %dma_wait3A_215 = tpu.memref_slice %arg18[%run_scoped3A_121, %mul3A_120, %dma_wait3A_214] : memref<16x640x16xi32, #tpu.memory_space<vmem_shared>> -> memref<1x40x16xi32, #tpu.memory_space<vmem_shared>>
      %dma_wait3A_216 = tpu.memref_squeeze %dma_wait3A_215 : memref<1x40x16xi32, #tpu.memory_space<vmem_shared>> -> memref<40x16xi32, #tpu.memory_space<vmem_shared>>
      tpu.wait_dma2 semaphore(%run_scoped3A_188 : memref<!tpu.dma_semaphore, #tpu.memory_space<semaphore_mem>>) src(%dma_wait3A_216 : memref<40x16xi32, #tpu.memory_space<vmem_shared>>) dst(%dma_wait3A_213 : memref<40x16xi32, #tpu.memory_space<vmem>>)
      tpu.yield
    }) : () -> ()
    %mul3A_123 = arith.constant 40 : i32
    %mul3A_124 = arith.muli %arg1, %mul3A_123 : i32
    %run_scoped3A_125 = arith.constant 2 : i32
    %run_scoped3A_126 = arith.constant 2 : i32
    "tpu.region"() ({
      %run_scoped3A_188 = tpu.sem_alloc : memref<!tpu.dma_semaphore, #tpu.memory_space<semaphore_mem>>
      %dma_start3A_189 = arith.constant 0 : i32
      %dma_start3A_190 = arith.constant 0 : i32
      %dma_start3A_191 = tpu.memref_slice %arg15[%run_scoped3A_126, %dma_start3A_189, %dma_start3A_190] : memref<16x40x16xi32, #tpu.memory_space<vmem>> -> memref<1x40x16xi32, #tpu.memory_space<vmem>>
      %dma_start3A_192 = tpu.memref_squeeze %dma_start3A_191 : memref<1x40x16xi32, #tpu.memory_space<vmem>> -> memref<40x16xi32, #tpu.memory_space<vmem>>
      %dma_start3A_193 = arith.constant 0 : i32
      %dma_start3A_194 = tpu.memref_slice %arg18[%run_scoped3A_125, %mul3A_124, %dma_start3A_193] : memref<16x640x16xi32, #tpu.memory_space<vmem_shared>> -> memref<1x40x16xi32, #tpu.memory_space<vmem_shared>>
      %dma_start3A_195 = tpu.memref_squeeze %dma_start3A_194 : memref<1x40x16xi32, #tpu.memory_space<vmem_shared>> -> memref<40x16xi32, #tpu.memory_space<vmem_shared>>
      %dma_start3A_196 = arith.constant 0 : i32
      %dma_start3A_197 = arith.constant 0 : i32
      %dma_start3A_198 = tpu.memref_slice %arg15[%run_scoped3A_126, %dma_start3A_196, %dma_start3A_197] : memref<16x40x16xi32, #tpu.memory_space<vmem>> -> memref<1x40x16xi32, #tpu.memory_space<vmem>>
      %dma_start3A_199 = tpu.memref_squeeze %dma_start3A_198 : memref<1x40x16xi32, #tpu.memory_space<vmem>> -> memref<40x16xi32, #tpu.memory_space<vmem>>
      %dma_start3A_200 = arith.constant 0 : i32
      %dma_start3A_201 = tpu.memref_slice %arg18[%run_scoped3A_125, %mul3A_124, %dma_start3A_200] : memref<16x640x16xi32, #tpu.memory_space<vmem_shared>> -> memref<1x40x16xi32, #tpu.memory_space<vmem_shared>>
      %dma_start3A_202 = tpu.memref_squeeze %dma_start3A_201 : memref<1x40x16xi32, #tpu.memory_space<vmem_shared>> -> memref<40x16xi32, #tpu.memory_space<vmem_shared>>
      tpu.enqueue_dma source(%dma_start3A_202 : memref<40x16xi32, #tpu.memory_space<vmem_shared>>) target(%dma_start3A_199 : memref<40x16xi32, #tpu.memory_space<vmem>>) target_semaphore(%run_scoped3A_188 : memref<!tpu.dma_semaphore, #tpu.memory_space<semaphore_mem>>)
      %dma_wait3A_203 = arith.constant 0 : i32
      %dma_wait3A_204 = arith.constant 0 : i32
      %dma_wait3A_205 = tpu.memref_slice %arg15[%run_scoped3A_126, %dma_wait3A_203, %dma_wait3A_204] : memref<16x40x16xi32, #tpu.memory_space<vmem>> -> memref<1x40x16xi32, #tpu.memory_space<vmem>>
      %dma_wait3A_206 = tpu.memref_squeeze %dma_wait3A_205 : memref<1x40x16xi32, #tpu.memory_space<vmem>> -> memref<40x16xi32, #tpu.memory_space<vmem>>
      %dma_wait3A_207 = arith.constant 0 : i32
      %dma_wait3A_208 = tpu.memref_slice %arg18[%run_scoped3A_125, %mul3A_124, %dma_wait3A_207] : memref<16x640x16xi32, #tpu.memory_space<vmem_shared>> -> memref<1x40x16xi32, #tpu.memory_space<vmem_shared>>
      %dma_wait3A_209 = tpu.memref_squeeze %dma_wait3A_208 : memref<1x40x16xi32, #tpu.memory_space<vmem_shared>> -> memref<40x16xi32, #tpu.memory_space<vmem_shared>>
      %dma_wait3A_210 = arith.constant 0 : i32
      %dma_wait3A_211 = arith.constant 0 : i32
      %dma_wait3A_212 = tpu.memref_slice %arg15[%run_scoped3A_126, %dma_wait3A_210, %dma_wait3A_211] : memref<16x40x16xi32, #tpu.memory_space<vmem>> -> memref<1x40x16xi32, #tpu.memory_space<vmem>>
      %dma_wait3A_213 = tpu.memref_squeeze %dma_wait3A_212 : memref<1x40x16xi32, #tpu.memory_space<vmem>> -> memref<40x16xi32, #tpu.memory_space<vmem>>
      %dma_wait3A_214 = arith.constant 0 : i32
      %dma_wait3A_215 = tpu.memref_slice %arg18[%run_scoped3A_125, %mul3A_124, %dma_wait3A_214] : memref<16x640x16xi32, #tpu.memory_space<vmem_shared>> -> memref<1x40x16xi32, #tpu.memory_space<vmem_shared>>
      %dma_wait3A_216 = tpu.memref_squeeze %dma_wait3A_215 : memref<1x40x16xi32, #tpu.memory_space<vmem_shared>> -> memref<40x16xi32, #tpu.memory_space<vmem_shared>>
      tpu.wait_dma2 semaphore(%run_scoped3A_188 : memref<!tpu.dma_semaphore, #tpu.memory_space<semaphore_mem>>) src(%dma_wait3A_216 : memref<40x16xi32, #tpu.memory_space<vmem_shared>>) dst(%dma_wait3A_213 : memref<40x16xi32, #tpu.memory_space<vmem>>)
      tpu.yield
    }) : () -> ()
    %mul3A_127 = arith.constant 40 : i32
    %mul3A_128 = arith.muli %arg1, %mul3A_127 : i32
    %run_scoped3A_129 = arith.constant 3 : i32
    %run_scoped3A_130 = arith.constant 3 : i32
    "tpu.region"() ({
      %run_scoped3A_188 = tpu.sem_alloc : memref<!tpu.dma_semaphore, #tpu.memory_space<semaphore_mem>>
      %dma_start3A_189 = arith.constant 0 : i32
      %dma_start3A_190 = arith.constant 0 : i32
      %dma_start3A_191 = tpu.memref_slice %arg15[%run_scoped3A_130, %dma_start3A_189, %dma_start3A_190] : memref<16x40x16xi32, #tpu.memory_space<vmem>> -> memref<1x40x16xi32, #tpu.memory_space<vmem>>
      %dma_start3A_192 = tpu.memref_squeeze %dma_start3A_191 : memref<1x40x16xi32, #tpu.memory_space<vmem>> -> memref<40x16xi32, #tpu.memory_space<vmem>>
      %dma_start3A_193 = arith.constant 0 : i32
      %dma_start3A_194 = tpu.memref_slice %arg18[%run_scoped3A_129, %mul3A_128, %dma_start3A_193] : memref<16x640x16xi32, #tpu.memory_space<vmem_shared>> -> memref<1x40x16xi32, #tpu.memory_space<vmem_shared>>
      %dma_start3A_195 = tpu.memref_squeeze %dma_start3A_194 : memref<1x40x16xi32, #tpu.memory_space<vmem_shared>> -> memref<40x16xi32, #tpu.memory_space<vmem_shared>>
      %dma_start3A_196 = arith.constant 0 : i32
      %dma_start3A_197 = arith.constant 0 : i32
      %dma_start3A_198 = tpu.memref_slice %arg15[%run_scoped3A_130, %dma_start3A_196, %dma_start3A_197] : memref<16x40x16xi32, #tpu.memory_space<vmem>> -> memref<1x40x16xi32, #tpu.memory_space<vmem>>
      %dma_start3A_199 = tpu.memref_squeeze %dma_start3A_198 : memref<1x40x16xi32, #tpu.memory_space<vmem>> -> memref<40x16xi32, #tpu.memory_space<vmem>>
      %dma_start3A_200 = arith.constant 0 : i32
      %dma_start3A_201 = tpu.memref_slice %arg18[%run_scoped3A_129, %mul3A_128, %dma_start3A_200] : memref<16x640x16xi32, #tpu.memory_space<vmem_shared>> -> memref<1x40x16xi32, #tpu.memory_space<vmem_shared>>
      %dma_start3A_202 = tpu.memref_squeeze %dma_start3A_201 : memref<1x40x16xi32, #tpu.memory_space<vmem_shared>> -> memref<40x16xi32, #tpu.memory_space<vmem_shared>>
      tpu.enqueue_dma source(%dma_start3A_202 : memref<40x16xi32, #tpu.memory_space<vmem_shared>>) target(%dma_start3A_199 : memref<40x16xi32, #tpu.memory_space<vmem>>) target_semaphore(%run_scoped3A_188 : memref<!tpu.dma_semaphore, #tpu.memory_space<semaphore_mem>>)
      %dma_wait3A_203 = arith.constant 0 : i32
      %dma_wait3A_204 = arith.constant 0 : i32
      %dma_wait3A_205 = tpu.memref_slice %arg15[%run_scoped3A_130, %dma_wait3A_203, %dma_wait3A_204] : memref<16x40x16xi32, #tpu.memory_space<vmem>> -> memref<1x40x16xi32, #tpu.memory_space<vmem>>
      %dma_wait3A_206 = tpu.memref_squeeze %dma_wait3A_205 : memref<1x40x16xi32, #tpu.memory_space<vmem>> -> memref<40x16xi32, #tpu.memory_space<vmem>>
      %dma_wait3A_207 = arith.constant 0 : i32
      %dma_wait3A_208 = tpu.memref_slice %arg18[%run_scoped3A_129, %mul3A_128, %dma_wait3A_207] : memref<16x640x16xi32, #tpu.memory_space<vmem_shared>> -> memref<1x40x16xi32, #tpu.memory_space<vmem_shared>>
      %dma_wait3A_209 = tpu.memref_squeeze %dma_wait3A_208 : memref<1x40x16xi32, #tpu.memory_space<vmem_shared>> -> memref<40x16xi32, #tpu.memory_space<vmem_shared>>
      %dma_wait3A_210 = arith.constant 0 : i32
      %dma_wait3A_211 = arith.constant 0 : i32
      %dma_wait3A_212 = tpu.memref_slice %arg15[%run_scoped3A_130, %dma_wait3A_210, %dma_wait3A_211] : memref<16x40x16xi32, #tpu.memory_space<vmem>> -> memref<1x40x16xi32, #tpu.memory_space<vmem>>
      %dma_wait3A_213 = tpu.memref_squeeze %dma_wait3A_212 : memref<1x40x16xi32, #tpu.memory_space<vmem>> -> memref<40x16xi32, #tpu.memory_space<vmem>>
      %dma_wait3A_214 = arith.constant 0 : i32
      %dma_wait3A_215 = tpu.memref_slice %arg18[%run_scoped3A_129, %mul3A_128, %dma_wait3A_214] : memref<16x640x16xi32, #tpu.memory_space<vmem_shared>> -> memref<1x40x16xi32, #tpu.memory_space<vmem_shared>>
      %dma_wait3A_216 = tpu.memref_squeeze %dma_wait3A_215 : memref<1x40x16xi32, #tpu.memory_space<vmem_shared>> -> memref<40x16xi32, #tpu.memory_space<vmem_shared>>
      tpu.wait_dma2 semaphore(%run_scoped3A_188 : memref<!tpu.dma_semaphore, #tpu.memory_space<semaphore_mem>>) src(%dma_wait3A_216 : memref<40x16xi32, #tpu.memory_space<vmem_shared>>) dst(%dma_wait3A_213 : memref<40x16xi32, #tpu.memory_space<vmem>>)
      tpu.yield
    }) : () -> ()
    %mul3A_131 = arith.constant 40 : i32
    %mul3A_132 = arith.muli %arg1, %mul3A_131 : i32
    %run_scoped3A_133 = arith.constant 4 : i32
    %run_scoped3A_134 = arith.constant 4 : i32
    "tpu.region"() ({
      %run_scoped3A_188 = tpu.sem_alloc : memref<!tpu.dma_semaphore, #tpu.memory_space<semaphore_mem>>
      %dma_start3A_189 = arith.constant 0 : i32
      %dma_start3A_190 = arith.constant 0 : i32
      %dma_start3A_191 = tpu.memref_slice %arg15[%run_scoped3A_134, %dma_start3A_189, %dma_start3A_190] : memref<16x40x16xi32, #tpu.memory_space<vmem>> -> memref<1x40x16xi32, #tpu.memory_space<vmem>>
      %dma_start3A_192 = tpu.memref_squeeze %dma_start3A_191 : memref<1x40x16xi32, #tpu.memory_space<vmem>> -> memref<40x16xi32, #tpu.memory_space<vmem>>
      %dma_start3A_193 = arith.constant 0 : i32
      %dma_start3A_194 = tpu.memref_slice %arg18[%run_scoped3A_133, %mul3A_132, %dma_start3A_193] : memref<16x640x16xi32, #tpu.memory_space<vmem_shared>> -> memref<1x40x16xi32, #tpu.memory_space<vmem_shared>>
      %dma_start3A_195 = tpu.memref_squeeze %dma_start3A_194 : memref<1x40x16xi32, #tpu.memory_space<vmem_shared>> -> memref<40x16xi32, #tpu.memory_space<vmem_shared>>
      %dma_start3A_196 = arith.constant 0 : i32
      %dma_start3A_197 = arith.constant 0 : i32
      %dma_start3A_198 = tpu.memref_slice %arg15[%run_scoped3A_134, %dma_start3A_196, %dma_start3A_197] : memref<16x40x16xi32, #tpu.memory_space<vmem>> -> memref<1x40x16xi32, #tpu.memory_space<vmem>>
      %dma_start3A_199 = tpu.memref_squeeze %dma_start3A_198 : memref<1x40x16xi32, #tpu.memory_space<vmem>> -> memref<40x16xi32, #tpu.memory_space<vmem>>
      %dma_start3A_200 = arith.constant 0 : i32
      %dma_start3A_201 = tpu.memref_slice %arg18[%run_scoped3A_133, %mul3A_132, %dma_start3A_200] : memref<16x640x16xi32, #tpu.memory_space<vmem_shared>> -> memref<1x40x16xi32, #tpu.memory_space<vmem_shared>>
      %dma_start3A_202 = tpu.memref_squeeze %dma_start3A_201 : memref<1x40x16xi32, #tpu.memory_space<vmem_shared>> -> memref<40x16xi32, #tpu.memory_space<vmem_shared>>
      tpu.enqueue_dma source(%dma_start3A_202 : memref<40x16xi32, #tpu.memory_space<vmem_shared>>) target(%dma_start3A_199 : memref<40x16xi32, #tpu.memory_space<vmem>>) target_semaphore(%run_scoped3A_188 : memref<!tpu.dma_semaphore, #tpu.memory_space<semaphore_mem>>)
      %dma_wait3A_203 = arith.constant 0 : i32
      %dma_wait3A_204 = arith.constant 0 : i32
      %dma_wait3A_205 = tpu.memref_slice %arg15[%run_scoped3A_134, %dma_wait3A_203, %dma_wait3A_204] : memref<16x40x16xi32, #tpu.memory_space<vmem>> -> memref<1x40x16xi32, #tpu.memory_space<vmem>>
      %dma_wait3A_206 = tpu.memref_squeeze %dma_wait3A_205 : memref<1x40x16xi32, #tpu.memory_space<vmem>> -> memref<40x16xi32, #tpu.memory_space<vmem>>
      %dma_wait3A_207 = arith.constant 0 : i32
      %dma_wait3A_208 = tpu.memref_slice %arg18[%run_scoped3A_133, %mul3A_132, %dma_wait3A_207] : memref<16x640x16xi32, #tpu.memory_space<vmem_shared>> -> memref<1x40x16xi32, #tpu.memory_space<vmem_shared>>
      %dma_wait3A_209 = tpu.memref_squeeze %dma_wait3A_208 : memref<1x40x16xi32, #tpu.memory_space<vmem_shared>> -> memref<40x16xi32, #tpu.memory_space<vmem_shared>>
      %dma_wait3A_210 = arith.constant 0 : i32
      %dma_wait3A_211 = arith.constant 0 : i32
      %dma_wait3A_212 = tpu.memref_slice %arg15[%run_scoped3A_134, %dma_wait3A_210, %dma_wait3A_211] : memref<16x40x16xi32, #tpu.memory_space<vmem>> -> memref<1x40x16xi32, #tpu.memory_space<vmem>>
      %dma_wait3A_213 = tpu.memref_squeeze %dma_wait3A_212 : memref<1x40x16xi32, #tpu.memory_space<vmem>> -> memref<40x16xi32, #tpu.memory_space<vmem>>
      %dma_wait3A_214 = arith.constant 0 : i32
      %dma_wait3A_215 = tpu.memref_slice %arg18[%run_scoped3A_133, %mul3A_132, %dma_wait3A_214] : memref<16x640x16xi32, #tpu.memory_space<vmem_shared>> -> memref<1x40x16xi32, #tpu.memory_space<vmem_shared>>
      %dma_wait3A_216 = tpu.memref_squeeze %dma_wait3A_215 : memref<1x40x16xi32, #tpu.memory_space<vmem_shared>> -> memref<40x16xi32, #tpu.memory_space<vmem_shared>>
      tpu.wait_dma2 semaphore(%run_scoped3A_188 : memref<!tpu.dma_semaphore, #tpu.memory_space<semaphore_mem>>) src(%dma_wait3A_216 : memref<40x16xi32, #tpu.memory_space<vmem_shared>>) dst(%dma_wait3A_213 : memref<40x16xi32, #tpu.memory_space<vmem>>)
      tpu.yield
    }) : () -> ()
    %mul3A_135 = arith.constant 40 : i32
    %mul3A_136 = arith.muli %arg1, %mul3A_135 : i32
    %run_scoped3A_137 = arith.constant 5 : i32
    %run_scoped3A_138 = arith.constant 5 : i32
    "tpu.region"() ({
      %run_scoped3A_188 = tpu.sem_alloc : memref<!tpu.dma_semaphore, #tpu.memory_space<semaphore_mem>>
      %dma_start3A_189 = arith.constant 0 : i32
      %dma_start3A_190 = arith.constant 0 : i32
      %dma_start3A_191 = tpu.memref_slice %arg15[%run_scoped3A_138, %dma_start3A_189, %dma_start3A_190] : memref<16x40x16xi32, #tpu.memory_space<vmem>> -> memref<1x40x16xi32, #tpu.memory_space<vmem>>
      %dma_start3A_192 = tpu.memref_squeeze %dma_start3A_191 : memref<1x40x16xi32, #tpu.memory_space<vmem>> -> memref<40x16xi32, #tpu.memory_space<vmem>>
      %dma_start3A_193 = arith.constant 0 : i32
      %dma_start3A_194 = tpu.memref_slice %arg18[%run_scoped3A_137, %mul3A_136, %dma_start3A_193] : memref<16x640x16xi32, #tpu.memory_space<vmem_shared>> -> memref<1x40x16xi32, #tpu.memory_space<vmem_shared>>
      %dma_start3A_195 = tpu.memref_squeeze %dma_start3A_194 : memref<1x40x16xi32, #tpu.memory_space<vmem_shared>> -> memref<40x16xi32, #tpu.memory_space<vmem_shared>>
      %dma_start3A_196 = arith.constant 0 : i32
      %dma_start3A_197 = arith.constant 0 : i32
      %dma_start3A_198 = tpu.memref_slice %arg15[%run_scoped3A_138, %dma_start3A_196, %dma_start3A_197] : memref<16x40x16xi32, #tpu.memory_space<vmem>> -> memref<1x40x16xi32, #tpu.memory_space<vmem>>
      %dma_start3A_199 = tpu.memref_squeeze %dma_start3A_198 : memref<1x40x16xi32, #tpu.memory_space<vmem>> -> memref<40x16xi32, #tpu.memory_space<vmem>>
      %dma_start3A_200 = arith.constant 0 : i32
      %dma_start3A_201 = tpu.memref_slice %arg18[%run_scoped3A_137, %mul3A_136, %dma_start3A_200] : memref<16x640x16xi32, #tpu.memory_space<vmem_shared>> -> memref<1x40x16xi32, #tpu.memory_space<vmem_shared>>
      %dma_start3A_202 = tpu.memref_squeeze %dma_start3A_201 : memref<1x40x16xi32, #tpu.memory_space<vmem_shared>> -> memref<40x16xi32, #tpu.memory_space<vmem_shared>>
      tpu.enqueue_dma source(%dma_start3A_202 : memref<40x16xi32, #tpu.memory_space<vmem_shared>>) target(%dma_start3A_199 : memref<40x16xi32, #tpu.memory_space<vmem>>) target_semaphore(%run_scoped3A_188 : memref<!tpu.dma_semaphore, #tpu.memory_space<semaphore_mem>>)
      %dma_wait3A_203 = arith.constant 0 : i32
      %dma_wait3A_204 = arith.constant 0 : i32
      %dma_wait3A_205 = tpu.memref_slice %arg15[%run_scoped3A_138, %dma_wait3A_203, %dma_wait3A_204] : memref<16x40x16xi32, #tpu.memory_space<vmem>> -> memref<1x40x16xi32, #tpu.memory_space<vmem>>
      %dma_wait3A_206 = tpu.memref_squeeze %dma_wait3A_205 : memref<1x40x16xi32, #tpu.memory_space<vmem>> -> memref<40x16xi32, #tpu.memory_space<vmem>>
      %dma_wait3A_207 = arith.constant 0 : i32
      %dma_wait3A_208 = tpu.memref_slice %arg18[%run_scoped3A_137, %mul3A_136, %dma_wait3A_207] : memref<16x640x16xi32, #tpu.memory_space<vmem_shared>> -> memref<1x40x16xi32, #tpu.memory_space<vmem_shared>>
      %dma_wait3A_209 = tpu.memref_squeeze %dma_wait3A_208 : memref<1x40x16xi32, #tpu.memory_space<vmem_shared>> -> memref<40x16xi32, #tpu.memory_space<vmem_shared>>
      %dma_wait3A_210 = arith.constant 0 : i32
      %dma_wait3A_211 = arith.constant 0 : i32
      %dma_wait3A_212 = tpu.memref_slice %arg15[%run_scoped3A_138, %dma_wait3A_210, %dma_wait3A_211] : memref<16x40x16xi32, #tpu.memory_space<vmem>> -> memref<1x40x16xi32, #tpu.memory_space<vmem>>
      %dma_wait3A_213 = tpu.memref_squeeze %dma_wait3A_212 : memref<1x40x16xi32, #tpu.memory_space<vmem>> -> memref<40x16xi32, #tpu.memory_space<vmem>>
      %dma_wait3A_214 = arith.constant 0 : i32
      %dma_wait3A_215 = tpu.memref_slice %arg18[%run_scoped3A_137, %mul3A_136, %dma_wait3A_214] : memref<16x640x16xi32, #tpu.memory_space<vmem_shared>> -> memref<1x40x16xi32, #tpu.memory_space<vmem_shared>>
      %dma_wait3A_216 = tpu.memref_squeeze %dma_wait3A_215 : memref<1x40x16xi32, #tpu.memory_space<vmem_shared>> -> memref<40x16xi32, #tpu.memory_space<vmem_shared>>
      tpu.wait_dma2 semaphore(%run_scoped3A_188 : memref<!tpu.dma_semaphore, #tpu.memory_space<semaphore_mem>>) src(%dma_wait3A_216 : memref<40x16xi32, #tpu.memory_space<vmem_shared>>) dst(%dma_wait3A_213 : memref<40x16xi32, #tpu.memory_space<vmem>>)
      tpu.yield
    }) : () -> ()
    %mul3A_139 = arith.constant 40 : i32
    %mul3A_140 = arith.muli %arg1, %mul3A_139 : i32
    %run_scoped3A_141 = arith.constant 6 : i32
    %run_scoped3A_142 = arith.constant 6 : i32
    "tpu.region"() ({
      %run_scoped3A_188 = tpu.sem_alloc : memref<!tpu.dma_semaphore, #tpu.memory_space<semaphore_mem>>
      %dma_start3A_189 = arith.constant 0 : i32
      %dma_start3A_190 = arith.constant 0 : i32
      %dma_start3A_191 = tpu.memref_slice %arg15[%run_scoped3A_142, %dma_start3A_189, %dma_start3A_190] : memref<16x40x16xi32, #tpu.memory_space<vmem>> -> memref<1x40x16xi32, #tpu.memory_space<vmem>>
      %dma_start3A_192 = tpu.memref_squeeze %dma_start3A_191 : memref<1x40x16xi32, #tpu.memory_space<vmem>> -> memref<40x16xi32, #tpu.memory_space<vmem>>
      %dma_start3A_193 = arith.constant 0 : i32
      %dma_start3A_194 = tpu.memref_slice %arg18[%run_scoped3A_141, %mul3A_140, %dma_start3A_193] : memref<16x640x16xi32, #tpu.memory_space<vmem_shared>> -> memref<1x40x16xi32, #tpu.memory_space<vmem_shared>>
      %dma_start3A_195 = tpu.memref_squeeze %dma_start3A_194 : memref<1x40x16xi32, #tpu.memory_space<vmem_shared>> -> memref<40x16xi32, #tpu.memory_space<vmem_shared>>
      %dma_start3A_196 = arith.constant 0 : i32
      %dma_start3A_197 = arith.constant 0 : i32
      %dma_start3A_198 = tpu.memref_slice %arg15[%run_scoped3A_142, %dma_start3A_196, %dma_start3A_197] : memref<16x40x16xi32, #tpu.memory_space<vmem>> -> memref<1x40x16xi32, #tpu.memory_space<vmem>>
      %dma_start3A_199 = tpu.memref_squeeze %dma_start3A_198 : memref<1x40x16xi32, #tpu.memory_space<vmem>> -> memref<40x16xi32, #tpu.memory_space<vmem>>
      %dma_start3A_200 = arith.constant 0 : i32
      %dma_start3A_201 = tpu.memref_slice %arg18[%run_scoped3A_141, %mul3A_140, %dma_start3A_200] : memref<16x640x16xi32, #tpu.memory_space<vmem_shared>> -> memref<1x40x16xi32, #tpu.memory_space<vmem_shared>>
      %dma_start3A_202 = tpu.memref_squeeze %dma_start3A_201 : memref<1x40x16xi32, #tpu.memory_space<vmem_shared>> -> memref<40x16xi32, #tpu.memory_space<vmem_shared>>
      tpu.enqueue_dma source(%dma_start3A_202 : memref<40x16xi32, #tpu.memory_space<vmem_shared>>) target(%dma_start3A_199 : memref<40x16xi32, #tpu.memory_space<vmem>>) target_semaphore(%run_scoped3A_188 : memref<!tpu.dma_semaphore, #tpu.memory_space<semaphore_mem>>)
      %dma_wait3A_203 = arith.constant 0 : i32
      %dma_wait3A_204 = arith.constant 0 : i32
      %dma_wait3A_205 = tpu.memref_slice %arg15[%run_scoped3A_142, %dma_wait3A_203, %dma_wait3A_204] : memref<16x40x16xi32, #tpu.memory_space<vmem>> -> memref<1x40x16xi32, #tpu.memory_space<vmem>>
      %dma_wait3A_206 = tpu.memref_squeeze %dma_wait3A_205 : memref<1x40x16xi32, #tpu.memory_space<vmem>> -> memref<40x16xi32, #tpu.memory_space<vmem>>
      %dma_wait3A_207 = arith.constant 0 : i32
      %dma_wait3A_208 = tpu.memref_slice %arg18[%run_scoped3A_141, %mul3A_140, %dma_wait3A_207] : memref<16x640x16xi32, #tpu.memory_space<vmem_shared>> -> memref<1x40x16xi32, #tpu.memory_space<vmem_shared>>
      %dma_wait3A_209 = tpu.memref_squeeze %dma_wait3A_208 : memref<1x40x16xi32, #tpu.memory_space<vmem_shared>> -> memref<40x16xi32, #tpu.memory_space<vmem_shared>>
      %dma_wait3A_210 = arith.constant 0 : i32
      %dma_wait3A_211 = arith.constant 0 : i32
      %dma_wait3A_212 = tpu.memref_slice %arg15[%run_scoped3A_142, %dma_wait3A_210, %dma_wait3A_211] : memref<16x40x16xi32, #tpu.memory_space<vmem>> -> memref<1x40x16xi32, #tpu.memory_space<vmem>>
      %dma_wait3A_213 = tpu.memref_squeeze %dma_wait3A_212 : memref<1x40x16xi32, #tpu.memory_space<vmem>> -> memref<40x16xi32, #tpu.memory_space<vmem>>
      %dma_wait3A_214 = arith.constant 0 : i32
      %dma_wait3A_215 = tpu.memref_slice %arg18[%run_scoped3A_141, %mul3A_140, %dma_wait3A_214] : memref<16x640x16xi32, #tpu.memory_space<vmem_shared>> -> memref<1x40x16xi32, #tpu.memory_space<vmem_shared>>
      %dma_wait3A_216 = tpu.memref_squeeze %dma_wait3A_215 : memref<1x40x16xi32, #tpu.memory_space<vmem_shared>> -> memref<40x16xi32, #tpu.memory_space<vmem_shared>>
      tpu.wait_dma2 semaphore(%run_scoped3A_188 : memref<!tpu.dma_semaphore, #tpu.memory_space<semaphore_mem>>) src(%dma_wait3A_216 : memref<40x16xi32, #tpu.memory_space<vmem_shared>>) dst(%dma_wait3A_213 : memref<40x16xi32, #tpu.memory_space<vmem>>)
      tpu.yield
    }) : () -> ()
    %mul3A_143 = arith.constant 40 : i32
    %mul3A_144 = arith.muli %arg1, %mul3A_143 : i32
    %run_scoped3A_145 = arith.constant 7 : i32
    %run_scoped3A_146 = arith.constant 7 : i32
    "tpu.region"() ({
      %run_scoped3A_188 = tpu.sem_alloc : memref<!tpu.dma_semaphore, #tpu.memory_space<semaphore_mem>>
      %dma_start3A_189 = arith.constant 0 : i32
      %dma_start3A_190 = arith.constant 0 : i32
      %dma_start3A_191 = tpu.memref_slice %arg15[%run_scoped3A_146, %dma_start3A_189, %dma_start3A_190] : memref<16x40x16xi32, #tpu.memory_space<vmem>> -> memref<1x40x16xi32, #tpu.memory_space<vmem>>
      %dma_start3A_192 = tpu.memref_squeeze %dma_start3A_191 : memref<1x40x16xi32, #tpu.memory_space<vmem>> -> memref<40x16xi32, #tpu.memory_space<vmem>>
      %dma_start3A_193 = arith.constant 0 : i32
      %dma_start3A_194 = tpu.memref_slice %arg18[%run_scoped3A_145, %mul3A_144, %dma_start3A_193] : memref<16x640x16xi32, #tpu.memory_space<vmem_shared>> -> memref<1x40x16xi32, #tpu.memory_space<vmem_shared>>
      %dma_start3A_195 = tpu.memref_squeeze %dma_start3A_194 : memref<1x40x16xi32, #tpu.memory_space<vmem_shared>> -> memref<40x16xi32, #tpu.memory_space<vmem_shared>>
      %dma_start3A_196 = arith.constant 0 : i32
      %dma_start3A_197 = arith.constant 0 : i32
      %dma_start3A_198 = tpu.memref_slice %arg15[%run_scoped3A_146, %dma_start3A_196, %dma_start3A_197] : memref<16x40x16xi32, #tpu.memory_space<vmem>> -> memref<1x40x16xi32, #tpu.memory_space<vmem>>
      %dma_start3A_199 = tpu.memref_squeeze %dma_start3A_198 : memref<1x40x16xi32, #tpu.memory_space<vmem>> -> memref<40x16xi32, #tpu.memory_space<vmem>>
      %dma_start3A_200 = arith.constant 0 : i32
      %dma_start3A_201 = tpu.memref_slice %arg18[%run_scoped3A_145, %mul3A_144, %dma_start3A_200] : memref<16x640x16xi32, #tpu.memory_space<vmem_shared>> -> memref<1x40x16xi32, #tpu.memory_space<vmem_shared>>
      %dma_start3A_202 = tpu.memref_squeeze %dma_start3A_201 : memref<1x40x16xi32, #tpu.memory_space<vmem_shared>> -> memref<40x16xi32, #tpu.memory_space<vmem_shared>>
      tpu.enqueue_dma source(%dma_start3A_202 : memref<40x16xi32, #tpu.memory_space<vmem_shared>>) target(%dma_start3A_199 : memref<40x16xi32, #tpu.memory_space<vmem>>) target_semaphore(%run_scoped3A_188 : memref<!tpu.dma_semaphore, #tpu.memory_space<semaphore_mem>>)
      %dma_wait3A_203 = arith.constant 0 : i32
      %dma_wait3A_204 = arith.constant 0 : i32
      %dma_wait3A_205 = tpu.memref_slice %arg15[%run_scoped3A_146, %dma_wait3A_203, %dma_wait3A_204] : memref<16x40x16xi32, #tpu.memory_space<vmem>> -> memref<1x40x16xi32, #tpu.memory_space<vmem>>
      %dma_wait3A_206 = tpu.memref_squeeze %dma_wait3A_205 : memref<1x40x16xi32, #tpu.memory_space<vmem>> -> memref<40x16xi32, #tpu.memory_space<vmem>>
      %dma_wait3A_207 = arith.constant 0 : i32
      %dma_wait3A_208 = tpu.memref_slice %arg18[%run_scoped3A_145, %mul3A_144, %dma_wait3A_207] : memref<16x640x16xi32, #tpu.memory_space<vmem_shared>> -> memref<1x40x16xi32, #tpu.memory_space<vmem_shared>>
      %dma_wait3A_209 = tpu.memref_squeeze %dma_wait3A_208 : memref<1x40x16xi32, #tpu.memory_space<vmem_shared>> -> memref<40x16xi32, #tpu.memory_space<vmem_shared>>
      %dma_wait3A_210 = arith.constant 0 : i32
      %dma_wait3A_211 = arith.constant 0 : i32
      %dma_wait3A_212 = tpu.memref_slice %arg15[%run_scoped3A_146, %dma_wait3A_210, %dma_wait3A_211] : memref<16x40x16xi32, #tpu.memory_space<vmem>> -> memref<1x40x16xi32, #tpu.memory_space<vmem>>
      %dma_wait3A_213 = tpu.memref_squeeze %dma_wait3A_212 : memref<1x40x16xi32, #tpu.memory_space<vmem>> -> memref<40x16xi32, #tpu.memory_space<vmem>>
      %dma_wait3A_214 = arith.constant 0 : i32
      %dma_wait3A_215 = tpu.memref_slice %arg18[%run_scoped3A_145, %mul3A_144, %dma_wait3A_214] : memref<16x640x16xi32, #tpu.memory_space<vmem_shared>> -> memref<1x40x16xi32, #tpu.memory_space<vmem_shared>>
      %dma_wait3A_216 = tpu.memref_squeeze %dma_wait3A_215 : memref<1x40x16xi32, #tpu.memory_space<vmem_shared>> -> memref<40x16xi32, #tpu.memory_space<vmem_shared>>
      tpu.wait_dma2 semaphore(%run_scoped3A_188 : memref<!tpu.dma_semaphore, #tpu.memory_space<semaphore_mem>>) src(%dma_wait3A_216 : memref<40x16xi32, #tpu.memory_space<vmem_shared>>) dst(%dma_wait3A_213 : memref<40x16xi32, #tpu.memory_space<vmem>>)
      tpu.yield
    }) : () -> ()
    %mul3A_147 = arith.constant 40 : i32
    %mul3A_148 = arith.muli %arg1, %mul3A_147 : i32
    %run_scoped3A_149 = arith.constant 8 : i32
    %run_scoped3A_150 = arith.constant 8 : i32
    "tpu.region"() ({
      %run_scoped3A_188 = tpu.sem_alloc : memref<!tpu.dma_semaphore, #tpu.memory_space<semaphore_mem>>
      %dma_start3A_189 = arith.constant 0 : i32
      %dma_start3A_190 = arith.constant 0 : i32
      %dma_start3A_191 = tpu.memref_slice %arg15[%run_scoped3A_150, %dma_start3A_189, %dma_start3A_190] : memref<16x40x16xi32, #tpu.memory_space<vmem>> -> memref<1x40x16xi32, #tpu.memory_space<vmem>>
      %dma_start3A_192 = tpu.memref_squeeze %dma_start3A_191 : memref<1x40x16xi32, #tpu.memory_space<vmem>> -> memref<40x16xi32, #tpu.memory_space<vmem>>
      %dma_start3A_193 = arith.constant 0 : i32
      %dma_start3A_194 = tpu.memref_slice %arg18[%run_scoped3A_149, %mul3A_148, %dma_start3A_193] : memref<16x640x16xi32, #tpu.memory_space<vmem_shared>> -> memref<1x40x16xi32, #tpu.memory_space<vmem_shared>>
      %dma_start3A_195 = tpu.memref_squeeze %dma_start3A_194 : memref<1x40x16xi32, #tpu.memory_space<vmem_shared>> -> memref<40x16xi32, #tpu.memory_space<vmem_shared>>
      %dma_start3A_196 = arith.constant 0 : i32
      %dma_start3A_197 = arith.constant 0 : i32
      %dma_start3A_198 = tpu.memref_slice %arg15[%run_scoped3A_150, %dma_start3A_196, %dma_start3A_197] : memref<16x40x16xi32, #tpu.memory_space<vmem>> -> memref<1x40x16xi32, #tpu.memory_space<vmem>>
      %dma_start3A_199 = tpu.memref_squeeze %dma_start3A_198 : memref<1x40x16xi32, #tpu.memory_space<vmem>> -> memref<40x16xi32, #tpu.memory_space<vmem>>
      %dma_start3A_200 = arith.constant 0 : i32
      %dma_start3A_201 = tpu.memref_slice %arg18[%run_scoped3A_149, %mul3A_148, %dma_start3A_200] : memref<16x640x16xi32, #tpu.memory_space<vmem_shared>> -> memref<1x40x16xi32, #tpu.memory_space<vmem_shared>>
      %dma_start3A_202 = tpu.memref_squeeze %dma_start3A_201 : memref<1x40x16xi32, #tpu.memory_space<vmem_shared>> -> memref<40x16xi32, #tpu.memory_space<vmem_shared>>
      tpu.enqueue_dma source(%dma_start3A_202 : memref<40x16xi32, #tpu.memory_space<vmem_shared>>) target(%dma_start3A_199 : memref<40x16xi32, #tpu.memory_space<vmem>>) target_semaphore(%run_scoped3A_188 : memref<!tpu.dma_semaphore, #tpu.memory_space<semaphore_mem>>)
      %dma_wait3A_203 = arith.constant 0 : i32
      %dma_wait3A_204 = arith.constant 0 : i32
      %dma_wait3A_205 = tpu.memref_slice %arg15[%run_scoped3A_150, %dma_wait3A_203, %dma_wait3A_204] : memref<16x40x16xi32, #tpu.memory_space<vmem>> -> memref<1x40x16xi32, #tpu.memory_space<vmem>>
      %dma_wait3A_206 = tpu.memref_squeeze %dma_wait3A_205 : memref<1x40x16xi32, #tpu.memory_space<vmem>> -> memref<40x16xi32, #tpu.memory_space<vmem>>
      %dma_wait3A_207 = arith.constant 0 : i32
      %dma_wait3A_208 = tpu.memref_slice %arg18[%run_scoped3A_149, %mul3A_148, %dma_wait3A_207] : memref<16x640x16xi32, #tpu.memory_space<vmem_shared>> -> memref<1x40x16xi32, #tpu.memory_space<vmem_shared>>
      %dma_wait3A_209 = tpu.memref_squeeze %dma_wait3A_208 : memref<1x40x16xi32, #tpu.memory_space<vmem_shared>> -> memref<40x16xi32, #tpu.memory_space<vmem_shared>>
      %dma_wait3A_210 = arith.constant 0 : i32
      %dma_wait3A_211 = arith.constant 0 : i32
      %dma_wait3A_212 = tpu.memref_slice %arg15[%run_scoped3A_150, %dma_wait3A_210, %dma_wait3A_211] : memref<16x40x16xi32, #tpu.memory_space<vmem>> -> memref<1x40x16xi32, #tpu.memory_space<vmem>>
      %dma_wait3A_213 = tpu.memref_squeeze %dma_wait3A_212 : memref<1x40x16xi32, #tpu.memory_space<vmem>> -> memref<40x16xi32, #tpu.memory_space<vmem>>
      %dma_wait3A_214 = arith.constant 0 : i32
      %dma_wait3A_215 = tpu.memref_slice %arg18[%run_scoped3A_149, %mul3A_148, %dma_wait3A_214] : memref<16x640x16xi32, #tpu.memory_space<vmem_shared>> -> memref<1x40x16xi32, #tpu.memory_space<vmem_shared>>
      %dma_wait3A_216 = tpu.memref_squeeze %dma_wait3A_215 : memref<1x40x16xi32, #tpu.memory_space<vmem_shared>> -> memref<40x16xi32, #tpu.memory_space<vmem_shared>>
      tpu.wait_dma2 semaphore(%run_scoped3A_188 : memref<!tpu.dma_semaphore, #tpu.memory_space<semaphore_mem>>) src(%dma_wait3A_216 : memref<40x16xi32, #tpu.memory_space<vmem_shared>>) dst(%dma_wait3A_213 : memref<40x16xi32, #tpu.memory_space<vmem>>)
      tpu.yield
    }) : () -> ()
    %mul3A_151 = arith.constant 40 : i32
    %mul3A_152 = arith.muli %arg1, %mul3A_151 : i32
    %run_scoped3A_153 = arith.constant 9 : i32
    %run_scoped3A_154 = arith.constant 9 : i32
    "tpu.region"() ({
      %run_scoped3A_188 = tpu.sem_alloc : memref<!tpu.dma_semaphore, #tpu.memory_space<semaphore_mem>>
      %dma_start3A_189 = arith.constant 0 : i32
      %dma_start3A_190 = arith.constant 0 : i32
      %dma_start3A_191 = tpu.memref_slice %arg15[%run_scoped3A_154, %dma_start3A_189, %dma_start3A_190] : memref<16x40x16xi32, #tpu.memory_space<vmem>> -> memref<1x40x16xi32, #tpu.memory_space<vmem>>
      %dma_start3A_192 = tpu.memref_squeeze %dma_start3A_191 : memref<1x40x16xi32, #tpu.memory_space<vmem>> -> memref<40x16xi32, #tpu.memory_space<vmem>>
      %dma_start3A_193 = arith.constant 0 : i32
      %dma_start3A_194 = tpu.memref_slice %arg18[%run_scoped3A_153, %mul3A_152, %dma_start3A_193] : memref<16x640x16xi32, #tpu.memory_space<vmem_shared>> -> memref<1x40x16xi32, #tpu.memory_space<vmem_shared>>
      %dma_start3A_195 = tpu.memref_squeeze %dma_start3A_194 : memref<1x40x16xi32, #tpu.memory_space<vmem_shared>> -> memref<40x16xi32, #tpu.memory_space<vmem_shared>>
      %dma_start3A_196 = arith.constant 0 : i32
      %dma_start3A_197 = arith.constant 0 : i32
      %dma_start3A_198 = tpu.memref_slice %arg15[%run_scoped3A_154, %dma_start3A_196, %dma_start3A_197] : memref<16x40x16xi32, #tpu.memory_space<vmem>> -> memref<1x40x16xi32, #tpu.memory_space<vmem>>
      %dma_start3A_199 = tpu.memref_squeeze %dma_start3A_198 : memref<1x40x16xi32, #tpu.memory_space<vmem>> -> memref<40x16xi32, #tpu.memory_space<vmem>>
      %dma_start3A_200 = arith.constant 0 : i32
      %dma_start3A_201 = tpu.memref_slice %arg18[%run_scoped3A_153, %mul3A_152, %dma_start3A_200] : memref<16x640x16xi32, #tpu.memory_space<vmem_shared>> -> memref<1x40x16xi32, #tpu.memory_space<vmem_shared>>
      %dma_start3A_202 = tpu.memref_squeeze %dma_start3A_201 : memref<1x40x16xi32, #tpu.memory_space<vmem_shared>> -> memref<40x16xi32, #tpu.memory_space<vmem_shared>>
      tpu.enqueue_dma source(%dma_start3A_202 : memref<40x16xi32, #tpu.memory_space<vmem_shared>>) target(%dma_start3A_199 : memref<40x16xi32, #tpu.memory_space<vmem>>) target_semaphore(%run_scoped3A_188 : memref<!tpu.dma_semaphore, #tpu.memory_space<semaphore_mem>>)
      %dma_wait3A_203 = arith.constant 0 : i32
      %dma_wait3A_204 = arith.constant 0 : i32
      %dma_wait3A_205 = tpu.memref_slice %arg15[%run_scoped3A_154, %dma_wait3A_203, %dma_wait3A_204] : memref<16x40x16xi32, #tpu.memory_space<vmem>> -> memref<1x40x16xi32, #tpu.memory_space<vmem>>
      %dma_wait3A_206 = tpu.memref_squeeze %dma_wait3A_205 : memref<1x40x16xi32, #tpu.memory_space<vmem>> -> memref<40x16xi32, #tpu.memory_space<vmem>>
      %dma_wait3A_207 = arith.constant 0 : i32
      %dma_wait3A_208 = tpu.memref_slice %arg18[%run_scoped3A_153, %mul3A_152, %dma_wait3A_207] : memref<16x640x16xi32, #tpu.memory_space<vmem_shared>> -> memref<1x40x16xi32, #tpu.memory_space<vmem_shared>>
      %dma_wait3A_209 = tpu.memref_squeeze %dma_wait3A_208 : memref<1x40x16xi32, #tpu.memory_space<vmem_shared>> -> memref<40x16xi32, #tpu.memory_space<vmem_shared>>
      %dma_wait3A_210 = arith.constant 0 : i32
      %dma_wait3A_211 = arith.constant 0 : i32
      %dma_wait3A_212 = tpu.memref_slice %arg15[%run_scoped3A_154, %dma_wait3A_210, %dma_wait3A_211] : memref<16x40x16xi32, #tpu.memory_space<vmem>> -> memref<1x40x16xi32, #tpu.memory_space<vmem>>
      %dma_wait3A_213 = tpu.memref_squeeze %dma_wait3A_212 : memref<1x40x16xi32, #tpu.memory_space<vmem>> -> memref<40x16xi32, #tpu.memory_space<vmem>>
      %dma_wait3A_214 = arith.constant 0 : i32
      %dma_wait3A_215 = tpu.memref_slice %arg18[%run_scoped3A_153, %mul3A_152, %dma_wait3A_214] : memref<16x640x16xi32, #tpu.memory_space<vmem_shared>> -> memref<1x40x16xi32, #tpu.memory_space<vmem_shared>>
      %dma_wait3A_216 = tpu.memref_squeeze %dma_wait3A_215 : memref<1x40x16xi32, #tpu.memory_space<vmem_shared>> -> memref<40x16xi32, #tpu.memory_space<vmem_shared>>
      tpu.wait_dma2 semaphore(%run_scoped3A_188 : memref<!tpu.dma_semaphore, #tpu.memory_space<semaphore_mem>>) src(%dma_wait3A_216 : memref<40x16xi32, #tpu.memory_space<vmem_shared>>) dst(%dma_wait3A_213 : memref<40x16xi32, #tpu.memory_space<vmem>>)
      tpu.yield
    }) : () -> ()
    %mul3A_155 = arith.constant 40 : i32
    %mul3A_156 = arith.muli %arg1, %mul3A_155 : i32
    %run_scoped3A_157 = arith.constant 10 : i32
    %run_scoped3A_158 = arith.constant 10 : i32
    "tpu.region"() ({
      %run_scoped3A_188 = tpu.sem_alloc : memref<!tpu.dma_semaphore, #tpu.memory_space<semaphore_mem>>
      %dma_start3A_189 = arith.constant 0 : i32
      %dma_start3A_190 = arith.constant 0 : i32
      %dma_start3A_191 = tpu.memref_slice %arg15[%run_scoped3A_158, %dma_start3A_189, %dma_start3A_190] : memref<16x40x16xi32, #tpu.memory_space<vmem>> -> memref<1x40x16xi32, #tpu.memory_space<vmem>>
      %dma_start3A_192 = tpu.memref_squeeze %dma_start3A_191 : memref<1x40x16xi32, #tpu.memory_space<vmem>> -> memref<40x16xi32, #tpu.memory_space<vmem>>
      %dma_start3A_193 = arith.constant 0 : i32
      %dma_start3A_194 = tpu.memref_slice %arg18[%run_scoped3A_157, %mul3A_156, %dma_start3A_193] : memref<16x640x16xi32, #tpu.memory_space<vmem_shared>> -> memref<1x40x16xi32, #tpu.memory_space<vmem_shared>>
      %dma_start3A_195 = tpu.memref_squeeze %dma_start3A_194 : memref<1x40x16xi32, #tpu.memory_space<vmem_shared>> -> memref<40x16xi32, #tpu.memory_space<vmem_shared>>
      %dma_start3A_196 = arith.constant 0 : i32
      %dma_start3A_197 = arith.constant 0 : i32
      %dma_start3A_198 = tpu.memref_slice %arg15[%run_scoped3A_158, %dma_start3A_196, %dma_start3A_197] : memref<16x40x16xi32, #tpu.memory_space<vmem>> -> memref<1x40x16xi32, #tpu.memory_space<vmem>>
      %dma_start3A_199 = tpu.memref_squeeze %dma_start3A_198 : memref<1x40x16xi32, #tpu.memory_space<vmem>> -> memref<40x16xi32, #tpu.memory_space<vmem>>
      %dma_start3A_200 = arith.constant 0 : i32
      %dma_start3A_201 = tpu.memref_slice %arg18[%run_scoped3A_157, %mul3A_156, %dma_start3A_200] : memref<16x640x16xi32, #tpu.memory_space<vmem_shared>> -> memref<1x40x16xi32, #tpu.memory_space<vmem_shared>>
      %dma_start3A_202 = tpu.memref_squeeze %dma_start3A_201 : memref<1x40x16xi32, #tpu.memory_space<vmem_shared>> -> memref<40x16xi32, #tpu.memory_space<vmem_shared>>
      tpu.enqueue_dma source(%dma_start3A_202 : memref<40x16xi32, #tpu.memory_space<vmem_shared>>) target(%dma_start3A_199 : memref<40x16xi32, #tpu.memory_space<vmem>>) target_semaphore(%run_scoped3A_188 : memref<!tpu.dma_semaphore, #tpu.memory_space<semaphore_mem>>)
      %dma_wait3A_203 = arith.constant 0 : i32
      %dma_wait3A_204 = arith.constant 0 : i32
      %dma_wait3A_205 = tpu.memref_slice %arg15[%run_scoped3A_158, %dma_wait3A_203, %dma_wait3A_204] : memref<16x40x16xi32, #tpu.memory_space<vmem>> -> memref<1x40x16xi32, #tpu.memory_space<vmem>>
      %dma_wait3A_206 = tpu.memref_squeeze %dma_wait3A_205 : memref<1x40x16xi32, #tpu.memory_space<vmem>> -> memref<40x16xi32, #tpu.memory_space<vmem>>
      %dma_wait3A_207 = arith.constant 0 : i32
      %dma_wait3A_208 = tpu.memref_slice %arg18[%run_scoped3A_157, %mul3A_156, %dma_wait3A_207] : memref<16x640x16xi32, #tpu.memory_space<vmem_shared>> -> memref<1x40x16xi32, #tpu.memory_space<vmem_shared>>
      %dma_wait3A_209 = tpu.memref_squeeze %dma_wait3A_208 : memref<1x40x16xi32, #tpu.memory_space<vmem_shared>> -> memref<40x16xi32, #tpu.memory_space<vmem_shared>>
      %dma_wait3A_210 = arith.constant 0 : i32
      %dma_wait3A_211 = arith.constant 0 : i32
      %dma_wait3A_212 = tpu.memref_slice %arg15[%run_scoped3A_158, %dma_wait3A_210, %dma_wait3A_211] : memref<16x40x16xi32, #tpu.memory_space<vmem>> -> memref<1x40x16xi32, #tpu.memory_space<vmem>>
      %dma_wait3A_213 = tpu.memref_squeeze %dma_wait3A_212 : memref<1x40x16xi32, #tpu.memory_space<vmem>> -> memref<40x16xi32, #tpu.memory_space<vmem>>
      %dma_wait3A_214 = arith.constant 0 : i32
      %dma_wait3A_215 = tpu.memref_slice %arg18[%run_scoped3A_157, %mul3A_156, %dma_wait3A_214] : memref<16x640x16xi32, #tpu.memory_space<vmem_shared>> -> memref<1x40x16xi32, #tpu.memory_space<vmem_shared>>
      %dma_wait3A_216 = tpu.memref_squeeze %dma_wait3A_215 : memref<1x40x16xi32, #tpu.memory_space<vmem_shared>> -> memref<40x16xi32, #tpu.memory_space<vmem_shared>>
      tpu.wait_dma2 semaphore(%run_scoped3A_188 : memref<!tpu.dma_semaphore, #tpu.memory_space<semaphore_mem>>) src(%dma_wait3A_216 : memref<40x16xi32, #tpu.memory_space<vmem_shared>>) dst(%dma_wait3A_213 : memref<40x16xi32, #tpu.memory_space<vmem>>)
      tpu.yield
    }) : () -> ()
    %mul3A_159 = arith.constant 40 : i32
    %mul3A_160 = arith.muli %arg1, %mul3A_159 : i32
    %run_scoped3A_161 = arith.constant 11 : i32
    %run_scoped3A_162 = arith.constant 11 : i32
    "tpu.region"() ({
      %run_scoped3A_188 = tpu.sem_alloc : memref<!tpu.dma_semaphore, #tpu.memory_space<semaphore_mem>>
      %dma_start3A_189 = arith.constant 0 : i32
      %dma_start3A_190 = arith.constant 0 : i32
      %dma_start3A_191 = tpu.memref_slice %arg15[%run_scoped3A_162, %dma_start3A_189, %dma_start3A_190] : memref<16x40x16xi32, #tpu.memory_space<vmem>> -> memref<1x40x16xi32, #tpu.memory_space<vmem>>
      %dma_start3A_192 = tpu.memref_squeeze %dma_start3A_191 : memref<1x40x16xi32, #tpu.memory_space<vmem>> -> memref<40x16xi32, #tpu.memory_space<vmem>>
      %dma_start3A_193 = arith.constant 0 : i32
      %dma_start3A_194 = tpu.memref_slice %arg18[%run_scoped3A_161, %mul3A_160, %dma_start3A_193] : memref<16x640x16xi32, #tpu.memory_space<vmem_shared>> -> memref<1x40x16xi32, #tpu.memory_space<vmem_shared>>
      %dma_start3A_195 = tpu.memref_squeeze %dma_start3A_194 : memref<1x40x16xi32, #tpu.memory_space<vmem_shared>> -> memref<40x16xi32, #tpu.memory_space<vmem_shared>>
      %dma_start3A_196 = arith.constant 0 : i32
      %dma_start3A_197 = arith.constant 0 : i32
      %dma_start3A_198 = tpu.memref_slice %arg15[%run_scoped3A_162, %dma_start3A_196, %dma_start3A_197] : memref<16x40x16xi32, #tpu.memory_space<vmem>> -> memref<1x40x16xi32, #tpu.memory_space<vmem>>
      %dma_start3A_199 = tpu.memref_squeeze %dma_start3A_198 : memref<1x40x16xi32, #tpu.memory_space<vmem>> -> memref<40x16xi32, #tpu.memory_space<vmem>>
      %dma_start3A_200 = arith.constant 0 : i32
      %dma_start3A_201 = tpu.memref_slice %arg18[%run_scoped3A_161, %mul3A_160, %dma_start3A_200] : memref<16x640x16xi32, #tpu.memory_space<vmem_shared>> -> memref<1x40x16xi32, #tpu.memory_space<vmem_shared>>
      %dma_start3A_202 = tpu.memref_squeeze %dma_start3A_201 : memref<1x40x16xi32, #tpu.memory_space<vmem_shared>> -> memref<40x16xi32, #tpu.memory_space<vmem_shared>>
      tpu.enqueue_dma source(%dma_start3A_202 : memref<40x16xi32, #tpu.memory_space<vmem_shared>>) target(%dma_start3A_199 : memref<40x16xi32, #tpu.memory_space<vmem>>) target_semaphore(%run_scoped3A_188 : memref<!tpu.dma_semaphore, #tpu.memory_space<semaphore_mem>>)
      %dma_wait3A_203 = arith.constant 0 : i32
      %dma_wait3A_204 = arith.constant 0 : i32
      %dma_wait3A_205 = tpu.memref_slice %arg15[%run_scoped3A_162, %dma_wait3A_203, %dma_wait3A_204] : memref<16x40x16xi32, #tpu.memory_space<vmem>> -> memref<1x40x16xi32, #tpu.memory_space<vmem>>
      %dma_wait3A_206 = tpu.memref_squeeze %dma_wait3A_205 : memref<1x40x16xi32, #tpu.memory_space<vmem>> -> memref<40x16xi32, #tpu.memory_space<vmem>>
      %dma_wait3A_207 = arith.constant 0 : i32
      %dma_wait3A_208 = tpu.memref_slice %arg18[%run_scoped3A_161, %mul3A_160, %dma_wait3A_207] : memref<16x640x16xi32, #tpu.memory_space<vmem_shared>> -> memref<1x40x16xi32, #tpu.memory_space<vmem_shared>>
      %dma_wait3A_209 = tpu.memref_squeeze %dma_wait3A_208 : memref<1x40x16xi32, #tpu.memory_space<vmem_shared>> -> memref<40x16xi32, #tpu.memory_space<vmem_shared>>
      %dma_wait3A_210 = arith.constant 0 : i32
      %dma_wait3A_211 = arith.constant 0 : i32
      %dma_wait3A_212 = tpu.memref_slice %arg15[%run_scoped3A_162, %dma_wait3A_210, %dma_wait3A_211] : memref<16x40x16xi32, #tpu.memory_space<vmem>> -> memref<1x40x16xi32, #tpu.memory_space<vmem>>
      %dma_wait3A_213 = tpu.memref_squeeze %dma_wait3A_212 : memref<1x40x16xi32, #tpu.memory_space<vmem>> -> memref<40x16xi32, #tpu.memory_space<vmem>>
      %dma_wait3A_214 = arith.constant 0 : i32
      %dma_wait3A_215 = tpu.memref_slice %arg18[%run_scoped3A_161, %mul3A_160, %dma_wait3A_214] : memref<16x640x16xi32, #tpu.memory_space<vmem_shared>> -> memref<1x40x16xi32, #tpu.memory_space<vmem_shared>>
      %dma_wait3A_216 = tpu.memref_squeeze %dma_wait3A_215 : memref<1x40x16xi32, #tpu.memory_space<vmem_shared>> -> memref<40x16xi32, #tpu.memory_space<vmem_shared>>
      tpu.wait_dma2 semaphore(%run_scoped3A_188 : memref<!tpu.dma_semaphore, #tpu.memory_space<semaphore_mem>>) src(%dma_wait3A_216 : memref<40x16xi32, #tpu.memory_space<vmem_shared>>) dst(%dma_wait3A_213 : memref<40x16xi32, #tpu.memory_space<vmem>>)
      tpu.yield
    }) : () -> ()
    %mul3A_163 = arith.constant 40 : i32
    %mul3A_164 = arith.muli %arg1, %mul3A_163 : i32
    %run_scoped3A_165 = arith.constant 12 : i32
    %run_scoped3A_166 = arith.constant 12 : i32
    "tpu.region"() ({
      %run_scoped3A_188 = tpu.sem_alloc : memref<!tpu.dma_semaphore, #tpu.memory_space<semaphore_mem>>
      %dma_start3A_189 = arith.constant 0 : i32
      %dma_start3A_190 = arith.constant 0 : i32
      %dma_start3A_191 = tpu.memref_slice %arg15[%run_scoped3A_166, %dma_start3A_189, %dma_start3A_190] : memref<16x40x16xi32, #tpu.memory_space<vmem>> -> memref<1x40x16xi32, #tpu.memory_space<vmem>>
      %dma_start3A_192 = tpu.memref_squeeze %dma_start3A_191 : memref<1x40x16xi32, #tpu.memory_space<vmem>> -> memref<40x16xi32, #tpu.memory_space<vmem>>
      %dma_start3A_193 = arith.constant 0 : i32
      %dma_start3A_194 = tpu.memref_slice %arg18[%run_scoped3A_165, %mul3A_164, %dma_start3A_193] : memref<16x640x16xi32, #tpu.memory_space<vmem_shared>> -> memref<1x40x16xi32, #tpu.memory_space<vmem_shared>>
      %dma_start3A_195 = tpu.memref_squeeze %dma_start3A_194 : memref<1x40x16xi32, #tpu.memory_space<vmem_shared>> -> memref<40x16xi32, #tpu.memory_space<vmem_shared>>
      %dma_start3A_196 = arith.constant 0 : i32
      %dma_start3A_197 = arith.constant 0 : i32
      %dma_start3A_198 = tpu.memref_slice %arg15[%run_scoped3A_166, %dma_start3A_196, %dma_start3A_197] : memref<16x40x16xi32, #tpu.memory_space<vmem>> -> memref<1x40x16xi32, #tpu.memory_space<vmem>>
      %dma_start3A_199 = tpu.memref_squeeze %dma_start3A_198 : memref<1x40x16xi32, #tpu.memory_space<vmem>> -> memref<40x16xi32, #tpu.memory_space<vmem>>
      %dma_start3A_200 = arith.constant 0 : i32
      %dma_start3A_201 = tpu.memref_slice %arg18[%run_scoped3A_165, %mul3A_164, %dma_start3A_200] : memref<16x640x16xi32, #tpu.memory_space<vmem_shared>> -> memref<1x40x16xi32, #tpu.memory_space<vmem_shared>>
      %dma_start3A_202 = tpu.memref_squeeze %dma_start3A_201 : memref<1x40x16xi32, #tpu.memory_space<vmem_shared>> -> memref<40x16xi32, #tpu.memory_space<vmem_shared>>
      tpu.enqueue_dma source(%dma_start3A_202 : memref<40x16xi32, #tpu.memory_space<vmem_shared>>) target(%dma_start3A_199 : memref<40x16xi32, #tpu.memory_space<vmem>>) target_semaphore(%run_scoped3A_188 : memref<!tpu.dma_semaphore, #tpu.memory_space<semaphore_mem>>)
      %dma_wait3A_203 = arith.constant 0 : i32
      %dma_wait3A_204 = arith.constant 0 : i32
      %dma_wait3A_205 = tpu.memref_slice %arg15[%run_scoped3A_166, %dma_wait3A_203, %dma_wait3A_204] : memref<16x40x16xi32, #tpu.memory_space<vmem>> -> memref<1x40x16xi32, #tpu.memory_space<vmem>>
      %dma_wait3A_206 = tpu.memref_squeeze %dma_wait3A_205 : memref<1x40x16xi32, #tpu.memory_space<vmem>> -> memref<40x16xi32, #tpu.memory_space<vmem>>
      %dma_wait3A_207 = arith.constant 0 : i32
      %dma_wait3A_208 = tpu.memref_slice %arg18[%run_scoped3A_165, %mul3A_164, %dma_wait3A_207] : memref<16x640x16xi32, #tpu.memory_space<vmem_shared>> -> memref<1x40x16xi32, #tpu.memory_space<vmem_shared>>
      %dma_wait3A_209 = tpu.memref_squeeze %dma_wait3A_208 : memref<1x40x16xi32, #tpu.memory_space<vmem_shared>> -> memref<40x16xi32, #tpu.memory_space<vmem_shared>>
      %dma_wait3A_210 = arith.constant 0 : i32
      %dma_wait3A_211 = arith.constant 0 : i32
      %dma_wait3A_212 = tpu.memref_slice %arg15[%run_scoped3A_166, %dma_wait3A_210, %dma_wait3A_211] : memref<16x40x16xi32, #tpu.memory_space<vmem>> -> memref<1x40x16xi32, #tpu.memory_space<vmem>>
      %dma_wait3A_213 = tpu.memref_squeeze %dma_wait3A_212 : memref<1x40x16xi32, #tpu.memory_space<vmem>> -> memref<40x16xi32, #tpu.memory_space<vmem>>
      %dma_wait3A_214 = arith.constant 0 : i32
      %dma_wait3A_215 = tpu.memref_slice %arg18[%run_scoped3A_165, %mul3A_164, %dma_wait3A_214] : memref<16x640x16xi32, #tpu.memory_space<vmem_shared>> -> memref<1x40x16xi32, #tpu.memory_space<vmem_shared>>
      %dma_wait3A_216 = tpu.memref_squeeze %dma_wait3A_215 : memref<1x40x16xi32, #tpu.memory_space<vmem_shared>> -> memref<40x16xi32, #tpu.memory_space<vmem_shared>>
      tpu.wait_dma2 semaphore(%run_scoped3A_188 : memref<!tpu.dma_semaphore, #tpu.memory_space<semaphore_mem>>) src(%dma_wait3A_216 : memref<40x16xi32, #tpu.memory_space<vmem_shared>>) dst(%dma_wait3A_213 : memref<40x16xi32, #tpu.memory_space<vmem>>)
      tpu.yield
    }) : () -> ()
    %mul3A_167 = arith.constant 40 : i32
    %mul3A_168 = arith.muli %arg1, %mul3A_167 : i32
    %run_scoped3A_169 = arith.constant 13 : i32
    %run_scoped3A_170 = arith.constant 13 : i32
    "tpu.region"() ({
      %run_scoped3A_188 = tpu.sem_alloc : memref<!tpu.dma_semaphore, #tpu.memory_space<semaphore_mem>>
      %dma_start3A_189 = arith.constant 0 : i32
      %dma_start3A_190 = arith.constant 0 : i32
      %dma_start3A_191 = tpu.memref_slice %arg15[%run_scoped3A_170, %dma_start3A_189, %dma_start3A_190] : memref<16x40x16xi32, #tpu.memory_space<vmem>> -> memref<1x40x16xi32, #tpu.memory_space<vmem>>
      %dma_start3A_192 = tpu.memref_squeeze %dma_start3A_191 : memref<1x40x16xi32, #tpu.memory_space<vmem>> -> memref<40x16xi32, #tpu.memory_space<vmem>>
      %dma_start3A_193 = arith.constant 0 : i32
      %dma_start3A_194 = tpu.memref_slice %arg18[%run_scoped3A_169, %mul3A_168, %dma_start3A_193] : memref<16x640x16xi32, #tpu.memory_space<vmem_shared>> -> memref<1x40x16xi32, #tpu.memory_space<vmem_shared>>
      %dma_start3A_195 = tpu.memref_squeeze %dma_start3A_194 : memref<1x40x16xi32, #tpu.memory_space<vmem_shared>> -> memref<40x16xi32, #tpu.memory_space<vmem_shared>>
      %dma_start3A_196 = arith.constant 0 : i32
      %dma_start3A_197 = arith.constant 0 : i32
      %dma_start3A_198 = tpu.memref_slice %arg15[%run_scoped3A_170, %dma_start3A_196, %dma_start3A_197] : memref<16x40x16xi32, #tpu.memory_space<vmem>> -> memref<1x40x16xi32, #tpu.memory_space<vmem>>
      %dma_start3A_199 = tpu.memref_squeeze %dma_start3A_198 : memref<1x40x16xi32, #tpu.memory_space<vmem>> -> memref<40x16xi32, #tpu.memory_space<vmem>>
      %dma_start3A_200 = arith.constant 0 : i32
      %dma_start3A_201 = tpu.memref_slice %arg18[%run_scoped3A_169, %mul3A_168, %dma_start3A_200] : memref<16x640x16xi32, #tpu.memory_space<vmem_shared>> -> memref<1x40x16xi32, #tpu.memory_space<vmem_shared>>
      %dma_start3A_202 = tpu.memref_squeeze %dma_start3A_201 : memref<1x40x16xi32, #tpu.memory_space<vmem_shared>> -> memref<40x16xi32, #tpu.memory_space<vmem_shared>>
      tpu.enqueue_dma source(%dma_start3A_202 : memref<40x16xi32, #tpu.memory_space<vmem_shared>>) target(%dma_start3A_199 : memref<40x16xi32, #tpu.memory_space<vmem>>) target_semaphore(%run_scoped3A_188 : memref<!tpu.dma_semaphore, #tpu.memory_space<semaphore_mem>>)
      %dma_wait3A_203 = arith.constant 0 : i32
      %dma_wait3A_204 = arith.constant 0 : i32
      %dma_wait3A_205 = tpu.memref_slice %arg15[%run_scoped3A_170, %dma_wait3A_203, %dma_wait3A_204] : memref<16x40x16xi32, #tpu.memory_space<vmem>> -> memref<1x40x16xi32, #tpu.memory_space<vmem>>
      %dma_wait3A_206 = tpu.memref_squeeze %dma_wait3A_205 : memref<1x40x16xi32, #tpu.memory_space<vmem>> -> memref<40x16xi32, #tpu.memory_space<vmem>>
      %dma_wait3A_207 = arith.constant 0 : i32
      %dma_wait3A_208 = tpu.memref_slice %arg18[%run_scoped3A_169, %mul3A_168, %dma_wait3A_207] : memref<16x640x16xi32, #tpu.memory_space<vmem_shared>> -> memref<1x40x16xi32, #tpu.memory_space<vmem_shared>>
      %dma_wait3A_209 = tpu.memref_squeeze %dma_wait3A_208 : memref<1x40x16xi32, #tpu.memory_space<vmem_shared>> -> memref<40x16xi32, #tpu.memory_space<vmem_shared>>
      %dma_wait3A_210 = arith.constant 0 : i32
      %dma_wait3A_211 = arith.constant 0 : i32
      %dma_wait3A_212 = tpu.memref_slice %arg15[%run_scoped3A_170, %dma_wait3A_210, %dma_wait3A_211] : memref<16x40x16xi32, #tpu.memory_space<vmem>> -> memref<1x40x16xi32, #tpu.memory_space<vmem>>
      %dma_wait3A_213 = tpu.memref_squeeze %dma_wait3A_212 : memref<1x40x16xi32, #tpu.memory_space<vmem>> -> memref<40x16xi32, #tpu.memory_space<vmem>>
      %dma_wait3A_214 = arith.constant 0 : i32
      %dma_wait3A_215 = tpu.memref_slice %arg18[%run_scoped3A_169, %mul3A_168, %dma_wait3A_214] : memref<16x640x16xi32, #tpu.memory_space<vmem_shared>> -> memref<1x40x16xi32, #tpu.memory_space<vmem_shared>>
      %dma_wait3A_216 = tpu.memref_squeeze %dma_wait3A_215 : memref<1x40x16xi32, #tpu.memory_space<vmem_shared>> -> memref<40x16xi32, #tpu.memory_space<vmem_shared>>
      tpu.wait_dma2 semaphore(%run_scoped3A_188 : memref<!tpu.dma_semaphore, #tpu.memory_space<semaphore_mem>>) src(%dma_wait3A_216 : memref<40x16xi32, #tpu.memory_space<vmem_shared>>) dst(%dma_wait3A_213 : memref<40x16xi32, #tpu.memory_space<vmem>>)
      tpu.yield
    }) : () -> ()
    %mul3A_171 = arith.constant 40 : i32
    %mul3A_172 = arith.muli %arg1, %mul3A_171 : i32
    %run_scoped3A_173 = arith.constant 14 : i32
    %run_scoped3A_174 = arith.constant 14 : i32
    "tpu.region"() ({
      %run_scoped3A_188 = tpu.sem_alloc : memref<!tpu.dma_semaphore, #tpu.memory_space<semaphore_mem>>
      %dma_start3A_189 = arith.constant 0 : i32
      %dma_start3A_190 = arith.constant 0 : i32
      %dma_start3A_191 = tpu.memref_slice %arg15[%run_scoped3A_174, %dma_start3A_189, %dma_start3A_190] : memref<16x40x16xi32, #tpu.memory_space<vmem>> -> memref<1x40x16xi32, #tpu.memory_space<vmem>>
      %dma_start3A_192 = tpu.memref_squeeze %dma_start3A_191 : memref<1x40x16xi32, #tpu.memory_space<vmem>> -> memref<40x16xi32, #tpu.memory_space<vmem>>
      %dma_start3A_193 = arith.constant 0 : i32
      %dma_start3A_194 = tpu.memref_slice %arg18[%run_scoped3A_173, %mul3A_172, %dma_start3A_193] : memref<16x640x16xi32, #tpu.memory_space<vmem_shared>> -> memref<1x40x16xi32, #tpu.memory_space<vmem_shared>>
      %dma_start3A_195 = tpu.memref_squeeze %dma_start3A_194 : memref<1x40x16xi32, #tpu.memory_space<vmem_shared>> -> memref<40x16xi32, #tpu.memory_space<vmem_shared>>
      %dma_start3A_196 = arith.constant 0 : i32
      %dma_start3A_197 = arith.constant 0 : i32
      %dma_start3A_198 = tpu.memref_slice %arg15[%run_scoped3A_174, %dma_start3A_196, %dma_start3A_197] : memref<16x40x16xi32, #tpu.memory_space<vmem>> -> memref<1x40x16xi32, #tpu.memory_space<vmem>>
      %dma_start3A_199 = tpu.memref_squeeze %dma_start3A_198 : memref<1x40x16xi32, #tpu.memory_space<vmem>> -> memref<40x16xi32, #tpu.memory_space<vmem>>
      %dma_start3A_200 = arith.constant 0 : i32
      %dma_start3A_201 = tpu.memref_slice %arg18[%run_scoped3A_173, %mul3A_172, %dma_start3A_200] : memref<16x640x16xi32, #tpu.memory_space<vmem_shared>> -> memref<1x40x16xi32, #tpu.memory_space<vmem_shared>>
      %dma_start3A_202 = tpu.memref_squeeze %dma_start3A_201 : memref<1x40x16xi32, #tpu.memory_space<vmem_shared>> -> memref<40x16xi32, #tpu.memory_space<vmem_shared>>
      tpu.enqueue_dma source(%dma_start3A_202 : memref<40x16xi32, #tpu.memory_space<vmem_shared>>) target(%dma_start3A_199 : memref<40x16xi32, #tpu.memory_space<vmem>>) target_semaphore(%run_scoped3A_188 : memref<!tpu.dma_semaphore, #tpu.memory_space<semaphore_mem>>)
      %dma_wait3A_203 = arith.constant 0 : i32
      %dma_wait3A_204 = arith.constant 0 : i32
      %dma_wait3A_205 = tpu.memref_slice %arg15[%run_scoped3A_174, %dma_wait3A_203, %dma_wait3A_204] : memref<16x40x16xi32, #tpu.memory_space<vmem>> -> memref<1x40x16xi32, #tpu.memory_space<vmem>>
      %dma_wait3A_206 = tpu.memref_squeeze %dma_wait3A_205 : memref<1x40x16xi32, #tpu.memory_space<vmem>> -> memref<40x16xi32, #tpu.memory_space<vmem>>
      %dma_wait3A_207 = arith.constant 0 : i32
      %dma_wait3A_208 = tpu.memref_slice %arg18[%run_scoped3A_173, %mul3A_172, %dma_wait3A_207] : memref<16x640x16xi32, #tpu.memory_space<vmem_shared>> -> memref<1x40x16xi32, #tpu.memory_space<vmem_shared>>
      %dma_wait3A_209 = tpu.memref_squeeze %dma_wait3A_208 : memref<1x40x16xi32, #tpu.memory_space<vmem_shared>> -> memref<40x16xi32, #tpu.memory_space<vmem_shared>>
      %dma_wait3A_210 = arith.constant 0 : i32
      %dma_wait3A_211 = arith.constant 0 : i32
      %dma_wait3A_212 = tpu.memref_slice %arg15[%run_scoped3A_174, %dma_wait3A_210, %dma_wait3A_211] : memref<16x40x16xi32, #tpu.memory_space<vmem>> -> memref<1x40x16xi32, #tpu.memory_space<vmem>>
      %dma_wait3A_213 = tpu.memref_squeeze %dma_wait3A_212 : memref<1x40x16xi32, #tpu.memory_space<vmem>> -> memref<40x16xi32, #tpu.memory_space<vmem>>
      %dma_wait3A_214 = arith.constant 0 : i32
      %dma_wait3A_215 = tpu.memref_slice %arg18[%run_scoped3A_173, %mul3A_172, %dma_wait3A_214] : memref<16x640x16xi32, #tpu.memory_space<vmem_shared>> -> memref<1x40x16xi32, #tpu.memory_space<vmem_shared>>
      %dma_wait3A_216 = tpu.memref_squeeze %dma_wait3A_215 : memref<1x40x16xi32, #tpu.memory_space<vmem_shared>> -> memref<40x16xi32, #tpu.memory_space<vmem_shared>>
      tpu.wait_dma2 semaphore(%run_scoped3A_188 : memref<!tpu.dma_semaphore, #tpu.memory_space<semaphore_mem>>) src(%dma_wait3A_216 : memref<40x16xi32, #tpu.memory_space<vmem_shared>>) dst(%dma_wait3A_213 : memref<40x16xi32, #tpu.memory_space<vmem>>)
      tpu.yield
    }) : () -> ()
    %mul3A_175 = arith.constant 40 : i32
    %mul3A_176 = arith.muli %arg1, %mul3A_175 : i32
    %run_scoped3A_177 = arith.constant 15 : i32
    %run_scoped3A_178 = arith.constant 15 : i32
    "tpu.region"() ({
      %run_scoped3A_188 = tpu.sem_alloc : memref<!tpu.dma_semaphore, #tpu.memory_space<semaphore_mem>>
      %dma_start3A_189 = arith.constant 0 : i32
      %dma_start3A_190 = arith.constant 0 : i32
      %dma_start3A_191 = tpu.memref_slice %arg15[%run_scoped3A_178, %dma_start3A_189, %dma_start3A_190] : memref<16x40x16xi32, #tpu.memory_space<vmem>> -> memref<1x40x16xi32, #tpu.memory_space<vmem>>
      %dma_start3A_192 = tpu.memref_squeeze %dma_start3A_191 : memref<1x40x16xi32, #tpu.memory_space<vmem>> -> memref<40x16xi32, #tpu.memory_space<vmem>>
      %dma_start3A_193 = arith.constant 0 : i32
      %dma_start3A_194 = tpu.memref_slice %arg18[%run_scoped3A_177, %mul3A_176, %dma_start3A_193] : memref<16x640x16xi32, #tpu.memory_space<vmem_shared>> -> memref<1x40x16xi32, #tpu.memory_space<vmem_shared>>
      %dma_start3A_195 = tpu.memref_squeeze %dma_start3A_194 : memref<1x40x16xi32, #tpu.memory_space<vmem_shared>> -> memref<40x16xi32, #tpu.memory_space<vmem_shared>>
      %dma_start3A_196 = arith.constant 0 : i32
      %dma_start3A_197 = arith.constant 0 : i32
      %dma_start3A_198 = tpu.memref_slice %arg15[%run_scoped3A_178, %dma_start3A_196, %dma_start3A_197] : memref<16x40x16xi32, #tpu.memory_space<vmem>> -> memref<1x40x16xi32, #tpu.memory_space<vmem>>
      %dma_start3A_199 = tpu.memref_squeeze %dma_start3A_198 : memref<1x40x16xi32, #tpu.memory_space<vmem>> -> memref<40x16xi32, #tpu.memory_space<vmem>>
      %dma_start3A_200 = arith.constant 0 : i32
      %dma_start3A_201 = tpu.memref_slice %arg18[%run_scoped3A_177, %mul3A_176, %dma_start3A_200] : memref<16x640x16xi32, #tpu.memory_space<vmem_shared>> -> memref<1x40x16xi32, #tpu.memory_space<vmem_shared>>
      %dma_start3A_202 = tpu.memref_squeeze %dma_start3A_201 : memref<1x40x16xi32, #tpu.memory_space<vmem_shared>> -> memref<40x16xi32, #tpu.memory_space<vmem_shared>>
      tpu.enqueue_dma source(%dma_start3A_202 : memref<40x16xi32, #tpu.memory_space<vmem_shared>>) target(%dma_start3A_199 : memref<40x16xi32, #tpu.memory_space<vmem>>) target_semaphore(%run_scoped3A_188 : memref<!tpu.dma_semaphore, #tpu.memory_space<semaphore_mem>>)
      %dma_wait3A_203 = arith.constant 0 : i32
      %dma_wait3A_204 = arith.constant 0 : i32
      %dma_wait3A_205 = tpu.memref_slice %arg15[%run_scoped3A_178, %dma_wait3A_203, %dma_wait3A_204] : memref<16x40x16xi32, #tpu.memory_space<vmem>> -> memref<1x40x16xi32, #tpu.memory_space<vmem>>
      %dma_wait3A_206 = tpu.memref_squeeze %dma_wait3A_205 : memref<1x40x16xi32, #tpu.memory_space<vmem>> -> memref<40x16xi32, #tpu.memory_space<vmem>>
      %dma_wait3A_207 = arith.constant 0 : i32
      %dma_wait3A_208 = tpu.memref_slice %arg18[%run_scoped3A_177, %mul3A_176, %dma_wait3A_207] : memref<16x640x16xi32, #tpu.memory_space<vmem_shared>> -> memref<1x40x16xi32, #tpu.memory_space<vmem_shared>>
      %dma_wait3A_209 = tpu.memref_squeeze %dma_wait3A_208 : memref<1x40x16xi32, #tpu.memory_space<vmem_shared>> -> memref<40x16xi32, #tpu.memory_space<vmem_shared>>
      %dma_wait3A_210 = arith.constant 0 : i32
      %dma_wait3A_211 = arith.constant 0 : i32
      %dma_wait3A_212 = tpu.memref_slice %arg15[%run_scoped3A_178, %dma_wait3A_210, %dma_wait3A_211] : memref<16x40x16xi32, #tpu.memory_space<vmem>> -> memref<1x40x16xi32, #tpu.memory_space<vmem>>
      %dma_wait3A_213 = tpu.memref_squeeze %dma_wait3A_212 : memref<1x40x16xi32, #tpu.memory_space<vmem>> -> memref<40x16xi32, #tpu.memory_space<vmem>>
      %dma_wait3A_214 = arith.constant 0 : i32
      %dma_wait3A_215 = tpu.memref_slice %arg18[%run_scoped3A_177, %mul3A_176, %dma_wait3A_214] : memref<16x640x16xi32, #tpu.memory_space<vmem_shared>> -> memref<1x40x16xi32, #tpu.memory_space<vmem_shared>>
      %dma_wait3A_216 = tpu.memref_squeeze %dma_wait3A_215 : memref<1x40x16xi32, #tpu.memory_space<vmem_shared>> -> memref<40x16xi32, #tpu.memory_space<vmem_shared>>
      tpu.wait_dma2 semaphore(%run_scoped3A_188 : memref<!tpu.dma_semaphore, #tpu.memory_space<semaphore_mem>>) src(%dma_wait3A_216 : memref<40x16xi32, #tpu.memory_space<vmem_shared>>) dst(%dma_wait3A_213 : memref<40x16xi32, #tpu.memory_space<vmem>>)
      tpu.yield
    }) : () -> ()
    %iota3A = tpu.iota {dimensions = array<i32: 0>} : vector<16xi32>
    %scan3A_179 = arith.constant 0 : i32
    %scan3A_180 = arith.constant 0 : i32
    %scan3A_181 = arith.constant 40 : i32
    %scan3A_182 = arith.addi %scan3A_180, %scan3A_181 : i32
    %scan3A_183 = arith.constant 1 : i32
    %scan3A_184 = scf.for %scan3A_188 = %scan3A_180 to %scan3A_182 step %scan3A_183 iter_args(%scan3A_189 = %scan3A_179) -> (i32)  : i32 {
      %get3A = arith.constant 0 : i32
      %get3A_190 = arith.index_cast %get3A : i32 to index
      %get3A_191 = arith.index_cast %scan3A_188 : i32 to index
      %get3A_192 = arith.constant 0 : index
      %get3A_193 = tpu.vector_load %arg15[%get3A_190, %get3A_191, %get3A_192] {strides = array<i32>} : memref<16x40x16xi32, #tpu.memory_space<vmem>>, vector<16xi32>,
      %get3A_194 = arith.constant 1 : i32
      %get3A_195 = arith.index_cast %get3A_194 : i32 to index
      %get3A_196 = arith.index_cast %scan3A_188 : i32 to index
      %get3A_197 = arith.constant 0 : index
      %get3A_198 = tpu.vector_load %arg15[%get3A_195, %get3A_196, %get3A_197] {strides = array<i32>} : memref<16x40x16xi32, #tpu.memory_space<vmem>>, vector<16xi32>,
      %add3A_199 = arith.addi %get3A_193, %get3A_198 : vector<16xi32>
      %get3A_200 = arith.constant 2 : i32
      %get3A_201 = arith.index_cast %get3A_200 : i32 to index
      %get3A_202 = arith.index_cast %scan3A_188 : i32 to index
      %get3A_203 = arith.constant 0 : index
      %get3A_204 = tpu.vector_load %arg15[%get3A_201, %get3A_202, %get3A_203] {strides = array<i32>} : memref<16x40x16xi32, #tpu.memory_space<vmem>>, vector<16xi32>,
      %add3A_205 = arith.addi %add3A_199, %get3A_204 : vector<16xi32>
      %get3A_206 = arith.constant 3 : i32
      %get3A_207 = arith.index_cast %get3A_206 : i32 to index
      %get3A_208 = arith.index_cast %scan3A_188 : i32 to index
      %get3A_209 = arith.constant 0 : index
      %get3A_210 = tpu.vector_load %arg15[%get3A_207, %get3A_208, %get3A_209] {strides = array<i32>} : memref<16x40x16xi32, #tpu.memory_space<vmem>>, vector<16xi32>,
      %add3A_211 = arith.addi %add3A_205, %get3A_210 : vector<16xi32>
      %get3A_212 = arith.constant 4 : i32
      %get3A_213 = arith.index_cast %get3A_212 : i32 to index
      %get3A_214 = arith.index_cast %scan3A_188 : i32 to index
      %get3A_215 = arith.constant 0 : index
      %get3A_216 = tpu.vector_load %arg15[%get3A_213, %get3A_214, %get3A_215] {strides = array<i32>} : memref<16x40x16xi32, #tpu.memory_space<vmem>>, vector<16xi32>,
      %add3A_217 = arith.addi %add3A_211, %get3A_216 : vector<16xi32>
      %get3A_218 = arith.constant 5 : i32
      %get3A_219 = arith.index_cast %get3A_218 : i32 to index
      %get3A_220 = arith.index_cast %scan3A_188 : i32 to index
      %get3A_221 = arith.constant 0 : index
      %get3A_222 = tpu.vector_load %arg15[%get3A_219, %get3A_220, %get3A_221] {strides = array<i32>} : memref<16x40x16xi32, #tpu.memory_space<vmem>>, vector<16xi32>,
      %add3A_223 = arith.addi %add3A_217, %get3A_222 : vector<16xi32>
      %get3A_224 = arith.constant 6 : i32
      %get3A_225 = arith.index_cast %get3A_224 : i32 to index
      %get3A_226 = arith.index_cast %scan3A_188 : i32 to index
      %get3A_227 = arith.constant 0 : index
      %get3A_228 = tpu.vector_load %arg15[%get3A_225, %get3A_226, %get3A_227] {strides = array<i32>} : memref<16x40x16xi32, #tpu.memory_space<vmem>>, vector<16xi32>,
      %add3A_229 = arith.addi %add3A_223, %get3A_228 : vector<16xi32>
      %get3A_230 = arith.constant 7 : i32
      %get3A_231 = arith.index_cast %get3A_230 : i32 to index
      %get3A_232 = arith.index_cast %scan3A_188 : i32 to index
      %get3A_233 = arith.constant 0 : index
      %get3A_234 = tpu.vector_load %arg15[%get3A_231, %get3A_232, %get3A_233] {strides = array<i32>} : memref<16x40x16xi32, #tpu.memory_space<vmem>>, vector<16xi32>,
      %add3A_235 = arith.addi %add3A_229, %get3A_234 : vector<16xi32>
      %get3A_236 = arith.constant 8 : i32
      %get3A_237 = arith.index_cast %get3A_236 : i32 to index
      %get3A_238 = arith.index_cast %scan3A_188 : i32 to index
      %get3A_239 = arith.constant 0 : index
      %get3A_240 = tpu.vector_load %arg15[%get3A_237, %get3A_238, %get3A_239] {strides = array<i32>} : memref<16x40x16xi32, #tpu.memory_space<vmem>>, vector<16xi32>,
      %add3A_241 = arith.addi %add3A_235, %get3A_240 : vector<16xi32>
      %get3A_242 = arith.constant 9 : i32
      %get3A_243 = arith.index_cast %get3A_242 : i32 to index
      %get3A_244 = arith.index_cast %scan3A_188 : i32 to index
      %get3A_245 = arith.constant 0 : index
      %get3A_246 = tpu.vector_load %arg15[%get3A_243, %get3A_244, %get3A_245] {strides = array<i32>} : memref<16x40x16xi32, #tpu.memory_space<vmem>>, vector<16xi32>,
      %add3A_247 = arith.addi %add3A_241, %get3A_246 : vector<16xi32>
      %get3A_248 = arith.constant 10 : i32
      %get3A_249 = arith.index_cast %get3A_248 : i32 to index
      %get3A_250 = arith.index_cast %scan3A_188 : i32 to index
      %get3A_251 = arith.constant 0 : index
      %get3A_252 = tpu.vector_load %arg15[%get3A_249, %get3A_250, %get3A_251] {strides = array<i32>} : memref<16x40x16xi32, #tpu.memory_space<vmem>>, vector<16xi32>,
      %add3A_253 = arith.addi %add3A_247, %get3A_252 : vector<16xi32>
      %get3A_254 = arith.constant 11 : i32
      %get3A_255 = arith.index_cast %get3A_254 : i32 to index
      %get3A_256 = arith.index_cast %scan3A_188 : i32 to index
      %get3A_257 = arith.constant 0 : index
      %get3A_258 = tpu.vector_load %arg15[%get3A_255, %get3A_256, %get3A_257] {strides = array<i32>} : memref<16x40x16xi32, #tpu.memory_space<vmem>>, vector<16xi32>,
      %add3A_259 = arith.addi %add3A_253, %get3A_258 : vector<16xi32>
      %get3A_260 = arith.constant 12 : i32
      %get3A_261 = arith.index_cast %get3A_260 : i32 to index
      %get3A_262 = arith.index_cast %scan3A_188 : i32 to index
      %get3A_263 = arith.constant 0 : index
      %get3A_264 = tpu.vector_load %arg15[%get3A_261, %get3A_262, %get3A_263] {strides = array<i32>} : memref<16x40x16xi32, #tpu.memory_space<vmem>>, vector<16xi32>,
      %add3A_265 = arith.addi %add3A_259, %get3A_264 : vector<16xi32>
      %get3A_266 = arith.constant 13 : i32
      %get3A_267 = arith.index_cast %get3A_266 : i32 to index
      %get3A_268 = arith.index_cast %scan3A_188 : i32 to index
      %get3A_269 = arith.constant 0 : index
      %get3A_270 = tpu.vector_load %arg15[%get3A_267, %get3A_268, %get3A_269] {strides = array<i32>} : memref<16x40x16xi32, #tpu.memory_space<vmem>>, vector<16xi32>,
      %add3A_271 = arith.addi %add3A_265, %get3A_270 : vector<16xi32>
      %get3A_272 = arith.constant 14 : i32
      %get3A_273 = arith.index_cast %get3A_272 : i32 to index
      %get3A_274 = arith.index_cast %scan3A_188 : i32 to index
      %get3A_275 = arith.constant 0 : index
      %get3A_276 = tpu.vector_load %arg15[%get3A_273, %get3A_274, %get3A_275] {strides = array<i32>} : memref<16x40x16xi32, #tpu.memory_space<vmem>>, vector<16xi32>,
      %add3A_277 = arith.addi %add3A_271, %get3A_276 : vector<16xi32>
      %get3A_278 = arith.constant 15 : i32
      %get3A_279 = arith.index_cast %get3A_278 : i32 to index
      %get3A_280 = arith.index_cast %scan3A_188 : i32 to index
      %get3A_281 = arith.constant 0 : index
      %get3A_282 = tpu.vector_load %arg15[%get3A_279, %get3A_280, %get3A_281] {strides = array<i32>} : memref<16x40x16xi32, #tpu.memory_space<vmem>>, vector<16xi32>,
      %add3A_283 = arith.addi %add3A_277, %get3A_282 : vector<16xi32>
      %mul3A_284 = arith.constant 16 : i32
      %mul3A_285 = arith.muli %mul3A_284, %scan3A_188 : i32
      %add3A_286 = vector.broadcast %mul3A_285 : i32 to vector<16xi32>
      %add3A_287 = arith.addi %add3A_286, %iota3A : vector<16xi32>
      %mul3A_288 = arith.constant 0 : i32
      %mul3A_289 = vector.broadcast %mul3A_288 : i32 to vector<16xi32>
      %mul3A_290 = arith.muli %iota3A, %mul3A_289 : vector<16xi32>
      tpu.vector_store_idx %arg16[%add3A_287, %mul3A_290], %add3A_283 : memref<640x16xi32, #tpu.memory_space<vmem>>[vector<16xi32>, vector<16xi32>], vector<16xi32>,
      %scan3A_291 = arith.constant 0 : i32
      scf.yield %scan3A_291 : i32
    }
    %scan3A_185 = arith.constant 40 : i32
    %mul3A_186 = arith.constant 640 : i32
    %mul3A_187 = arith.muli %arg1, %mul3A_186 : i32
    "tpu.region"() ({
      %run_scoped3A_188 = tpu.sem_alloc : memref<!tpu.dma_semaphore, #tpu.memory_space<semaphore_mem>>
      %dma_start3A_189 = arith.constant 0 : i32
      %dma_start3A_190 = tpu.memref_slice %arg5[%arg0, %mul3A_187, %dma_start3A_189] : memref<2x10240x16xi32, #tpu.memory_space<hbm>> -> memref<1x640x16xi32, #tpu.memory_space<hbm>>
      %dma_start3A_191 = tpu.memref_squeeze %dma_start3A_190 : memref<1x640x16xi32, #tpu.memory_space<hbm>> -> memref<640x16xi32, #tpu.memory_space<hbm>>
      %dma_start3A_192 = arith.constant 0 : i32
      %dma_start3A_193 = tpu.memref_slice %arg5[%arg0, %mul3A_187, %dma_start3A_192] : memref<2x10240x16xi32, #tpu.memory_space<hbm>> -> memref<1x640x16xi32, #tpu.memory_space<hbm>>
      %dma_start3A_194 = tpu.memref_squeeze %dma_start3A_193 : memref<1x640x16xi32, #tpu.memory_space<hbm>> -> memref<640x16xi32, #tpu.memory_space<hbm>>
      tpu.enqueue_dma source(%arg16 : memref<640x16xi32, #tpu.memory_space<vmem>>) target(%dma_start3A_194 : memref<640x16xi32, #tpu.memory_space<hbm>>) target_semaphore(%run_scoped3A_188 : memref<!tpu.dma_semaphore, #tpu.memory_space<semaphore_mem>>)
      %dma_wait3A_195 = arith.constant 0 : i32
      %dma_wait3A_196 = tpu.memref_slice %arg5[%arg0, %mul3A_187, %dma_wait3A_195] : memref<2x10240x16xi32, #tpu.memory_space<hbm>> -> memref<1x640x16xi32, #tpu.memory_space<hbm>>
      %dma_wait3A_197 = tpu.memref_squeeze %dma_wait3A_196 : memref<1x640x16xi32, #tpu.memory_space<hbm>> -> memref<640x16xi32, #tpu.memory_space<hbm>>
      %dma_wait3A_198 = arith.constant 0 : i32
      %dma_wait3A_199 = tpu.memref_slice %arg5[%arg0, %mul3A_187, %dma_wait3A_198] : memref<2x10240x16xi32, #tpu.memory_space<hbm>> -> memref<1x640x16xi32, #tpu.memory_space<hbm>>
      %dma_wait3A_200 = tpu.memref_squeeze %dma_wait3A_199 : memref<1x640x16xi32, #tpu.memory_space<hbm>> -> memref<640x16xi32, #tpu.memory_space<hbm>>
      tpu.wait_dma2 semaphore(%run_scoped3A_188 : memref<!tpu.dma_semaphore, #tpu.memory_space<semaphore_mem>>) src(%arg16 : memref<640x16xi32, #tpu.memory_space<vmem>>) dst(%dma_wait3A_200 : memref<640x16xi32, #tpu.memory_space<hbm>>)
      tpu.yield
    }) : () -> ()
    "tpu.region"() ({
      %run_scoped3A_188 = tpu.sem_alloc : memref<!tpu.dma_semaphore, #tpu.memory_space<semaphore_mem>>
      %dma_start3A_189 = arith.constant 0 : i32
      %dma_start3A_190 = tpu.memref_slice %arg4[%arg0, %mul3A_9, %dma_start3A_189] : memref<2x10000x128xbf16, #tpu.memory_space<hbm>> -> memref<1x625x128xbf16, #tpu.memory_space<hbm>>
      %dma_start3A_191 = tpu.memref_squeeze %dma_start3A_190 : memref<1x625x128xbf16, #tpu.memory_space<hbm>> -> memref<625x128xbf16, #tpu.memory_space<hbm>>
      %dma_start3A_192 = arith.constant 0 : i32
      %dma_start3A_193 = tpu.memref_slice %arg17[%mul3A_9, %dma_start3A_192] : memref<10000x128xbf16, #tpu.memory_space<vmem_shared>> -> memref<625x128xbf16, #tpu.memory_space<vmem_shared>>
      tpu.enqueue_dma source(%dma_start3A_193 : memref<625x128xbf16, #tpu.memory_space<vmem_shared>>) target(%dma_start3A_191 : memref<625x128xbf16, #tpu.memory_space<hbm>>) target_semaphore(%run_scoped3A_188 : memref<!tpu.dma_semaphore, #tpu.memory_space<semaphore_mem>>)
      %dma_wait3A_194 = arith.constant 0 : i32
      %dma_wait3A_195 = tpu.memref_slice %arg4[%arg0, %mul3A_9, %dma_wait3A_194] : memref<2x10000x128xbf16, #tpu.memory_space<hbm>> -> memref<1x625x128xbf16, #tpu.memory_space<hbm>>
      %dma_wait3A_196 = tpu.memref_squeeze %dma_wait3A_195 : memref<1x625x128xbf16, #tpu.memory_space<hbm>> -> memref<625x128xbf16, #tpu.memory_space<hbm>>
      %dma_wait3A_197 = arith.constant 0 : i32
      %dma_wait3A_198 = tpu.memref_slice %arg17[%mul3A_9, %dma_wait3A_197] : memref<10000x128xbf16, #tpu.memory_space<vmem_shared>> -> memref<625x128xbf16, #tpu.memory_space<vmem_shared>>
      tpu.wait_dma2 semaphore(%run_scoped3A_188 : memref<!tpu.dma_semaphore, #tpu.memory_space<semaphore_mem>>) src(%dma_wait3A_198 : memref<625x128xbf16, #tpu.memory_space<vmem_shared>>) dst(%dma_wait3A_196 : memref<625x128xbf16, #tpu.memory_space<hbm>>)
      tpu.yield
    }) : () -> ()
    return
  }
}

module attributes {stable_mosaic.version = 14 : i64} {
  func.func @_proj_body(%arg0: i32, %arg1: memref<1000x128xf32, #tpu.memory_space<vmem>>, %arg2: memref<1000x128xf32, #tpu.memory_space<vmem>>, %arg3: memref<2x128x128xf32, #tpu.memory_space<vmem>>, %arg4: memref<2x1x128xf32, #tpu.memory_space<vmem>>, %arg5: memref<2x1000x128xbf16, #tpu.memory_space<vmem>>) attributes {dimension_semantics = [#tpu.dimension_semantics<arbitrary>], iteration_bounds = array<i64: 10>, scalar_prefetch = 0 : i64, scratch_operands = 0 : i64, tpu.core_type = #tpu.core_type<tc>, window_params = [{transform_indices = @transform_0, window_bounds = array<i64: 1000, 128>}, {transform_indices = @transform_1, window_bounds = array<i64: 1000, 128>}, {pipeline_mode = #tpu.pipeline_mode<synchronous>, transform_indices = @transform_2, window_bounds = array<i64: 2, 128, 128>}, {pipeline_mode = #tpu.pipeline_mode<synchronous>, transform_indices = @transform_3, window_bounds = array<i64: 2, 1, 128>}, {transform_indices = @transform_4, window_bounds = array<i64: 2, 1000, 128>}]} {
    %get3A = arith.constant 0 : index
    %get3A_0 = arith.constant 0 : index
    %get3A_1 = vector.load %arg1[%get3A, %get3A_0] : memref<1000x128xf32, #tpu.memory_space<vmem>>, vector<1000x128xf32>
    %get3A_2 = arith.constant 0 : index
    %get3A_3 = arith.constant 0 : index
    %get3A_4 = arith.constant 0 : index
    %get3A_5 = vector.load %arg3[%get3A_2, %get3A_3, %get3A_4] : memref<2x128x128xf32, #tpu.memory_space<vmem>>, vector<1x128x128xf32>
    %get3A_6 = vector.shape_cast %get3A_5 : vector<1x128x128xf32> to vector<128x128xf32>
    %dot_general3A = arith.constant dense<0.000000e+00> : vector<1000x128xf32>
    %dot_general3A_7 = tpu.matmul %get3A_1, %get3A_6, %dot_general3A {dimension_numbers = #tpu.dot_dimension_numbers<[1], [0], [0], [1], [0, 0, 1, 1], [], []>, transpose_lhs_hint = false} : vector<1000x128xf32>, vector<128x128xf32>, vector<1000x128xf32> -> vector<1000x128xf32>
    %get3A_8 = arith.constant 0 : index
    %get3A_9 = arith.constant 0 : index
    %get3A_10 = arith.constant 0 : index
    %get3A_11 = vector.load %arg4[%get3A_8, %get3A_9, %get3A_10] : memref<2x1x128xf32, #tpu.memory_space<vmem>>, vector<1x1x128xf32>
    %get3A_12 = vector.shape_cast %get3A_11 : vector<1x1x128xf32> to vector<1x128xf32>
    %add3A = vector.broadcast %get3A_12 : vector<1x128xf32> to vector<1000x128xf32>
    %add3A_13 = arith.addf %dot_general3A_7, %add3A : vector<1000x128xf32>
    %ge3A = arith.constant 0.000000e+00 : f32
    %ge3A_14 = vector.broadcast %ge3A : f32 to vector<1000x128xf32>
    %ge3A_15 = arith.cmpf oge, %add3A_13, %ge3A_14 : vector<1000x128xf32>
    %mul3A = arith.constant 0.00999999977 : f32
    %mul3A_16 = vector.broadcast %mul3A : f32 to vector<1000x128xf32>
    %mul3A_17 = arith.mulf %mul3A_16, %add3A_13 : vector<1000x128xf32>
    %select_n3A = arith.select %ge3A_15, %add3A_13, %mul3A_17 : vector<1000x128xi1>, vector<1000x128xf32>
    %convert_element_type3A = arith.truncf %select_n3A : vector<1000x128xf32> to vector<1000x128xbf16>
    %swap3A = arith.constant 0 : index
    %swap3A_18 = arith.constant 0 : index
    %swap3A_19 = arith.constant 0 : index
    %swap3A_20 = vector.load %arg5[%swap3A, %swap3A_18, %swap3A_19] : memref<2x1000x128xbf16, #tpu.memory_space<vmem>>, vector<1x1000x128xbf16>
    %swap3A_21 = vector.shape_cast %swap3A_20 : vector<1x1000x128xbf16> to vector<1000x128xbf16>
    %swap3A_22 = vector.shape_cast %convert_element_type3A : vector<1000x128xbf16> to vector<1x1000x128xbf16>
    tpu.vector_store %arg5[%swap3A, %swap3A_18, %swap3A_19], %swap3A_22 {strides = array<i32>} : memref<2x1000x128xbf16, #tpu.memory_space<vmem>>, vector<1x1000x128xbf16>,
    %get3A_23 = arith.constant 0 : index
    %get3A_24 = arith.constant 0 : index
    %get3A_25 = vector.load %arg2[%get3A_23, %get3A_24] : memref<1000x128xf32, #tpu.memory_space<vmem>>, vector<1000x128xf32>
    %get3A_26 = arith.constant 1 : index
    %get3A_27 = arith.constant 0 : index
    %get3A_28 = arith.constant 0 : index
    %get3A_29 = vector.load %arg3[%get3A_26, %get3A_27, %get3A_28] : memref<2x128x128xf32, #tpu.memory_space<vmem>>, vector<1x128x128xf32>
    %get3A_30 = vector.shape_cast %get3A_29 : vector<1x128x128xf32> to vector<128x128xf32>
    %dot_general3A_31 = arith.constant dense<0.000000e+00> : vector<1000x128xf32>
    %dot_general3A_32 = tpu.matmul %get3A_25, %get3A_30, %dot_general3A_31 {dimension_numbers = #tpu.dot_dimension_numbers<[1], [0], [0], [1], [0, 0, 1, 1], [], []>, transpose_lhs_hint = false} : vector<1000x128xf32>, vector<128x128xf32>, vector<1000x128xf32> -> vector<1000x128xf32>
    %get3A_33 = arith.constant 1 : index
    %get3A_34 = arith.constant 0 : index
    %get3A_35 = arith.constant 0 : index
    %get3A_36 = vector.load %arg4[%get3A_33, %get3A_34, %get3A_35] : memref<2x1x128xf32, #tpu.memory_space<vmem>>, vector<1x1x128xf32>
    %get3A_37 = vector.shape_cast %get3A_36 : vector<1x1x128xf32> to vector<1x128xf32>
    %add3A_38 = vector.broadcast %get3A_37 : vector<1x128xf32> to vector<1000x128xf32>
    %add3A_39 = arith.addf %dot_general3A_32, %add3A_38 : vector<1000x128xf32>
    %ge3A_40 = arith.constant 0.000000e+00 : f32
    %ge3A_41 = vector.broadcast %ge3A_40 : f32 to vector<1000x128xf32>
    %ge3A_42 = arith.cmpf oge, %add3A_39, %ge3A_41 : vector<1000x128xf32>
    %mul3A_43 = arith.constant 0.00999999977 : f32
    %mul3A_44 = vector.broadcast %mul3A_43 : f32 to vector<1000x128xf32>
    %mul3A_45 = arith.mulf %mul3A_44, %add3A_39 : vector<1000x128xf32>
    %select_n3A_46 = arith.select %ge3A_42, %add3A_39, %mul3A_45 : vector<1000x128xi1>, vector<1000x128xf32>
    %convert_element_type3A_47 = arith.truncf %select_n3A_46 : vector<1000x128xf32> to vector<1000x128xbf16>
    %swap3A_48 = arith.constant 1 : index
    %swap3A_49 = arith.constant 0 : index
    %swap3A_50 = arith.constant 0 : index
    %swap3A_51 = vector.load %arg5[%swap3A_48, %swap3A_49, %swap3A_50] : memref<2x1000x128xbf16, #tpu.memory_space<vmem>>, vector<1x1000x128xbf16>
    %swap3A_52 = vector.shape_cast %swap3A_51 : vector<1x1000x128xbf16> to vector<1000x128xbf16>
    %swap3A_53 = vector.shape_cast %convert_element_type3A_47 : vector<1000x128xbf16> to vector<1x1000x128xbf16>
    tpu.vector_store %arg5[%swap3A_48, %swap3A_49, %swap3A_50], %swap3A_53 {strides = array<i32>} : memref<2x1000x128xbf16, #tpu.memory_space<vmem>>, vector<1x1000x128xbf16>,
    return
  }
  func.func @transform_0(%arg0: i32) -> (i32, i32) {
    %c0_i32 = arith.constant 0 : i32
    %c0_i32_0 = arith.constant 0 : i32
    return %arg0, %c0_i32 : i32, i32
  }
  func.func @transform_1(%arg0: i32) -> (i32, i32) {
    %c0_i32 = arith.constant 0 : i32
    %c0_i32_0 = arith.constant 0 : i32
    return %arg0, %c0_i32 : i32, i32
  }
  func.func @transform_2(%arg0: i32) -> (i32, i32, i32) {
    %c0_i32 = arith.constant 0 : i32
    %c0_i32_0 = arith.constant 0 : i32
    %c0_i32_1 = arith.constant 0 : i32
    %c0_i32_2 = arith.constant 0 : i32
    return %c0_i32, %c0_i32_0, %c0_i32_1 : i32, i32, i32
  }
  func.func @transform_3(%arg0: i32) -> (i32, i32, i32) {
    %c0_i32 = arith.constant 0 : i32
    %c0_i32_0 = arith.constant 0 : i32
    %c0_i32_1 = arith.constant 0 : i32
    %c0_i32_2 = arith.constant 0 : i32
    return %c0_i32, %c0_i32_0, %c0_i32_1 : i32, i32, i32
  }
  func.func @transform_4(%arg0: i32) -> (i32, i32, i32) {
    %c0_i32 = arith.constant 0 : i32
    %c0_i32_0 = arith.constant 0 : i32
    %c0_i32_1 = arith.constant 0 : i32
    return %c0_i32, %arg0, %c0_i32_0 : i32, i32, i32
  }
}

module attributes {stable_mosaic.version = 14 : i64} {
  func.func @_final_body(%arg0: i32, %arg1: memref<1x1000x128xbf16, #tpu.memory_space<vmem>>, %arg2: memref<1x1000x128xbf16, #tpu.memory_space<vmem>>, %arg3: memref<1x1000x16xi32, #tpu.memory_space<vmem>>, %arg4: memref<1x1000x16xi32, #tpu.memory_space<vmem>>, %arg5: memref<1000x128xf32, #tpu.memory_space<vmem>>, %arg6: memref<1000x128xf32, #tpu.memory_space<vmem>>, %arg7: memref<128x128xf32, #tpu.memory_space<vmem>>, %arg8: memref<1x128xf32, #tpu.memory_space<vmem>>, %arg9: memref<1000x128xf32, #tpu.memory_space<vmem>>, %arg10: memref<1000x128xf32, #tpu.memory_space<vmem>>) attributes {dimension_semantics = [#tpu.dimension_semantics<arbitrary>], iteration_bounds = array<i64: 10>, scalar_prefetch = 0 : i64, scratch_operands = 0 : i64, tpu.core_type = #tpu.core_type<tc>, window_params = [{transform_indices = @transform_0, window_bounds = array<i64: 1, 1000, 128>}, {transform_indices = @transform_1, window_bounds = array<i64: 1, 1000, 128>}, {transform_indices = @transform_2, window_bounds = array<i64: 1, 1000, 16>}, {transform_indices = @transform_3, window_bounds = array<i64: 1, 1000, 16>}, {transform_indices = @transform_4, window_bounds = array<i64: 1000, 128>}, {transform_indices = @transform_5, window_bounds = array<i64: 1000, 128>}, {pipeline_mode = #tpu.pipeline_mode<synchronous>, transform_indices = @transform_6, window_bounds = array<i64: 128, 128>}, {pipeline_mode = #tpu.pipeline_mode<synchronous>, transform_indices = @transform_7, window_bounds = array<i64: 1, 128>}, {transform_indices = @transform_8, window_bounds = array<i64: 1000, 128>}, {transform_indices = @transform_9, window_bounds = array<i64: 1000, 128>}]} {
    %get3A = arith.constant 0 : index
    %get3A_0 = arith.constant 0 : index
    %get3A_1 = vector.load %arg7[%get3A, %get3A_0] : memref<128x128xf32, #tpu.memory_space<vmem>>, vector<128x128xf32>
    %get3A_2 = arith.constant 0 : index
    %get3A_3 = arith.constant 0 : index
    %get3A_4 = vector.load %arg8[%get3A_2, %get3A_3] : memref<1x128xf32, #tpu.memory_space<vmem>>, vector<1x128xf32>
    %get3A_5 = arith.constant 0 : index
    %get3A_6 = arith.constant 0 : index
    %get3A_7 = arith.constant 0 : index
    %get3A_8 = vector.load %arg4[%get3A_5, %get3A_6, %get3A_7] : memref<1x1000x16xi32, #tpu.memory_space<vmem>>, vector<1x1000x16xi32>
    %get3A_9 = vector.shape_cast %get3A_8 : vector<1x1000x16xi32> to vector<1000x16xi32>
    %slice3A = vector.extract_strided_slice %get3A_9 {offsets = [0, 0], sizes = [1000, 1], strides = [1, 1]} : vector<1000x16xi32> to vector<1000x1xi32>
    %convert_element_type3A = arith.sitofp %slice3A : vector<1000x1xi32> to vector<1000x1xf32>
    %max3A = arith.constant 1.000000e+00 : f32
    %max3A_10 = vector.broadcast %max3A : f32 to vector<1000x1xf32>
    %max3A_11 = arith.maximumf %convert_element_type3A, %max3A_10 : vector<1000x1xf32>
    %get3A_12 = arith.constant 0 : index
    %get3A_13 = arith.constant 0 : index
    %get3A_14 = arith.constant 0 : index
    %get3A_15 = vector.load %arg2[%get3A_12, %get3A_13, %get3A_14] : memref<1x1000x128xbf16, #tpu.memory_space<vmem>>, vector<1x1000x128xbf16>
    %get3A_16 = vector.shape_cast %get3A_15 : vector<1x1000x128xbf16> to vector<1000x128xbf16>
    %convert_element_type3A_17 = arith.extf %get3A_16 : vector<1000x128xbf16> to vector<1000x128xf32>
    %div3A = vector.broadcast %max3A_11 : vector<1000x1xf32> to vector<1000x128xf32>
    %div3A_18 = arith.divf %convert_element_type3A_17, %div3A : vector<1000x128xf32>
    %dot_general3A = arith.constant dense<0.000000e+00> : vector<1000x128xf32>
    %dot_general3A_19 = tpu.matmul %div3A_18, %get3A_1, %dot_general3A {dimension_numbers = #tpu.dot_dimension_numbers<[1], [0], [0], [1], [0, 0, 1, 1], [], []>, transpose_lhs_hint = false} : vector<1000x128xf32>, vector<128x128xf32>, vector<1000x128xf32> -> vector<1000x128xf32>
    %add3A = vector.broadcast %get3A_4 : vector<1x128xf32> to vector<1000x128xf32>
    %add3A_20 = arith.addf %dot_general3A_19, %add3A : vector<1000x128xf32>
    %ge3A = arith.constant 0.000000e+00 : f32
    %ge3A_21 = vector.broadcast %ge3A : f32 to vector<1000x128xf32>
    %ge3A_22 = arith.cmpf oge, %add3A_20, %ge3A_21 : vector<1000x128xf32>
    %mul3A = arith.constant 0.00999999977 : f32
    %mul3A_23 = vector.broadcast %mul3A : f32 to vector<1000x128xf32>
    %mul3A_24 = arith.mulf %mul3A_23, %add3A_20 : vector<1000x128xf32>
    %select_n3A = arith.select %ge3A_22, %add3A_20, %mul3A_24 : vector<1000x128xi1>, vector<1000x128xf32>
    %get3A_25 = arith.constant 0 : index
    %get3A_26 = arith.constant 0 : index
    %get3A_27 = vector.load %arg5[%get3A_25, %get3A_26] : memref<1000x128xf32, #tpu.memory_space<vmem>>, vector<1000x128xf32>
    %add3A_28 = arith.addf %select_n3A, %get3A_27 : vector<1000x128xf32>
    %swap3A = arith.constant 0 : index
    %swap3A_29 = arith.constant 0 : index
    %swap3A_30 = vector.load %arg9[%swap3A, %swap3A_29] : memref<1000x128xf32, #tpu.memory_space<vmem>>, vector<1000x128xf32>
    tpu.vector_store %arg9[%swap3A, %swap3A_29], %add3A_28 {strides = array<i32>} : memref<1000x128xf32, #tpu.memory_space<vmem>>, vector<1000x128xf32>,
    %get3A_31 = arith.constant 0 : index
    %get3A_32 = arith.constant 0 : index
    %get3A_33 = arith.constant 0 : index
    %get3A_34 = vector.load %arg3[%get3A_31, %get3A_32, %get3A_33] : memref<1x1000x16xi32, #tpu.memory_space<vmem>>, vector<1x1000x16xi32>
    %get3A_35 = vector.shape_cast %get3A_34 : vector<1x1000x16xi32> to vector<1000x16xi32>
    %slice3A_36 = vector.extract_strided_slice %get3A_35 {offsets = [0, 0], sizes = [1000, 1], strides = [1, 1]} : vector<1000x16xi32> to vector<1000x1xi32>
    %convert_element_type3A_37 = arith.sitofp %slice3A_36 : vector<1000x1xi32> to vector<1000x1xf32>
    %max3A_38 = arith.constant 1.000000e+00 : f32
    %max3A_39 = vector.broadcast %max3A_38 : f32 to vector<1000x1xf32>
    %max3A_40 = arith.maximumf %convert_element_type3A_37, %max3A_39 : vector<1000x1xf32>
    %get3A_41 = arith.constant 0 : index
    %get3A_42 = arith.constant 0 : index
    %get3A_43 = arith.constant 0 : index
    %get3A_44 = vector.load %arg1[%get3A_41, %get3A_42, %get3A_43] : memref<1x1000x128xbf16, #tpu.memory_space<vmem>>, vector<1x1000x128xbf16>
    %get3A_45 = vector.shape_cast %get3A_44 : vector<1x1000x128xbf16> to vector<1000x128xbf16>
    %convert_element_type3A_46 = arith.extf %get3A_45 : vector<1000x128xbf16> to vector<1000x128xf32>
    %div3A_47 = vector.broadcast %max3A_40 : vector<1000x1xf32> to vector<1000x128xf32>
    %div3A_48 = arith.divf %convert_element_type3A_46, %div3A_47 : vector<1000x128xf32>
    %dot_general3A_49 = arith.constant dense<0.000000e+00> : vector<1000x128xf32>
    %dot_general3A_50 = tpu.matmul %div3A_48, %get3A_1, %dot_general3A_49 {dimension_numbers = #tpu.dot_dimension_numbers<[1], [0], [0], [1], [0, 0, 1, 1], [], []>, transpose_lhs_hint = false} : vector<1000x128xf32>, vector<128x128xf32>, vector<1000x128xf32> -> vector<1000x128xf32>
    %add3A_51 = vector.broadcast %get3A_4 : vector<1x128xf32> to vector<1000x128xf32>
    %add3A_52 = arith.addf %dot_general3A_50, %add3A_51 : vector<1000x128xf32>
    %ge3A_53 = arith.constant 0.000000e+00 : f32
    %ge3A_54 = vector.broadcast %ge3A_53 : f32 to vector<1000x128xf32>
    %ge3A_55 = arith.cmpf oge, %add3A_52, %ge3A_54 : vector<1000x128xf32>
    %mul3A_56 = arith.constant 0.00999999977 : f32
    %mul3A_57 = vector.broadcast %mul3A_56 : f32 to vector<1000x128xf32>
    %mul3A_58 = arith.mulf %mul3A_57, %add3A_52 : vector<1000x128xf32>
    %select_n3A_59 = arith.select %ge3A_55, %add3A_52, %mul3A_58 : vector<1000x128xi1>, vector<1000x128xf32>
    %get3A_60 = arith.constant 0 : index
    %get3A_61 = arith.constant 0 : index
    %get3A_62 = vector.load %arg6[%get3A_60, %get3A_61] : memref<1000x128xf32, #tpu.memory_space<vmem>>, vector<1000x128xf32>
    %add3A_63 = arith.addf %select_n3A_59, %get3A_62 : vector<1000x128xf32>
    %swap3A_64 = arith.constant 0 : index
    %swap3A_65 = arith.constant 0 : index
    %swap3A_66 = vector.load %arg10[%swap3A_64, %swap3A_65] : memref<1000x128xf32, #tpu.memory_space<vmem>>, vector<1000x128xf32>
    tpu.vector_store %arg10[%swap3A_64, %swap3A_65], %add3A_63 {strides = array<i32>} : memref<1000x128xf32, #tpu.memory_space<vmem>>, vector<1000x128xf32>,
    return
  }
  func.func @transform_0(%arg0: i32) -> (i32, i32, i32) {
    %c0_i32 = arith.constant 0 : i32
    %c0_i32_0 = arith.constant 0 : i32
    %c0_i32_1 = arith.constant 0 : i32
    return %c0_i32, %arg0, %c0_i32_0 : i32, i32, i32
  }
  func.func @transform_1(%arg0: i32) -> (i32, i32, i32) {
    %c1_i32 = arith.constant 1 : i32
    %c0_i32 = arith.constant 0 : i32
    %c0_i32_0 = arith.constant 0 : i32
    return %c1_i32, %arg0, %c0_i32 : i32, i32, i32
  }
  func.func @transform_2(%arg0: i32) -> (i32, i32, i32) {
    %c0_i32 = arith.constant 0 : i32
    %c0_i32_0 = arith.constant 0 : i32
    %c0_i32_1 = arith.constant 0 : i32
    return %c0_i32, %arg0, %c0_i32_0 : i32, i32, i32
  }
  func.func @transform_3(%arg0: i32) -> (i32, i32, i32) {
    %c1_i32 = arith.constant 1 : i32
    %c0_i32 = arith.constant 0 : i32
    %c0_i32_0 = arith.constant 0 : i32
    return %c1_i32, %arg0, %c0_i32 : i32, i32, i32
  }
  func.func @transform_4(%arg0: i32) -> (i32, i32) {
    %c0_i32 = arith.constant 0 : i32
    %c0_i32_0 = arith.constant 0 : i32
    return %arg0, %c0_i32 : i32, i32
  }
  func.func @transform_5(%arg0: i32) -> (i32, i32) {
    %c0_i32 = arith.constant 0 : i32
    %c0_i32_0 = arith.constant 0 : i32
    return %arg0, %c0_i32 : i32, i32
  }
  func.func @transform_6(%arg0: i32) -> (i32, i32) {
    %c0_i32 = arith.constant 0 : i32
    %c0_i32_0 = arith.constant 0 : i32
    %c0_i32_1 = arith.constant 0 : i32
    return %c0_i32, %c0_i32_0 : i32, i32
  }
  func.func @transform_7(%arg0: i32) -> (i32, i32) {
    %c0_i32 = arith.constant 0 : i32
    %c0_i32_0 = arith.constant 0 : i32
    %c0_i32_1 = arith.constant 0 : i32
    return %c0_i32, %c0_i32_0 : i32, i32
  }
  func.func @transform_8(%arg0: i32) -> (i32, i32) {
    %c0_i32 = arith.constant 0 : i32
    %c0_i32_0 = arith.constant 0 : i32
    return %arg0, %c0_i32 : i32, i32
  }
  func.func @transform_9(%arg0: i32) -> (i32, i32) {
    %c0_i32 = arith.constant 0 : i32
    %c0_i32_0 = arith.constant 0 : i32
    return %arg0, %c0_i32 : i32, i32
  }
}

</mosaic_0001>

<sc_bundles>
// kernel: kernel.5.cloned.1.call-start
scs
__scs_entry_jumppad:
0x0: {  	(pc) =	sbr.rel $0x88, $3  }
0x1: {  	(tag) =	ssettag $0x0;
	lr =	simm.s32 $0x1  }
0x2: {  	[smem:$0x3F97] =	sst lr;
	_ =	strace $0xD0000000  }
0x3: {  	_ = 	snop  }
0x4: {  	_ = 	snop  }
0x5: {  	_ = 	snop  }
0x6: {  	_ = 	snop  }
0x7: {  	_ = 	snop  }
__scs_overlays_trampoline_lowered:
0x8: {  	[smem:$0x3FA6] =	sst s0  }
0x9: {  	[smem:$0x3FA7] =	sst s1  }
0xa: {  	[smem:$0x3FA8] =	sst s2  }
0xb: {  	[smem:$0x3FA9] =	sst s3  }
0xc: {  	[smem:$0x3FAA] =	sst s4  }
0xd: {  	[smem:$0x3FAB] =	sst s5  }
0xe: {  	[smem:$0x3FAC] =	sst s6  }
0xf: {  	[smem:$0x3FAD] =	sst s7  }
0x10: {  	[smem:$0x3FAE] =	sst s8  }
0x11: {  	[smem:$0x3FAF] =	sst s9;
	s0 =	simm.s32 @!p0 $0x0  }
0x12: {  	s1 =	sld [smem:$0x3F95];
	s0 =	simm.s32 @p0 $0x1  }
0x13: {  	[smem:$0x3FB0] =	sst s0;
	s0 =	simm.s32 @!p1 $0x0  }
0x14: {  	s2 =	sld [smem:$0x3F94];
	s0 =	simm.s32 @p1 $0x1  }
0x15: {  	[smem:$0x3FB1] =	sst s0;
	s0 =	simm.s32 @!p2 $0x0  }
0x16: {  	s3 =	sld [smem:$0x3FDB];
	s0 =	simm.s32 @p2 $0x1  }
0x17: {  	s4 =	simm.s32 $0x1BF5;
	[smem:$0x3FB3] =	sst s0  }
0x18: {  	s0 =	sld [smem:$0x3F96];
	_ =	swait.ge [sflag:s4], $0x0  }
0x19: {  	s7 =	sld [smem:$0x3F97]  }
0x1a: {  	s8 =	sadd.s32 $0xFFFFE003, lr  }
0x1b: {  	s9 =	sadd.s32 $0xFFFFFEF7, lr;
	s5 =	simm.s32 $0xFFFFFFFF;
	p2 =	slt.u32 s8, $0xFFFFF086  }
0x1c: {  	p1 =	slt.u32 s9, $0xF7A;
	s5 =	simm.s32 @!p2 $0x0  }
0x1d: {  	s5 =	simm.s32 @p1 $0x1;
	p0 =	seq.s32 s7, s2  }
0x1e: {  	s7 =	smul.u32 @!p0 $0xF7A, s2;
	p2 =	seq.s32 @!p0 s5, $0x0  }
0x1f: {  	s9 =	smul.u32 $0xF7A, s1;
	s8 =	simm.s32 @!p0 $0x1BF5;
	p2 =	por !p2, p0  }
0x20: {  	[sflag:s8] =	ssyncset.s32 @!p0 $0xFFFFF086;
	s6 =	sadd.s32 @!p0 s3, s7;
	s7 =	simm.s32 @!p0 $0x108  }
0x21: {  	s3 =	sadd.s32 s3, s9;
	s6 =	sadd.s32 @!p0 $0x88, s6;
	s7 =	simm.s32 @p2 $0x1082  }
0x22: {  	[simem:s7], [sflag:s8] =	dma.local @!p0 [hbm:s6], $0xF7A  }
0x23: {  	s9 =	sor.u32 $0xD0000000, s2;
	s6 =	simm.s32 $0x108;
	_ =	swait.ge @!p0 [sflag:s8], $0x0  }
0x24: {  	s3 =	sadd.s32 $0x88, s3;
	s6 =	simm.s32 @!p1 $0x1082;
	[sflag:s4] =	ssyncset.s32 $0xFFFFF086  }
0x25: {  	[simem:s6], [sflag:s4] =	dma.local [hbm:s3], $0xF7A  }
0x26: {  	[smem:$0x3F97] =	sst s1;
	(tag) =	ssettag s2;
	_ =	strace s9  }
0x27: {  	s1 =	sld [smem:$0x3FA7]  }
0x28: {  	s2 =	sld [smem:$0x3FA8]  }
0x29: {  	s4 =	sld [smem:$0x3FAA]  }
0x2a: {  	p0 =	seq.s32 s5, $0x0;
	s5 =	sld [smem:$0x3FAB]  }
0x2b: {  	s6 =	sld [smem:$0x3FAC]  }
0x2c: {  	s7 =	sld [smem:$0x3FAD]  }
0x2d: {  	s3 =	simm.s32 $0x108;
	s8 =	sld [smem:$0x3FAE]  }
0x2e: {  	s3 =	simm.s32 @!p0 $0x1082;
	s9 =	sld [smem:$0x3FAF]  }
0x2f: {  	lr =	sadd.s32 s0, s3;
	s0 =	sld [smem:$0x3FA6]  }
0x30: {  	s3 =	sld [smem:$0x3FA9]  }
0x31: {  	[smem:$0x3FB2] =	sst s10  }
0x32: {  	s10 =	sld [smem:$0x3FB0];
	_ =	sdelay $0x3  }
0x33: {  	p0 =	seq.s32 s10, $0x1;
	s10 =	sld [smem:$0x3FB2];
	_ =	sdelay $0x3  }
0x34: {  	[smem:$0x3FB2] =	sst s10  }
0x35: {  	s10 =	sld [smem:$0x3FB1];
	_ =	sdelay $0x3  }
0x36: {  	p1 =	seq.s32 s10, $0x1;
	s10 =	sld [smem:$0x3FB2];
	_ =	sdelay $0x3  }
0x37: {  	[smem:$0x3FB2] =	sst s10  }
0x38: {  	s10 =	sld [smem:$0x3FB3]  }
0x39: {  	_ = 	snop;
	(pc) =	sbr.ind lr, $3  }
0x3a: {  	_ = 	snop  }
0x3b: {  	_ = 	snop  }
0x3c: {  	p2 =	seq.s32 s10, $0x1;
	s10 =	sld [smem:$0x3FB2]  }
0x3d: {  	_ =	shalt  }
0x3e: {  	_ =	shalt  }
0x3f: {  	_ =	shalt  }
0x40: {  	_ =	shalt  }
0x41: {  	_ =	shalt  }
0x42: {  	_ =	shalt  }
0x43: {  	_ =	shalt  }
0x44: {  	_ =	shalt  }
0x45: {  	_ =	shalt  }
0x46: {  	_ =	shalt  }
0x47: {  	_ =	shalt  }
0x48: {  	_ =	shalt  }
0x49: {  	_ =	shalt  }
0x4a: {  	_ =	shalt  }
0x4b: {  	_ =	shalt  }
0x4c: {  	_ =	shalt  }
0x4d: {  	_ =	shalt  }
0x4e: {  	_ =	shalt  }
0x4f: {  	_ =	shalt  }
0x50: {  	_ =	shalt  }
0x51: {  	_ =	shalt  }
0x52: {  	_ =	shalt  }
0x53: {  	_ =	shalt  }
0x54: {  	_ =	shalt  }
0x55: {  	_ =	shalt  }
0x56: {  	_ =	shalt  }
0x57: {  	_ =	shalt  }
0x58: {  	_ =	shalt  }
0x59: {  	_ =	shalt  }
0x5a: {  	_ =	shalt  }
0x5b: {  	_ =	shalt  }
0x5c: {  	_ =	shalt  }
0x5d: {  	_ =	shalt  }
0x5e: {  	_ =	shalt  }
0x5f: {  	_ =	shalt  }
0x60: {  	_ =	shalt  }
0x61: {  	_ =	shalt  }
0x62: {  	_ =	shalt  }
0x63: {  	_ =	shalt  }
0x64: {  	_ =	shalt  }
0x65: {  	_ =	shalt  }
0x66: {  	_ =	shalt  }
0x67: {  	_ =	shalt  }
0x68: {  	_ =	shalt  }
0x69: {  	_ =	shalt  }
0x6a: {  	_ =	shalt  }
0x6b: {  	_ =	shalt  }
0x6c: {  	_ =	shalt  }
0x6d: {  	_ =	shalt  }
0x6e: {  	_ =	shalt  }
0x6f: {  	_ =	shalt  }
0x70: {  	_ =	shalt  }
0x71: {  	_ =	shalt  }
0x72: {  	_ =	shalt  }
0x73: {  	_ =	shalt  }
0x74: {  	_ =	shalt  }
0x75: {  	_ =	shalt  }
0x76: {  	_ =	shalt  }
0x77: {  	_ =	shalt  }
0x78: {  	_ =	shalt  }
0x79: {  	_ =	shalt  }
0x7a: {  	_ =	shalt  }
0x7b: {  	_ =	shalt  }
0x7c: {  	_ =	shalt  }
0x7d: {  	_ =	shalt  }
0x7e: {  	_ =	shalt  }
0x7f: {  	_ =	shalt  }
0x80: {  	_ =	shalt  }
0x81: {  	_ =	shalt  }
0x82: {  	_ =	shalt  }
0x83: {  	_ =	shalt  }
0x84: {  	_ =	shalt  }
0x85: {  	_ =	shalt  }
0x86: {  	_ =	shalt  }
0x87: {  	_ =	shalt  }
.Lfunc_end0:
.L_simem_size_0:
called_computation_lowered:
.L_overlay_start_0:
0x88: {  	s2 =	sld [smem:$0x3FD9]  }
0x89: {  	s3 =	sld [smem:$0x3FFE];
	_ =	sdelay $0x1  }
0x8a: {  	s1 =	srdreg.scid  }
0x8b: {  	s0 =	sand.u32 $0x1, s1  }
0x8c: {  	s14 =	sshll.u32 s0, $0xA;
	s2 =	sadd.s32 s3, s2  }
0x8d: {  	s2 =	sadd.s32 s2, s14  }
0x8e: {  	[smem:$0x3FBE] =	sst s2  }
0x8f: {  	_ = 	snop  }
0x90: {  	s2 =	sld [smem:$0x3FD0];
	_ =	sdelay $0x2  }
0x91: {  	s15 =	simm.s32 $0xA;
	s4 =	simm.s32 $0x10  }
0x92: {  	[smem:s4], [sflag:s15] =	dma.local [hbm:s2], $0x1  }
0x93: {  	_ =	swait.eq [sflag:s15], $0x1  }
0x94: {  	[sflag:s15] =	ssyncset.done $0x0  }
0x95: {  	s16 =	sld [smem:$0x10];
	[sflag:s15] =	ssyncadd.s32 $0xFFFFFFFF  }
0x96: {  	s17 =	sld [smem:$0x11];
	(tm) =	ssettm $0x1  }
0x97: {  	s18 =	sld [smem:$0x3FFB];
	_ =	sdelay $0x3  }
0x98: {  	_ =	strace s18  }
0x99: {  	s4 =	sld [smem:$0x3FFC];
	_ =	sdelay $0x3  }
0x9a: {  	_ =	strace s4  }
0x9b: {  	s4 =	sld [smem:$0x3FFD];
	_ =	sdelay $0x3  }
0x9c: {  	_ =	strace s4  }
0x9d: {  	_ =	strace $0x8FFFFFFF  }
0x9e: {  	s19 =	sld [smem:$0x3FDB];
	_ =	sdelay $0x1  }
0x9f: {  	s5 =	simm.s32 $_scs_section_size  }
0xa0: {  	s6 =	simm.s32 $_size__tile_overlayer_lowered;
	s7 =	simm.s32 $_tile_overlayer_lowered  }
0xa1: {  	s22 =	simm.s32 $0x1BFF;
	s21 =	sshll.u32 s7, $0x1;
	s4 =	sadd.s32 s5, s19  }
0xa2: {  	s8 =	simm.s32 $0x0;
	s20 =	sshll.u32 s6, $0x1;
	s6 =	sadd.s32 s21, s4  }
0xa3: {  	[timem:s8], [sflag:s22] =	dma.local [hbm:s6], s20  }
0xa4: {  	_ =	swait.ge [sflag:s22], s20  }
0xa5: {  	s5 =	ssub.s32 $0x0, s20;
	[sflag:s22] =	ssyncset.done $0x0  }
0xa6: {  	[sflag:s22] =	ssyncadd.s32 s5;
	_ =	sdelay $0x1  }
0xa7: {  	s23 =	simm.s32 $0x1B8B  }
0xa8: {  	_ =	swait.ge [sflag:s23], $0x1  }
0xa9: {  	[sflag:s23] =	ssyncset.done $0x0  }
0xaa: {  	s25 =	simm.s32 $0x1B8E;
	s24 =	sld [smem:$0x3FFE];
	[sflag:s23] =	ssyncadd.s32 $0xFFFFFFFF  }
0xab: {  	s26 =	simm.s32 $execute0_lowered;
	[smem:$0x3FD2] =	sst s25  }
0xac: {  	s6 =	sshll.u32 s26, $0x1;
	_ =	strace $0x80000046;
	[dreg:$0x1] =	wrdreg $0xFFFFFFFF  }
0xad: {  	s28 =	simm.s32 $_size_execute0_lowered;
	s4 =	sadd.s32 s4, s6;
	[dreg:$0x0] =	wrdreg $0x0  }
0xae: {  	s6 =	sshll.u32 s28, $0x1;
	[dreg:$0x2] =	wrdreg s4  }
0xaf: {  	[dreg:$0x3] =	wrdreg s6  }
0xb0: {  	[dreg:$0x4] =	wrdreg $0xC0  }
0xb1: {  	_ =	task [dreg:s8], $0x5FFFF  }
0xb2: {  	[dreg:$0x1] =	wrdreg $0xFFFFFFFF  }
0xb3: {  	[dreg:$0x0] =	wrdreg $0x60  }
0xb4: {  	[dreg:$0x2] =	wrdreg s17  }
0xb5: {  	[dreg:$0x3] =	wrdreg s16  }
0xb6: {  	[dreg:$0x4] =	wrdreg s24  }
0xb7: {  	[dreg:$0x5] =	wrdreg $0x104000  }
0xb8: {  	[dreg:$0x6] =	wrdreg $0x1A0400  }
0xb9: {  	[dreg:$0x7] =	wrdreg $0x9  }
0xba: {  	_ =	task.clear_ibuf [dreg:s8], $0x8FFFF;
	_ =	strace $0x90000046  }
0xbb: {  	s29 =	simm.s32 $0x9;
	_ =	strace $0x80000048  }
0xbc: {  	_ =	swait.ge [sflag:s29], $0x1  }
0xbd: {  	[sflag:s29] =	ssyncadd.s32 $0xFFFFFFFF  }
0xbe: {  	_ =	strace $0x90000048  }
0xbf: {  	_ =	sfence  }
0xc0: {  	s30 =	sld [smem:$0x0];
	_ =	sdelay $0x2  }
0xc1: {  	s31 =	sshll.u32 s1, $0xD;
	s1 =	sshrl.u32 s1, $0x2  }
0xc2: {  	s3 =	sand.u32 $0x4000, s31;
	s1 =	sadd.s32 s1, s30  }
0xc3: {  	s0 =	sor.u32 s3, s0;
	s1 =	sshll.u32 s1, $0x11  }
0xc4: {  	s0 =	sor.u32 s1, s0  }
0xc5: {  	s0 =	sadd.s32 $0x8F2B, s0  }
0xc6: {  	[sflag:s0] =	ssyncadd.remote.s32 $0x1  }
0xc7: {  	_ =	sfence.sel $0xFFFF  }
0xc8: {  	[dreg:$0x0] =	wrdreg $0xFFFFFFFF;
	(pc) =	sbr.abs _section_cstart, $3  }
0xc9: {  	[dreg:$0x1] =	wrdreg $0xFFFFFFFF  }
0xca: {  	_ =	task.clear_ibuf [dreg:s8], $0x2FFFF;
	_ =	strace $0x9FFFFFFF  }
0xcb: {  	(tm) =	ssettm $0x7FFFFFFF  }
tec
execute0_lowered:
.L_overlay_start_1:
0x0: {  	(tag) =	ssettag $0x1  }
0x1: {  	s0 =	rddreg [dreg:$0x0]  }
0x2: {  	s14 =	rddreg [dreg:$0x1];
	s13 =	stileid.u32  }
0x3: {  	s1 =	srdreg.scid;
	s5 =	smul.u32 $0x13880, s13  }
0x4: {  	s2 =	rddreg [dreg:$0x2];
	s9 =	smul.u32 $0x2800, s13  }
0x5: {  	s3 =	rddreg [dreg:$0x3];
	s1 =	sand.u32 $0x1, s1;
	s17 =	smul.u32 $0x27100, s13  }
0x6: {  	s7 =	rddreg [dreg:$0x4];
	s4 =	simm.s32 $0x0;
	s6 =	smul.u32 $0x138800, s1  }
0x7: {  	s28 =	simm.s32 $0x6C00;
	s29 =	simm.s32 $0x300;
	s8 =	smul.u32 $0x28000, s1  }
0x8: {  	[smem:$0x7FF] =	sst s4;
	s12 =	smul.u32 $0x4E00, s13;
	s18 =	ssub.s32 $0x2, s1  }
0x9: {  	s11 =	sshrl.u32 s18, $0x1;
	s10 =	sadd.s32 s5, s6;
	s8 =	sadd.s32 s9, s8  }
0xa: {  	s5 =	sshrl.u32 s5, $0x1;
	s16 =	sshrl.u32 s10, $0x4;
	s8 =	sshrl.u32 s8, $0x3  }
0xb: {  	s10 =	sshrl.u32 s17, $0x2;
	s9 =	sadd.s32 s16, s2;
	s2 =	sadd.s32 s8, s2  }
0xc: {  	s10 =	sadd.s32 s10, s3;
	s8 =	ssub.s32 s18, s11;
	s18 =	sadd.s32 s5, s3  }
0xd: {  	_ =	strace $0x80000047;
	s19 =	sadd.s32 $0x2000, s10;
	[dreg:$0x6] =	wrdreg s18  }
0xe: {  	s1 =	smul.u32 $0x9C400, s1;
	s20 =	sadd.s32 $0x4000, s10;
	[dreg:$0x7] =	wrdreg s19  }
0xf: {  	s23 =	sshll.u32 s13, $0x7;
	s21 =	sadd.s32 $0x6000, s10;
	[dreg:$0x8] =	wrdreg s20  }
0x10: {  	s5 =	sadd.s32 s12, s1;
	s10 =	sadd.s32 $0x8000, s10;
	[dreg:$0x9] =	wrdreg s21  }
0x11: {  	s1 =	sadd.s32 s23, s1;
	s23 =	smax.u32 s8, $0x1;
	[dreg:$0xa] =	wrdreg s10  }
0x12: {  	s22 =	sshrl.u32 s5, $0x3;
	s8 =	sadd.s32 $0x600, s5;
	[dreg:$0x15] =	wrdreg s23  }
0x13: {  	s25 =	smul.u32 $0xA000, s13;
	s24 =	sadd.s32 s14, s22;
	[dreg:$0x16] =	wrdreg s8  }
0x14: {  	s26 =	smul.u32 $0xA00, s13;
	s21 =	sadd.s32 $0x28800, s2;
	[dreg:$0xb] =	wrdreg s24  }
0x15: {  	p0 =	sgt.u32 s13, $0x3;
	s22 =	sadd.s32 $0x1600, s9;
	[dreg:$0x13] =	wrdreg s21  }
0x16: {  	s6 =	sshrl.u32 s6, $0x4;
	s12 =	sadd.s32 $0x9C40, s24;
	[dreg:$0x14] =	wrdreg s22  }
0x17: {  	s16 =	sshrl.u32 s25, $0x2;
	s1 =	sadd.s32 $0x4E000, s1;
	[dreg:$0xc] =	wrdreg s12  }
0x18: {  	s12 =	sadd.s32 s0, s6;
	s6 =	sshrl.u32 s1, $0x3;
	s0 =	sadd.s32 s16, s7  }
0x19: {  	s17 =	sshrl.u32 s26, $0x2;
	s15 =	sadd.s32 s14, s6;
	[dreg:$0xf] =	wrdreg s0  }
0x1a: {  	s25 =	sadd.s32 $0x4E500, s5;
	[dreg:$0xd] =	wrdreg s15;
	s6 =	sadd.s32 $0x9C40, s15  }
0x1b: {  	s26 =	sadd.s32 $0x300, s5;
	[dreg:$0xe] =	wrdreg s6;
	s6 =	sadd.s32 s17, s7  }
0x1c: {  	s24 =	sadd.s32 $0x4E800, s5;
	s19 =	sadd.s32 $0x2800, s6;
	[dreg:$0x10] =	wrdreg s6  }
0x1d: {  	s1 =	sshrl.u32 s25, $0x3;
	s20 =	sadd.s32 $0x5000, s6;
	[dreg:$0x11] =	wrdreg s19  }
0x1e: {  	s0 =	sshrl.u32 s24, $0x3;
	s9 =	sadd.s32 $0x7800, s6;
	[dreg:$0x12] =	wrdreg s20  }
0x1f: {  	s24 =	sadd.s32 s1, s14;
	s10 =	sadd.s32 $0xA000, s6;
	[dreg:$0x17] =	wrdreg s9  }
0x20: {  	s22 =	sadd.s32 s0, s14;
	s11 =	sadd.s32 $0xC800, s6;
	[dreg:$0x18] =	wrdreg s10  }
0x21: {  	s7 =	sshrl.u32 s26, $0x3;
	s13 =	sadd.s32 $0xF000, s6;
	[dreg:$0x19] =	wrdreg s11  }
0x22: {  	s25 =	sadd.s32 s7, s14;
	s14 =	sadd.s32 $0x11800, s6;
	[dreg:$0x1a] =	wrdreg s13  }
0x23: {  	s30 =	simm.s32 $0x900;
	s15 =	sadd.s32 $0x14000, s6;
	[dreg:$0x1b] =	wrdreg s14  }
0x24: {  	s31 =	simm.s32 $0x1;
	s16 =	sadd.s32 $0x16800, s6;
	[dreg:$0x1c] =	wrdreg s15  }
0x25: {  	s2 =	simm.s32 $0x8C00;
	s17 =	sadd.s32 $0x19000, s6;
	[dreg:$0x1d] =	wrdreg s16  }
0x26: {  	s5 =	simm.s32 $0xDC00;
	s21 =	sadd.s32 $0x20800, s6;
	[dreg:$0x1e] =	wrdreg s17  }
0x27: {  	s1 =	simm.s32 $0x8;
	s23 =	sadd.s32 $0x23000, s6;
	[smem:$0x7FB] =	sst s21  }
0x28: {  	s26 =	sadd.s32 $0x25800, s6;
	s7 =	simm.s32 $0x6;
	[smem:$0x7FC] =	sst s23  }
0x29: {  	s19 =	sadd.s32 $0x1B800, s6;
	s20 =	sadd.s32 $0x1E000, s6;
	[smem:$0x7FD] =	sst s26  }
0x2a: {  	s15 =	simm.s32 $0xC00;
	s17 =	simm.s32 $0xA;
	s21 =	simm.s32 $0x2C00  }
0x2b: {  	s10 =	simm.s32 $0x4C00;
	s23 =	simm.s32 $0x5;
	s13 =	simm.s32 $0x2  }
0x2c: {  	s9 =	simm.s32 $0x3;
	s14 =	simm.s32 $0x7;
	s16 =	simm.s32 $0x4  }
0x2d: {  	v2 =	vlaneseq.u32;
	s11 =	simm.s32 $0xB80;
	s6 =	simm.s32 $0x0;
	[dreg:$0x1f] =	wrdreg s19  }
0x2e: {  	v0 =	vimm.bf16 $0.0e+00;
	v1 =	vimm.s32 $0x0;
	v2 =	vmul.u32 $0x10, v2;
	[smem:$0x7FA] =	sst s20;
	s19 =	simm.s32 $0x9;
	s20 =	simm.s32 $0x80  }
.LBB2_1:
0x2f: {  	[smem:$0x7F9] =	sst s6;
	s6 =	simm.s32 $0x100;
	s0 =	simm.s32 $0x0  }
.LBB2_2:
0x30: {  	p1 =	sne.s32 s6, $0x7F00;
	[tilespmem:s0+$0xC30] =	vst v0;
	s8 =	smov.u32 s6;
	s6 =	sadd.s32 $0x100, s6  }
.Ltmp0:
0x31: {  	[tilespmem:s0+$0xC20] =	vst v0;
	(pc) =	sbr.rel @p1 .LBB2_2-.Ltmp0, $3  }
0x32: {  	[tilespmem:s0+$0xC00] =	vst v0  }
0x33: {  	[tilespmem:s0+$0xC10] =	vst v0;
	_ =	sdelay $0x1  }
0x34: {  	s0 =	sshra.s32 s8, $0x2  }
0x35: {  	[tilespmem:s0+$0xC30] =	vst v0  }
0x36: {  	[tilespmem:s0+$0xC20] =	vst v0  }
0x37: {  	[tilespmem:s0+$0xC00] =	vst v0  }
0x38: {  	[tilespmem:s0+$0xC10] =	vst v0  }
0x39: {  	[spmem:s18] =	stream.linear.scatter [tilespmem:s15], [sflag:$0xA], $0x2000, $0x38;
	[tilespmem:$0x1C840] =	vst v63  }
0x3a: {  	_ =	swait.ge [sflag:s17], $0x2000  }
0x3b: {  	[sflag:s17] =	ssyncset.done $0x0  }
0x3c: {  	s6 =	rddreg [dreg:$0x7];
	[sflag:s17] =	ssyncadd.s32 $0xFFFFE000  }
0x3d: {  	[spmem:s6] =	stream.linear.scatter [tilespmem:s15], [sflag:$0xA], $0x2000, $0x38;
	[tilespmem:$0x1C840] =	vst v63  }
0x3e: {  	_ =	swait.ge [sflag:s17], $0x2000  }
0x3f: {  	[sflag:s17] =	ssyncset.done $0x0  }
0x40: {  	s8 =	rddreg [dreg:$0x8];
	[sflag:s17] =	ssyncadd.s32 $0xFFFFE000  }
0x41: {  	[spmem:s8] =	stream.linear.scatter [tilespmem:s15], [sflag:$0xA], $0x2000, $0x38;
	[tilespmem:$0x1C840] =	vst v63  }
0x42: {  	_ =	swait.ge [sflag:s17], $0x2000  }
0x43: {  	[sflag:s17] =	ssyncset.done $0x0  }
0x44: {  	s18 =	rddreg [dreg:$0x9];
	[sflag:s17] =	ssyncadd.s32 $0xFFFFE000  }
0x45: {  	[spmem:s18] =	stream.linear.scatter [tilespmem:s15], [sflag:$0xA], $0x2000, $0x38;
	[tilespmem:$0x1C840] =	vst v63  }
0x46: {  	_ =	swait.ge [sflag:s17], $0x2000  }
0x47: {  	[sflag:s17] =	ssyncset.done $0x0  }
0x48: {  	s26 =	rddreg [dreg:$0xa];
	[sflag:s17] =	ssyncadd.s32 $0xFFFFE000  }
0x49: {  	[spmem:s26] =	stream.linear.scatter [tilespmem:s15], [sflag:$0xA], $0x1C40, $0x38;
	[tilespmem:$0x1C840] =	vst v63  }
0x4a: {  	_ =	swait.ge [sflag:s17], $0x1C40  }
0x4b: {  	[sflag:s17] =	ssyncset.done $0x0  }
0x4c: {  	s0 =	simm.s32 $0x40;
	s6 =	simm.s32 $0x0;
	[sflag:s17] =	ssyncadd.s32 $0xFFFFE3C0  }
.LBB2_4:
0x4d: {  	p1 =	sne.s32 s0, $0x9FC0;
	[tilespmem:s6+$0x8C00] =	vst v1;
	s6 =	smov.u32 s0;
	s0 =	sadd.s32 $0x40, s0  }
.Ltmp1:
0x4e: {  	(pc) =	sbr.rel @p1 .LBB2_4-.Ltmp1, $2  }
0x4f: {  	_ =	sdelay $0x2  }
0x50: {  	s6 =	sshra.s32 s6, $0x2  }
0x51: {  	[tilespmem:s6+$0x8C00] =	vst v1  }
0x52: {  	[bflag:$0x0] =	sbarrier.arrive $0xFFFF  }
0x53: {  	s26 =	simm.s32 $0x0;
	s0 =	rddreg [dreg:$0xb]  }
0x54: {  	[tilespmem:s26], [sflag:$0x9] =	stream.linear.gather [hbm4b:s0+s26], $0x300, $0x38;
	[tilespmem:$0x1C840] =	vst v63  }
0x55: {  	s18 =	simm.s32 $0x600;
	s8 =	rddreg [dreg:$0xc]  }
0x56: {  	[tilespmem:s18], [sflag:$0x9] =	stream.linear.gather [hbm4b:s8+s26], $0x300, $0x38;
	[tilespmem:$0x1C840] =	vst v63  }
0x57: {  	_ =	swait.ge [sflag:s19], $0x300  }
0x58: {  	[sflag:s19] =	ssyncset.done $0x0  }
0x59: {  	[sflag:s19] =	ssyncadd.s32 $0xFFFFFD00  }
0x5a: {  	_ =	swait.ge [sflag:s19], $0x300  }
0x5b: {  	[sflag:s19] =	ssyncset.done $0x0  }
0x5c: {  	[sflag:s19] =	ssyncadd.s32 $0xFFFFFD00  }
0x5d: {  	[tilespmem:s15], [sflag:$0x1] =	stream.indirect.gather [hbm4b:s12+s20], $0x40, s26, s20, $0xb8;
	[tilespmem:$0x1C840] =	vst v63  }
0x5e: {  	_ = 	snop  }
0x5f: {  	[tilespmem:s21], [sflag:$0x2] =	stream.indirect.gather [hbm4b:s12+s20], $0x40, s20, s20, $0xb8;
	[tilespmem:$0x1C840] =	vst v63  }
0x60: {  	s8 =	simm.s32 $0x100  }
0x61: {  	[tilespmem:s10], [sflag:$0x3] =	stream.indirect.gather [hbm4b:s12+s20], $0x40, s8, s20, $0xb8;
	[tilespmem:$0x1C840] =	vst v63  }
0x62: {  	s18 =	simm.s32 $0x180;
	s0 =	rddreg [dreg:$0x16]  }
0x63: {  	[tilespmem:s28], [sflag:$0x4] =	stream.indirect.gather [hbm4b:s12+s20], $0x40, s18, s20, $0xb8;
	[tilespmem:$0x1C840] =	vst v63  }
.LBB2_6:
0x64: {  	s6 =	sadd.s32 s26, s25  }
0x65: {  	[tilespmem:s29], [sflag:$0x9] =	stream.linear.gather [hbm4b:s6+s4], $0x300, $0x38;
	[tilespmem:$0x1C840] =	vst v63  }
0x66: {  	s18 =	sadd.s32 s26, s24  }
0x67: {  	[tilespmem:s30], [sflag:$0x9] =	stream.linear.gather [hbm4b:s18+s4], $0x300, $0x38;
	[tilespmem:$0x1C840] =	vst v63  }
0x68: {  	_ =	swait.ge [sflag:s31], $0x2000  }
0x69: {  	[sflag:s31] =	ssyncset.done $0x0  }
0x6a: {  	s8 =	simm.s32 $0x600;
	[sflag:s31] =	ssyncadd.s32 $0xFFFFE000  }
0x6b: {  	[spmem:s3] =	stream.indirect.scatter.add.bf16 [tilespmem:s15], [sflag:$0x5], $0x40, s8, s20, $0xb8;
	[tilespmem:$0x1C840] =	vst v63  }
0x6c: {  	v3 =	vld [tilespmem:$0x600];
	_ =	sdelay $0x4  }
0x6d: {  	(xrf1) =	vunique.msk.u32 $0xffff, v3;
	_ =	sdelay $0xd  }
0x6e: {  	_, v4, vm0 =	vpop (xrf1);
	_ =	sdelay $0x5  }
0x6f: {  	[tilespmem:v3+s2+$0x0] =	vst.idx.add.s32.msk vm0, v4  }
0x70: {  	v3 =	vld [tilespmem:$0x610];
	_ =	sdelay $0x4  }
0x71: {  	(xrf1) =	vunique.msk.u32 $0xffff, v3;
	_ =	sdelay $0xd  }
0x72: {  	_, v4, vm0 =	vpop (xrf1);
	_ =	sdelay $0x5  }
0x73: {  	[tilespmem:v3+s2+$0x0] =	vst.idx.add.s32.msk vm0, v4  }
0x74: {  	v3 =	vld [tilespmem:$0x620];
	_ =	sdelay $0x4  }
0x75: {  	(xrf1) =	vunique.msk.u32 $0xffff, v3;
	_ =	sdelay $0xd  }
0x76: {  	_, v4, vm0 =	vpop (xrf1);
	_ =	sdelay $0x5  }
0x77: {  	[tilespmem:v3+s2+$0x0] =	vst.idx.add.s32.msk vm0, v4  }
0x78: {  	v3 =	vld [tilespmem:$0x630];
	_ =	sdelay $0x4  }
0x79: {  	(xrf1) =	vunique.msk.u32 $0xffff, v3;
	_ =	sdelay $0xd  }
0x7a: {  	_, v4, vm0 =	vpop (xrf1);
	_ =	sdelay $0x5  }
0x7b: {  	[tilespmem:v3+s2+$0x0] =	vst.idx.add.s32.msk vm0, v4  }
0x7c: {  	v3 =	vld [tilespmem:$0x640];
	_ =	sdelay $0x4  }
0x7d: {  	(xrf1) =	vunique.msk.u32 $0xffff, v3;
	_ =	sdelay $0xd  }
0x7e: {  	_, v4, vm0 =	vpop (xrf1);
	_ =	sdelay $0x5  }
0x7f: {  	[tilespmem:v3+s2+$0x0] =	vst.idx.add.s32.msk vm0, v4  }
0x80: {  	v3 =	vld [tilespmem:$0x650];
	_ =	sdelay $0x4  }
0x81: {  	(xrf1) =	vunique.msk.u32 $0xffff, v3;
	_ =	sdelay $0xd  }
0x82: {  	_, v4, vm0 =	vpop (xrf1);
	_ =	sdelay $0x5  }
0x83: {  	[tilespmem:v3+s2+$0x0] =	vst.idx.add.s32.msk vm0, v4  }
0x84: {  	v3 =	vld [tilespmem:$0x660];
	_ =	sdelay $0x4  }
0x85: {  	(xrf1) =	vunique.msk.u32 $0xffff, v3;
	_ =	sdelay $0xd  }
0x86: {  	_, v4, vm0 =	vpop (xrf1);
	_ =	sdelay $0x5  }
0x87: {  	[tilespmem:v3+s2+$0x0] =	vst.idx.add.s32.msk vm0, v4  }
0x88: {  	v3 =	vld [tilespmem:$0x670];
	_ =	sdelay $0x4  }
0x89: {  	(xrf1) =	vunique.msk.u32 $0xffff, v3;
	_ =	sdelay $0xd  }
0x8a: {  	_, v4, vm0 =	vpop (xrf1);
	_ =	sdelay $0x5  }
0x8b: {  	[tilespmem:v3+s2+$0x0] =	vst.idx.add.s32.msk vm0, v4  }
0x8c: {  	_ =	swait.ge [sflag:s23], $0x2000  }
0x8d: {  	[sflag:s23] =	ssyncset.done $0x0  }
0x8e: {  	s18 =	simm.s32 $0x200;
	[sflag:s23] =	ssyncadd.s32 $0xFFFFE000  }
0x8f: {  	[tilespmem:s15], [sflag:$0x1] =	stream.indirect.gather [hbm4b:s12+s20], $0x40, s18, s20, $0xb8;
	[tilespmem:$0x1C840] =	vst v63  }
0x90: {  	_ =	swait.ge [sflag:s13], $0x2000  }
0x91: {  	[sflag:s13] =	ssyncset.done $0x0  }
0x92: {  	s8 =	simm.s32 $0x680;
	[sflag:s13] =	ssyncadd.s32 $0xFFFFE000  }
0x93: {  	[spmem:s3] =	stream.indirect.scatter.add.bf16 [tilespmem:s21], [sflag:$0x6], $0x40, s8, s20, $0xb8;
	[tilespmem:$0x1C840] =	vst v63  }
0x94: {  	v3 =	vld [tilespmem:$0x680];
	_ =	sdelay $0x4  }
0x95: {  	(xrf1) =	vunique.msk.u32 $0xffff, v3;
	_ =	sdelay $0xd  }
0x96: {  	_, v4, vm0 =	vpop (xrf1);
	_ =	sdelay $0x5  }
0x97: {  	[tilespmem:v3+s2+$0x0] =	vst.idx.add.s32.msk vm0, v4  }
0x98: {  	v3 =	vld [tilespmem:$0x690];
	_ =	sdelay $0x4  }
0x99: {  	(xrf1) =	vunique.msk.u32 $0xffff, v3;
	_ =	sdelay $0xd  }
0x9a: {  	_, v4, vm0 =	vpop (xrf1);
	_ =	sdelay $0x5  }
0x9b: {  	[tilespmem:v3+s2+$0x0] =	vst.idx.add.s32.msk vm0, v4  }
0x9c: {  	v3 =	vld [tilespmem:$0x6A0];
	_ =	sdelay $0x4  }
0x9d: {  	(xrf1) =	vunique.msk.u32 $0xffff, v3;
	_ =	sdelay $0xd  }
0x9e: {  	_, v4, vm0 =	vpop (xrf1);
	_ =	sdelay $0x5  }
0x9f: {  	[tilespmem:v3+s2+$0x0] =	vst.idx.add.s32.msk vm0, v4  }
0xa0: {  	v3 =	vld [tilespmem:$0x6B0];
	_ =	sdelay $0x4  }
0xa1: {  	(xrf1) =	vunique.msk.u32 $0xffff, v3;
	_ =	sdelay $0xd  }
0xa2: {  	_, v4, vm0 =	vpop (xrf1);
	_ =	sdelay $0x5  }
0xa3: {  	[tilespmem:v3+s2+$0x0] =	vst.idx.add.s32.msk vm0, v4  }
0xa4: {  	v3 =	vld [tilespmem:$0x6C0];
	_ =	sdelay $0x4  }
0xa5: {  	(xrf1) =	vunique.msk.u32 $0xffff, v3;
	_ =	sdelay $0xd  }
0xa6: {  	_, v4, vm0 =	vpop (xrf1);
	_ =	sdelay $0x5  }
0xa7: {  	[tilespmem:v3+s2+$0x0] =	vst.idx.add.s32.msk vm0, v4  }
0xa8: {  	v3 =	vld [tilespmem:$0x6D0];
	_ =	sdelay $0x4  }
0xa9: {  	(xrf1) =	vunique.msk.u32 $0xffff, v3;
	_ =	sdelay $0xd  }
0xaa: {  	_, v4, vm0 =	vpop (xrf1);
	_ =	sdelay $0x5  }
0xab: {  	[tilespmem:v3+s2+$0x0] =	vst.idx.add.s32.msk vm0, v4  }
0xac: {  	v3 =	vld [tilespmem:$0x6E0];
	_ =	sdelay $0x4  }
0xad: {  	(xrf1) =	vunique.msk.u32 $0xffff, v3;
	_ =	sdelay $0xd  }
0xae: {  	_, v4, vm0 =	vpop (xrf1);
	_ =	sdelay $0x5  }
0xaf: {  	[tilespmem:v3+s2+$0x0] =	vst.idx.add.s32.msk vm0, v4  }
0xb0: {  	v3 =	vld [tilespmem:$0x6F0];
	_ =	sdelay $0x4  }
0xb1: {  	(xrf1) =	vunique.msk.u32 $0xffff, v3;
	_ =	sdelay $0xd  }
0xb2: {  	_, v4, vm0 =	vpop (xrf1);
	_ =	sdelay $0x5  }
0xb3: {  	[tilespmem:v3+s2+$0x0] =	vst.idx.add.s32.msk vm0, v4  }
0xb4: {  	_ =	swait.ge [sflag:s7], $0x2000  }
0xb5: {  	[sflag:s7] =	ssyncset.done $0x0  }
0xb6: {  	s18 =	simm.s32 $0x280;
	[sflag:s7] =	ssyncadd.s32 $0xFFFFE000  }
0xb7: {  	[tilespmem:s21], [sflag:$0x2] =	stream.indirect.gather [hbm4b:s12+s20], $0x40, s18, s20, $0xb8;
	[tilespmem:$0x1C840] =	vst v63  }
0xb8: {  	_ =	swait.ge [sflag:s9], $0x2000  }
0xb9: {  	[sflag:s9] =	ssyncset.done $0x0  }
0xba: {  	s8 =	simm.s32 $0x700;
	[sflag:s9] =	ssyncadd.s32 $0xFFFFE000  }
0xbb: {  	[spmem:s3] =	stream.indirect.scatter.add.bf16 [tilespmem:s10], [sflag:$0x7], $0x40, s8, s20, $0xb8;
	[tilespmem:$0x1C840] =	vst v63  }
0xbc: {  	v3 =	vld [tilespmem:$0x700];
	_ =	sdelay $0x4  }
0xbd: {  	(xrf1) =	vunique.msk.u32 $0xffff, v3;
	_ =	sdelay $0xd  }
0xbe: {  	_, v4, vm0 =	vpop (xrf1);
	_ =	sdelay $0x5  }
0xbf: {  	[tilespmem:v3+s2+$0x0] =	vst.idx.add.s32.msk vm0, v4  }
0xc0: {  	v3 =	vld [tilespmem:$0x710];
	_ =	sdelay $0x4  }
0xc1: {  	(xrf1) =	vunique.msk.u32 $0xffff, v3;
	_ =	sdelay $0xd  }
0xc2: {  	_, v4, vm0 =	vpop (xrf1);
	_ =	sdelay $0x5  }
0xc3: {  	[tilespmem:v3+s2+$0x0] =	vst.idx.add.s32.msk vm0, v4  }
0xc4: {  	v3 =	vld [tilespmem:$0x720];
	_ =	sdelay $0x4  }
0xc5: {  	(xrf1) =	vunique.msk.u32 $0xffff, v3;
	_ =	sdelay $0xd  }
0xc6: {  	_, v4, vm0 =	vpop (xrf1);
	_ =	sdelay $0x5  }
0xc7: {  	[tilespmem:v3+s2+$0x0] =	vst.idx.add.s32.msk vm0, v4  }
0xc8: {  	v3 =	vld [tilespmem:$0x730];
	_ =	sdelay $0x4  }
0xc9: {  	(xrf1) =	vunique.msk.u32 $0xffff, v3;
	_ =	sdelay $0xd  }
0xca: {  	_, v4, vm0 =	vpop (xrf1);
	_ =	sdelay $0x5  }
0xcb: {  	[tilespmem:v3+s2+$0x0] =	vst.idx.add.s32.msk vm0, v4  }
0xcc: {  	v3 =	vld [tilespmem:$0x740];
	_ =	sdelay $0x4  }
0xcd: {  	(xrf1) =	vunique.msk.u32 $0xffff, v3;
	_ =	sdelay $0xd  }
0xce: {  	_, v4, vm0 =	vpop (xrf1);
	_ =	sdelay $0x5  }
0xcf: {  	[tilespmem:v3+s2+$0x0] =	vst.idx.add.s32.msk vm0, v4  }
0xd0: {  	v3 =	vld [tilespmem:$0x750];
	_ =	sdelay $0x4  }
0xd1: {  	(xrf1) =	vunique.msk.u32 $0xffff, v3;
	_ =	sdelay $0xd  }
0xd2: {  	_, v4, vm0 =	vpop (xrf1);
	_ =	sdelay $0x5  }
0xd3: {  	[tilespmem:v3+s2+$0x0] =	vst.idx.add.s32.msk vm0, v4  }
0xd4: {  	v3 =	vld [tilespmem:$0x760];
	_ =	sdelay $0x4  }
0xd5: {  	(xrf1) =	vunique.msk.u32 $0xffff, v3;
	_ =	sdelay $0xd  }
0xd6: {  	_, v4, vm0 =	vpop (xrf1);
	_ =	sdelay $0x5  }
0xd7: {  	[tilespmem:v3+s2+$0x0] =	vst.idx.add.s32.msk vm0, v4  }
0xd8: {  	v3 =	vld [tilespmem:$0x770];
	_ =	sdelay $0x4  }
0xd9: {  	(xrf1) =	vunique.msk.u32 $0xffff, v3;
	_ =	sdelay $0xd  }
0xda: {  	_, v4, vm0 =	vpop (xrf1);
	_ =	sdelay $0x5  }
0xdb: {  	[tilespmem:v3+s2+$0x0] =	vst.idx.add.s32.msk vm0, v4  }
0xdc: {  	_ =	swait.ge [sflag:s14], $0x2000  }
0xdd: {  	[sflag:s14] =	ssyncset.done $0x0  }
0xde: {  	[sflag:s14] =	ssyncadd.s32 $0xFFFFE000  }
0xdf: {  	_ =	swait.ge [sflag:s19], $0x300  }
0xe0: {  	[sflag:s19] =	ssyncset.done $0x0  }
0xe1: {  	[sflag:s19] =	ssyncadd.s32 $0xFFFFFD00  }
0xe2: {  	_ =	swait.ge [sflag:s19], $0x300  }
0xe3: {  	[sflag:s19] =	ssyncset.done $0x0  }
0xe4: {  	[sflag:s19] =	ssyncadd.s32 $0xFFFFFD00  }
0xe5: {  	[tilespmem:s10], [sflag:$0x3] =	stream.indirect.gather [hbm4b:s12+s20], $0x40, s29, s20, $0xb8;
	[tilespmem:$0x1C840] =	vst v63  }
0xe6: {  	_ =	swait.ge [sflag:s16], $0x2000  }
0xe7: {  	[sflag:s16] =	ssyncset.done $0x0  }
0xe8: {  	s18 =	simm.s32 $0x780;
	[sflag:s16] =	ssyncadd.s32 $0xFFFFE000  }
0xe9: {  	[spmem:s3] =	stream.indirect.scatter.add.bf16 [tilespmem:s28], [sflag:$0x8], $0x40, s18, s20, $0xb8;
	[tilespmem:$0x1C840] =	vst v63  }
0xea: {  	v3 =	vld [tilespmem:$0x780];
	_ =	sdelay $0x4  }
0xeb: {  	(xrf1) =	vunique.msk.u32 $0xffff, v3;
	_ =	sdelay $0xd  }
0xec: {  	_, v4, vm0 =	vpop (xrf1);
	_ =	sdelay $0x5  }
0xed: {  	[tilespmem:v3+s2+$0x0] =	vst.idx.add.s32.msk vm0, v4  }
0xee: {  	v3 =	vld [tilespmem:$0x790];
	_ =	sdelay $0x4  }
0xef: {  	(xrf1) =	vunique.msk.u32 $0xffff, v3;
	_ =	sdelay $0xd  }
0xf0: {  	_, v4, vm0 =	vpop (xrf1);
	_ =	sdelay $0x5  }
0xf1: {  	[tilespmem:v3+s2+$0x0] =	vst.idx.add.s32.msk vm0, v4  }
0xf2: {  	v3 =	vld [tilespmem:$0x7A0];
	_ =	sdelay $0x4  }
0xf3: {  	(xrf1) =	vunique.msk.u32 $0xffff, v3;
	_ =	sdelay $0xd  }
0xf4: {  	_, v4, vm0 =	vpop (xrf1);
	_ =	sdelay $0x5  }
0xf5: {  	[tilespmem:v3+s2+$0x0] =	vst.idx.add.s32.msk vm0, v4  }
0xf6: {  	v3 =	vld [tilespmem:$0x7B0];
	_ =	sdelay $0x4  }
0xf7: {  	(xrf1) =	vunique.msk.u32 $0xffff, v3;
	_ =	sdelay $0xd  }
0xf8: {  	_, v4, vm0 =	vpop (xrf1);
	_ =	sdelay $0x5  }
0xf9: {  	[tilespmem:v3+s2+$0x0] =	vst.idx.add.s32.msk vm0, v4  }
0xfa: {  	v3 =	vld [tilespmem:$0x7C0];
	_ =	sdelay $0x4  }
0xfb: {  	(xrf1) =	vunique.msk.u32 $0xffff, v3;
	_ =	sdelay $0xd  }
0xfc: {  	_, v4, vm0 =	vpop (xrf1);
	_ =	sdelay $0x5  }
0xfd: {  	[tilespmem:v3+s2+$0x0] =	vst.idx.add.s32.msk vm0, v4  }
0xfe: {  	v3 =	vld [tilespmem:$0x7D0];
	_ =	sdelay $0x4  }
0xff: {  	(xrf1) =	vunique.msk.u32 $0xffff, v3;
	_ =	sdelay $0xd  }
0x100: {  	_, v4, vm0 =	vpop (xrf1);
	_ =	sdelay $0x5  }
0x101: {  	[tilespmem:v3+s2+$0x0] =	vst.idx.add.s32.msk vm0, v4  }
0x102: {  	v3 =	vld [tilespmem:$0x7E0];
	_ =	sdelay $0x4  }
0x103: {  	(xrf1) =	vunique.msk.u32 $0xffff, v3;
	_ =	sdelay $0xd  }
0x104: {  	_, v4, vm0 =	vpop (xrf1);
	_ =	sdelay $0x5  }
0x105: {  	[tilespmem:v3+s2+$0x0] =	vst.idx.add.s32.msk vm0, v4  }
0x106: {  	v3 =	vld [tilespmem:$0x7F0];
	_ =	sdelay $0x4  }
0x107: {  	(xrf1) =	vunique.msk.u32 $0xffff, v3;
	_ =	sdelay $0xd  }
0x108: {  	_, v4, vm0 =	vpop (xrf1);
	_ =	sdelay $0x5  }
0x109: {  	[tilespmem:v3+s2+$0x0] =	vst.idx.add.s32.msk vm0, v4  }
0x10a: {  	_ =	swait.ge [sflag:s1], $0x2000  }
0x10b: {  	[sflag:s1] =	ssyncset.done $0x0  }
0x10c: {  	s8 =	simm.s32 $0x380;
	[sflag:s1] =	ssyncadd.s32 $0xFFFFE000  }
0x10d: {  	[tilespmem:s28], [sflag:$0x4] =	stream.indirect.gather [hbm4b:s12+s20], $0x40, s8, s20, $0xb8;
	[tilespmem:$0x1C840] =	vst v63  }
0x10e: {  	_ =	swait.ge [sflag:s31], $0x2000  }
0x10f: {  	[sflag:s31] =	ssyncset.done $0x0  }
0x110: {  	s18 =	simm.s32 $0x800;
	[sflag:s31] =	ssyncadd.s32 $0xFFFFE000  }
0x111: {  	[spmem:s3] =	stream.indirect.scatter.add.bf16 [tilespmem:s15], [sflag:$0x5], $0x40, s18, s20, $0xb8;
	[tilespmem:$0x1C840] =	vst v63  }
0x112: {  	v3 =	vld [tilespmem:$0x800];
	_ =	sdelay $0x4  }
0x113: {  	(xrf1) =	vunique.msk.u32 $0xffff, v3;
	_ =	sdelay $0xd  }
0x114: {  	_, v4, vm0 =	vpop (xrf1);
	_ =	sdelay $0x5  }
0x115: {  	[tilespmem:v3+s2+$0x0] =	vst.idx.add.s32.msk vm0, v4  }
0x116: {  	v3 =	vld [tilespmem:$0x810];
	_ =	sdelay $0x4  }
0x117: {  	(xrf1) =	vunique.msk.u32 $0xffff, v3;
	_ =	sdelay $0xd  }
0x118: {  	_, v4, vm0 =	vpop (xrf1);
	_ =	sdelay $0x5  }
0x119: {  	[tilespmem:v3+s2+$0x0] =	vst.idx.add.s32.msk vm0, v4  }
0x11a: {  	v3 =	vld [tilespmem:$0x820];
	_ =	sdelay $0x4  }
0x11b: {  	(xrf1) =	vunique.msk.u32 $0xffff, v3;
	_ =	sdelay $0xd  }
0x11c: {  	_, v4, vm0 =	vpop (xrf1);
	_ =	sdelay $0x5  }
0x11d: {  	[tilespmem:v3+s2+$0x0] =	vst.idx.add.s32.msk vm0, v4  }
0x11e: {  	v3 =	vld [tilespmem:$0x830];
	_ =	sdelay $0x4  }
0x11f: {  	(xrf1) =	vunique.msk.u32 $0xffff, v3;
	_ =	sdelay $0xd  }
0x120: {  	_, v4, vm0 =	vpop (xrf1);
	_ =	sdelay $0x5  }
0x121: {  	[tilespmem:v3+s2+$0x0] =	vst.idx.add.s32.msk vm0, v4  }
0x122: {  	v3 =	vld [tilespmem:$0x840];
	_ =	sdelay $0x4  }
0x123: {  	(xrf1) =	vunique.msk.u32 $0xffff, v3;
	_ =	sdelay $0xd  }
0x124: {  	_, v4, vm0 =	vpop (xrf1);
	_ =	sdelay $0x5  }
0x125: {  	[tilespmem:v3+s2+$0x0] =	vst.idx.add.s32.msk vm0, v4  }
0x126: {  	v3 =	vld [tilespmem:$0x850];
	_ =	sdelay $0x4  }
0x127: {  	(xrf1) =	vunique.msk.u32 $0xffff, v3;
	_ =	sdelay $0xd  }
0x128: {  	_, v4, vm0 =	vpop (xrf1);
	_ =	sdelay $0x5  }
0x129: {  	[tilespmem:v3+s2+$0x0] =	vst.idx.add.s32.msk vm0, v4  }
0x12a: {  	v3 =	vld [tilespmem:$0x860];
	_ =	sdelay $0x4  }
0x12b: {  	(xrf1) =	vunique.msk.u32 $0xffff, v3;
	_ =	sdelay $0xd  }
0x12c: {  	_, v4, vm0 =	vpop (xrf1);
	_ =	sdelay $0x5  }
0x12d: {  	[tilespmem:v3+s2+$0x0] =	vst.idx.add.s32.msk vm0, v4  }
0x12e: {  	v3 =	vld [tilespmem:$0x870];
	_ =	sdelay $0x4  }
0x12f: {  	(xrf1) =	vunique.msk.u32 $0xffff, v3;
	_ =	sdelay $0xd  }
0x130: {  	_, v4, vm0 =	vpop (xrf1);
	_ =	sdelay $0x5  }
0x131: {  	[tilespmem:v3+s2+$0x0] =	vst.idx.add.s32.msk vm0, v4  }
0x132: {  	_ =	swait.ge [sflag:s23], $0x2000  }
0x133: {  	[sflag:s23] =	ssyncset.done $0x0  }
0x134: {  	s8 =	simm.s32 $0x400;
	[sflag:s23] =	ssyncadd.s32 $0xFFFFE000  }
0x135: {  	[tilespmem:s15], [sflag:$0x1] =	stream.indirect.gather [hbm4b:s12+s20], $0x40, s8, s20, $0xb8;
	[tilespmem:$0x1C840] =	vst v63  }
0x136: {  	_ =	swait.ge [sflag:s13], $0x2000  }
0x137: {  	[sflag:s13] =	ssyncset.done $0x0  }
0x138: {  	s18 =	simm.s32 $0x880;
	[sflag:s13] =	ssyncadd.s32 $0xFFFFE000  }
0x139: {  	[spmem:s3] =	stream.indirect.scatter.add.bf16 [tilespmem:s21], [sflag:$0x6], $0x40, s18, s20, $0xb8;
	[tilespmem:$0x1C840] =	vst v63  }
0x13a: {  	v3 =	vld [tilespmem:$0x880];
	_ =	sdelay $0x4  }
0x13b: {  	(xrf1) =	vunique.msk.u32 $0xffff, v3;
	_ =	sdelay $0xd  }
0x13c: {  	_, v4, vm0 =	vpop (xrf1);
	_ =	sdelay $0x5  }
0x13d: {  	[tilespmem:v3+s2+$0x0] =	vst.idx.add.s32.msk vm0, v4  }
0x13e: {  	v3 =	vld [tilespmem:$0x890];
	_ =	sdelay $0x4  }
0x13f: {  	(xrf1) =	vunique.msk.u32 $0xffff, v3;
	_ =	sdelay $0xd  }
0x140: {  	_, v4, vm0 =	vpop (xrf1);
	_ =	sdelay $0x5  }
0x141: {  	[tilespmem:v3+s2+$0x0] =	vst.idx.add.s32.msk vm0, v4  }
0x142: {  	v3 =	vld [tilespmem:$0x8A0];
	_ =	sdelay $0x4  }
0x143: {  	(xrf1) =	vunique.msk.u32 $0xffff, v3;
	_ =	sdelay $0xd  }
0x144: {  	_, v4, vm0 =	vpop (xrf1);
	_ =	sdelay $0x5  }
0x145: {  	[tilespmem:v3+s2+$0x0] =	vst.idx.add.s32.msk vm0, v4  }
0x146: {  	v3 =	vld [tilespmem:$0x8B0];
	_ =	sdelay $0x4  }
0x147: {  	(xrf1) =	vunique.msk.u32 $0xffff, v3;
	_ =	sdelay $0xd  }
0x148: {  	_, v4, vm0 =	vpop (xrf1);
	_ =	sdelay $0x5  }
0x149: {  	[tilespmem:v3+s2+$0x0] =	vst.idx.add.s32.msk vm0, v4  }
0x14a: {  	v3 =	vld [tilespmem:$0x8C0];
	_ =	sdelay $0x4  }
0x14b: {  	(xrf1) =	vunique.msk.u32 $0xffff, v3;
	_ =	sdelay $0xd  }
0x14c: {  	_, v4, vm0 =	vpop (xrf1);
	_ =	sdelay $0x5  }
0x14d: {  	[tilespmem:v3+s2+$0x0] =	vst.idx.add.s32.msk vm0, v4  }
0x14e: {  	v3 =	vld [tilespmem:$0x8D0];
	_ =	sdelay $0x4  }
0x14f: {  	(xrf1) =	vunique.msk.u32 $0xffff, v3;
	_ =	sdelay $0xd  }
0x150: {  	_, v4, vm0 =	vpop (xrf1);
	_ =	sdelay $0x5  }
0x151: {  	[tilespmem:v3+s2+$0x0] =	vst.idx.add.s32.msk vm0, v4  }
0x152: {  	v3 =	vld [tilespmem:$0x8E0];
	_ =	sdelay $0x4  }
0x153: {  	(xrf1) =	vunique.msk.u32 $0xffff, v3;
	_ =	sdelay $0xd  }
0x154: {  	_, v4, vm0 =	vpop (xrf1);
	_ =	sdelay $0x5  }
0x155: {  	[tilespmem:v3+s2+$0x0] =	vst.idx.add.s32.msk vm0, v4  }
0x156: {  	v3 =	vld [tilespmem:$0x8F0];
	_ =	sdelay $0x4  }
0x157: {  	(xrf1) =	vunique.msk.u32 $0xffff, v3;
	_ =	sdelay $0xd  }
0x158: {  	_, v4, vm0 =	vpop (xrf1);
	_ =	sdelay $0x5  }
0x159: {  	[tilespmem:v3+s2+$0x0] =	vst.idx.add.s32.msk vm0, v4  }
0x15a: {  	_ =	swait.ge [sflag:s7], $0x2000  }
0x15b: {  	[sflag:s7] =	ssyncset.done $0x0  }
0x15c: {  	p1 =	seq.s32 s26, $0x900;
	s8 =	simm.s32 $0x480;
	[sflag:s7] =	ssyncadd.s32 $0xFFFFE000  }
0x15d: {  	[tilespmem:s21], [sflag:$0x2] =	stream.indirect.gather [hbm4b:s12+s20], $0x40, s8, s20, $0xb8;
	[tilespmem:$0x1C840] =	vst v63  }
0x15e: {  	s6 =	sshrl.u32 @!p1 s0, $0x3;
	s8 =	rddreg [dreg:$0x1]  }
0x15f: {  	s8 =	sadd.s32 @!p1 s8, s6;
	s6 =	simm.s32 @!p1 $0x0  }
0x160: {  	[tilespmem:s6], [sflag:$0x9] =	stream.linear.gather @!p1 [hbm4b:s8+s6], $0x300, $0x38;
	[tilespmem:$0x1C840] =	vst v63  }
0x161: {  	s18 =	simm.s32 @!p1 $0x600;
	s8 =	sadd.s32 @!p1 s26, s22  }
0x162: {  	[tilespmem:s18], [sflag:$0x9] =	stream.linear.gather @!p1 [hbm4b:s8+s6], $0x300, $0x38;
	[tilespmem:$0x1C840] =	vst v63  }
0x163: {  	_ =	swait.ge [sflag:s9], $0x2000  }
0x164: {  	[sflag:s9] =	ssyncset.done $0x0  }
0x165: {  	[sflag:s9] =	ssyncadd.s32 $0xFFFFE000  }
0x166: {  	[spmem:s3] =	stream.indirect.scatter.add.bf16 [tilespmem:s10], [sflag:$0x7], $0x40, s30, s20, $0xb8;
	[tilespmem:$0x1C840] =	vst v63  }
0x167: {  	v3 =	vld [tilespmem:$0x900];
	_ =	sdelay $0x4  }
0x168: {  	(xrf1) =	vunique.msk.u32 $0xffff, v3;
	_ =	sdelay $0xd  }
0x169: {  	_, v4, vm0 =	vpop (xrf1);
	_ =	sdelay $0x5  }
0x16a: {  	[tilespmem:v3+s2+$0x0] =	vst.idx.add.s32.msk vm0, v4  }
0x16b: {  	v3 =	vld [tilespmem:$0x910];
	_ =	sdelay $0x4  }
0x16c: {  	(xrf1) =	vunique.msk.u32 $0xffff, v3;
	_ =	sdelay $0xd  }
0x16d: {  	_, v4, vm0 =	vpop (xrf1);
	_ =	sdelay $0x5  }
0x16e: {  	[tilespmem:v3+s2+$0x0] =	vst.idx.add.s32.msk vm0, v4  }
0x16f: {  	v3 =	vld [tilespmem:$0x920];
	_ =	sdelay $0x4  }
0x170: {  	(xrf1) =	vunique.msk.u32 $0xffff, v3;
	_ =	sdelay $0xd  }
0x171: {  	_, v4, vm0 =	vpop (xrf1);
	_ =	sdelay $0x5  }
0x172: {  	[tilespmem:v3+s2+$0x0] =	vst.idx.add.s32.msk vm0, v4  }
0x173: {  	v3 =	vld [tilespmem:$0x930];
	_ =	sdelay $0x4  }
0x174: {  	(xrf1) =	vunique.msk.u32 $0xffff, v3;
	_ =	sdelay $0xd  }
0x175: {  	_, v4, vm0 =	vpop (xrf1);
	_ =	sdelay $0x5  }
0x176: {  	[tilespmem:v3+s2+$0x0] =	vst.idx.add.s32.msk vm0, v4  }
0x177: {  	v3 =	vld [tilespmem:$0x940];
	_ =	sdelay $0x4  }
0x178: {  	(xrf1) =	vunique.msk.u32 $0xffff, v3;
	_ =	sdelay $0xd  }
0x179: {  	_, v4, vm0 =	vpop (xrf1);
	_ =	sdelay $0x5  }
0x17a: {  	[tilespmem:v3+s2+$0x0] =	vst.idx.add.s32.msk vm0, v4  }
0x17b: {  	v3 =	vld [tilespmem:$0x950];
	_ =	sdelay $0x4  }
0x17c: {  	(xrf1) =	vunique.msk.u32 $0xffff, v3;
	_ =	sdelay $0xd  }
0x17d: {  	_, v4, vm0 =	vpop (xrf1);
	_ =	sdelay $0x5  }
0x17e: {  	[tilespmem:v3+s2+$0x0] =	vst.idx.add.s32.msk vm0, v4  }
0x17f: {  	v3 =	vld [tilespmem:$0x960];
	_ =	sdelay $0x4  }
0x180: {  	(xrf1) =	vunique.msk.u32 $0xffff, v3;
	_ =	sdelay $0xd  }
0x181: {  	_, v4, vm0 =	vpop (xrf1);
	_ =	sdelay $0x5  }
0x182: {  	[tilespmem:v3+s2+$0x0] =	vst.idx.add.s32.msk vm0, v4  }
0x183: {  	v3 =	vld [tilespmem:$0x970];
	_ =	sdelay $0x4  }
0x184: {  	(xrf1) =	vunique.msk.u32 $0xffff, v3;
	_ =	sdelay $0xd  }
0x185: {  	_, v4, vm0 =	vpop (xrf1);
	_ =	sdelay $0x5  }
0x186: {  	[tilespmem:v3+s2+$0x0] =	vst.idx.add.s32.msk vm0, v4  }
0x187: {  	_ =	swait.ge [sflag:s14], $0x2000  }
0x188: {  	[sflag:s14] =	ssyncset.done $0x0  }
0x189: {  	s18 =	simm.s32 $0x500;
	[sflag:s14] =	ssyncadd.s32 $0xFFFFE000  }
0x18a: {  	[tilespmem:s10], [sflag:$0x3] =	stream.indirect.gather [hbm4b:s12+s20], $0x40, s18, s20, $0xb8;
	[tilespmem:$0x1C840] =	vst v63  }
0x18b: {  	_ =	swait.ge [sflag:s16], $0x2000  }
0x18c: {  	[sflag:s16] =	ssyncset.done $0x0  }
0x18d: {  	s18 =	simm.s32 $0x980;
	[sflag:s16] =	ssyncadd.s32 $0xFFFFE000  }
0x18e: {  	[spmem:s3] =	stream.indirect.scatter.add.bf16 [tilespmem:s28], [sflag:$0x8], $0x40, s18, s20, $0xb8;
	[tilespmem:$0x1C840] =	vst v63  }
0x18f: {  	v3 =	vld [tilespmem:$0x980];
	_ =	sdelay $0x4  }
0x190: {  	(xrf1) =	vunique.msk.u32 $0xffff, v3;
	_ =	sdelay $0xd  }
0x191: {  	_, v4, vm0 =	vpop (xrf1);
	_ =	sdelay $0x5  }
0x192: {  	[tilespmem:v3+s2+$0x0] =	vst.idx.add.s32.msk vm0, v4  }
0x193: {  	v3 =	vld [tilespmem:$0x990];
	_ =	sdelay $0x4  }
0x194: {  	(xrf1) =	vunique.msk.u32 $0xffff, v3;
	_ =	sdelay $0xd  }
0x195: {  	_, v4, vm0 =	vpop (xrf1);
	_ =	sdelay $0x5  }
0x196: {  	[tilespmem:v3+s2+$0x0] =	vst.idx.add.s32.msk vm0, v4  }
0x197: {  	v3 =	vld [tilespmem:$0x9A0];
	_ =	sdelay $0x4  }
0x198: {  	(xrf1) =	vunique.msk.u32 $0xffff, v3;
	_ =	sdelay $0xd  }
0x199: {  	_, v4, vm0 =	vpop (xrf1);
	_ =	sdelay $0x5  }
0x19a: {  	[tilespmem:v3+s2+$0x0] =	vst.idx.add.s32.msk vm0, v4  }
0x19b: {  	v3 =	vld [tilespmem:$0x9B0];
	_ =	sdelay $0x4  }
0x19c: {  	(xrf1) =	vunique.msk.u32 $0xffff, v3;
	_ =	sdelay $0xd  }
0x19d: {  	_, v4, vm0 =	vpop (xrf1);
	_ =	sdelay $0x5  }
0x19e: {  	[tilespmem:v3+s2+$0x0] =	vst.idx.add.s32.msk vm0, v4  }
0x19f: {  	v3 =	vld [tilespmem:$0x9C0];
	_ =	sdelay $0x4  }
0x1a0: {  	(xrf1) =	vunique.msk.u32 $0xffff, v3;
	_ =	sdelay $0xd  }
0x1a1: {  	_, v4, vm0 =	vpop (xrf1);
	_ =	sdelay $0x5  }
0x1a2: {  	[tilespmem:v3+s2+$0x0] =	vst.idx.add.s32.msk vm0, v4  }
0x1a3: {  	v3 =	vld [tilespmem:$0x9D0];
	_ =	sdelay $0x4  }
0x1a4: {  	(xrf1) =	vunique.msk.u32 $0xffff, v3;
	_ =	sdelay $0xd  }
0x1a5: {  	_, v4, vm0 =	vpop (xrf1);
	_ =	sdelay $0x5  }
0x1a6: {  	[tilespmem:v3+s2+$0x0] =	vst.idx.add.s32.msk vm0, v4  }
0x1a7: {  	v3 =	vld [tilespmem:$0x9E0];
	_ =	sdelay $0x4  }
0x1a8: {  	(xrf1) =	vunique.msk.u32 $0xffff, v3;
	_ =	sdelay $0xd  }
0x1a9: {  	_, v4, vm0 =	vpop (xrf1);
	_ =	sdelay $0x5  }
0x1aa: {  	[tilespmem:v3+s2+$0x0] =	vst.idx.add.s32.msk vm0, v4  }
0x1ab: {  	v3 =	vld [tilespmem:$0x9F0];
	_ =	sdelay $0x4  }
0x1ac: {  	(xrf1) =	vunique.msk.u32 $0xffff, v3;
	_ =	sdelay $0xd  }
0x1ad: {  	_, v4, vm0 =	vpop (xrf1);
	_ =	sdelay $0x5  }
0x1ae: {  	[tilespmem:v3+s2+$0x0] =	vst.idx.add.s32.msk vm0, v4  }
0x1af: {  	_ =	swait.ge [sflag:s1], $0x2000  }
0x1b0: {  	[sflag:s1] =	ssyncset.done $0x0  }
0x1b1: {  	s18 =	simm.s32 $0x580;
	[sflag:s1] =	ssyncadd.s32 $0xFFFFE000  }
0x1b2: {  	[tilespmem:s28], [sflag:$0x4] =	stream.indirect.gather [hbm4b:s12+s20], $0x40, s18, s20, $0xb8;
	[tilespmem:$0x1C840] =	vst v63  }
0x1b3: {  	_ =	swait.ge [sflag:s31], $0x2000  }
0x1b4: {  	[sflag:s31] =	ssyncset.done $0x0  }
0x1b5: {  	s18 =	simm.s32 $0xA00;
	[sflag:s31] =	ssyncadd.s32 $0xFFFFE000  }
0x1b6: {  	[spmem:s3] =	stream.indirect.scatter.add.bf16 [tilespmem:s15], [sflag:$0x5], $0x40, s18, s20, $0xb8;
	[tilespmem:$0x1C840] =	vst v63  }
0x1b7: {  	v3 =	vld [tilespmem:$0xA00];
	_ =	sdelay $0x4  }
0x1b8: {  	(xrf1) =	vunique.msk.u32 $0xffff, v3;
	_ =	sdelay $0xd  }
0x1b9: {  	_, v4, vm0 =	vpop (xrf1);
	_ =	sdelay $0x5  }
0x1ba: {  	[tilespmem:v3+s2+$0x0] =	vst.idx.add.s32.msk vm0, v4  }
0x1bb: {  	v3 =	vld [tilespmem:$0xA10];
	_ =	sdelay $0x4  }
0x1bc: {  	(xrf1) =	vunique.msk.u32 $0xffff, v3;
	_ =	sdelay $0xd  }
0x1bd: {  	_, v4, vm0 =	vpop (xrf1);
	_ =	sdelay $0x5  }
0x1be: {  	[tilespmem:v3+s2+$0x0] =	vst.idx.add.s32.msk vm0, v4  }
0x1bf: {  	v3 =	vld [tilespmem:$0xA20];
	_ =	sdelay $0x4  }
0x1c0: {  	(xrf1) =	vunique.msk.u32 $0xffff, v3;
	_ =	sdelay $0xd  }
0x1c1: {  	_, v4, vm0 =	vpop (xrf1);
	_ =	sdelay $0x5  }
0x1c2: {  	[tilespmem:v3+s2+$0x0] =	vst.idx.add.s32.msk vm0, v4  }
0x1c3: {  	v3 =	vld [tilespmem:$0xA30];
	_ =	sdelay $0x4  }
0x1c4: {  	(xrf1) =	vunique.msk.u32 $0xffff, v3;
	_ =	sdelay $0xd  }
0x1c5: {  	_, v4, vm0 =	vpop (xrf1);
	_ =	sdelay $0x5  }
0x1c6: {  	[tilespmem:v3+s2+$0x0] =	vst.idx.add.s32.msk vm0, v4  }
0x1c7: {  	v3 =	vld [tilespmem:$0xA40];
	_ =	sdelay $0x4  }
0x1c8: {  	(xrf1) =	vunique.msk.u32 $0xffff, v3;
	_ =	sdelay $0xd  }
0x1c9: {  	_, v4, vm0 =	vpop (xrf1);
	_ =	sdelay $0x5  }
0x1ca: {  	[tilespmem:v3+s2+$0x0] =	vst.idx.add.s32.msk vm0, v4  }
0x1cb: {  	v3 =	vld [tilespmem:$0xA50];
	_ =	sdelay $0x4  }
0x1cc: {  	(xrf1) =	vunique.msk.u32 $0xffff, v3;
	_ =	sdelay $0xd  }
0x1cd: {  	_, v4, vm0 =	vpop (xrf1);
	_ =	sdelay $0x5  }
0x1ce: {  	[tilespmem:v3+s2+$0x0] =	vst.idx.add.s32.msk vm0, v4  }
0x1cf: {  	v3 =	vld [tilespmem:$0xA60];
	_ =	sdelay $0x4  }
0x1d0: {  	(xrf1) =	vunique.msk.u32 $0xffff, v3;
	_ =	sdelay $0xd  }
0x1d1: {  	_, v4, vm0 =	vpop (xrf1);
	_ =	sdelay $0x5  }
0x1d2: {  	[tilespmem:v3+s2+$0x0] =	vst.idx.add.s32.msk vm0, v4  }
0x1d3: {  	v3 =	vld [tilespmem:$0xA70];
	_ =	sdelay $0x4  }
0x1d4: {  	(xrf1) =	vunique.msk.u32 $0xffff, v3;
	_ =	sdelay $0xd  }
0x1d5: {  	_, v4, vm0 =	vpop (xrf1);
	_ =	sdelay $0x5  }
0x1d6: {  	[tilespmem:v3+s2+$0x0] =	vst.idx.add.s32.msk vm0, v4  }
0x1d7: {  	_ =	swait.ge [sflag:s23], $0x2000  }
0x1d8: {  	[sflag:s23] =	ssyncset.done $0x0  }
0x1d9: {  	s8 =	simm.s32 @!p1 $0x9;
	[sflag:s23] =	ssyncadd.s32 $0xFFFFE000  }
0x1da: {  	_ =	swait.ge @!p1 [sflag:s8], $0x300  }
0x1db: {  	[sflag:s8] =	ssyncset.done @!p1 $0x0  }
0x1dc: {  	[sflag:s8] =	ssyncadd.s32 @!p1 $0xFFFFFD00  }
0x1dd: {  	_ =	swait.ge @!p1 [sflag:s8], $0x300  }
0x1de: {  	[sflag:s8] =	ssyncset.done @!p1 $0x0  }
0x1df: {  	s18 =	simm.s32 @!p1 $0xC00;
	[sflag:s8] =	ssyncadd.s32 @!p1 $0xFFFFFD00;
	s8 =	simm.s32 @!p1 $0x80  }
0x1e0: {  	[tilespmem:s18], [sflag:$0x1] =	stream.indirect.gather @!p1 [hbm4b:s12+s8], $0x40, s6, s8, $0xb8;
	[tilespmem:$0x1C840] =	vst v63  }
0x1e1: {  	_ =	swait.ge [sflag:s13], $0x2000  }
0x1e2: {  	[sflag:s13] =	ssyncset.done $0x0  }
0x1e3: {  	s18 =	simm.s32 $0xA80;
	[sflag:s13] =	ssyncadd.s32 $0xFFFFE000  }
0x1e4: {  	[spmem:s3] =	stream.indirect.scatter.add.bf16 [tilespmem:s21], [sflag:$0x6], $0x40, s18, s20, $0xb8;
	[tilespmem:$0x1C840] =	vst v63  }
0x1e5: {  	v3 =	vld [tilespmem:$0xA80];
	_ =	sdelay $0x4  }
0x1e6: {  	(xrf1) =	vunique.msk.u32 $0xffff, v3;
	_ =	sdelay $0xd  }
0x1e7: {  	_, v4, vm0 =	vpop (xrf1);
	_ =	sdelay $0x5  }
0x1e8: {  	[tilespmem:v3+s2+$0x0] =	vst.idx.add.s32.msk vm0, v4  }
0x1e9: {  	v3 =	vld [tilespmem:$0xA90];
	_ =	sdelay $0x4  }
0x1ea: {  	(xrf1) =	vunique.msk.u32 $0xffff, v3;
	_ =	sdelay $0xd  }
0x1eb: {  	_, v4, vm0 =	vpop (xrf1);
	_ =	sdelay $0x5  }
0x1ec: {  	[tilespmem:v3+s2+$0x0] =	vst.idx.add.s32.msk vm0, v4  }
0x1ed: {  	v3 =	vld [tilespmem:$0xAA0];
	_ =	sdelay $0x4  }
0x1ee: {  	(xrf1) =	vunique.msk.u32 $0xffff, v3;
	_ =	sdelay $0xd  }
0x1ef: {  	_, v4, vm0 =	vpop (xrf1);
	_ =	sdelay $0x5  }
0x1f0: {  	[tilespmem:v3+s2+$0x0] =	vst.idx.add.s32.msk vm0, v4  }
0x1f1: {  	v3 =	vld [tilespmem:$0xAB0];
	_ =	sdelay $0x4  }
0x1f2: {  	(xrf1) =	vunique.msk.u32 $0xffff, v3;
	_ =	sdelay $0xd  }
0x1f3: {  	_, v4, vm0 =	vpop (xrf1);
	_ =	sdelay $0x5  }
0x1f4: {  	[tilespmem:v3+s2+$0x0] =	vst.idx.add.s32.msk vm0, v4  }
0x1f5: {  	v3 =	vld [tilespmem:$0xAC0];
	_ =	sdelay $0x4  }
0x1f6: {  	(xrf1) =	vunique.msk.u32 $0xffff, v3;
	_ =	sdelay $0xd  }
0x1f7: {  	_, v4, vm0 =	vpop (xrf1);
	_ =	sdelay $0x5  }
0x1f8: {  	[tilespmem:v3+s2+$0x0] =	vst.idx.add.s32.msk vm0, v4  }
0x1f9: {  	v3 =	vld [tilespmem:$0xAD0];
	_ =	sdelay $0x4  }
0x1fa: {  	(xrf1) =	vunique.msk.u32 $0xffff, v3;
	_ =	sdelay $0xd  }
0x1fb: {  	_, v4, vm0 =	vpop (xrf1);
	_ =	sdelay $0x5  }
0x1fc: {  	[tilespmem:v3+s2+$0x0] =	vst.idx.add.s32.msk vm0, v4  }
0x1fd: {  	v3 =	vld [tilespmem:$0xAE0];
	_ =	sdelay $0x4  }
0x1fe: {  	(xrf1) =	vunique.msk.u32 $0xffff, v3;
	_ =	sdelay $0xd  }
0x1ff: {  	_, v4, vm0 =	vpop (xrf1);
	_ =	sdelay $0x5  }
0x200: {  	[tilespmem:v3+s2+$0x0] =	vst.idx.add.s32.msk vm0, v4  }
0x201: {  	v3 =	vld [tilespmem:$0xAF0];
	_ =	sdelay $0x4  }
0x202: {  	(xrf1) =	vunique.msk.u32 $0xffff, v3;
	_ =	sdelay $0xd  }
0x203: {  	_, v4, vm0 =	vpop (xrf1);
	_ =	sdelay $0x5  }
0x204: {  	[tilespmem:v3+s2+$0x0] =	vst.idx.add.s32.msk vm0, v4  }
0x205: {  	_ =	swait.ge [sflag:s7], $0x2000  }
0x206: {  	[sflag:s7] =	ssyncset.done $0x0  }
0x207: {  	s6 =	simm.s32 @!p1 $0x2C00;
	[sflag:s7] =	ssyncadd.s32 $0xFFFFE000  }
0x208: {  	[tilespmem:s6], [sflag:$0x2] =	stream.indirect.gather @!p1 [hbm4b:s12+s8], $0x40, s8, s8, $0xb8;
	[tilespmem:$0x1C840] =	vst v63  }
0x209: {  	_ =	swait.ge [sflag:s9], $0x2000  }
0x20a: {  	[sflag:s9] =	ssyncset.done $0x0  }
0x20b: {  	s18 =	simm.s32 $0xB00;
	[sflag:s9] =	ssyncadd.s32 $0xFFFFE000  }
0x20c: {  	[spmem:s3] =	stream.indirect.scatter.add.bf16 [tilespmem:s10], [sflag:$0x7], $0x40, s18, s20, $0xb8;
	[tilespmem:$0x1C840] =	vst v63  }
0x20d: {  	v3 =	vld [tilespmem:$0xB00];
	_ =	sdelay $0x4  }
0x20e: {  	(xrf1) =	vunique.msk.u32 $0xffff, v3;
	_ =	sdelay $0xd  }
0x20f: {  	_, v4, vm0 =	vpop (xrf1);
	_ =	sdelay $0x5  }
0x210: {  	[tilespmem:v3+s2+$0x0] =	vst.idx.add.s32.msk vm0, v4  }
0x211: {  	v3 =	vld [tilespmem:$0xB10];
	_ =	sdelay $0x4  }
0x212: {  	(xrf1) =	vunique.msk.u32 $0xffff, v3;
	_ =	sdelay $0xd  }
0x213: {  	_, v4, vm0 =	vpop (xrf1);
	_ =	sdelay $0x5  }
0x214: {  	[tilespmem:v3+s2+$0x0] =	vst.idx.add.s32.msk vm0, v4  }
0x215: {  	v3 =	vld [tilespmem:$0xB20];
	_ =	sdelay $0x4  }
0x216: {  	(xrf1) =	vunique.msk.u32 $0xffff, v3;
	_ =	sdelay $0xd  }
0x217: {  	_, v4, vm0 =	vpop (xrf1);
	_ =	sdelay $0x5  }
0x218: {  	[tilespmem:v3+s2+$0x0] =	vst.idx.add.s32.msk vm0, v4  }
0x219: {  	v3 =	vld [tilespmem:$0xB30];
	_ =	sdelay $0x4  }
0x21a: {  	(xrf1) =	vunique.msk.u32 $0xffff, v3;
	_ =	sdelay $0xd  }
0x21b: {  	_, v4, vm0 =	vpop (xrf1);
	_ =	sdelay $0x5  }
0x21c: {  	[tilespmem:v3+s2+$0x0] =	vst.idx.add.s32.msk vm0, v4  }
0x21d: {  	v3 =	vld [tilespmem:$0xB40];
	_ =	sdelay $0x4  }
0x21e: {  	(xrf1) =	vunique.msk.u32 $0xffff, v3;
	_ =	sdelay $0xd  }
0x21f: {  	_, v4, vm0 =	vpop (xrf1);
	_ =	sdelay $0x5  }
0x220: {  	[tilespmem:v3+s2+$0x0] =	vst.idx.add.s32.msk vm0, v4  }
0x221: {  	v3 =	vld [tilespmem:$0xB50];
	_ =	sdelay $0x4  }
0x222: {  	(xrf1) =	vunique.msk.u32 $0xffff, v3;
	_ =	sdelay $0xd  }
0x223: {  	_, v4, vm0 =	vpop (xrf1);
	_ =	sdelay $0x5  }
0x224: {  	[tilespmem:v3+s2+$0x0] =	vst.idx.add.s32.msk vm0, v4  }
0x225: {  	v3 =	vld [tilespmem:$0xB60];
	_ =	sdelay $0x4  }
0x226: {  	(xrf1) =	vunique.msk.u32 $0xffff, v3;
	_ =	sdelay $0xd  }
0x227: {  	_, v4, vm0 =	vpop (xrf1);
	_ =	sdelay $0x5  }
0x228: {  	[tilespmem:v3+s2+$0x0] =	vst.idx.add.s32.msk vm0, v4  }
0x229: {  	v3 =	vld [tilespmem:$0xB70];
	_ =	sdelay $0x4  }
0x22a: {  	(xrf1) =	vunique.msk.u32 $0xffff, v3;
	_ =	sdelay $0xd  }
0x22b: {  	_, v4, vm0 =	vpop (xrf1);
	_ =	sdelay $0x5  }
0x22c: {  	[tilespmem:v3+s2+$0x0] =	vst.idx.add.s32.msk vm0, v4  }
0x22d: {  	_ =	swait.ge [sflag:s14], $0x2000  }
0x22e: {  	[sflag:s14] =	ssyncset.done $0x0  }
0x22f: {  	s6 =	simm.s32 @!p1 $0x100;
	s18 =	simm.s32 @!p1 $0x4C00;
	[sflag:s14] =	ssyncadd.s32 $0xFFFFE000  }
0x230: {  	[tilespmem:s18], [sflag:$0x3] =	stream.indirect.gather @!p1 [hbm4b:s12+s8], $0x40, s6, s8, $0xb8;
	[tilespmem:$0x1C840] =	vst v63  }
0x231: {  	_ =	swait.ge [sflag:s16], $0x2000  }
0x232: {  	[sflag:s16] =	ssyncset.done $0x0  }
0x233: {  	[sflag:s16] =	ssyncadd.s32 $0xFFFFE000  }
0x234: {  	[spmem:s3] =	stream.indirect.scatter.add.bf16 [tilespmem:s28], [sflag:$0x8], $0x40, s11, s20, $0xb8;
	[tilespmem:$0x1C840] =	vst v63  }
0x235: {  	v3 =	vld [tilespmem:$0xB80];
	_ =	sdelay $0x4  }
0x236: {  	(xrf1) =	vunique.msk.u32 $0xffff, v3;
	_ =	sdelay $0xd  }
0x237: {  	_, v4, vm0 =	vpop (xrf1);
	_ =	sdelay $0x5  }
0x238: {  	[tilespmem:v3+s2+$0x0] =	vst.idx.add.s32.msk vm0, v4  }
0x239: {  	v3 =	vld [tilespmem:$0xB90];
	_ =	sdelay $0x4  }
0x23a: {  	(xrf1) =	vunique.msk.u32 $0xffff, v3;
	_ =	sdelay $0xd  }
0x23b: {  	_, v4, vm0 =	vpop (xrf1);
	_ =	sdelay $0x5  }
0x23c: {  	[tilespmem:v3+s2+$0x0] =	vst.idx.add.s32.msk vm0, v4  }
0x23d: {  	v3 =	vld [tilespmem:$0xBA0];
	_ =	sdelay $0x4  }
0x23e: {  	(xrf1) =	vunique.msk.u32 $0xffff, v3;
	_ =	sdelay $0xd  }
0x23f: {  	_, v4, vm0 =	vpop (xrf1);
	_ =	sdelay $0x5  }
0x240: {  	[tilespmem:v3+s2+$0x0] =	vst.idx.add.s32.msk vm0, v4  }
0x241: {  	v3 =	vld [tilespmem:$0xBB0];
	_ =	sdelay $0x4  }
0x242: {  	(xrf1) =	vunique.msk.u32 $0xffff, v3;
	_ =	sdelay $0xd  }
0x243: {  	_, v4, vm0 =	vpop (xrf1);
	_ =	sdelay $0x5  }
0x244: {  	[tilespmem:v3+s2+$0x0] =	vst.idx.add.s32.msk vm0, v4  }
0x245: {  	v3 =	vld [tilespmem:$0xBC0];
	_ =	sdelay $0x4  }
0x246: {  	(xrf1) =	vunique.msk.u32 $0xffff, v3;
	_ =	sdelay $0xd  }
0x247: {  	_, v4, vm0 =	vpop (xrf1);
	_ =	sdelay $0x5  }
0x248: {  	[tilespmem:v3+s2+$0x0] =	vst.idx.add.s32.msk vm0, v4  }
0x249: {  	v3 =	vld [tilespmem:$0xBD0];
	_ =	sdelay $0x4  }
0x24a: {  	(xrf1) =	vunique.msk.u32 $0xffff, v3;
	_ =	sdelay $0xd  }
0x24b: {  	_, v4, vm0 =	vpop (xrf1);
	_ =	sdelay $0x5  }
0x24c: {  	[tilespmem:v3+s2+$0x0] =	vst.idx.add.s32.msk vm0, v4  }
0x24d: {  	v3 =	vld [tilespmem:$0xBE0];
	_ =	sdelay $0x4  }
0x24e: {  	(xrf1) =	vunique.msk.u32 $0xffff, v3;
	_ =	sdelay $0xd  }
0x24f: {  	_, v4, vm0 =	vpop (xrf1);
	_ =	sdelay $0x5  }
0x250: {  	[tilespmem:v3+s2+$0x0] =	vst.idx.add.s32.msk vm0, v4  }
0x251: {  	v3 =	vld [tilespmem:$0xBF0];
	_ =	sdelay $0x4  }
0x252: {  	(xrf1) =	vunique.msk.u32 $0xffff, v3;
	_ =	sdelay $0xd  }
0x253: {  	_, v4, vm0 =	vpop (xrf1);
	_ =	sdelay $0x4  }
.Ltmp2:
0x254: {  	_ = 	snop;
	(pc) =	sbr.rel @p1 .LBB2_8-.Ltmp2, $4  }
0x255: {  	[tilespmem:v3+s2+$0x0] =	vst.idx.add.s32.msk vm0, v4  }
0x256: {  	_ =	swait.ge [sflag:s1], $0x2000  }
0x257: {  	[sflag:s1] =	ssyncset.done $0x0  }
0x258: {  	[sflag:s1] =	ssyncadd.s32 $0xFFFFE000  }
.Ltmp3:
0x259: {  	(pc) =	sbr.rel .LBB2_6-.Ltmp3, $3  }
0x25a: {  	_ =	sdelay $0x1  }
0x25b: {  	s6 =	simm.s32 $0x180;
	s26 =	sadd.s32 $0xC0, s26;
	s0 =	sadd.s32 $0x600, s0  }
0x25c: {  	[tilespmem:s28], [sflag:$0x4] =	stream.indirect.gather [hbm4b:s12+s20], $0x40, s6, s20, $0xb8;
	[tilespmem:$0x1C840] =	vst v63  }
.LBB2_8:
0x25d: {  	s0 =	simm.s32 @!p0 $0x0;
	s6 =	rddreg [dreg:$0xd]  }
0x25e: {  	[tilespmem:s0], [sflag:$0xA] =	stream.linear.gather @!p0 [hbm4b:s6+s0], $0x80, $0x38;
	[tilespmem:$0x1C840] =	vst v63  }
0x25f: {  	s6 =	simm.s32 @!p0 $0xA  }
0x260: {  	_ =	swait.ge @!p0 [sflag:s6], $0x80  }
0x261: {  	[sflag:s6] =	ssyncset.done @!p0 $0x0  }
0x262: {  	s8 =	simm.s32 @!p0 $0x600;
	s18 =	rddreg [dreg:$0xe];
	[sflag:s6] =	ssyncadd.s32 @!p0 $0xFFFFFF80  }
0x263: {  	[tilespmem:s8], [sflag:$0xA] =	stream.linear.gather @!p0 [hbm4b:s18+s0], $0x80, $0x38;
	[tilespmem:$0x1C840] =	vst v63  }
0x264: {  	_ =	swait.ge @!p0 [sflag:s6], $0x80  }
0x265: {  	[sflag:s6] =	ssyncset.done @!p0 $0x0  }
0x266: {  	s26 =	simm.s32 @!p0 $0xC00;
	s18 =	simm.s32 @!p0 $0x80;
	[sflag:s6] =	ssyncadd.s32 @!p0 $0xFFFFFF80  }
0x267: {  	[tilespmem:s26], [sflag:$0x1] =	stream.indirect.gather @!p0 [hbm4b:s12+s18], $0x40, s0, s18, $0xb8;
	[tilespmem:$0x1C840] =	vst v63  }
0x268: {  	s0 =	simm.s32 @!p0 $0x1  }
0x269: {  	_ =	swait.ge @!p0 [sflag:s0], $0x2000  }
0x26a: {  	[sflag:s0] =	ssyncset.done @!p0 $0x0  }
0x26b: {  	[sflag:s0] =	ssyncadd.s32 @!p0 $0xFFFFE000  }
0x26c: {  	[spmem:s3] =	stream.indirect.scatter.add.bf16 @!p0 [tilespmem:s26], [sflag:$0xA], $0x40, s8, s18, $0xb8;
	[tilespmem:$0x1C840] =	vst v63  }
0x26d: {  	_ =	swait.ge @!p0 [sflag:s6], $0x2000  }
0x26e: {  	[sflag:s6] =	ssyncset.done @!p0 $0x0  }
0x26f: {  	[sflag:s6] =	ssyncadd.s32 @!p0 $0xFFFFE000  }
0x270: {  	v3 =	vld @!p0 [tilespmem:$0x600];
	_ =	sdelay $0x4  }
0x271: {  	(xrf1) =	vunique.msk.u32 @!p0 $0xffff, v3;
	_ =	sdelay $0xd  }
0x272: {  	_, v4, vm0 =	vpop @!p0 (xrf1);
	_ =	sdelay $0x4  }
0x273: {  	s0 =	simm.s32 @!p0 $0x8C00  }
0x274: {  	[tilespmem:v3+s0+$0x0] =	vst.idx.add.s32.msk @!p0 vm0, v4  }
0x275: {  	v3 =	vld @!p0 [tilespmem:$0x610];
	_ =	sdelay $0x4  }
0x276: {  	(xrf1) =	vunique.msk.u32 @!p0 $0xffff, v3;
	_ =	sdelay $0xd  }
0x277: {  	_, v4, vm0 =	vpop @!p0 (xrf1);
	_ =	sdelay $0x5  }
0x278: {  	[tilespmem:v3+s0+$0x0] =	vst.idx.add.s32.msk @!p0 vm0, v4  }
0x279: {  	v3 =	vld @!p0 [tilespmem:$0x620];
	_ =	sdelay $0x4  }
0x27a: {  	(xrf1) =	vunique.msk.u32 @!p0 $0xffff, v3;
	_ =	sdelay $0xd  }
0x27b: {  	_, v4, vm0 =	vpop @!p0 (xrf1);
	_ =	sdelay $0x5  }
0x27c: {  	[tilespmem:v3+s0+$0x0] =	vst.idx.add.s32.msk @!p0 vm0, v4  }
0x27d: {  	v3 =	vld @!p0 [tilespmem:$0x630];
	_ =	sdelay $0x4  }
0x27e: {  	(xrf1) =	vunique.msk.u32 @!p0 $0xffff, v3;
	_ =	sdelay $0xd  }
0x27f: {  	_, v4, vm0 =	vpop @!p0 (xrf1);
	_ =	sdelay $0x5  }
0x280: {  	[tilespmem:v3+s0+$0x0] =	vst.idx.add.s32.msk @!p0 vm0, v4  }
0x281: {  	v3 =	vld @!p0 [tilespmem:$0x640];
	_ =	sdelay $0x4  }
0x282: {  	(xrf1) =	vunique.msk.u32 @!p0 $0xffff, v3;
	_ =	sdelay $0xd  }
0x283: {  	_, v4, vm0 =	vpop @!p0 (xrf1);
	_ =	sdelay $0x5  }
0x284: {  	[tilespmem:v3+s0+$0x0] =	vst.idx.add.s32.msk @!p0 vm0, v4  }
0x285: {  	v3 =	vld @!p0 [tilespmem:$0x650];
	_ =	sdelay $0x4  }
0x286: {  	(xrf1) =	vunique.msk.u32 @!p0 $0xffff, v3;
	_ =	sdelay $0xd  }
0x287: {  	_, v4, vm0 =	vpop @!p0 (xrf1);
	_ =	sdelay $0x5  }
0x288: {  	[tilespmem:v3+s0+$0x0] =	vst.idx.add.s32.msk @!p0 vm0, v4  }
0x289: {  	v3 =	vld @!p0 [tilespmem:$0x660];
	_ =	sdelay $0x4  }
0x28a: {  	(xrf1) =	vunique.msk.u32 @!p0 $0xffff, v3;
	_ =	sdelay $0xd  }
0x28b: {  	_, v4, vm0 =	vpop @!p0 (xrf1);
	_ =	sdelay $0x5  }
0x28c: {  	[tilespmem:v3+s0+$0x0] =	vst.idx.add.s32.msk @!p0 vm0, v4  }
0x28d: {  	v3 =	vld @!p0 [tilespmem:$0x670];
	_ =	sdelay $0x4  }
0x28e: {  	(xrf1) =	vunique.msk.u32 @!p0 $0xffff, v3;
	_ =	sdelay $0xd  }
0x28f: {  	_, v4, vm0 =	vpop @!p0 (xrf1);
	_ =	sdelay $0x5  }
0x290: {  	s26 =	rddreg [dreg:$0xf];
	[tilespmem:v3+s0+$0x0] =	vst.idx.add.s32.msk @!p0 vm0, v4  }
0x291: {  	[spmem:s26] =	stream.linear.scatter [tilespmem:s2], [sflag:$0xA], $0x2800, $0x38;
	[tilespmem:$0x1C840] =	vst v63  }
0x292: {  	_ =	swait.ge [sflag:s17], $0x2800  }
0x293: {  	[sflag:s17] =	ssyncset.done $0x0  }
0x294: {  	[sflag:s17] =	ssyncadd.s32 $0xFFFFD800  }
0x295: {  	[bflag:$0x0] =	sbarrier.arrive $0xFFFF  }
0x296: {  	s8 =	simm.s32 $0xB400;
	s6 =	rddreg [dreg:$0x10]  }
0x297: {  	[tilespmem:s8], [sflag:$0xA] =	stream.linear.gather [spmem:s6], $0x280, $0x38;
	[tilespmem:$0x1C840] =	vst v63  }
0x298: {  	_ =	swait.ge [sflag:s17], $0x280  }
0x299: {  	[sflag:s17] =	ssyncset.done $0x0  }
0x29a: {  	s26 =	simm.s32 $0xB680;
	s18 =	rddreg [dreg:$0x11];
	[sflag:s17] =	ssyncadd.s32 $0xFFFFFD80  }
0x29b: {  	[tilespmem:s26], [sflag:$0xA] =	stream.linear.gather [spmem:s18], $0x280, $0x38;
	[tilespmem:$0x1C840] =	vst v63  }
0x29c: {  	_ =	swait.ge [sflag:s17], $0x280  }
0x29d: {  	[sflag:s17] =	ssyncset.done $0x0  }
0x29e: {  	s8 =	simm.s32 $0xB900;
	s6 =	rddreg [dreg:$0x12];
	[sflag:s17] =	ssyncadd.s32 $0xFFFFFD80  }
0x29f: {  	[tilespmem:s8], [sflag:$0xA] =	stream.linear.gather [spmem:s6], $0x280, $0x38;
	[tilespmem:$0x1C840] =	vst v63  }
0x2a0: {  	_ =	swait.ge [sflag:s17], $0x280  }
0x2a1: {  	[sflag:s17] =	ssyncset.done $0x0  }
0x2a2: {  	s26 =	simm.s32 $0xBB80;
	s18 =	rddreg [dreg:$0x17];
	[sflag:s17] =	ssyncadd.s32 $0xFFFFFD80  }
0x2a3: {  	[tilespmem:s26], [sflag:$0xA] =	stream.linear.gather [spmem:s18], $0x280, $0x38;
	[tilespmem:$0x1C840] =	vst v63  }
0x2a4: {  	_ =	swait.ge [sflag:s17], $0x280  }
0x2a5: {  	[sflag:s17] =	ssyncset.done $0x0  }
0x2a6: {  	s8 =	simm.s32 $0xBE00;
	s6 =	rddreg [dreg:$0x18];
	[sflag:s17] =	ssyncadd.s32 $0xFFFFFD80  }
0x2a7: {  	[tilespmem:s8], [sflag:$0xA] =	stream.linear.gather [spmem:s6], $0x280, $0x38;
	[tilespmem:$0x1C840] =	vst v63  }
0x2a8: {  	_ =	swait.ge [sflag:s17], $0x280  }
0x2a9: {  	[sflag:s17] =	ssyncset.done $0x0  }
0x2aa: {  	s26 =	simm.s32 $0xC080;
	s18 =	rddreg [dreg:$0x19];
	[sflag:s17] =	ssyncadd.s32 $0xFFFFFD80  }
0x2ab: {  	[tilespmem:s26], [sflag:$0xA] =	stream.linear.gather [spmem:s18], $0x280, $0x38;
	[tilespmem:$0x1C840] =	vst v63  }
0x2ac: {  	_ =	swait.ge [sflag:s17], $0x280  }
0x2ad: {  	[sflag:s17] =	ssyncset.done $0x0  }
0x2ae: {  	s8 =	simm.s32 $0xC300;
	s6 =	rddreg [dreg:$0x1a];
	[sflag:s17] =	ssyncadd.s32 $0xFFFFFD80  }
0x2af: {  	[tilespmem:s8], [sflag:$0xA] =	stream.linear.gather [spmem:s6], $0x280, $0x38;
	[tilespmem:$0x1C840] =	vst v63  }
0x2b0: {  	_ =	swait.ge [sflag:s17], $0x280  }
0x2b1: {  	[sflag:s17] =	ssyncset.done $0x0  }
0x2b2: {  	s26 =	simm.s32 $0xC580;
	s18 =	rddreg [dreg:$0x1b];
	[sflag:s17] =	ssyncadd.s32 $0xFFFFFD80  }
0x2b3: {  	[tilespmem:s26], [sflag:$0xA] =	stream.linear.gather [spmem:s18], $0x280, $0x38;
	[tilespmem:$0x1C840] =	vst v63  }
0x2b4: {  	_ =	swait.ge [sflag:s17], $0x280  }
0x2b5: {  	[sflag:s17] =	ssyncset.done $0x0  }
0x2b6: {  	s0 =	simm.s32 $0xC800;
	s8 =	rddreg [dreg:$0x1c];
	[sflag:s17] =	ssyncadd.s32 $0xFFFFFD80  }
0x2b7: {  	[tilespmem:s0], [sflag:$0xA] =	stream.linear.gather [spmem:s8], $0x280, $0x38;
	[tilespmem:$0x1C840] =	vst v63  }
0x2b8: {  	_ =	swait.ge [sflag:s17], $0x280  }
0x2b9: {  	[sflag:s17] =	ssyncset.done $0x0  }
0x2ba: {  	s26 =	simm.s32 $0xCA80;
	s18 =	rddreg [dreg:$0x1d];
	[sflag:s17] =	ssyncadd.s32 $0xFFFFFD80  }
0x2bb: {  	[tilespmem:s26], [sflag:$0xA] =	stream.linear.gather [spmem:s18], $0x280, $0x38;
	[tilespmem:$0x1C840] =	vst v63  }
0x2bc: {  	_ =	swait.ge [sflag:s17], $0x280  }
0x2bd: {  	[sflag:s17] =	ssyncset.done $0x0  }
0x2be: {  	s26 =	simm.s32 $0xCD00;
	s18 =	rddreg [dreg:$0x1e];
	[sflag:s17] =	ssyncadd.s32 $0xFFFFFD80  }
0x2bf: {  	[tilespmem:s26], [sflag:$0xA] =	stream.linear.gather [spmem:s18], $0x280, $0x38;
	[tilespmem:$0x1C840] =	vst v63  }
0x2c0: {  	_ =	swait.ge [sflag:s17], $0x280  }
0x2c1: {  	[sflag:s17] =	ssyncset.done $0x0  }
0x2c2: {  	s26 =	simm.s32 $0xCF80;
	s18 =	rddreg [dreg:$0x1f];
	[sflag:s17] =	ssyncadd.s32 $0xFFFFFD80  }
0x2c3: {  	[tilespmem:s26], [sflag:$0xA] =	stream.linear.gather [spmem:s18], $0x280, $0x38;
	[tilespmem:$0x1C840] =	vst v63  }
0x2c4: {  	_ =	swait.ge [sflag:s17], $0x280  }
0x2c5: {  	s18 =	sld [smem:$0x7FA]  }
0x2c6: {  	[sflag:s17] =	ssyncset.done $0x0  }
0x2c7: {  	s26 =	simm.s32 $0xD200;
	[sflag:s17] =	ssyncadd.s32 $0xFFFFFD80  }
0x2c8: {  	[tilespmem:s26], [sflag:$0xA] =	stream.linear.gather [spmem:s18], $0x280, $0x38;
	[tilespmem:$0x1C840] =	vst v63  }
0x2c9: {  	_ =	swait.ge [sflag:s17], $0x280  }
0x2ca: {  	s18 =	sld [smem:$0x7FB]  }
0x2cb: {  	[sflag:s17] =	ssyncset.done $0x0  }
0x2cc: {  	s26 =	simm.s32 $0xD480;
	[sflag:s17] =	ssyncadd.s32 $0xFFFFFD80  }
0x2cd: {  	[tilespmem:s26], [sflag:$0xA] =	stream.linear.gather [spmem:s18], $0x280, $0x38;
	[tilespmem:$0x1C840] =	vst v63  }
0x2ce: {  	_ =	swait.ge [sflag:s17], $0x280  }
0x2cf: {  	s18 =	sld [smem:$0x7FC]  }
0x2d0: {  	[sflag:s17] =	ssyncset.done $0x0  }
0x2d1: {  	s26 =	simm.s32 $0xD700;
	[sflag:s17] =	ssyncadd.s32 $0xFFFFFD80  }
0x2d2: {  	[tilespmem:s26], [sflag:$0xA] =	stream.linear.gather [spmem:s18], $0x280, $0x38;
	[tilespmem:$0x1C840] =	vst v63  }
0x2d3: {  	_ =	swait.ge [sflag:s17], $0x280  }
0x2d4: {  	s18 =	sld [smem:$0x7FD]  }
0x2d5: {  	[sflag:s17] =	ssyncset.done $0x0  }
0x2d6: {  	s26 =	simm.s32 $0xD980;
	[sflag:s17] =	ssyncadd.s32 $0xFFFFFD80  }
0x2d7: {  	[tilespmem:s26], [sflag:$0xA] =	stream.linear.gather [spmem:s18], $0x280, $0x38;
	[tilespmem:$0x1C840] =	vst v63  }
0x2d8: {  	_ =	swait.ge [sflag:s17], $0x280  }
0x2d9: {  	[sflag:s17] =	ssyncset.done $0x0  }
0x2da: {  	[sflag:s17] =	ssyncadd.s32 $0xFFFFFD80  }
0x2db: {  	v3 =	vld [tilespmem:s0+$0xFFFFEE80]  }
0x2dc: {  	s6 =	simm.s32 $0x0;
	s8 =	simm.s32 $0x10;
	v4 =	vld [tilespmem:s0+$0xFFFFEC00]  }
.LBB2_9:
0x2dd: {  	p1 =	sne.s32 s8, $0x270;
	v5 =	vld [tilespmem:s0+$0xFFFFF100]  }
0x2de: {  	v6 =	vld [tilespmem:s0+$0xFFFFF380]  }
0x2df: {  	v7 =	vld [tilespmem:s0+$0xFFFFF600]  }
0x2e0: {  	v8 =	vld [tilespmem:s0+$0xFFFFF880]  }
0x2e1: {  	v3 =	vadd.s32 v4, v3;
	v4 =	vld [tilespmem:s0+$0xFFFFFB00]  }
0x2e2: {  	v3 =	vadd.s32 v5, v3;
	v5 =	vld [tilespmem:s0+$0xFFFFFD80]  }
0x2e3: {  	v3 =	vadd.s32 v6, v3;
	v6 =	vld [tilespmem:s0+$0x0]  }
0x2e4: {  	v3 =	vadd.s32 v7, v3;
	v7 =	vld [tilespmem:s0+$0x280]  }
0x2e5: {  	v3 =	vadd.s32 v8, v3;
	v8 =	vld [tilespmem:s0+$0x500]  }
0x2e6: {  	v3 =	vadd.s32 v4, v3;
	v4 =	vld [tilespmem:s0+$0x780]  }
0x2e7: {  	v3 =	vadd.s32 v5, v3;
	v5 =	vld [tilespmem:s0+$0xA00]  }
0x2e8: {  	v3 =	vadd.s32 v6, v3;
	v6 =	vld [tilespmem:s0+$0xC80]  }
0x2e9: {  	v9 =	vmov s6;
	s6 =	smov.u32 s8;
	v3 =	vadd.s32 v7, v3;
	v7 =	vld [tilespmem:s0+$0xF00]  }
0x2ea: {  	v9 =	vshll.u32 v9, $0x4;
	v3 =	vadd.s32 v8, v3;
	v8 =	vld [tilespmem:s0+$0x1180]  }
0x2eb: {  	v3 =	vadd.s32 v4, v3;
	v4 =	vor.u32 v2, v9  }
0x2ec: {  	v3 =	vadd.s32 v5, v3  }
0x2ed: {  	v3 =	vadd.s32 v6, v3  }
.Ltmp4:
0x2ee: {  	v3 =	vadd.s32 v7, v3;
	(pc) =	sbr.rel @p1 .LBB2_9-.Ltmp4, $4  }
0x2ef: {  	v3 =	vadd.s32 v8, v3  }
0x2f0: {  	s0 =	sadd.s32 $0x10, s0;
	[tilespmem:v4+s5+$0x0] =	vst.idx.msk $0xffff, v3  }
0x2f1: {  	v3 =	vld [tilespmem:s0+$0xFFFFEE80]  }
0x2f2: {  	s8 =	sadd.s32 $0x10, s8;
	v4 =	vld [tilespmem:s0+$0xFFFFEC00]  }
0x2f3: {  	v5 =	vld [tilespmem:s0+$0xFFFFF100]  }
0x2f4: {  	v6 =	vld [tilespmem:s0+$0xFFFFF380]  }
0x2f5: {  	v7 =	vld [tilespmem:s0+$0xFFFFF600]  }
0x2f6: {  	v8 =	vld [tilespmem:s0+$0xFFFFF880]  }
0x2f7: {  	v53 =	vld [tilespmem:s0+$0xFFFFFB00];
	v3 =	vadd.s32 v4, v3  }
0x2f8: {  	v54 =	vld [tilespmem:s0+$0xFFFFFD80];
	v3 =	vadd.s32 v5, v3  }
0x2f9: {  	v55 =	vld [tilespmem:s0+$0x0];
	v3 =	vadd.s32 v6, v3  }
0x2fa: {  	v56 =	vld [tilespmem:s0+$0x280];
	v3 =	vadd.s32 v7, v3  }
0x2fb: {  	v57 =	vld [tilespmem:s0+$0x500];
	v3 =	vadd.s32 v8, v3  }
0x2fc: {  	v58 =	vld [tilespmem:s0+$0x780];
	v3 =	vadd.s32 v53, v3  }
0x2fd: {  	v59 =	vld [tilespmem:s0+$0xA00];
	v3 =	vadd.s32 v54, v3  }
0x2fe: {  	v60 =	vld [tilespmem:s0+$0xC80];
	v3 =	vadd.s32 v55, v3  }
0x2ff: {  	v61 =	vld [tilespmem:s0+$0xF00];
	v9 =	vmov s6;
	v3 =	vadd.s32 v56, v3  }
0x300: {  	v62 =	vld [tilespmem:s0+$0x1180];
	v9 =	vshll.u32 v9, $0x4;
	v3 =	vadd.s32 v57, v3  }
0x301: {  	v63 =	vor.u32 v2, v9;
	v3 =	vadd.s32 v58, v3  }
0x302: {  	v3 =	vadd.s32 v59, v3  }
0x303: {  	v3 =	vadd.s32 v60, v3  }
0x304: {  	v3 =	vadd.s32 v61, v3  }
0x305: {  	v3 =	vadd.s32 v62, v3  }
0x306: {  	s8 =	rddreg [dreg:$0x13];
	s18 =	stileid.u32;
	[tilespmem:v63+s5+$0x0] =	vst.idx.msk $0xffff, v3  }
0x307: {  	[hbm4b:s8+s4] =	stream.linear.scatter [tilespmem:s5], [sflag:$0xA], $0x2800, $0x38;
	[tilespmem:$0x1C840] =	vst v63  }
0x308: {  	s0 =	sshll.u32 s18, $0x6;
	_ =	swait.ge [sflag:s17], $0x2800  }
0x309: {  	s0 =	sor.u32 $0x1C0A, s0;
	[sflag:s17] =	ssyncset.done $0x0;
	s18 =	rddreg [dreg:$0x6]  }
0x30a: {  	s8 =	rddreg [dreg:$0x14];
	[sflag:s17] =	ssyncadd.s32 $0xFFFFD800;
	s26 =	sshrl.u32 s18, $0x3  }
0x30b: {  	[hbm:s8], [sflag:s0] =	dma.local [spmem:s26], $0x1388  }
0x30c: {  	_ =	swait.ge [sflag:s17], $0x1388  }
0x30d: {  	s8 =	sld [smem:$0x7F9];
	_ =	sdelay $0x2  }
0x30e: {  	s26 =	rddreg [dreg:$0x15];
	s6 =	sadd.s32 $0x1, s8  }
0x30f: {  	p1 =	sne.s32 s6, s26  }
.Ltmp5:
0x310: {  	_ = 	snop;
	(pc) =	sbr.rel @p1 .LBB2_1-.Ltmp5, $3  }
0x311: {  	_ =	sdelay $0x1  }
0x312: {  	[sflag:s17] =	ssyncset.done $0x0  }
0x313: {  	[sflag:s17] =	ssyncadd.s32 $0xFFFFEC78  }
0x314: {  	_ =	sfence.sel $0x180000  }
0x315: {  	[bflag:$0x0] =	sbarrier.arrive $0xFFFF  }
0x316: {  	_ =	strace $0x90000047  }
0x317: {  	s0 =	stileid.u32;
	[bflag:$0x2] =	sbarrier.arrive $0xFFFF  }
0x318: {  	p0 =	sne.s32 s0, $0x0;
	s0 =	rddreg [dreg:$0x5]  }
0x319: {  	s0 =	sadd.s32 @!p0 $0x100000, s0  }
0x31a: {  	[sflag:s0] =	ssyncadd.tile.s32 @!p0 $0x1;
	_ =	shalt  }
.Lfunc_end2:
_tile_overlayer_lowered:
.L_overlay_start_2:
0x31b: {  	(tag) =	ssettag $0x2  }
0x31c: {  	s0 =	rddreg [dreg:$0x0];
	s2 =	stileid.u32  }
0x31d: {  	s1 =	rddreg [dreg:$0x1];
	p0 =	sne.s32 s2, $0x0  }
0x31e: {  	s3 =	rddreg [dreg:$0x2];
	[bflag:$0x3] =	sbarrier.arrive $0xFFFF;
	s2 =	simm.s32 @!p0 $0x1C0A  }
0x31f: {  	[timem:s3], [sflag:s2] =	dma.local @!p0 [hbm:s0], s1  }
0x320: {  	s0 =	simm.s32 @!p0 $0xA  }
0x321: {  	_ =	swait.ge @!p0 [sflag:s0], s1  }
0x322: {  	s1 =	ssub.s32 @!p0 $0x0, s1;
	[sflag:s0] =	ssyncset.done @!p0 $0x0  }
0x323: {  	[sflag:s0] =	ssyncadd.s32 @!p0 s1  }
0x324: {  	[bflag:$0x3] =	sbarrier.arrive $0xFFFF  }
0x325: {  	_ =	shalt  }

</sc_bundles>
